<compile_context>
chip_gen: v7x
topology: tpu7x:2x2x1
jax: 0.10.2.dev20260603
libtpu: 0.0.44.dev20260713+nightly
codegen_flags: <defaults>
</compile_context>

<pallas_src>
import functools

import jax
import jax.numpy as jnp
from jax import lax
from jax.experimental import pallas as pl
from jax.experimental.pallas import tpu as pltpu
from jax.experimental.pallas import tpu_sc as plsc

N = 10000
E = 320000
NC = 2
NS = 16
NW = NC * NS
CHUNK = 128
RINGS = {32: 22, 16: 40}
KC = 78
NCHUNK = E // CHUNK
LEFT0 = NW * KC
NLEFT = NCHUNK - LEFT0
RPT = N // NS


def _make_agg(H):
    RING = RINGS[H]
    GLA = RING // 2
    SLAG = RING - GLA
    mesh = plsc.VectorSubcoreMesh(core_axis_name="c", subcore_axis_name="s")

    @functools.partial(
        pl.kernel,
        out_type=jax.ShapeDtypeStruct((NC, N, H), jnp.float32),
        mesh=mesh,
        scratch_types=[
            pltpu.VMEM((KC, CHUNK), jnp.int32),
            pltpu.VMEM((KC, CHUNK), jnp.int32),
            pltpu.VMEM((1, CHUNK), jnp.int32),
            pltpu.VMEM((1, CHUNK), jnp.int32),
            pltpu.VMEM((RING, CHUNK, H), jnp.float32),
            pltpu.VMEM_SHARED((N, H), jnp.float32),
            pltpu.SemaphoreType.DMA,
            pltpu.SemaphoreType.DMA,
        ],
        compiler_params=pltpu.CompilerParams(use_tc_tiling_on_sc=False),
    )
    def agg(hs_hbm, eidx_hbm, zeros_hbm, out_hbm,
            row_v, col_v, lrow_v, lcol_v, msg_v, acc, gsem, ssem):
        c = lax.axis_index("c")
        s = lax.axis_index("s")
        wid = c * NS + s
        pltpu.sync_copy(eidx_hbm.at[0, pl.ds(wid * KC, KC)], row_v)
        pltpu.sync_copy(eidx_hbm.at[1, pl.ds(wid * KC, KC)], col_v)

        @pl.when(wid < NLEFT)
        def _():
            pltpu.sync_copy(eidx_hbm.at[0, pl.ds(LEFT0 + wid, 1)], lrow_v)
            pltpu.sync_copy(eidx_hbm.at[1, pl.ds(LEFT0 + wid, 1)], lcol_v)

        pltpu.sync_copy(zeros_hbm, acc.at[pl.ds(s * RPT, RPT)])
        plsc.subcore_barrier()

        for b in range(GLA):
            pltpu.async_copy(hs_hbm.at[row_v.at[b]], msg_v.at[b], gsem)

        def body(j, carry):
            bj = j % RING
            pltpu.make_async_copy(hs_hbm.at[row_v.at[j]],
                                  msg_v.at[bj], gsem).wait()
            pltpu.async_copy(msg_v.at[bj], acc.at[col_v.at[j]], ssem,
                             add=True)

            @pl.when(j >= SLAG)
            def _():
                jd = j - SLAG
                pltpu.make_async_copy(msg_v.at[jd % RING],
                                      acc.at[col_v.at[jd]], ssem).wait()

            @pl.when(j + GLA < KC)
            def _():
                jg = j + GLA
                pltpu.async_copy(hs_hbm.at[row_v.at[jg]],
                                 msg_v.at[jg % RING], gsem)
            return carry

        lax.fori_loop(0, KC, body, 0)
        for t in range(KC - SLAG, KC):
            pltpu.make_async_copy(msg_v.at[t % RING], acc.at[col_v.at[t]],
                                  ssem).wait()

        @pl.when(wid < NLEFT)
        def _():
            pltpu.async_copy(hs_hbm.at[lrow_v.at[0]], msg_v.at[0], gsem).wait()
            pltpu.async_copy(msg_v.at[0], acc.at[lcol_v.at[0]], ssem,
                             add=True).wait()

        plsc.subcore_barrier()
        pltpu.sync_copy(acc.at[pl.ds(s * RPT, RPT)],
                        out_hbm.at[c, pl.ds(s * RPT, RPT)])

    return agg


def _make_deg():
    mesh = plsc.VectorSubcoreMesh(core_axis_name="c", subcore_axis_name="s")

    @functools.partial(
        pl.kernel,
        out_type=jax.ShapeDtypeStruct((NC, N, 8), jnp.float32),
        mesh=mesh,
        scratch_types=[
            pltpu.VMEM((KC, CHUNK), jnp.int32),
            pltpu.VMEM((1, CHUNK), jnp.int32),
            pltpu.VMEM((CHUNK, 8), jnp.float32),
            pltpu.VMEM_SHARED((N, 8), jnp.float32),
            pltpu.SemaphoreType.DMA,
        ],
        compiler_params=pltpu.CompilerParams(use_tc_tiling_on_sc=False),
    )
    def deg(ones_hbm, eidx_hbm, z8_hbm, out_hbm,
            col_v, lcol_v, ones_v, acc, sem):
        c = lax.axis_index("c")
        s = lax.axis_index("s")
        wid = c * NS + s
        pltpu.sync_copy(eidx_hbm.at[1, pl.ds(wid * KC, KC)], col_v)

        @pl.when(wid < NLEFT)
        def _():
            pltpu.sync_copy(eidx_hbm.at[1, pl.ds(LEFT0 + wid, 1)], lcol_v)

        pltpu.sync_copy(ones_hbm, ones_v)
        pltpu.sync_copy(z8_hbm, acc.at[pl.ds(s * RPT, RPT)])
        plsc.subcore_barrier()

        def body(j, carry):
            pltpu.async_copy(ones_v, acc.at[col_v.at[j]], sem, add=True)

            @pl.when(j >= 24)
            def _():
                pltpu.make_async_copy(ones_v, acc.at[col_v.at[j - 24]],
                                      sem).wait()
            return carry

        lax.fori_loop(0, KC, body, 0)
        for t in range(KC - 24, KC):
            pltpu.make_async_copy(ones_v, acc.at[col_v.at[t]], sem).wait()

        @pl.when(wid < NLEFT)
        def _():
            pltpu.async_copy(ones_v, acc.at[lcol_v.at[0]], sem, add=True).wait()

        plsc.subcore_barrier()
        pltpu.sync_copy(acc.at[pl.ds(s * RPT, RPT)],
                        out_hbm.at[c, pl.ds(s * RPT, RPT)])

    return deg


_agg32 = _make_agg(32)
_agg16 = _make_agg(16)
_deg = _make_deg()



def _mm1_body(x_ref, w_ref, h_ref):
    h = jnp.dot(x_ref[0::4, :], w_ref[0], preferred_element_type=jnp.float32)
    for a in range(1, 4):
        h = h + jnp.dot(x_ref[a::4, :], w_ref[a],
                        preferred_element_type=jnp.float32)
    h_ref[...] = h


def _scale_body(h_ref, dp_ref, k16_ref, f8_ref, e4_ref, hs_ref, d32_ref,
                d16_ref):
    dis8 = lax.rsqrt(dp_ref[0] + dp_ref[1] + 1.0)
    v = jnp.dot(dis8, k16_ref[...], preferred_element_type=jnp.float32)
    d16_ref[0::2, :] = jnp.dot(v[:, 0:8], f8_ref[...],
                               preferred_element_type=jnp.float32)
    d16_ref[1::2, :] = jnp.dot(v[:, 8:16], f8_ref[...],
                               preferred_element_type=jnp.float32)
    for i in range(4):
        d32_ref[i::4, :] = jnp.dot(v[:, 4 * i:4 * (i + 1)], e4_ref[...],
                                   preferred_element_type=jnp.float32)
    hs_ref[...] = d32_ref[...] * h_ref[...]


def _mid1_body(p_ref, hs_ref, d32_ref, d16_ref, b_ref, wlo_ref, whi_ref,
               hsn_ref, out_ref):
    out_ref[...] = (d32_ref[...] * (p_ref[0] + p_ref[1] + hs_ref[...])
                    + b_ref[...])
    m = (jnp.dot(out_ref[0::2, :], wlo_ref[...],
                 preferred_element_type=jnp.float32)
         + jnp.dot(out_ref[1::2, :], whi_ref[...],
                   preferred_element_type=jnp.float32))
    hsn_ref[...] = d16_ref[...] * m


def _mid2_body(p_ref, hs_ref, d16_ref, b_ref, wbd_ref, hsn_ref):
    out = d16_ref[...] * (p_ref[0] + p_ref[1] + hs_ref[...]) + b_ref[...]
    m = jnp.dot(out, wbd_ref[...], preferred_element_type=jnp.float32)
    hsn_ref[...] = d16_ref[...] * m


def _fin_body(p_ref, hs_ref, d16_ref, b_ref, g_ref, o_ref):
    z = d16_ref[...] * (p_ref[0] + p_ref[1] + hs_ref[...]) + b_ref[...]
    m = jnp.max(z, axis=1, keepdims=True)
    e = jnp.exp(z - m)
    s = jnp.dot(e, g_ref[...], preferred_element_type=jnp.float32)
    o_ref[...] = (z - m) - jnp.log(s)


def kernel(x, edge_index, W1, b1, W2, b2, W3, b3):
    eidx = edge_index.reshape(2, NCHUNK, CHUNK)

    ones8 = jnp.ones((CHUNK, 8), jnp.float32)
    z32 = jnp.zeros((RPT, 32), jnp.float32)
    z16 = jnp.zeros((RPT, 16), jnp.float32)
    z8 = jnp.zeros((RPT, 8), jnp.float32)

    b1p = jnp.tile(b1, 4)[None, :]
    b2p = jnp.tile(b2, 8)[None, :]
    b3p = jnp.tile(b3, 8)[None, :]
    w1p = jnp.zeros((4, 128, 128), jnp.float32)
    for a in range(4):
        w1p = w1p.at[a, :, 32 * a:32 * (a + 1)].set(W1)
    w2bd = jax.scipy.linalg.block_diag(W2, W2, W2, W2)
    zpad = jnp.zeros((128, 64), jnp.float32)
    w2lo = jnp.concatenate([w2bd, zpad], axis=1)
    w2hi = jnp.concatenate([zpad, w2bd], axis=1)
    w3bd = jax.scipy.linalg.block_diag(*([W3] * 8))
    g16 = jnp.kron(jnp.eye(8, dtype=jnp.float32),
                   jnp.ones((16, 16), jnp.float32))
    lane = jnp.arange(128)
    k16 = ((lane[:, None] // 8 == jnp.arange(16)[None, :])
           .astype(jnp.float32) / 8.0)
    f8 = (lane[None, :] // 16 == jnp.arange(8)[:, None]).astype(jnp.float32)
    e4 = (lane[None, :] // 32 == jnp.arange(4)[:, None]).astype(jnp.float32)

    dp = _deg(ones8, eidx, z8)
    hp = pl.pallas_call(
        _mm1_body,
        out_shape=jax.ShapeDtypeStruct((N // 4, 128), jnp.float32),
    )(x, w1p)
    hs1p, d32, d16 = pl.pallas_call(
        _scale_body,
        out_shape=(jax.ShapeDtypeStruct((N // 4, 128), jnp.float32),
                   jax.ShapeDtypeStruct((N // 4, 128), jnp.float32),
                   jax.ShapeDtypeStruct((N // 8, 128), jnp.float32)),
    )(hp, dp.reshape(NC, N * 8 // 128, 128), k16, f8, e4)

    p1 = _agg32(hs1p.reshape(N, 32), eidx, z32)
    hs2p = pl.pallas_call(
        _mid1_body,
        out_shape=jax.ShapeDtypeStruct((N // 8, 128), jnp.float32),
        scratch_shapes=[pltpu.VMEM((N // 4, 128), jnp.float32)],
    )(p1.reshape(NC, N * 32 // 128, 128), hs1p, d32, d16, b1p, w2lo, w2hi)

    p2 = _agg16(hs2p.reshape(N, 16), eidx, z16)
    hs3p = pl.pallas_call(
        _mid2_body,
        out_shape=jax.ShapeDtypeStruct((N // 8, 128), jnp.float32),
    )(p2.reshape(NC, N * 16 // 128, 128), hs2p, d16, b2p, w3bd)

    p3 = _agg16(hs3p.reshape(N, 16), eidx, z16)
    outp = pl.pallas_call(
        _fin_body,
        out_shape=jax.ShapeDtypeStruct((N // 8, 128), jnp.float32),
    )(p3.reshape(NC, N * 16 // 128, 128), hs3p, d16, b3p, g16)
    return outp.reshape(N, 16)

# --- scband reference (transcript-rebuilt; emitter-appended) ---
"""Pipeline reference for scband-net-23356032155770 (READ-ONLY COPY).

The authoritative reference and input builder live on the scoring server;
editing this copy changes nothing except your own understanding.
"""

import jax, jax.numpy as jnp
import numpy as np

N_NODES = 10000
N_EDGES = 320000
D_IN = 128
H1 = 32
H2 = 16
N_CLASSES = 16


def gcn_layer(x, edge_index, W, b):
    N = x.shape[0]
    loops = jnp.arange(N, dtype=edge_index.dtype)
    row = jnp.concatenate([edge_index[0], loops])
    col = jnp.concatenate([edge_index[1], loops])
    h = x @ W
    deg = jnp.zeros((N,), dtype=h.dtype).at[col].add(1.0)
    deg_inv_sqrt = jnp.where(deg > 0, 1.0 / jnp.sqrt(jnp.maximum(deg, 1.0)), 0.0)
    norm = deg_inv_sqrt[row] * deg_inv_sqrt[col]
    msg = norm[:, None] * h[row]
    out = jax.ops.segment_sum(msg, col, num_segments=N)
    return out + b


def setup_inputs(seed: int = 0) -> dict:
    key = jax.random.key(seed)
    ks = jax.random.split(key, 9)
    x = jax.random.normal(ks[0], (N_NODES, D_IN), dtype=jnp.float32)
    edge_index = jax.random.randint(ks[1], (2, N_EDGES), 0, N_NODES, dtype=jnp.int32)
    s1 = 1.0 / np.sqrt(D_IN)
    s2 = 1.0 / np.sqrt(H1)
    s3 = 1.0 / np.sqrt(H2)
    W1 = jax.random.uniform(ks[2], (D_IN, H1), dtype=jnp.float32, minval=-s1, maxval=s1)
    b1 = jnp.zeros((H1,), dtype=jnp.float32)
    W2 = jax.random.uniform(ks[3], (H1, H2), dtype=jnp.float32, minval=-s2, maxval=s2)
    b2 = jnp.zeros((H2,), dtype=jnp.float32)
    W3 = jax.random.uniform(ks[4], (H2, N_CLASSES), dtype=jnp.float32, minval=-s3, maxval=s3)
    b3 = jnp.zeros((N_CLASSES,), dtype=jnp.float32)
    return {"x": x, "edge_index": edge_index, "W1": W1, "b1": b1, "W2": W2, "b2": b2, "W3": W3, "b3": b3}


def reference(x, edge_index, W1, b1, W2, b2, W3, b3):
    h = gcn_layer(x, edge_index, W1, b1)
    h = gcn_layer(h, edge_index, W2, b2)
    h = gcn_layer(h, edge_index, W3, b3)
    return jax.nn.log_softmax(h, axis=1)

if __name__ == "__main__":
    import jax
    _d = setup_inputs()
    print(jax.jit(kernel)(*tuple(_d.values())))

</pallas_src>

<mosaic_0001>
#map = affine_map<(d0, d1) -> (0, 0)>
#map1 = affine_map<(d0, d1) -> (0, 0, 0)>
module attributes {stable_mosaic.version = 14 : i64} {
  func.func @agg(%arg0: i32, %arg1: i32, %arg2: memref<10000x16xf32, #tpu.memory_space<hbm>>, %arg3: memref<2x2500x128xi32, #tpu.memory_space<hbm>>, %arg4: memref<625x16xf32, #tpu.memory_space<hbm>>, %arg5: memref<2x10000x16xf32, #tpu.memory_space<hbm>>, %arg6: memref<78x128xi32, #tpu.memory_space<vmem>>, %arg7: memref<78x128xi32, #tpu.memory_space<vmem>>, %arg8: memref<1x128xi32, #tpu.memory_space<vmem>>, %arg9: memref<1x128xi32, #tpu.memory_space<vmem>>, %arg10: memref<40x128x16xf32, #tpu.memory_space<vmem>>, %arg11: memref<10000x16xf32, #tpu.memory_space<vmem_shared>>, %arg12: memref<!tpu.dma_semaphore, #tpu.memory_space<semaphore_mem>>, %arg13: memref<!tpu.dma_semaphore, #tpu.memory_space<semaphore_mem>>) attributes {dimension_semantics = [#tpu.dimension_semantics<core_parallel>, #tpu.dimension_semantics<subcore_parallel>], iteration_bounds = array<i64: 2, 16>, scalar_prefetch = 0 : i64, scratch_operands = 8 : i64, tpu.core_type = #tpu.core_type<sc_vector_subcore>, window_params = [{transform_indices = #map}, {transform_indices = #map1}, {transform_indices = #map}, {transform_indices = #map1}]} {
    %mul3A = arith.constant 16 : i32
    %mul3A_0 = arith.muli %arg0, %mul3A : i32
    %add3A = arith.addi %mul3A_0, %arg1 : i32
    %mul3A_1 = arith.constant 78 : i32
    %mul3A_2 = arith.muli %add3A, %mul3A_1 : i32
    %run_scoped3A = arith.constant 0 : i32
    "tpu.region"() ({
      %run_scoped3A_503 = tpu.sem_alloc : memref<!tpu.dma_semaphore, #tpu.memory_space<semaphore_mem>>
      %dma_start3A_504 = arith.constant 0 : i32
      %dma_start3A_505 = tpu.memref_slice %arg3[%run_scoped3A, %mul3A_2, %dma_start3A_504] : memref<2x2500x128xi32, #tpu.memory_space<hbm>> -> memref<1x78x128xi32, #tpu.memory_space<hbm>>
      %dma_start3A_506 = tpu.memref_squeeze %dma_start3A_505 : memref<1x78x128xi32, #tpu.memory_space<hbm>> -> memref<78x128xi32, #tpu.memory_space<hbm>>
      %dma_start3A_507 = arith.constant 0 : i32
      %dma_start3A_508 = tpu.memref_slice %arg3[%run_scoped3A, %mul3A_2, %dma_start3A_507] : memref<2x2500x128xi32, #tpu.memory_space<hbm>> -> memref<1x78x128xi32, #tpu.memory_space<hbm>>
      %dma_start3A_509 = tpu.memref_squeeze %dma_start3A_508 : memref<1x78x128xi32, #tpu.memory_space<hbm>> -> memref<78x128xi32, #tpu.memory_space<hbm>>
      tpu.enqueue_dma source(%dma_start3A_509 : memref<78x128xi32, #tpu.memory_space<hbm>>) target(%arg6 : memref<78x128xi32, #tpu.memory_space<vmem>>) target_semaphore(%run_scoped3A_503 : memref<!tpu.dma_semaphore, #tpu.memory_space<semaphore_mem>>)
      %dma_wait3A_510 = arith.constant 0 : i32
      %dma_wait3A_511 = tpu.memref_slice %arg3[%run_scoped3A, %mul3A_2, %dma_wait3A_510] : memref<2x2500x128xi32, #tpu.memory_space<hbm>> -> memref<1x78x128xi32, #tpu.memory_space<hbm>>
      %dma_wait3A_512 = tpu.memref_squeeze %dma_wait3A_511 : memref<1x78x128xi32, #tpu.memory_space<hbm>> -> memref<78x128xi32, #tpu.memory_space<hbm>>
      %dma_wait3A_513 = arith.constant 0 : i32
      %dma_wait3A_514 = tpu.memref_slice %arg3[%run_scoped3A, %mul3A_2, %dma_wait3A_513] : memref<2x2500x128xi32, #tpu.memory_space<hbm>> -> memref<1x78x128xi32, #tpu.memory_space<hbm>>
      %dma_wait3A_515 = tpu.memref_squeeze %dma_wait3A_514 : memref<1x78x128xi32, #tpu.memory_space<hbm>> -> memref<78x128xi32, #tpu.memory_space<hbm>>
      tpu.wait_dma2 semaphore(%run_scoped3A_503 : memref<!tpu.dma_semaphore, #tpu.memory_space<semaphore_mem>>) src(%dma_wait3A_515 : memref<78x128xi32, #tpu.memory_space<hbm>>) dst(%arg6 : memref<78x128xi32, #tpu.memory_space<vmem>>)
      tpu.yield
    }) : () -> ()
    %mul3A_3 = arith.constant 78 : i32
    %mul3A_4 = arith.muli %add3A, %mul3A_3 : i32
    %run_scoped3A_5 = arith.constant 1 : i32
    "tpu.region"() ({
      %run_scoped3A_503 = tpu.sem_alloc : memref<!tpu.dma_semaphore, #tpu.memory_space<semaphore_mem>>
      %dma_start3A_504 = arith.constant 0 : i32
      %dma_start3A_505 = tpu.memref_slice %arg3[%run_scoped3A_5, %mul3A_4, %dma_start3A_504] : memref<2x2500x128xi32, #tpu.memory_space<hbm>> -> memref<1x78x128xi32, #tpu.memory_space<hbm>>
      %dma_start3A_506 = tpu.memref_squeeze %dma_start3A_505 : memref<1x78x128xi32, #tpu.memory_space<hbm>> -> memref<78x128xi32, #tpu.memory_space<hbm>>
      %dma_start3A_507 = arith.constant 0 : i32
      %dma_start3A_508 = tpu.memref_slice %arg3[%run_scoped3A_5, %mul3A_4, %dma_start3A_507] : memref<2x2500x128xi32, #tpu.memory_space<hbm>> -> memref<1x78x128xi32, #tpu.memory_space<hbm>>
      %dma_start3A_509 = tpu.memref_squeeze %dma_start3A_508 : memref<1x78x128xi32, #tpu.memory_space<hbm>> -> memref<78x128xi32, #tpu.memory_space<hbm>>
      tpu.enqueue_dma source(%dma_start3A_509 : memref<78x128xi32, #tpu.memory_space<hbm>>) target(%arg7 : memref<78x128xi32, #tpu.memory_space<vmem>>) target_semaphore(%run_scoped3A_503 : memref<!tpu.dma_semaphore, #tpu.memory_space<semaphore_mem>>)
      %dma_wait3A_510 = arith.constant 0 : i32
      %dma_wait3A_511 = tpu.memref_slice %arg3[%run_scoped3A_5, %mul3A_4, %dma_wait3A_510] : memref<2x2500x128xi32, #tpu.memory_space<hbm>> -> memref<1x78x128xi32, #tpu.memory_space<hbm>>
      %dma_wait3A_512 = tpu.memref_squeeze %dma_wait3A_511 : memref<1x78x128xi32, #tpu.memory_space<hbm>> -> memref<78x128xi32, #tpu.memory_space<hbm>>
      %dma_wait3A_513 = arith.constant 0 : i32
      %dma_wait3A_514 = tpu.memref_slice %arg3[%run_scoped3A_5, %mul3A_4, %dma_wait3A_513] : memref<2x2500x128xi32, #tpu.memory_space<hbm>> -> memref<1x78x128xi32, #tpu.memory_space<hbm>>
      %dma_wait3A_515 = tpu.memref_squeeze %dma_wait3A_514 : memref<1x78x128xi32, #tpu.memory_space<hbm>> -> memref<78x128xi32, #tpu.memory_space<hbm>>
      tpu.wait_dma2 semaphore(%run_scoped3A_503 : memref<!tpu.dma_semaphore, #tpu.memory_space<semaphore_mem>>) src(%dma_wait3A_515 : memref<78x128xi32, #tpu.memory_space<hbm>>) dst(%arg7 : memref<78x128xi32, #tpu.memory_space<vmem>>)
      tpu.yield
    }) : () -> ()
    %lt3A = arith.constant 4 : i32
    %lt3A_6 = arith.cmpi slt, %add3A, %lt3A : i32
    %convert_element_type3A = arith.extui %lt3A_6 : i1 to i32
    %cond3A = arith.constant 0 : i32
    %cond3A_7 = arith.cmpi ne, %convert_element_type3A, %cond3A : i32
    scf.if %cond3A_7 {
      %add3A_503 = arith.constant 2496 : i32
      %add3A_504 = arith.addi %add3A_503, %add3A : i32
      %run_scoped3A_505 = arith.constant 0 : i32
      "tpu.region"() ({
        %run_scoped3A_509 = tpu.sem_alloc : memref<!tpu.dma_semaphore, #tpu.memory_space<semaphore_mem>>
        %dma_start3A_510 = arith.constant 0 : i32
        %dma_start3A_511 = tpu.memref_slice %arg3[%run_scoped3A_505, %add3A_504, %dma_start3A_510] : memref<2x2500x128xi32, #tpu.memory_space<hbm>> -> memref<1x1x128xi32, #tpu.memory_space<hbm>>
        %dma_start3A_512 = tpu.memref_squeeze %dma_start3A_511 : memref<1x1x128xi32, #tpu.memory_space<hbm>> -> memref<1x128xi32, #tpu.memory_space<hbm>>
        %dma_start3A_513 = arith.constant 0 : i32
        %dma_start3A_514 = tpu.memref_slice %arg3[%run_scoped3A_505, %add3A_504, %dma_start3A_513] : memref<2x2500x128xi32, #tpu.memory_space<hbm>> -> memref<1x1x128xi32, #tpu.memory_space<hbm>>
        %dma_start3A_515 = tpu.memref_squeeze %dma_start3A_514 : memref<1x1x128xi32, #tpu.memory_space<hbm>> -> memref<1x128xi32, #tpu.memory_space<hbm>>
        tpu.enqueue_dma source(%dma_start3A_515 : memref<1x128xi32, #tpu.memory_space<hbm>>) target(%arg8 : memref<1x128xi32, #tpu.memory_space<vmem>>) target_semaphore(%run_scoped3A_509 : memref<!tpu.dma_semaphore, #tpu.memory_space<semaphore_mem>>)
        %dma_wait3A_516 = arith.constant 0 : i32
        %dma_wait3A_517 = tpu.memref_slice %arg3[%run_scoped3A_505, %add3A_504, %dma_wait3A_516] : memref<2x2500x128xi32, #tpu.memory_space<hbm>> -> memref<1x1x128xi32, #tpu.memory_space<hbm>>
        %dma_wait3A_518 = tpu.memref_squeeze %dma_wait3A_517 : memref<1x1x128xi32, #tpu.memory_space<hbm>> -> memref<1x128xi32, #tpu.memory_space<hbm>>
        %dma_wait3A_519 = arith.constant 0 : i32
        %dma_wait3A_520 = tpu.memref_slice %arg3[%run_scoped3A_505, %add3A_504, %dma_wait3A_519] : memref<2x2500x128xi32, #tpu.memory_space<hbm>> -> memref<1x1x128xi32, #tpu.memory_space<hbm>>
        %dma_wait3A_521 = tpu.memref_squeeze %dma_wait3A_520 : memref<1x1x128xi32, #tpu.memory_space<hbm>> -> memref<1x128xi32, #tpu.memory_space<hbm>>
        tpu.wait_dma2 semaphore(%run_scoped3A_509 : memref<!tpu.dma_semaphore, #tpu.memory_space<semaphore_mem>>) src(%dma_wait3A_521 : memref<1x128xi32, #tpu.memory_space<hbm>>) dst(%arg8 : memref<1x128xi32, #tpu.memory_space<vmem>>)
        tpu.yield
      }) : () -> ()
      %add3A_506 = arith.constant 2496 : i32
      %add3A_507 = arith.addi %add3A_506, %add3A : i32
      %run_scoped3A_508 = arith.constant 1 : i32
      "tpu.region"() ({
        %run_scoped3A_509 = tpu.sem_alloc : memref<!tpu.dma_semaphore, #tpu.memory_space<semaphore_mem>>
        %dma_start3A_510 = arith.constant 0 : i32
        %dma_start3A_511 = tpu.memref_slice %arg3[%run_scoped3A_508, %add3A_507, %dma_start3A_510] : memref<2x2500x128xi32, #tpu.memory_space<hbm>> -> memref<1x1x128xi32, #tpu.memory_space<hbm>>
        %dma_start3A_512 = tpu.memref_squeeze %dma_start3A_511 : memref<1x1x128xi32, #tpu.memory_space<hbm>> -> memref<1x128xi32, #tpu.memory_space<hbm>>
        %dma_start3A_513 = arith.constant 0 : i32
        %dma_start3A_514 = tpu.memref_slice %arg3[%run_scoped3A_508, %add3A_507, %dma_start3A_513] : memref<2x2500x128xi32, #tpu.memory_space<hbm>> -> memref<1x1x128xi32, #tpu.memory_space<hbm>>
        %dma_start3A_515 = tpu.memref_squeeze %dma_start3A_514 : memref<1x1x128xi32, #tpu.memory_space<hbm>> -> memref<1x128xi32, #tpu.memory_space<hbm>>
        tpu.enqueue_dma source(%dma_start3A_515 : memref<1x128xi32, #tpu.memory_space<hbm>>) target(%arg9 : memref<1x128xi32, #tpu.memory_space<vmem>>) target_semaphore(%run_scoped3A_509 : memref<!tpu.dma_semaphore, #tpu.memory_space<semaphore_mem>>)
        %dma_wait3A_516 = arith.constant 0 : i32
        %dma_wait3A_517 = tpu.memref_slice %arg3[%run_scoped3A_508, %add3A_507, %dma_wait3A_516] : memref<2x2500x128xi32, #tpu.memory_space<hbm>> -> memref<1x1x128xi32, #tpu.memory_space<hbm>>
        %dma_wait3A_518 = tpu.memref_squeeze %dma_wait3A_517 : memref<1x1x128xi32, #tpu.memory_space<hbm>> -> memref<1x128xi32, #tpu.memory_space<hbm>>
        %dma_wait3A_519 = arith.constant 0 : i32
        %dma_wait3A_520 = tpu.memref_slice %arg3[%run_scoped3A_508, %add3A_507, %dma_wait3A_519] : memref<2x2500x128xi32, #tpu.memory_space<hbm>> -> memref<1x1x128xi32, #tpu.memory_space<hbm>>
        %dma_wait3A_521 = tpu.memref_squeeze %dma_wait3A_520 : memref<1x1x128xi32, #tpu.memory_space<hbm>> -> memref<1x128xi32, #tpu.memory_space<hbm>>
        tpu.wait_dma2 semaphore(%run_scoped3A_509 : memref<!tpu.dma_semaphore, #tpu.memory_space<semaphore_mem>>) src(%dma_wait3A_521 : memref<1x128xi32, #tpu.memory_space<hbm>>) dst(%arg9 : memref<1x128xi32, #tpu.memory_space<vmem>>)
        tpu.yield
      }) : () -> ()
    } else {
    }
    %mul3A_8 = arith.constant 625 : i32
    %mul3A_9 = arith.muli %arg1, %mul3A_8 : i32
    "tpu.region"() ({
      %run_scoped3A_503 = tpu.sem_alloc : memref<!tpu.dma_semaphore, #tpu.memory_space<semaphore_mem>>
      %dma_start3A_504 = arith.constant 0 : i32
      %dma_start3A_505 = tpu.memref_slice %arg11[%mul3A_9, %dma_start3A_504] : memref<10000x16xf32, #tpu.memory_space<vmem_shared>> -> memref<625x16xf32, #tpu.memory_space<vmem_shared>>
      tpu.enqueue_dma source(%arg4 : memref<625x16xf32, #tpu.memory_space<hbm>>) target(%dma_start3A_505 : memref<625x16xf32, #tpu.memory_space<vmem_shared>>) target_semaphore(%run_scoped3A_503 : memref<!tpu.dma_semaphore, #tpu.memory_space<semaphore_mem>>)
      %dma_wait3A_506 = arith.constant 0 : i32
      %dma_wait3A_507 = tpu.memref_slice %arg11[%mul3A_9, %dma_wait3A_506] : memref<10000x16xf32, #tpu.memory_space<vmem_shared>> -> memref<625x16xf32, #tpu.memory_space<vmem_shared>>
      tpu.wait_dma2 semaphore(%run_scoped3A_503 : memref<!tpu.dma_semaphore, #tpu.memory_space<semaphore_mem>>) src(%arg4 : memref<625x16xf32, #tpu.memory_space<hbm>>) dst(%dma_wait3A_507 : memref<625x16xf32, #tpu.memory_space<vmem_shared>>)
      tpu.yield
    }) : () -> ()
    %barrier3A = arith.constant 0 : index
    tpu.barrier barrier_id(%barrier3A)
    %dma_start3A = arith.constant 0 : i32
    %dma_start3A_10 = arith.constant 0 : i32
    %dma_start3A_11 = arith.constant 0 : i32
    %dma_start3A_12 = arith.constant 0 : i32
    %dma_start3A_13 = tpu.memref_slice %arg10[%dma_start3A_10, %dma_start3A_11, %dma_start3A_12] : memref<40x128x16xf32, #tpu.memory_space<vmem>> -> memref<1x128x16xf32, #tpu.memory_space<vmem>>
    %dma_start3A_14 = tpu.memref_squeeze %dma_start3A_13 : memref<1x128x16xf32, #tpu.memory_space<vmem>> -> memref<128x16xf32, #tpu.memory_space<vmem>>
    %dma_start3A_15 = arith.constant 0 : i32
    %dma_start3A_16 = tpu.memref_slice %arg6[%dma_start3A, %dma_start3A_15] : memref<78x128xi32, #tpu.memory_space<vmem>> -> memref<1x128xi32, #tpu.memory_space<vmem>>
    %dma_start3A_17 = tpu.memref_squeeze %dma_start3A_16 : memref<1x128xi32, #tpu.memory_space<vmem>> -> memref<128xi32, #tpu.memory_space<vmem>>
    %dma_start3A_18 = arith.constant 0 : i32
    %dma_start3A_19 = arith.constant 0 : i32
    %dma_start3A_20 = tpu.memref_slice %arg2[%dma_start3A_18, %dma_start3A_19] : memref<10000x16xf32, #tpu.memory_space<hbm>> -> memref<10000x16xf32, #tpu.memory_space<hbm>>
    tpu.enqueue_indirect_dma source(%dma_start3A_20 : memref<10000x16xf32, #tpu.memory_space<hbm>>) target(%dma_start3A_14 : memref<128x16xf32, #tpu.memory_space<vmem>>) offsets(%dma_start3A_17 : memref<128xi32, #tpu.memory_space<vmem>>) semaphore(%arg12 : memref<!tpu.dma_semaphore, #tpu.memory_space<semaphore_mem>>)
    %dma_start3A_21 = arith.constant 1 : i32
    %dma_start3A_22 = arith.constant 1 : i32
    %dma_start3A_23 = arith.constant 0 : i32
    %dma_start3A_24 = arith.constant 0 : i32
    %dma_start3A_25 = tpu.memref_slice %arg10[%dma_start3A_22, %dma_start3A_23, %dma_start3A_24] : memref<40x128x16xf32, #tpu.memory_space<vmem>> -> memref<1x128x16xf32, #tpu.memory_space<vmem>>
    %dma_start3A_26 = tpu.memref_squeeze %dma_start3A_25 : memref<1x128x16xf32, #tpu.memory_space<vmem>> -> memref<128x16xf32, #tpu.memory_space<vmem>>
    %dma_start3A_27 = arith.constant 0 : i32
    %dma_start3A_28 = tpu.memref_slice %arg6[%dma_start3A_21, %dma_start3A_27] : memref<78x128xi32, #tpu.memory_space<vmem>> -> memref<1x128xi32, #tpu.memory_space<vmem>>
    %dma_start3A_29 = tpu.memref_squeeze %dma_start3A_28 : memref<1x128xi32, #tpu.memory_space<vmem>> -> memref<128xi32, #tpu.memory_space<vmem>>
    %dma_start3A_30 = arith.constant 0 : i32
    %dma_start3A_31 = arith.constant 0 : i32
    %dma_start3A_32 = tpu.memref_slice %arg2[%dma_start3A_30, %dma_start3A_31] : memref<10000x16xf32, #tpu.memory_space<hbm>> -> memref<10000x16xf32, #tpu.memory_space<hbm>>
    tpu.enqueue_indirect_dma source(%dma_start3A_32 : memref<10000x16xf32, #tpu.memory_space<hbm>>) target(%dma_start3A_26 : memref<128x16xf32, #tpu.memory_space<vmem>>) offsets(%dma_start3A_29 : memref<128xi32, #tpu.memory_space<vmem>>) semaphore(%arg12 : memref<!tpu.dma_semaphore, #tpu.memory_space<semaphore_mem>>)
    %dma_start3A_33 = arith.constant 2 : i32
    %dma_start3A_34 = arith.constant 2 : i32
    %dma_start3A_35 = arith.constant 0 : i32
    %dma_start3A_36 = arith.constant 0 : i32
    %dma_start3A_37 = tpu.memref_slice %arg10[%dma_start3A_34, %dma_start3A_35, %dma_start3A_36] : memref<40x128x16xf32, #tpu.memory_space<vmem>> -> memref<1x128x16xf32, #tpu.memory_space<vmem>>
    %dma_start3A_38 = tpu.memref_squeeze %dma_start3A_37 : memref<1x128x16xf32, #tpu.memory_space<vmem>> -> memref<128x16xf32, #tpu.memory_space<vmem>>
    %dma_start3A_39 = arith.constant 0 : i32
    %dma_start3A_40 = tpu.memref_slice %arg6[%dma_start3A_33, %dma_start3A_39] : memref<78x128xi32, #tpu.memory_space<vmem>> -> memref<1x128xi32, #tpu.memory_space<vmem>>
    %dma_start3A_41 = tpu.memref_squeeze %dma_start3A_40 : memref<1x128xi32, #tpu.memory_space<vmem>> -> memref<128xi32, #tpu.memory_space<vmem>>
    %dma_start3A_42 = arith.constant 0 : i32
    %dma_start3A_43 = arith.constant 0 : i32
    %dma_start3A_44 = tpu.memref_slice %arg2[%dma_start3A_42, %dma_start3A_43] : memref<10000x16xf32, #tpu.memory_space<hbm>> -> memref<10000x16xf32, #tpu.memory_space<hbm>>
    tpu.enqueue_indirect_dma source(%dma_start3A_44 : memref<10000x16xf32, #tpu.memory_space<hbm>>) target(%dma_start3A_38 : memref<128x16xf32, #tpu.memory_space<vmem>>) offsets(%dma_start3A_41 : memref<128xi32, #tpu.memory_space<vmem>>) semaphore(%arg12 : memref<!tpu.dma_semaphore, #tpu.memory_space<semaphore_mem>>)
    %dma_start3A_45 = arith.constant 3 : i32
    %dma_start3A_46 = arith.constant 3 : i32
    %dma_start3A_47 = arith.constant 0 : i32
    %dma_start3A_48 = arith.constant 0 : i32
    %dma_start3A_49 = tpu.memref_slice %arg10[%dma_start3A_46, %dma_start3A_47, %dma_start3A_48] : memref<40x128x16xf32, #tpu.memory_space<vmem>> -> memref<1x128x16xf32, #tpu.memory_space<vmem>>
    %dma_start3A_50 = tpu.memref_squeeze %dma_start3A_49 : memref<1x128x16xf32, #tpu.memory_space<vmem>> -> memref<128x16xf32, #tpu.memory_space<vmem>>
    %dma_start3A_51 = arith.constant 0 : i32
    %dma_start3A_52 = tpu.memref_slice %arg6[%dma_start3A_45, %dma_start3A_51] : memref<78x128xi32, #tpu.memory_space<vmem>> -> memref<1x128xi32, #tpu.memory_space<vmem>>
    %dma_start3A_53 = tpu.memref_squeeze %dma_start3A_52 : memref<1x128xi32, #tpu.memory_space<vmem>> -> memref<128xi32, #tpu.memory_space<vmem>>
    %dma_start3A_54 = arith.constant 0 : i32
    %dma_start3A_55 = arith.constant 0 : i32
    %dma_start3A_56 = tpu.memref_slice %arg2[%dma_start3A_54, %dma_start3A_55] : memref<10000x16xf32, #tpu.memory_space<hbm>> -> memref<10000x16xf32, #tpu.memory_space<hbm>>
    tpu.enqueue_indirect_dma source(%dma_start3A_56 : memref<10000x16xf32, #tpu.memory_space<hbm>>) target(%dma_start3A_50 : memref<128x16xf32, #tpu.memory_space<vmem>>) offsets(%dma_start3A_53 : memref<128xi32, #tpu.memory_space<vmem>>) semaphore(%arg12 : memref<!tpu.dma_semaphore, #tpu.memory_space<semaphore_mem>>)
    %dma_start3A_57 = arith.constant 4 : i32
    %dma_start3A_58 = arith.constant 4 : i32
    %dma_start3A_59 = arith.constant 0 : i32
    %dma_start3A_60 = arith.constant 0 : i32
    %dma_start3A_61 = tpu.memref_slice %arg10[%dma_start3A_58, %dma_start3A_59, %dma_start3A_60] : memref<40x128x16xf32, #tpu.memory_space<vmem>> -> memref<1x128x16xf32, #tpu.memory_space<vmem>>
    %dma_start3A_62 = tpu.memref_squeeze %dma_start3A_61 : memref<1x128x16xf32, #tpu.memory_space<vmem>> -> memref<128x16xf32, #tpu.memory_space<vmem>>
    %dma_start3A_63 = arith.constant 0 : i32
    %dma_start3A_64 = tpu.memref_slice %arg6[%dma_start3A_57, %dma_start3A_63] : memref<78x128xi32, #tpu.memory_space<vmem>> -> memref<1x128xi32, #tpu.memory_space<vmem>>
    %dma_start3A_65 = tpu.memref_squeeze %dma_start3A_64 : memref<1x128xi32, #tpu.memory_space<vmem>> -> memref<128xi32, #tpu.memory_space<vmem>>
    %dma_start3A_66 = arith.constant 0 : i32
    %dma_start3A_67 = arith.constant 0 : i32
    %dma_start3A_68 = tpu.memref_slice %arg2[%dma_start3A_66, %dma_start3A_67] : memref<10000x16xf32, #tpu.memory_space<hbm>> -> memref<10000x16xf32, #tpu.memory_space<hbm>>
    tpu.enqueue_indirect_dma source(%dma_start3A_68 : memref<10000x16xf32, #tpu.memory_space<hbm>>) target(%dma_start3A_62 : memref<128x16xf32, #tpu.memory_space<vmem>>) offsets(%dma_start3A_65 : memref<128xi32, #tpu.memory_space<vmem>>) semaphore(%arg12 : memref<!tpu.dma_semaphore, #tpu.memory_space<semaphore_mem>>)
    %dma_start3A_69 = arith.constant 5 : i32
    %dma_start3A_70 = arith.constant 5 : i32
    %dma_start3A_71 = arith.constant 0 : i32
    %dma_start3A_72 = arith.constant 0 : i32
    %dma_start3A_73 = tpu.memref_slice %arg10[%dma_start3A_70, %dma_start3A_71, %dma_start3A_72] : memref<40x128x16xf32, #tpu.memory_space<vmem>> -> memref<1x128x16xf32, #tpu.memory_space<vmem>>
    %dma_start3A_74 = tpu.memref_squeeze %dma_start3A_73 : memref<1x128x16xf32, #tpu.memory_space<vmem>> -> memref<128x16xf32, #tpu.memory_space<vmem>>
    %dma_start3A_75 = arith.constant 0 : i32
    %dma_start3A_76 = tpu.memref_slice %arg6[%dma_start3A_69, %dma_start3A_75] : memref<78x128xi32, #tpu.memory_space<vmem>> -> memref<1x128xi32, #tpu.memory_space<vmem>>
    %dma_start3A_77 = tpu.memref_squeeze %dma_start3A_76 : memref<1x128xi32, #tpu.memory_space<vmem>> -> memref<128xi32, #tpu.memory_space<vmem>>
    %dma_start3A_78 = arith.constant 0 : i32
    %dma_start3A_79 = arith.constant 0 : i32
    %dma_start3A_80 = tpu.memref_slice %arg2[%dma_start3A_78, %dma_start3A_79] : memref<10000x16xf32, #tpu.memory_space<hbm>> -> memref<10000x16xf32, #tpu.memory_space<hbm>>
    tpu.enqueue_indirect_dma source(%dma_start3A_80 : memref<10000x16xf32, #tpu.memory_space<hbm>>) target(%dma_start3A_74 : memref<128x16xf32, #tpu.memory_space<vmem>>) offsets(%dma_start3A_77 : memref<128xi32, #tpu.memory_space<vmem>>) semaphore(%arg12 : memref<!tpu.dma_semaphore, #tpu.memory_space<semaphore_mem>>)
    %dma_start3A_81 = arith.constant 6 : i32
    %dma_start3A_82 = arith.constant 6 : i32
    %dma_start3A_83 = arith.constant 0 : i32
    %dma_start3A_84 = arith.constant 0 : i32
    %dma_start3A_85 = tpu.memref_slice %arg10[%dma_start3A_82, %dma_start3A_83, %dma_start3A_84] : memref<40x128x16xf32, #tpu.memory_space<vmem>> -> memref<1x128x16xf32, #tpu.memory_space<vmem>>
    %dma_start3A_86 = tpu.memref_squeeze %dma_start3A_85 : memref<1x128x16xf32, #tpu.memory_space<vmem>> -> memref<128x16xf32, #tpu.memory_space<vmem>>
    %dma_start3A_87 = arith.constant 0 : i32
    %dma_start3A_88 = tpu.memref_slice %arg6[%dma_start3A_81, %dma_start3A_87] : memref<78x128xi32, #tpu.memory_space<vmem>> -> memref<1x128xi32, #tpu.memory_space<vmem>>
    %dma_start3A_89 = tpu.memref_squeeze %dma_start3A_88 : memref<1x128xi32, #tpu.memory_space<vmem>> -> memref<128xi32, #tpu.memory_space<vmem>>
    %dma_start3A_90 = arith.constant 0 : i32
    %dma_start3A_91 = arith.constant 0 : i32
    %dma_start3A_92 = tpu.memref_slice %arg2[%dma_start3A_90, %dma_start3A_91] : memref<10000x16xf32, #tpu.memory_space<hbm>> -> memref<10000x16xf32, #tpu.memory_space<hbm>>
    tpu.enqueue_indirect_dma source(%dma_start3A_92 : memref<10000x16xf32, #tpu.memory_space<hbm>>) target(%dma_start3A_86 : memref<128x16xf32, #tpu.memory_space<vmem>>) offsets(%dma_start3A_89 : memref<128xi32, #tpu.memory_space<vmem>>) semaphore(%arg12 : memref<!tpu.dma_semaphore, #tpu.memory_space<semaphore_mem>>)
    %dma_start3A_93 = arith.constant 7 : i32
    %dma_start3A_94 = arith.constant 7 : i32
    %dma_start3A_95 = arith.constant 0 : i32
    %dma_start3A_96 = arith.constant 0 : i32
    %dma_start3A_97 = tpu.memref_slice %arg10[%dma_start3A_94, %dma_start3A_95, %dma_start3A_96] : memref<40x128x16xf32, #tpu.memory_space<vmem>> -> memref<1x128x16xf32, #tpu.memory_space<vmem>>
    %dma_start3A_98 = tpu.memref_squeeze %dma_start3A_97 : memref<1x128x16xf32, #tpu.memory_space<vmem>> -> memref<128x16xf32, #tpu.memory_space<vmem>>
    %dma_start3A_99 = arith.constant 0 : i32
    %dma_start3A_100 = tpu.memref_slice %arg6[%dma_start3A_93, %dma_start3A_99] : memref<78x128xi32, #tpu.memory_space<vmem>> -> memref<1x128xi32, #tpu.memory_space<vmem>>
    %dma_start3A_101 = tpu.memref_squeeze %dma_start3A_100 : memref<1x128xi32, #tpu.memory_space<vmem>> -> memref<128xi32, #tpu.memory_space<vmem>>
    %dma_start3A_102 = arith.constant 0 : i32
    %dma_start3A_103 = arith.constant 0 : i32
    %dma_start3A_104 = tpu.memref_slice %arg2[%dma_start3A_102, %dma_start3A_103] : memref<10000x16xf32, #tpu.memory_space<hbm>> -> memref<10000x16xf32, #tpu.memory_space<hbm>>
    tpu.enqueue_indirect_dma source(%dma_start3A_104 : memref<10000x16xf32, #tpu.memory_space<hbm>>) target(%dma_start3A_98 : memref<128x16xf32, #tpu.memory_space<vmem>>) offsets(%dma_start3A_101 : memref<128xi32, #tpu.memory_space<vmem>>) semaphore(%arg12 : memref<!tpu.dma_semaphore, #tpu.memory_space<semaphore_mem>>)
    %dma_start3A_105 = arith.constant 8 : i32
    %dma_start3A_106 = arith.constant 8 : i32
    %dma_start3A_107 = arith.constant 0 : i32
    %dma_start3A_108 = arith.constant 0 : i32
    %dma_start3A_109 = tpu.memref_slice %arg10[%dma_start3A_106, %dma_start3A_107, %dma_start3A_108] : memref<40x128x16xf32, #tpu.memory_space<vmem>> -> memref<1x128x16xf32, #tpu.memory_space<vmem>>
    %dma_start3A_110 = tpu.memref_squeeze %dma_start3A_109 : memref<1x128x16xf32, #tpu.memory_space<vmem>> -> memref<128x16xf32, #tpu.memory_space<vmem>>
    %dma_start3A_111 = arith.constant 0 : i32
    %dma_start3A_112 = tpu.memref_slice %arg6[%dma_start3A_105, %dma_start3A_111] : memref<78x128xi32, #tpu.memory_space<vmem>> -> memref<1x128xi32, #tpu.memory_space<vmem>>
    %dma_start3A_113 = tpu.memref_squeeze %dma_start3A_112 : memref<1x128xi32, #tpu.memory_space<vmem>> -> memref<128xi32, #tpu.memory_space<vmem>>
    %dma_start3A_114 = arith.constant 0 : i32
    %dma_start3A_115 = arith.constant 0 : i32
    %dma_start3A_116 = tpu.memref_slice %arg2[%dma_start3A_114, %dma_start3A_115] : memref<10000x16xf32, #tpu.memory_space<hbm>> -> memref<10000x16xf32, #tpu.memory_space<hbm>>
    tpu.enqueue_indirect_dma source(%dma_start3A_116 : memref<10000x16xf32, #tpu.memory_space<hbm>>) target(%dma_start3A_110 : memref<128x16xf32, #tpu.memory_space<vmem>>) offsets(%dma_start3A_113 : memref<128xi32, #tpu.memory_space<vmem>>) semaphore(%arg12 : memref<!tpu.dma_semaphore, #tpu.memory_space<semaphore_mem>>)
    %dma_start3A_117 = arith.constant 9 : i32
    %dma_start3A_118 = arith.constant 9 : i32
    %dma_start3A_119 = arith.constant 0 : i32
    %dma_start3A_120 = arith.constant 0 : i32
    %dma_start3A_121 = tpu.memref_slice %arg10[%dma_start3A_118, %dma_start3A_119, %dma_start3A_120] : memref<40x128x16xf32, #tpu.memory_space<vmem>> -> memref<1x128x16xf32, #tpu.memory_space<vmem>>
    %dma_start3A_122 = tpu.memref_squeeze %dma_start3A_121 : memref<1x128x16xf32, #tpu.memory_space<vmem>> -> memref<128x16xf32, #tpu.memory_space<vmem>>
    %dma_start3A_123 = arith.constant 0 : i32
    %dma_start3A_124 = tpu.memref_slice %arg6[%dma_start3A_117, %dma_start3A_123] : memref<78x128xi32, #tpu.memory_space<vmem>> -> memref<1x128xi32, #tpu.memory_space<vmem>>
    %dma_start3A_125 = tpu.memref_squeeze %dma_start3A_124 : memref<1x128xi32, #tpu.memory_space<vmem>> -> memref<128xi32, #tpu.memory_space<vmem>>
    %dma_start3A_126 = arith.constant 0 : i32
    %dma_start3A_127 = arith.constant 0 : i32
    %dma_start3A_128 = tpu.memref_slice %arg2[%dma_start3A_126, %dma_start3A_127] : memref<10000x16xf32, #tpu.memory_space<hbm>> -> memref<10000x16xf32, #tpu.memory_space<hbm>>
    tpu.enqueue_indirect_dma source(%dma_start3A_128 : memref<10000x16xf32, #tpu.memory_space<hbm>>) target(%dma_start3A_122 : memref<128x16xf32, #tpu.memory_space<vmem>>) offsets(%dma_start3A_125 : memref<128xi32, #tpu.memory_space<vmem>>) semaphore(%arg12 : memref<!tpu.dma_semaphore, #tpu.memory_space<semaphore_mem>>)
    %dma_start3A_129 = arith.constant 10 : i32
    %dma_start3A_130 = arith.constant 10 : i32
    %dma_start3A_131 = arith.constant 0 : i32
    %dma_start3A_132 = arith.constant 0 : i32
    %dma_start3A_133 = tpu.memref_slice %arg10[%dma_start3A_130, %dma_start3A_131, %dma_start3A_132] : memref<40x128x16xf32, #tpu.memory_space<vmem>> -> memref<1x128x16xf32, #tpu.memory_space<vmem>>
    %dma_start3A_134 = tpu.memref_squeeze %dma_start3A_133 : memref<1x128x16xf32, #tpu.memory_space<vmem>> -> memref<128x16xf32, #tpu.memory_space<vmem>>
    %dma_start3A_135 = arith.constant 0 : i32
    %dma_start3A_136 = tpu.memref_slice %arg6[%dma_start3A_129, %dma_start3A_135] : memref<78x128xi32, #tpu.memory_space<vmem>> -> memref<1x128xi32, #tpu.memory_space<vmem>>
    %dma_start3A_137 = tpu.memref_squeeze %dma_start3A_136 : memref<1x128xi32, #tpu.memory_space<vmem>> -> memref<128xi32, #tpu.memory_space<vmem>>
    %dma_start3A_138 = arith.constant 0 : i32
    %dma_start3A_139 = arith.constant 0 : i32
    %dma_start3A_140 = tpu.memref_slice %arg2[%dma_start3A_138, %dma_start3A_139] : memref<10000x16xf32, #tpu.memory_space<hbm>> -> memref<10000x16xf32, #tpu.memory_space<hbm>>
    tpu.enqueue_indirect_dma source(%dma_start3A_140 : memref<10000x16xf32, #tpu.memory_space<hbm>>) target(%dma_start3A_134 : memref<128x16xf32, #tpu.memory_space<vmem>>) offsets(%dma_start3A_137 : memref<128xi32, #tpu.memory_space<vmem>>) semaphore(%arg12 : memref<!tpu.dma_semaphore, #tpu.memory_space<semaphore_mem>>)
    %dma_start3A_141 = arith.constant 11 : i32
    %dma_start3A_142 = arith.constant 11 : i32
    %dma_start3A_143 = arith.constant 0 : i32
    %dma_start3A_144 = arith.constant 0 : i32
    %dma_start3A_145 = tpu.memref_slice %arg10[%dma_start3A_142, %dma_start3A_143, %dma_start3A_144] : memref<40x128x16xf32, #tpu.memory_space<vmem>> -> memref<1x128x16xf32, #tpu.memory_space<vmem>>
    %dma_start3A_146 = tpu.memref_squeeze %dma_start3A_145 : memref<1x128x16xf32, #tpu.memory_space<vmem>> -> memref<128x16xf32, #tpu.memory_space<vmem>>
    %dma_start3A_147 = arith.constant 0 : i32
    %dma_start3A_148 = tpu.memref_slice %arg6[%dma_start3A_141, %dma_start3A_147] : memref<78x128xi32, #tpu.memory_space<vmem>> -> memref<1x128xi32, #tpu.memory_space<vmem>>
    %dma_start3A_149 = tpu.memref_squeeze %dma_start3A_148 : memref<1x128xi32, #tpu.memory_space<vmem>> -> memref<128xi32, #tpu.memory_space<vmem>>
    %dma_start3A_150 = arith.constant 0 : i32
    %dma_start3A_151 = arith.constant 0 : i32
    %dma_start3A_152 = tpu.memref_slice %arg2[%dma_start3A_150, %dma_start3A_151] : memref<10000x16xf32, #tpu.memory_space<hbm>> -> memref<10000x16xf32, #tpu.memory_space<hbm>>
    tpu.enqueue_indirect_dma source(%dma_start3A_152 : memref<10000x16xf32, #tpu.memory_space<hbm>>) target(%dma_start3A_146 : memref<128x16xf32, #tpu.memory_space<vmem>>) offsets(%dma_start3A_149 : memref<128xi32, #tpu.memory_space<vmem>>) semaphore(%arg12 : memref<!tpu.dma_semaphore, #tpu.memory_space<semaphore_mem>>)
    %dma_start3A_153 = arith.constant 12 : i32
    %dma_start3A_154 = arith.constant 12 : i32
    %dma_start3A_155 = arith.constant 0 : i32
    %dma_start3A_156 = arith.constant 0 : i32
    %dma_start3A_157 = tpu.memref_slice %arg10[%dma_start3A_154, %dma_start3A_155, %dma_start3A_156] : memref<40x128x16xf32, #tpu.memory_space<vmem>> -> memref<1x128x16xf32, #tpu.memory_space<vmem>>
    %dma_start3A_158 = tpu.memref_squeeze %dma_start3A_157 : memref<1x128x16xf32, #tpu.memory_space<vmem>> -> memref<128x16xf32, #tpu.memory_space<vmem>>
    %dma_start3A_159 = arith.constant 0 : i32
    %dma_start3A_160 = tpu.memref_slice %arg6[%dma_start3A_153, %dma_start3A_159] : memref<78x128xi32, #tpu.memory_space<vmem>> -> memref<1x128xi32, #tpu.memory_space<vmem>>
    %dma_start3A_161 = tpu.memref_squeeze %dma_start3A_160 : memref<1x128xi32, #tpu.memory_space<vmem>> -> memref<128xi32, #tpu.memory_space<vmem>>
    %dma_start3A_162 = arith.constant 0 : i32
    %dma_start3A_163 = arith.constant 0 : i32
    %dma_start3A_164 = tpu.memref_slice %arg2[%dma_start3A_162, %dma_start3A_163] : memref<10000x16xf32, #tpu.memory_space<hbm>> -> memref<10000x16xf32, #tpu.memory_space<hbm>>
    tpu.enqueue_indirect_dma source(%dma_start3A_164 : memref<10000x16xf32, #tpu.memory_space<hbm>>) target(%dma_start3A_158 : memref<128x16xf32, #tpu.memory_space<vmem>>) offsets(%dma_start3A_161 : memref<128xi32, #tpu.memory_space<vmem>>) semaphore(%arg12 : memref<!tpu.dma_semaphore, #tpu.memory_space<semaphore_mem>>)
    %dma_start3A_165 = arith.constant 13 : i32
    %dma_start3A_166 = arith.constant 13 : i32
    %dma_start3A_167 = arith.constant 0 : i32
    %dma_start3A_168 = arith.constant 0 : i32
    %dma_start3A_169 = tpu.memref_slice %arg10[%dma_start3A_166, %dma_start3A_167, %dma_start3A_168] : memref<40x128x16xf32, #tpu.memory_space<vmem>> -> memref<1x128x16xf32, #tpu.memory_space<vmem>>
    %dma_start3A_170 = tpu.memref_squeeze %dma_start3A_169 : memref<1x128x16xf32, #tpu.memory_space<vmem>> -> memref<128x16xf32, #tpu.memory_space<vmem>>
    %dma_start3A_171 = arith.constant 0 : i32
    %dma_start3A_172 = tpu.memref_slice %arg6[%dma_start3A_165, %dma_start3A_171] : memref<78x128xi32, #tpu.memory_space<vmem>> -> memref<1x128xi32, #tpu.memory_space<vmem>>
    %dma_start3A_173 = tpu.memref_squeeze %dma_start3A_172 : memref<1x128xi32, #tpu.memory_space<vmem>> -> memref<128xi32, #tpu.memory_space<vmem>>
    %dma_start3A_174 = arith.constant 0 : i32
    %dma_start3A_175 = arith.constant 0 : i32
    %dma_start3A_176 = tpu.memref_slice %arg2[%dma_start3A_174, %dma_start3A_175] : memref<10000x16xf32, #tpu.memory_space<hbm>> -> memref<10000x16xf32, #tpu.memory_space<hbm>>
    tpu.enqueue_indirect_dma source(%dma_start3A_176 : memref<10000x16xf32, #tpu.memory_space<hbm>>) target(%dma_start3A_170 : memref<128x16xf32, #tpu.memory_space<vmem>>) offsets(%dma_start3A_173 : memref<128xi32, #tpu.memory_space<vmem>>) semaphore(%arg12 : memref<!tpu.dma_semaphore, #tpu.memory_space<semaphore_mem>>)
    %dma_start3A_177 = arith.constant 14 : i32
    %dma_start3A_178 = arith.constant 14 : i32
    %dma_start3A_179 = arith.constant 0 : i32
    %dma_start3A_180 = arith.constant 0 : i32
    %dma_start3A_181 = tpu.memref_slice %arg10[%dma_start3A_178, %dma_start3A_179, %dma_start3A_180] : memref<40x128x16xf32, #tpu.memory_space<vmem>> -> memref<1x128x16xf32, #tpu.memory_space<vmem>>
    %dma_start3A_182 = tpu.memref_squeeze %dma_start3A_181 : memref<1x128x16xf32, #tpu.memory_space<vmem>> -> memref<128x16xf32, #tpu.memory_space<vmem>>
    %dma_start3A_183 = arith.constant 0 : i32
    %dma_start3A_184 = tpu.memref_slice %arg6[%dma_start3A_177, %dma_start3A_183] : memref<78x128xi32, #tpu.memory_space<vmem>> -> memref<1x128xi32, #tpu.memory_space<vmem>>
    %dma_start3A_185 = tpu.memref_squeeze %dma_start3A_184 : memref<1x128xi32, #tpu.memory_space<vmem>> -> memref<128xi32, #tpu.memory_space<vmem>>
    %dma_start3A_186 = arith.constant 0 : i32
    %dma_start3A_187 = arith.constant 0 : i32
    %dma_start3A_188 = tpu.memref_slice %arg2[%dma_start3A_186, %dma_start3A_187] : memref<10000x16xf32, #tpu.memory_space<hbm>> -> memref<10000x16xf32, #tpu.memory_space<hbm>>
    tpu.enqueue_indirect_dma source(%dma_start3A_188 : memref<10000x16xf32, #tpu.memory_space<hbm>>) target(%dma_start3A_182 : memref<128x16xf32, #tpu.memory_space<vmem>>) offsets(%dma_start3A_185 : memref<128xi32, #tpu.memory_space<vmem>>) semaphore(%arg12 : memref<!tpu.dma_semaphore, #tpu.memory_space<semaphore_mem>>)
    %dma_start3A_189 = arith.constant 15 : i32
    %dma_start3A_190 = arith.constant 15 : i32
    %dma_start3A_191 = arith.constant 0 : i32
    %dma_start3A_192 = arith.constant 0 : i32
    %dma_start3A_193 = tpu.memref_slice %arg10[%dma_start3A_190, %dma_start3A_191, %dma_start3A_192] : memref<40x128x16xf32, #tpu.memory_space<vmem>> -> memref<1x128x16xf32, #tpu.memory_space<vmem>>
    %dma_start3A_194 = tpu.memref_squeeze %dma_start3A_193 : memref<1x128x16xf32, #tpu.memory_space<vmem>> -> memref<128x16xf32, #tpu.memory_space<vmem>>
    %dma_start3A_195 = arith.constant 0 : i32
    %dma_start3A_196 = tpu.memref_slice %arg6[%dma_start3A_189, %dma_start3A_195] : memref<78x128xi32, #tpu.memory_space<vmem>> -> memref<1x128xi32, #tpu.memory_space<vmem>>
    %dma_start3A_197 = tpu.memref_squeeze %dma_start3A_196 : memref<1x128xi32, #tpu.memory_space<vmem>> -> memref<128xi32, #tpu.memory_space<vmem>>
    %dma_start3A_198 = arith.constant 0 : i32
    %dma_start3A_199 = arith.constant 0 : i32
    %dma_start3A_200 = tpu.memref_slice %arg2[%dma_start3A_198, %dma_start3A_199] : memref<10000x16xf32, #tpu.memory_space<hbm>> -> memref<10000x16xf32, #tpu.memory_space<hbm>>
    tpu.enqueue_indirect_dma source(%dma_start3A_200 : memref<10000x16xf32, #tpu.memory_space<hbm>>) target(%dma_start3A_194 : memref<128x16xf32, #tpu.memory_space<vmem>>) offsets(%dma_start3A_197 : memref<128xi32, #tpu.memory_space<vmem>>) semaphore(%arg12 : memref<!tpu.dma_semaphore, #tpu.memory_space<semaphore_mem>>)
    %dma_start3A_201 = arith.constant 16 : i32
    %dma_start3A_202 = arith.constant 16 : i32
    %dma_start3A_203 = arith.constant 0 : i32
    %dma_start3A_204 = arith.constant 0 : i32
    %dma_start3A_205 = tpu.memref_slice %arg10[%dma_start3A_202, %dma_start3A_203, %dma_start3A_204] : memref<40x128x16xf32, #tpu.memory_space<vmem>> -> memref<1x128x16xf32, #tpu.memory_space<vmem>>
    %dma_start3A_206 = tpu.memref_squeeze %dma_start3A_205 : memref<1x128x16xf32, #tpu.memory_space<vmem>> -> memref<128x16xf32, #tpu.memory_space<vmem>>
    %dma_start3A_207 = arith.constant 0 : i32
    %dma_start3A_208 = tpu.memref_slice %arg6[%dma_start3A_201, %dma_start3A_207] : memref<78x128xi32, #tpu.memory_space<vmem>> -> memref<1x128xi32, #tpu.memory_space<vmem>>
    %dma_start3A_209 = tpu.memref_squeeze %dma_start3A_208 : memref<1x128xi32, #tpu.memory_space<vmem>> -> memref<128xi32, #tpu.memory_space<vmem>>
    %dma_start3A_210 = arith.constant 0 : i32
    %dma_start3A_211 = arith.constant 0 : i32
    %dma_start3A_212 = tpu.memref_slice %arg2[%dma_start3A_210, %dma_start3A_211] : memref<10000x16xf32, #tpu.memory_space<hbm>> -> memref<10000x16xf32, #tpu.memory_space<hbm>>
    tpu.enqueue_indirect_dma source(%dma_start3A_212 : memref<10000x16xf32, #tpu.memory_space<hbm>>) target(%dma_start3A_206 : memref<128x16xf32, #tpu.memory_space<vmem>>) offsets(%dma_start3A_209 : memref<128xi32, #tpu.memory_space<vmem>>) semaphore(%arg12 : memref<!tpu.dma_semaphore, #tpu.memory_space<semaphore_mem>>)
    %dma_start3A_213 = arith.constant 17 : i32
    %dma_start3A_214 = arith.constant 17 : i32
    %dma_start3A_215 = arith.constant 0 : i32
    %dma_start3A_216 = arith.constant 0 : i32
    %dma_start3A_217 = tpu.memref_slice %arg10[%dma_start3A_214, %dma_start3A_215, %dma_start3A_216] : memref<40x128x16xf32, #tpu.memory_space<vmem>> -> memref<1x128x16xf32, #tpu.memory_space<vmem>>
    %dma_start3A_218 = tpu.memref_squeeze %dma_start3A_217 : memref<1x128x16xf32, #tpu.memory_space<vmem>> -> memref<128x16xf32, #tpu.memory_space<vmem>>
    %dma_start3A_219 = arith.constant 0 : i32
    %dma_start3A_220 = tpu.memref_slice %arg6[%dma_start3A_213, %dma_start3A_219] : memref<78x128xi32, #tpu.memory_space<vmem>> -> memref<1x128xi32, #tpu.memory_space<vmem>>
    %dma_start3A_221 = tpu.memref_squeeze %dma_start3A_220 : memref<1x128xi32, #tpu.memory_space<vmem>> -> memref<128xi32, #tpu.memory_space<vmem>>
    %dma_start3A_222 = arith.constant 0 : i32
    %dma_start3A_223 = arith.constant 0 : i32
    %dma_start3A_224 = tpu.memref_slice %arg2[%dma_start3A_222, %dma_start3A_223] : memref<10000x16xf32, #tpu.memory_space<hbm>> -> memref<10000x16xf32, #tpu.memory_space<hbm>>
    tpu.enqueue_indirect_dma source(%dma_start3A_224 : memref<10000x16xf32, #tpu.memory_space<hbm>>) target(%dma_start3A_218 : memref<128x16xf32, #tpu.memory_space<vmem>>) offsets(%dma_start3A_221 : memref<128xi32, #tpu.memory_space<vmem>>) semaphore(%arg12 : memref<!tpu.dma_semaphore, #tpu.memory_space<semaphore_mem>>)
    %dma_start3A_225 = arith.constant 18 : i32
    %dma_start3A_226 = arith.constant 18 : i32
    %dma_start3A_227 = arith.constant 0 : i32
    %dma_start3A_228 = arith.constant 0 : i32
    %dma_start3A_229 = tpu.memref_slice %arg10[%dma_start3A_226, %dma_start3A_227, %dma_start3A_228] : memref<40x128x16xf32, #tpu.memory_space<vmem>> -> memref<1x128x16xf32, #tpu.memory_space<vmem>>
    %dma_start3A_230 = tpu.memref_squeeze %dma_start3A_229 : memref<1x128x16xf32, #tpu.memory_space<vmem>> -> memref<128x16xf32, #tpu.memory_space<vmem>>
    %dma_start3A_231 = arith.constant 0 : i32
    %dma_start3A_232 = tpu.memref_slice %arg6[%dma_start3A_225, %dma_start3A_231] : memref<78x128xi32, #tpu.memory_space<vmem>> -> memref<1x128xi32, #tpu.memory_space<vmem>>
    %dma_start3A_233 = tpu.memref_squeeze %dma_start3A_232 : memref<1x128xi32, #tpu.memory_space<vmem>> -> memref<128xi32, #tpu.memory_space<vmem>>
    %dma_start3A_234 = arith.constant 0 : i32
    %dma_start3A_235 = arith.constant 0 : i32
    %dma_start3A_236 = tpu.memref_slice %arg2[%dma_start3A_234, %dma_start3A_235] : memref<10000x16xf32, #tpu.memory_space<hbm>> -> memref<10000x16xf32, #tpu.memory_space<hbm>>
    tpu.enqueue_indirect_dma source(%dma_start3A_236 : memref<10000x16xf32, #tpu.memory_space<hbm>>) target(%dma_start3A_230 : memref<128x16xf32, #tpu.memory_space<vmem>>) offsets(%dma_start3A_233 : memref<128xi32, #tpu.memory_space<vmem>>) semaphore(%arg12 : memref<!tpu.dma_semaphore, #tpu.memory_space<semaphore_mem>>)
    %dma_start3A_237 = arith.constant 19 : i32
    %dma_start3A_238 = arith.constant 19 : i32
    %dma_start3A_239 = arith.constant 0 : i32
    %dma_start3A_240 = arith.constant 0 : i32
    %dma_start3A_241 = tpu.memref_slice %arg10[%dma_start3A_238, %dma_start3A_239, %dma_start3A_240] : memref<40x128x16xf32, #tpu.memory_space<vmem>> -> memref<1x128x16xf32, #tpu.memory_space<vmem>>
    %dma_start3A_242 = tpu.memref_squeeze %dma_start3A_241 : memref<1x128x16xf32, #tpu.memory_space<vmem>> -> memref<128x16xf32, #tpu.memory_space<vmem>>
    %dma_start3A_243 = arith.constant 0 : i32
    %dma_start3A_244 = tpu.memref_slice %arg6[%dma_start3A_237, %dma_start3A_243] : memref<78x128xi32, #tpu.memory_space<vmem>> -> memref<1x128xi32, #tpu.memory_space<vmem>>
    %dma_start3A_245 = tpu.memref_squeeze %dma_start3A_244 : memref<1x128xi32, #tpu.memory_space<vmem>> -> memref<128xi32, #tpu.memory_space<vmem>>
    %dma_start3A_246 = arith.constant 0 : i32
    %dma_start3A_247 = arith.constant 0 : i32
    %dma_start3A_248 = tpu.memref_slice %arg2[%dma_start3A_246, %dma_start3A_247] : memref<10000x16xf32, #tpu.memory_space<hbm>> -> memref<10000x16xf32, #tpu.memory_space<hbm>>
    tpu.enqueue_indirect_dma source(%dma_start3A_248 : memref<10000x16xf32, #tpu.memory_space<hbm>>) target(%dma_start3A_242 : memref<128x16xf32, #tpu.memory_space<vmem>>) offsets(%dma_start3A_245 : memref<128xi32, #tpu.memory_space<vmem>>) semaphore(%arg12 : memref<!tpu.dma_semaphore, #tpu.memory_space<semaphore_mem>>)
    %scan3A = arith.constant 0 : i32
    %scan3A_249 = arith.constant 0 : i32
    %scan3A_250 = arith.constant 78 : i32
    %scan3A_251 = arith.addi %scan3A_249, %scan3A_250 : i32
    %scan3A_252 = arith.constant 1 : i32
    scf.for %scan3A_503 = %scan3A_249 to %scan3A_251 step %scan3A_252  : i32 {
      %jit3A = arith.constant 40 : i32
      %eq3A = arith.constant 0 : i32
      %eq3A_504 = arith.cmpi eq, %jit3A, %eq3A : i32
      %jit3A_505 = arith.constant 1 : i32
      %select_n3A = arith.select %eq3A_504, %jit3A_505, %jit3A : i32
      %rem3A = arith.remsi %scan3A_503, %select_n3A : i32
      %ne3A = arith.constant 0 : i32
      %ne3A_506 = arith.cmpi ne, %rem3A, %ne3A : i32
      %lt3A_507 = arith.constant 0 : i32
      %lt3A_508 = arith.cmpi slt, %rem3A, %lt3A_507 : i32
      %lt3A_509 = arith.constant 0 : i32
      %lt3A_510 = arith.cmpi slt, %select_n3A, %lt3A_509 : i32
      %ne3A_511 = arith.xori %lt3A_508, %lt3A_510 : i1
      %and3A = arith.andi %ne3A_511, %ne3A_506 : i1
      %add3A_512 = arith.addi %rem3A, %select_n3A : i32
      %select_n3A_513 = arith.select %and3A, %add3A_512, %rem3A : i32
      %dma_wait3A_514 = arith.constant 0 : i32
      %dma_wait3A_515 = arith.constant 0 : i32
      %dma_wait3A_516 = tpu.memref_slice %arg10[%select_n3A_513, %dma_wait3A_514, %dma_wait3A_515] : memref<40x128x16xf32, #tpu.memory_space<vmem>> -> memref<1x128x16xf32, #tpu.memory_space<vmem>>
      %dma_wait3A_517 = tpu.memref_squeeze %dma_wait3A_516 : memref<1x128x16xf32, #tpu.memory_space<vmem>> -> memref<128x16xf32, #tpu.memory_space<vmem>>
      %dma_wait3A_518 = arith.constant 0 : i32
      %dma_wait3A_519 = tpu.memref_slice %arg6[%scan3A_503, %dma_wait3A_518] : memref<78x128xi32, #tpu.memory_space<vmem>> -> memref<1x128xi32, #tpu.memory_space<vmem>>
      %dma_wait3A_520 = tpu.memref_squeeze %dma_wait3A_519 : memref<1x128xi32, #tpu.memory_space<vmem>> -> memref<128xi32, #tpu.memory_space<vmem>>
      %dma_wait3A_521 = arith.constant 0 : i32
      %dma_wait3A_522 = arith.constant 0 : i32
      %dma_wait3A_523 = tpu.memref_slice %arg2[%dma_wait3A_521, %dma_wait3A_522] : memref<10000x16xf32, #tpu.memory_space<hbm>> -> memref<10000x16xf32, #tpu.memory_space<hbm>>
      tpu.wait_indirect_dma semaphore(%arg12 : memref<!tpu.dma_semaphore, #tpu.memory_space<semaphore_mem>>) src(%dma_wait3A_523 : memref<10000x16xf32, #tpu.memory_space<hbm>>) dst(%dma_wait3A_517 : memref<128x16xf32, #tpu.memory_space<vmem>>)
      %dma_start3A_524 = arith.constant 0 : i32
      %dma_start3A_525 = arith.constant 0 : i32
      %dma_start3A_526 = tpu.memref_slice %arg10[%select_n3A_513, %dma_start3A_524, %dma_start3A_525] : memref<40x128x16xf32, #tpu.memory_space<vmem>> -> memref<1x128x16xf32, #tpu.memory_space<vmem>>
      %dma_start3A_527 = tpu.memref_squeeze %dma_start3A_526 : memref<1x128x16xf32, #tpu.memory_space<vmem>> -> memref<128x16xf32, #tpu.memory_space<vmem>>
      %dma_start3A_528 = arith.constant 0 : i32
      %dma_start3A_529 = tpu.memref_slice %arg7[%scan3A_503, %dma_start3A_528] : memref<78x128xi32, #tpu.memory_space<vmem>> -> memref<1x128xi32, #tpu.memory_space<vmem>>
      %dma_start3A_530 = tpu.memref_squeeze %dma_start3A_529 : memref<1x128xi32, #tpu.memory_space<vmem>> -> memref<128xi32, #tpu.memory_space<vmem>>
      %dma_start3A_531 = arith.constant 0 : i32
      %dma_start3A_532 = arith.constant 0 : i32
      %dma_start3A_533 = tpu.memref_slice %arg11[%dma_start3A_531, %dma_start3A_532] : memref<10000x16xf32, #tpu.memory_space<vmem_shared>> -> memref<10000x16xf32, #tpu.memory_space<vmem_shared>>
      tpu.enqueue_indirect_dma source(%dma_start3A_527 : memref<128x16xf32, #tpu.memory_space<vmem>>) target(%dma_start3A_533 : memref<10000x16xf32, #tpu.memory_space<vmem_shared>>) offsets(%dma_start3A_530 : memref<128xi32, #tpu.memory_space<vmem>>) semaphore(%arg13 : memref<!tpu.dma_semaphore, #tpu.memory_space<semaphore_mem>>) {add = true}
      %ge3A = arith.constant 20 : i32
      %ge3A_534 = arith.cmpi sge, %scan3A_503, %ge3A : i32
      %convert_element_type3A_535 = arith.extui %ge3A_534 : i1 to i32
      %cond3A_536 = arith.constant 0 : i32
      %cond3A_537 = arith.cmpi ne, %convert_element_type3A_535, %cond3A_536 : i32
      scf.if %cond3A_537 {
        %sub3A = arith.constant 20 : i32
        %sub3A_545 = arith.subi %scan3A_503, %sub3A : i32
        %jit3A_546 = arith.constant 40 : i32
        %eq3A_547 = arith.constant 0 : i32
        %eq3A_548 = arith.cmpi eq, %jit3A_546, %eq3A_547 : i32
        %jit3A_549 = arith.constant 1 : i32
        %select_n3A_550 = arith.select %eq3A_548, %jit3A_549, %jit3A_546 : i32
        %rem3A_551 = arith.remsi %sub3A_545, %select_n3A_550 : i32
        %ne3A_552 = arith.constant 0 : i32
        %ne3A_553 = arith.cmpi ne, %rem3A_551, %ne3A_552 : i32
        %lt3A_554 = arith.constant 0 : i32
        %lt3A_555 = arith.cmpi slt, %rem3A_551, %lt3A_554 : i32
        %lt3A_556 = arith.constant 0 : i32
        %lt3A_557 = arith.cmpi slt, %select_n3A_550, %lt3A_556 : i32
        %ne3A_558 = arith.xori %lt3A_555, %lt3A_557 : i1
        %and3A_559 = arith.andi %ne3A_558, %ne3A_553 : i1
        %add3A_560 = arith.addi %rem3A_551, %select_n3A_550 : i32
        %select_n3A_561 = arith.select %and3A_559, %add3A_560, %rem3A_551 : i32
        %dma_wait3A_562 = arith.constant 0 : i32
        %dma_wait3A_563 = arith.constant 0 : i32
        %dma_wait3A_564 = tpu.memref_slice %arg10[%select_n3A_561, %dma_wait3A_562, %dma_wait3A_563] : memref<40x128x16xf32, #tpu.memory_space<vmem>> -> memref<1x128x16xf32, #tpu.memory_space<vmem>>
        %dma_wait3A_565 = tpu.memref_squeeze %dma_wait3A_564 : memref<1x128x16xf32, #tpu.memory_space<vmem>> -> memref<128x16xf32, #tpu.memory_space<vmem>>
        %dma_wait3A_566 = arith.constant 0 : i32
        %dma_wait3A_567 = tpu.memref_slice %arg7[%sub3A_545, %dma_wait3A_566] : memref<78x128xi32, #tpu.memory_space<vmem>> -> memref<1x128xi32, #tpu.memory_space<vmem>>
        %dma_wait3A_568 = tpu.memref_squeeze %dma_wait3A_567 : memref<1x128xi32, #tpu.memory_space<vmem>> -> memref<128xi32, #tpu.memory_space<vmem>>
        %dma_wait3A_569 = arith.constant 0 : i32
        %dma_wait3A_570 = arith.constant 0 : i32
        %dma_wait3A_571 = tpu.memref_slice %arg11[%dma_wait3A_569, %dma_wait3A_570] : memref<10000x16xf32, #tpu.memory_space<vmem_shared>> -> memref<10000x16xf32, #tpu.memory_space<vmem_shared>>
        tpu.wait_indirect_dma semaphore(%arg13 : memref<!tpu.dma_semaphore, #tpu.memory_space<semaphore_mem>>) src(%dma_wait3A_565 : memref<128x16xf32, #tpu.memory_space<vmem>>) dst(%dma_wait3A_571 : memref<10000x16xf32, #tpu.memory_space<vmem_shared>>)
      } else {
      }
      %add3A_538 = arith.constant 20 : i32
      %add3A_539 = arith.addi %scan3A_503, %add3A_538 : i32
      %lt3A_540 = arith.constant 78 : i32
      %lt3A_541 = arith.cmpi slt, %add3A_539, %lt3A_540 : i32
      %convert_element_type3A_542 = arith.extui %lt3A_541 : i1 to i32
      %cond3A_543 = arith.constant 0 : i32
      %cond3A_544 = arith.cmpi ne, %convert_element_type3A_542, %cond3A_543 : i32
      scf.if %cond3A_544 {
        %add3A_545 = arith.constant 20 : i32
        %add3A_546 = arith.addi %scan3A_503, %add3A_545 : i32
        %jit3A_547 = arith.constant 40 : i32
        %eq3A_548 = arith.constant 0 : i32
        %eq3A_549 = arith.cmpi eq, %jit3A_547, %eq3A_548 : i32
        %jit3A_550 = arith.constant 1 : i32
        %select_n3A_551 = arith.select %eq3A_549, %jit3A_550, %jit3A_547 : i32
        %rem3A_552 = arith.remsi %add3A_546, %select_n3A_551 : i32
        %ne3A_553 = arith.constant 0 : i32
        %ne3A_554 = arith.cmpi ne, %rem3A_552, %ne3A_553 : i32
        %lt3A_555 = arith.constant 0 : i32
        %lt3A_556 = arith.cmpi slt, %rem3A_552, %lt3A_555 : i32
        %lt3A_557 = arith.constant 0 : i32
        %lt3A_558 = arith.cmpi slt, %select_n3A_551, %lt3A_557 : i32
        %ne3A_559 = arith.xori %lt3A_556, %lt3A_558 : i1
        %and3A_560 = arith.andi %ne3A_559, %ne3A_554 : i1
        %add3A_561 = arith.addi %rem3A_552, %select_n3A_551 : i32
        %select_n3A_562 = arith.select %and3A_560, %add3A_561, %rem3A_552 : i32
        %dma_start3A_563 = arith.constant 0 : i32
        %dma_start3A_564 = arith.constant 0 : i32
        %dma_start3A_565 = tpu.memref_slice %arg10[%select_n3A_562, %dma_start3A_563, %dma_start3A_564] : memref<40x128x16xf32, #tpu.memory_space<vmem>> -> memref<1x128x16xf32, #tpu.memory_space<vmem>>
        %dma_start3A_566 = tpu.memref_squeeze %dma_start3A_565 : memref<1x128x16xf32, #tpu.memory_space<vmem>> -> memref<128x16xf32, #tpu.memory_space<vmem>>
        %dma_start3A_567 = arith.constant 0 : i32
        %dma_start3A_568 = tpu.memref_slice %arg6[%add3A_546, %dma_start3A_567] : memref<78x128xi32, #tpu.memory_space<vmem>> -> memref<1x128xi32, #tpu.memory_space<vmem>>
        %dma_start3A_569 = tpu.memref_squeeze %dma_start3A_568 : memref<1x128xi32, #tpu.memory_space<vmem>> -> memref<128xi32, #tpu.memory_space<vmem>>
        %dma_start3A_570 = arith.constant 0 : i32
        %dma_start3A_571 = arith.constant 0 : i32
        %dma_start3A_572 = tpu.memref_slice %arg2[%dma_start3A_570, %dma_start3A_571] : memref<10000x16xf32, #tpu.memory_space<hbm>> -> memref<10000x16xf32, #tpu.memory_space<hbm>>
        tpu.enqueue_indirect_dma source(%dma_start3A_572 : memref<10000x16xf32, #tpu.memory_space<hbm>>) target(%dma_start3A_566 : memref<128x16xf32, #tpu.memory_space<vmem>>) offsets(%dma_start3A_569 : memref<128xi32, #tpu.memory_space<vmem>>) semaphore(%arg12 : memref<!tpu.dma_semaphore, #tpu.memory_space<semaphore_mem>>)
      } else {
      }
    }
    %scan3A_253 = arith.constant 78 : i32
    %dma_wait3A = arith.constant 18 : i32
    %dma_wait3A_254 = arith.constant 58 : i32
    %dma_wait3A_255 = arith.constant 0 : i32
    %dma_wait3A_256 = arith.constant 0 : i32
    %dma_wait3A_257 = tpu.memref_slice %arg10[%dma_wait3A, %dma_wait3A_255, %dma_wait3A_256] : memref<40x128x16xf32, #tpu.memory_space<vmem>> -> memref<1x128x16xf32, #tpu.memory_space<vmem>>
    %dma_wait3A_258 = tpu.memref_squeeze %dma_wait3A_257 : memref<1x128x16xf32, #tpu.memory_space<vmem>> -> memref<128x16xf32, #tpu.memory_space<vmem>>
    %dma_wait3A_259 = arith.constant 0 : i32
    %dma_wait3A_260 = tpu.memref_slice %arg7[%dma_wait3A_254, %dma_wait3A_259] : memref<78x128xi32, #tpu.memory_space<vmem>> -> memref<1x128xi32, #tpu.memory_space<vmem>>
    %dma_wait3A_261 = tpu.memref_squeeze %dma_wait3A_260 : memref<1x128xi32, #tpu.memory_space<vmem>> -> memref<128xi32, #tpu.memory_space<vmem>>
    %dma_wait3A_262 = arith.constant 0 : i32
    %dma_wait3A_263 = arith.constant 0 : i32
    %dma_wait3A_264 = tpu.memref_slice %arg11[%dma_wait3A_262, %dma_wait3A_263] : memref<10000x16xf32, #tpu.memory_space<vmem_shared>> -> memref<10000x16xf32, #tpu.memory_space<vmem_shared>>
    tpu.wait_indirect_dma semaphore(%arg13 : memref<!tpu.dma_semaphore, #tpu.memory_space<semaphore_mem>>) src(%dma_wait3A_258 : memref<128x16xf32, #tpu.memory_space<vmem>>) dst(%dma_wait3A_264 : memref<10000x16xf32, #tpu.memory_space<vmem_shared>>)
    %dma_wait3A_265 = arith.constant 19 : i32
    %dma_wait3A_266 = arith.constant 59 : i32
    %dma_wait3A_267 = arith.constant 0 : i32
    %dma_wait3A_268 = arith.constant 0 : i32
    %dma_wait3A_269 = tpu.memref_slice %arg10[%dma_wait3A_265, %dma_wait3A_267, %dma_wait3A_268] : memref<40x128x16xf32, #tpu.memory_space<vmem>> -> memref<1x128x16xf32, #tpu.memory_space<vmem>>
    %dma_wait3A_270 = tpu.memref_squeeze %dma_wait3A_269 : memref<1x128x16xf32, #tpu.memory_space<vmem>> -> memref<128x16xf32, #tpu.memory_space<vmem>>
    %dma_wait3A_271 = arith.constant 0 : i32
    %dma_wait3A_272 = tpu.memref_slice %arg7[%dma_wait3A_266, %dma_wait3A_271] : memref<78x128xi32, #tpu.memory_space<vmem>> -> memref<1x128xi32, #tpu.memory_space<vmem>>
    %dma_wait3A_273 = tpu.memref_squeeze %dma_wait3A_272 : memref<1x128xi32, #tpu.memory_space<vmem>> -> memref<128xi32, #tpu.memory_space<vmem>>
    %dma_wait3A_274 = arith.constant 0 : i32
    %dma_wait3A_275 = arith.constant 0 : i32
    %dma_wait3A_276 = tpu.memref_slice %arg11[%dma_wait3A_274, %dma_wait3A_275] : memref<10000x16xf32, #tpu.memory_space<vmem_shared>> -> memref<10000x16xf32, #tpu.memory_space<vmem_shared>>
    tpu.wait_indirect_dma semaphore(%arg13 : memref<!tpu.dma_semaphore, #tpu.memory_space<semaphore_mem>>) src(%dma_wait3A_270 : memref<128x16xf32, #tpu.memory_space<vmem>>) dst(%dma_wait3A_276 : memref<10000x16xf32, #tpu.memory_space<vmem_shared>>)
    %dma_wait3A_277 = arith.constant 20 : i32
    %dma_wait3A_278 = arith.constant 60 : i32
    %dma_wait3A_279 = arith.constant 0 : i32
    %dma_wait3A_280 = arith.constant 0 : i32
    %dma_wait3A_281 = tpu.memref_slice %arg10[%dma_wait3A_277, %dma_wait3A_279, %dma_wait3A_280] : memref<40x128x16xf32, #tpu.memory_space<vmem>> -> memref<1x128x16xf32, #tpu.memory_space<vmem>>
    %dma_wait3A_282 = tpu.memref_squeeze %dma_wait3A_281 : memref<1x128x16xf32, #tpu.memory_space<vmem>> -> memref<128x16xf32, #tpu.memory_space<vmem>>
    %dma_wait3A_283 = arith.constant 0 : i32
    %dma_wait3A_284 = tpu.memref_slice %arg7[%dma_wait3A_278, %dma_wait3A_283] : memref<78x128xi32, #tpu.memory_space<vmem>> -> memref<1x128xi32, #tpu.memory_space<vmem>>
    %dma_wait3A_285 = tpu.memref_squeeze %dma_wait3A_284 : memref<1x128xi32, #tpu.memory_space<vmem>> -> memref<128xi32, #tpu.memory_space<vmem>>
    %dma_wait3A_286 = arith.constant 0 : i32
    %dma_wait3A_287 = arith.constant 0 : i32
    %dma_wait3A_288 = tpu.memref_slice %arg11[%dma_wait3A_286, %dma_wait3A_287] : memref<10000x16xf32, #tpu.memory_space<vmem_shared>> -> memref<10000x16xf32, #tpu.memory_space<vmem_shared>>
    tpu.wait_indirect_dma semaphore(%arg13 : memref<!tpu.dma_semaphore, #tpu.memory_space<semaphore_mem>>) src(%dma_wait3A_282 : memref<128x16xf32, #tpu.memory_space<vmem>>) dst(%dma_wait3A_288 : memref<10000x16xf32, #tpu.memory_space<vmem_shared>>)
    %dma_wait3A_289 = arith.constant 21 : i32
    %dma_wait3A_290 = arith.constant 61 : i32
    %dma_wait3A_291 = arith.constant 0 : i32
    %dma_wait3A_292 = arith.constant 0 : i32
    %dma_wait3A_293 = tpu.memref_slice %arg10[%dma_wait3A_289, %dma_wait3A_291, %dma_wait3A_292] : memref<40x128x16xf32, #tpu.memory_space<vmem>> -> memref<1x128x16xf32, #tpu.memory_space<vmem>>
    %dma_wait3A_294 = tpu.memref_squeeze %dma_wait3A_293 : memref<1x128x16xf32, #tpu.memory_space<vmem>> -> memref<128x16xf32, #tpu.memory_space<vmem>>
    %dma_wait3A_295 = arith.constant 0 : i32
    %dma_wait3A_296 = tpu.memref_slice %arg7[%dma_wait3A_290, %dma_wait3A_295] : memref<78x128xi32, #tpu.memory_space<vmem>> -> memref<1x128xi32, #tpu.memory_space<vmem>>
    %dma_wait3A_297 = tpu.memref_squeeze %dma_wait3A_296 : memref<1x128xi32, #tpu.memory_space<vmem>> -> memref<128xi32, #tpu.memory_space<vmem>>
    %dma_wait3A_298 = arith.constant 0 : i32
    %dma_wait3A_299 = arith.constant 0 : i32
    %dma_wait3A_300 = tpu.memref_slice %arg11[%dma_wait3A_298, %dma_wait3A_299] : memref<10000x16xf32, #tpu.memory_space<vmem_shared>> -> memref<10000x16xf32, #tpu.memory_space<vmem_shared>>
    tpu.wait_indirect_dma semaphore(%arg13 : memref<!tpu.dma_semaphore, #tpu.memory_space<semaphore_mem>>) src(%dma_wait3A_294 : memref<128x16xf32, #tpu.memory_space<vmem>>) dst(%dma_wait3A_300 : memref<10000x16xf32, #tpu.memory_space<vmem_shared>>)
    %dma_wait3A_301 = arith.constant 22 : i32
    %dma_wait3A_302 = arith.constant 62 : i32
    %dma_wait3A_303 = arith.constant 0 : i32
    %dma_wait3A_304 = arith.constant 0 : i32
    %dma_wait3A_305 = tpu.memref_slice %arg10[%dma_wait3A_301, %dma_wait3A_303, %dma_wait3A_304] : memref<40x128x16xf32, #tpu.memory_space<vmem>> -> memref<1x128x16xf32, #tpu.memory_space<vmem>>
    %dma_wait3A_306 = tpu.memref_squeeze %dma_wait3A_305 : memref<1x128x16xf32, #tpu.memory_space<vmem>> -> memref<128x16xf32, #tpu.memory_space<vmem>>
    %dma_wait3A_307 = arith.constant 0 : i32
    %dma_wait3A_308 = tpu.memref_slice %arg7[%dma_wait3A_302, %dma_wait3A_307] : memref<78x128xi32, #tpu.memory_space<vmem>> -> memref<1x128xi32, #tpu.memory_space<vmem>>
    %dma_wait3A_309 = tpu.memref_squeeze %dma_wait3A_308 : memref<1x128xi32, #tpu.memory_space<vmem>> -> memref<128xi32, #tpu.memory_space<vmem>>
    %dma_wait3A_310 = arith.constant 0 : i32
    %dma_wait3A_311 = arith.constant 0 : i32
    %dma_wait3A_312 = tpu.memref_slice %arg11[%dma_wait3A_310, %dma_wait3A_311] : memref<10000x16xf32, #tpu.memory_space<vmem_shared>> -> memref<10000x16xf32, #tpu.memory_space<vmem_shared>>
    tpu.wait_indirect_dma semaphore(%arg13 : memref<!tpu.dma_semaphore, #tpu.memory_space<semaphore_mem>>) src(%dma_wait3A_306 : memref<128x16xf32, #tpu.memory_space<vmem>>) dst(%dma_wait3A_312 : memref<10000x16xf32, #tpu.memory_space<vmem_shared>>)
    %dma_wait3A_313 = arith.constant 23 : i32
    %dma_wait3A_314 = arith.constant 63 : i32
    %dma_wait3A_315 = arith.constant 0 : i32
    %dma_wait3A_316 = arith.constant 0 : i32
    %dma_wait3A_317 = tpu.memref_slice %arg10[%dma_wait3A_313, %dma_wait3A_315, %dma_wait3A_316] : memref<40x128x16xf32, #tpu.memory_space<vmem>> -> memref<1x128x16xf32, #tpu.memory_space<vmem>>
    %dma_wait3A_318 = tpu.memref_squeeze %dma_wait3A_317 : memref<1x128x16xf32, #tpu.memory_space<vmem>> -> memref<128x16xf32, #tpu.memory_space<vmem>>
    %dma_wait3A_319 = arith.constant 0 : i32
    %dma_wait3A_320 = tpu.memref_slice %arg7[%dma_wait3A_314, %dma_wait3A_319] : memref<78x128xi32, #tpu.memory_space<vmem>> -> memref<1x128xi32, #tpu.memory_space<vmem>>
    %dma_wait3A_321 = tpu.memref_squeeze %dma_wait3A_320 : memref<1x128xi32, #tpu.memory_space<vmem>> -> memref<128xi32, #tpu.memory_space<vmem>>
    %dma_wait3A_322 = arith.constant 0 : i32
    %dma_wait3A_323 = arith.constant 0 : i32
    %dma_wait3A_324 = tpu.memref_slice %arg11[%dma_wait3A_322, %dma_wait3A_323] : memref<10000x16xf32, #tpu.memory_space<vmem_shared>> -> memref<10000x16xf32, #tpu.memory_space<vmem_shared>>
    tpu.wait_indirect_dma semaphore(%arg13 : memref<!tpu.dma_semaphore, #tpu.memory_space<semaphore_mem>>) src(%dma_wait3A_318 : memref<128x16xf32, #tpu.memory_space<vmem>>) dst(%dma_wait3A_324 : memref<10000x16xf32, #tpu.memory_space<vmem_shared>>)
    %dma_wait3A_325 = arith.constant 24 : i32
    %dma_wait3A_326 = arith.constant 64 : i32
    %dma_wait3A_327 = arith.constant 0 : i32
    %dma_wait3A_328 = arith.constant 0 : i32
    %dma_wait3A_329 = tpu.memref_slice %arg10[%dma_wait3A_325, %dma_wait3A_327, %dma_wait3A_328] : memref<40x128x16xf32, #tpu.memory_space<vmem>> -> memref<1x128x16xf32, #tpu.memory_space<vmem>>
    %dma_wait3A_330 = tpu.memref_squeeze %dma_wait3A_329 : memref<1x128x16xf32, #tpu.memory_space<vmem>> -> memref<128x16xf32, #tpu.memory_space<vmem>>
    %dma_wait3A_331 = arith.constant 0 : i32
    %dma_wait3A_332 = tpu.memref_slice %arg7[%dma_wait3A_326, %dma_wait3A_331] : memref<78x128xi32, #tpu.memory_space<vmem>> -> memref<1x128xi32, #tpu.memory_space<vmem>>
    %dma_wait3A_333 = tpu.memref_squeeze %dma_wait3A_332 : memref<1x128xi32, #tpu.memory_space<vmem>> -> memref<128xi32, #tpu.memory_space<vmem>>
    %dma_wait3A_334 = arith.constant 0 : i32
    %dma_wait3A_335 = arith.constant 0 : i32
    %dma_wait3A_336 = tpu.memref_slice %arg11[%dma_wait3A_334, %dma_wait3A_335] : memref<10000x16xf32, #tpu.memory_space<vmem_shared>> -> memref<10000x16xf32, #tpu.memory_space<vmem_shared>>
    tpu.wait_indirect_dma semaphore(%arg13 : memref<!tpu.dma_semaphore, #tpu.memory_space<semaphore_mem>>) src(%dma_wait3A_330 : memref<128x16xf32, #tpu.memory_space<vmem>>) dst(%dma_wait3A_336 : memref<10000x16xf32, #tpu.memory_space<vmem_shared>>)
    %dma_wait3A_337 = arith.constant 25 : i32
    %dma_wait3A_338 = arith.constant 65 : i32
    %dma_wait3A_339 = arith.constant 0 : i32
    %dma_wait3A_340 = arith.constant 0 : i32
    %dma_wait3A_341 = tpu.memref_slice %arg10[%dma_wait3A_337, %dma_wait3A_339, %dma_wait3A_340] : memref<40x128x16xf32, #tpu.memory_space<vmem>> -> memref<1x128x16xf32, #tpu.memory_space<vmem>>
    %dma_wait3A_342 = tpu.memref_squeeze %dma_wait3A_341 : memref<1x128x16xf32, #tpu.memory_space<vmem>> -> memref<128x16xf32, #tpu.memory_space<vmem>>
    %dma_wait3A_343 = arith.constant 0 : i32
    %dma_wait3A_344 = tpu.memref_slice %arg7[%dma_wait3A_338, %dma_wait3A_343] : memref<78x128xi32, #tpu.memory_space<vmem>> -> memref<1x128xi32, #tpu.memory_space<vmem>>
    %dma_wait3A_345 = tpu.memref_squeeze %dma_wait3A_344 : memref<1x128xi32, #tpu.memory_space<vmem>> -> memref<128xi32, #tpu.memory_space<vmem>>
    %dma_wait3A_346 = arith.constant 0 : i32
    %dma_wait3A_347 = arith.constant 0 : i32
    %dma_wait3A_348 = tpu.memref_slice %arg11[%dma_wait3A_346, %dma_wait3A_347] : memref<10000x16xf32, #tpu.memory_space<vmem_shared>> -> memref<10000x16xf32, #tpu.memory_space<vmem_shared>>
    tpu.wait_indirect_dma semaphore(%arg13 : memref<!tpu.dma_semaphore, #tpu.memory_space<semaphore_mem>>) src(%dma_wait3A_342 : memref<128x16xf32, #tpu.memory_space<vmem>>) dst(%dma_wait3A_348 : memref<10000x16xf32, #tpu.memory_space<vmem_shared>>)
    %dma_wait3A_349 = arith.constant 26 : i32
    %dma_wait3A_350 = arith.constant 66 : i32
    %dma_wait3A_351 = arith.constant 0 : i32
    %dma_wait3A_352 = arith.constant 0 : i32
    %dma_wait3A_353 = tpu.memref_slice %arg10[%dma_wait3A_349, %dma_wait3A_351, %dma_wait3A_352] : memref<40x128x16xf32, #tpu.memory_space<vmem>> -> memref<1x128x16xf32, #tpu.memory_space<vmem>>
    %dma_wait3A_354 = tpu.memref_squeeze %dma_wait3A_353 : memref<1x128x16xf32, #tpu.memory_space<vmem>> -> memref<128x16xf32, #tpu.memory_space<vmem>>
    %dma_wait3A_355 = arith.constant 0 : i32
    %dma_wait3A_356 = tpu.memref_slice %arg7[%dma_wait3A_350, %dma_wait3A_355] : memref<78x128xi32, #tpu.memory_space<vmem>> -> memref<1x128xi32, #tpu.memory_space<vmem>>
    %dma_wait3A_357 = tpu.memref_squeeze %dma_wait3A_356 : memref<1x128xi32, #tpu.memory_space<vmem>> -> memref<128xi32, #tpu.memory_space<vmem>>
    %dma_wait3A_358 = arith.constant 0 : i32
    %dma_wait3A_359 = arith.constant 0 : i32
    %dma_wait3A_360 = tpu.memref_slice %arg11[%dma_wait3A_358, %dma_wait3A_359] : memref<10000x16xf32, #tpu.memory_space<vmem_shared>> -> memref<10000x16xf32, #tpu.memory_space<vmem_shared>>
    tpu.wait_indirect_dma semaphore(%arg13 : memref<!tpu.dma_semaphore, #tpu.memory_space<semaphore_mem>>) src(%dma_wait3A_354 : memref<128x16xf32, #tpu.memory_space<vmem>>) dst(%dma_wait3A_360 : memref<10000x16xf32, #tpu.memory_space<vmem_shared>>)
    %dma_wait3A_361 = arith.constant 27 : i32
    %dma_wait3A_362 = arith.constant 67 : i32
    %dma_wait3A_363 = arith.constant 0 : i32
    %dma_wait3A_364 = arith.constant 0 : i32
    %dma_wait3A_365 = tpu.memref_slice %arg10[%dma_wait3A_361, %dma_wait3A_363, %dma_wait3A_364] : memref<40x128x16xf32, #tpu.memory_space<vmem>> -> memref<1x128x16xf32, #tpu.memory_space<vmem>>
    %dma_wait3A_366 = tpu.memref_squeeze %dma_wait3A_365 : memref<1x128x16xf32, #tpu.memory_space<vmem>> -> memref<128x16xf32, #tpu.memory_space<vmem>>
    %dma_wait3A_367 = arith.constant 0 : i32
    %dma_wait3A_368 = tpu.memref_slice %arg7[%dma_wait3A_362, %dma_wait3A_367] : memref<78x128xi32, #tpu.memory_space<vmem>> -> memref<1x128xi32, #tpu.memory_space<vmem>>
    %dma_wait3A_369 = tpu.memref_squeeze %dma_wait3A_368 : memref<1x128xi32, #tpu.memory_space<vmem>> -> memref<128xi32, #tpu.memory_space<vmem>>
    %dma_wait3A_370 = arith.constant 0 : i32
    %dma_wait3A_371 = arith.constant 0 : i32
    %dma_wait3A_372 = tpu.memref_slice %arg11[%dma_wait3A_370, %dma_wait3A_371] : memref<10000x16xf32, #tpu.memory_space<vmem_shared>> -> memref<10000x16xf32, #tpu.memory_space<vmem_shared>>
    tpu.wait_indirect_dma semaphore(%arg13 : memref<!tpu.dma_semaphore, #tpu.memory_space<semaphore_mem>>) src(%dma_wait3A_366 : memref<128x16xf32, #tpu.memory_space<vmem>>) dst(%dma_wait3A_372 : memref<10000x16xf32, #tpu.memory_space<vmem_shared>>)
    %dma_wait3A_373 = arith.constant 28 : i32
    %dma_wait3A_374 = arith.constant 68 : i32
    %dma_wait3A_375 = arith.constant 0 : i32
    %dma_wait3A_376 = arith.constant 0 : i32
    %dma_wait3A_377 = tpu.memref_slice %arg10[%dma_wait3A_373, %dma_wait3A_375, %dma_wait3A_376] : memref<40x128x16xf32, #tpu.memory_space<vmem>> -> memref<1x128x16xf32, #tpu.memory_space<vmem>>
    %dma_wait3A_378 = tpu.memref_squeeze %dma_wait3A_377 : memref<1x128x16xf32, #tpu.memory_space<vmem>> -> memref<128x16xf32, #tpu.memory_space<vmem>>
    %dma_wait3A_379 = arith.constant 0 : i32
    %dma_wait3A_380 = tpu.memref_slice %arg7[%dma_wait3A_374, %dma_wait3A_379] : memref<78x128xi32, #tpu.memory_space<vmem>> -> memref<1x128xi32, #tpu.memory_space<vmem>>
    %dma_wait3A_381 = tpu.memref_squeeze %dma_wait3A_380 : memref<1x128xi32, #tpu.memory_space<vmem>> -> memref<128xi32, #tpu.memory_space<vmem>>
    %dma_wait3A_382 = arith.constant 0 : i32
    %dma_wait3A_383 = arith.constant 0 : i32
    %dma_wait3A_384 = tpu.memref_slice %arg11[%dma_wait3A_382, %dma_wait3A_383] : memref<10000x16xf32, #tpu.memory_space<vmem_shared>> -> memref<10000x16xf32, #tpu.memory_space<vmem_shared>>
    tpu.wait_indirect_dma semaphore(%arg13 : memref<!tpu.dma_semaphore, #tpu.memory_space<semaphore_mem>>) src(%dma_wait3A_378 : memref<128x16xf32, #tpu.memory_space<vmem>>) dst(%dma_wait3A_384 : memref<10000x16xf32, #tpu.memory_space<vmem_shared>>)
    %dma_wait3A_385 = arith.constant 29 : i32
    %dma_wait3A_386 = arith.constant 69 : i32
    %dma_wait3A_387 = arith.constant 0 : i32
    %dma_wait3A_388 = arith.constant 0 : i32
    %dma_wait3A_389 = tpu.memref_slice %arg10[%dma_wait3A_385, %dma_wait3A_387, %dma_wait3A_388] : memref<40x128x16xf32, #tpu.memory_space<vmem>> -> memref<1x128x16xf32, #tpu.memory_space<vmem>>
    %dma_wait3A_390 = tpu.memref_squeeze %dma_wait3A_389 : memref<1x128x16xf32, #tpu.memory_space<vmem>> -> memref<128x16xf32, #tpu.memory_space<vmem>>
    %dma_wait3A_391 = arith.constant 0 : i32
    %dma_wait3A_392 = tpu.memref_slice %arg7[%dma_wait3A_386, %dma_wait3A_391] : memref<78x128xi32, #tpu.memory_space<vmem>> -> memref<1x128xi32, #tpu.memory_space<vmem>>
    %dma_wait3A_393 = tpu.memref_squeeze %dma_wait3A_392 : memref<1x128xi32, #tpu.memory_space<vmem>> -> memref<128xi32, #tpu.memory_space<vmem>>
    %dma_wait3A_394 = arith.constant 0 : i32
    %dma_wait3A_395 = arith.constant 0 : i32
    %dma_wait3A_396 = tpu.memref_slice %arg11[%dma_wait3A_394, %dma_wait3A_395] : memref<10000x16xf32, #tpu.memory_space<vmem_shared>> -> memref<10000x16xf32, #tpu.memory_space<vmem_shared>>
    tpu.wait_indirect_dma semaphore(%arg13 : memref<!tpu.dma_semaphore, #tpu.memory_space<semaphore_mem>>) src(%dma_wait3A_390 : memref<128x16xf32, #tpu.memory_space<vmem>>) dst(%dma_wait3A_396 : memref<10000x16xf32, #tpu.memory_space<vmem_shared>>)
    %dma_wait3A_397 = arith.constant 30 : i32
    %dma_wait3A_398 = arith.constant 70 : i32
    %dma_wait3A_399 = arith.constant 0 : i32
    %dma_wait3A_400 = arith.constant 0 : i32
    %dma_wait3A_401 = tpu.memref_slice %arg10[%dma_wait3A_397, %dma_wait3A_399, %dma_wait3A_400] : memref<40x128x16xf32, #tpu.memory_space<vmem>> -> memref<1x128x16xf32, #tpu.memory_space<vmem>>
    %dma_wait3A_402 = tpu.memref_squeeze %dma_wait3A_401 : memref<1x128x16xf32, #tpu.memory_space<vmem>> -> memref<128x16xf32, #tpu.memory_space<vmem>>
    %dma_wait3A_403 = arith.constant 0 : i32
    %dma_wait3A_404 = tpu.memref_slice %arg7[%dma_wait3A_398, %dma_wait3A_403] : memref<78x128xi32, #tpu.memory_space<vmem>> -> memref<1x128xi32, #tpu.memory_space<vmem>>
    %dma_wait3A_405 = tpu.memref_squeeze %dma_wait3A_404 : memref<1x128xi32, #tpu.memory_space<vmem>> -> memref<128xi32, #tpu.memory_space<vmem>>
    %dma_wait3A_406 = arith.constant 0 : i32
    %dma_wait3A_407 = arith.constant 0 : i32
    %dma_wait3A_408 = tpu.memref_slice %arg11[%dma_wait3A_406, %dma_wait3A_407] : memref<10000x16xf32, #tpu.memory_space<vmem_shared>> -> memref<10000x16xf32, #tpu.memory_space<vmem_shared>>
    tpu.wait_indirect_dma semaphore(%arg13 : memref<!tpu.dma_semaphore, #tpu.memory_space<semaphore_mem>>) src(%dma_wait3A_402 : memref<128x16xf32, #tpu.memory_space<vmem>>) dst(%dma_wait3A_408 : memref<10000x16xf32, #tpu.memory_space<vmem_shared>>)
    %dma_wait3A_409 = arith.constant 31 : i32
    %dma_wait3A_410 = arith.constant 71 : i32
    %dma_wait3A_411 = arith.constant 0 : i32
    %dma_wait3A_412 = arith.constant 0 : i32
    %dma_wait3A_413 = tpu.memref_slice %arg10[%dma_wait3A_409, %dma_wait3A_411, %dma_wait3A_412] : memref<40x128x16xf32, #tpu.memory_space<vmem>> -> memref<1x128x16xf32, #tpu.memory_space<vmem>>
    %dma_wait3A_414 = tpu.memref_squeeze %dma_wait3A_413 : memref<1x128x16xf32, #tpu.memory_space<vmem>> -> memref<128x16xf32, #tpu.memory_space<vmem>>
    %dma_wait3A_415 = arith.constant 0 : i32
    %dma_wait3A_416 = tpu.memref_slice %arg7[%dma_wait3A_410, %dma_wait3A_415] : memref<78x128xi32, #tpu.memory_space<vmem>> -> memref<1x128xi32, #tpu.memory_space<vmem>>
    %dma_wait3A_417 = tpu.memref_squeeze %dma_wait3A_416 : memref<1x128xi32, #tpu.memory_space<vmem>> -> memref<128xi32, #tpu.memory_space<vmem>>
    %dma_wait3A_418 = arith.constant 0 : i32
    %dma_wait3A_419 = arith.constant 0 : i32
    %dma_wait3A_420 = tpu.memref_slice %arg11[%dma_wait3A_418, %dma_wait3A_419] : memref<10000x16xf32, #tpu.memory_space<vmem_shared>> -> memref<10000x16xf32, #tpu.memory_space<vmem_shared>>
    tpu.wait_indirect_dma semaphore(%arg13 : memref<!tpu.dma_semaphore, #tpu.memory_space<semaphore_mem>>) src(%dma_wait3A_414 : memref<128x16xf32, #tpu.memory_space<vmem>>) dst(%dma_wait3A_420 : memref<10000x16xf32, #tpu.memory_space<vmem_shared>>)
    %dma_wait3A_421 = arith.constant 32 : i32
    %dma_wait3A_422 = arith.constant 72 : i32
    %dma_wait3A_423 = arith.constant 0 : i32
    %dma_wait3A_424 = arith.constant 0 : i32
    %dma_wait3A_425 = tpu.memref_slice %arg10[%dma_wait3A_421, %dma_wait3A_423, %dma_wait3A_424] : memref<40x128x16xf32, #tpu.memory_space<vmem>> -> memref<1x128x16xf32, #tpu.memory_space<vmem>>
    %dma_wait3A_426 = tpu.memref_squeeze %dma_wait3A_425 : memref<1x128x16xf32, #tpu.memory_space<vmem>> -> memref<128x16xf32, #tpu.memory_space<vmem>>
    %dma_wait3A_427 = arith.constant 0 : i32
    %dma_wait3A_428 = tpu.memref_slice %arg7[%dma_wait3A_422, %dma_wait3A_427] : memref<78x128xi32, #tpu.memory_space<vmem>> -> memref<1x128xi32, #tpu.memory_space<vmem>>
    %dma_wait3A_429 = tpu.memref_squeeze %dma_wait3A_428 : memref<1x128xi32, #tpu.memory_space<vmem>> -> memref<128xi32, #tpu.memory_space<vmem>>
    %dma_wait3A_430 = arith.constant 0 : i32
    %dma_wait3A_431 = arith.constant 0 : i32
    %dma_wait3A_432 = tpu.memref_slice %arg11[%dma_wait3A_430, %dma_wait3A_431] : memref<10000x16xf32, #tpu.memory_space<vmem_shared>> -> memref<10000x16xf32, #tpu.memory_space<vmem_shared>>
    tpu.wait_indirect_dma semaphore(%arg13 : memref<!tpu.dma_semaphore, #tpu.memory_space<semaphore_mem>>) src(%dma_wait3A_426 : memref<128x16xf32, #tpu.memory_space<vmem>>) dst(%dma_wait3A_432 : memref<10000x16xf32, #tpu.memory_space<vmem_shared>>)
    %dma_wait3A_433 = arith.constant 33 : i32
    %dma_wait3A_434 = arith.constant 73 : i32
    %dma_wait3A_435 = arith.constant 0 : i32
    %dma_wait3A_436 = arith.constant 0 : i32
    %dma_wait3A_437 = tpu.memref_slice %arg10[%dma_wait3A_433, %dma_wait3A_435, %dma_wait3A_436] : memref<40x128x16xf32, #tpu.memory_space<vmem>> -> memref<1x128x16xf32, #tpu.memory_space<vmem>>
    %dma_wait3A_438 = tpu.memref_squeeze %dma_wait3A_437 : memref<1x128x16xf32, #tpu.memory_space<vmem>> -> memref<128x16xf32, #tpu.memory_space<vmem>>
    %dma_wait3A_439 = arith.constant 0 : i32
    %dma_wait3A_440 = tpu.memref_slice %arg7[%dma_wait3A_434, %dma_wait3A_439] : memref<78x128xi32, #tpu.memory_space<vmem>> -> memref<1x128xi32, #tpu.memory_space<vmem>>
    %dma_wait3A_441 = tpu.memref_squeeze %dma_wait3A_440 : memref<1x128xi32, #tpu.memory_space<vmem>> -> memref<128xi32, #tpu.memory_space<vmem>>
    %dma_wait3A_442 = arith.constant 0 : i32
    %dma_wait3A_443 = arith.constant 0 : i32
    %dma_wait3A_444 = tpu.memref_slice %arg11[%dma_wait3A_442, %dma_wait3A_443] : memref<10000x16xf32, #tpu.memory_space<vmem_shared>> -> memref<10000x16xf32, #tpu.memory_space<vmem_shared>>
    tpu.wait_indirect_dma semaphore(%arg13 : memref<!tpu.dma_semaphore, #tpu.memory_space<semaphore_mem>>) src(%dma_wait3A_438 : memref<128x16xf32, #tpu.memory_space<vmem>>) dst(%dma_wait3A_444 : memref<10000x16xf32, #tpu.memory_space<vmem_shared>>)
    %dma_wait3A_445 = arith.constant 34 : i32
    %dma_wait3A_446 = arith.constant 74 : i32
    %dma_wait3A_447 = arith.constant 0 : i32
    %dma_wait3A_448 = arith.constant 0 : i32
    %dma_wait3A_449 = tpu.memref_slice %arg10[%dma_wait3A_445, %dma_wait3A_447, %dma_wait3A_448] : memref<40x128x16xf32, #tpu.memory_space<vmem>> -> memref<1x128x16xf32, #tpu.memory_space<vmem>>
    %dma_wait3A_450 = tpu.memref_squeeze %dma_wait3A_449 : memref<1x128x16xf32, #tpu.memory_space<vmem>> -> memref<128x16xf32, #tpu.memory_space<vmem>>
    %dma_wait3A_451 = arith.constant 0 : i32
    %dma_wait3A_452 = tpu.memref_slice %arg7[%dma_wait3A_446, %dma_wait3A_451] : memref<78x128xi32, #tpu.memory_space<vmem>> -> memref<1x128xi32, #tpu.memory_space<vmem>>
    %dma_wait3A_453 = tpu.memref_squeeze %dma_wait3A_452 : memref<1x128xi32, #tpu.memory_space<vmem>> -> memref<128xi32, #tpu.memory_space<vmem>>
    %dma_wait3A_454 = arith.constant 0 : i32
    %dma_wait3A_455 = arith.constant 0 : i32
    %dma_wait3A_456 = tpu.memref_slice %arg11[%dma_wait3A_454, %dma_wait3A_455] : memref<10000x16xf32, #tpu.memory_space<vmem_shared>> -> memref<10000x16xf32, #tpu.memory_space<vmem_shared>>
    tpu.wait_indirect_dma semaphore(%arg13 : memref<!tpu.dma_semaphore, #tpu.memory_space<semaphore_mem>>) src(%dma_wait3A_450 : memref<128x16xf32, #tpu.memory_space<vmem>>) dst(%dma_wait3A_456 : memref<10000x16xf32, #tpu.memory_space<vmem_shared>>)
    %dma_wait3A_457 = arith.constant 35 : i32
    %dma_wait3A_458 = arith.constant 75 : i32
    %dma_wait3A_459 = arith.constant 0 : i32
    %dma_wait3A_460 = arith.constant 0 : i32
    %dma_wait3A_461 = tpu.memref_slice %arg10[%dma_wait3A_457, %dma_wait3A_459, %dma_wait3A_460] : memref<40x128x16xf32, #tpu.memory_space<vmem>> -> memref<1x128x16xf32, #tpu.memory_space<vmem>>
    %dma_wait3A_462 = tpu.memref_squeeze %dma_wait3A_461 : memref<1x128x16xf32, #tpu.memory_space<vmem>> -> memref<128x16xf32, #tpu.memory_space<vmem>>
    %dma_wait3A_463 = arith.constant 0 : i32
    %dma_wait3A_464 = tpu.memref_slice %arg7[%dma_wait3A_458, %dma_wait3A_463] : memref<78x128xi32, #tpu.memory_space<vmem>> -> memref<1x128xi32, #tpu.memory_space<vmem>>
    %dma_wait3A_465 = tpu.memref_squeeze %dma_wait3A_464 : memref<1x128xi32, #tpu.memory_space<vmem>> -> memref<128xi32, #tpu.memory_space<vmem>>
    %dma_wait3A_466 = arith.constant 0 : i32
    %dma_wait3A_467 = arith.constant 0 : i32
    %dma_wait3A_468 = tpu.memref_slice %arg11[%dma_wait3A_466, %dma_wait3A_467] : memref<10000x16xf32, #tpu.memory_space<vmem_shared>> -> memref<10000x16xf32, #tpu.memory_space<vmem_shared>>
    tpu.wait_indirect_dma semaphore(%arg13 : memref<!tpu.dma_semaphore, #tpu.memory_space<semaphore_mem>>) src(%dma_wait3A_462 : memref<128x16xf32, #tpu.memory_space<vmem>>) dst(%dma_wait3A_468 : memref<10000x16xf32, #tpu.memory_space<vmem_shared>>)
    %dma_wait3A_469 = arith.constant 36 : i32
    %dma_wait3A_470 = arith.constant 76 : i32
    %dma_wait3A_471 = arith.constant 0 : i32
    %dma_wait3A_472 = arith.constant 0 : i32
    %dma_wait3A_473 = tpu.memref_slice %arg10[%dma_wait3A_469, %dma_wait3A_471, %dma_wait3A_472] : memref<40x128x16xf32, #tpu.memory_space<vmem>> -> memref<1x128x16xf32, #tpu.memory_space<vmem>>
    %dma_wait3A_474 = tpu.memref_squeeze %dma_wait3A_473 : memref<1x128x16xf32, #tpu.memory_space<vmem>> -> memref<128x16xf32, #tpu.memory_space<vmem>>
    %dma_wait3A_475 = arith.constant 0 : i32
    %dma_wait3A_476 = tpu.memref_slice %arg7[%dma_wait3A_470, %dma_wait3A_475] : memref<78x128xi32, #tpu.memory_space<vmem>> -> memref<1x128xi32, #tpu.memory_space<vmem>>
    %dma_wait3A_477 = tpu.memref_squeeze %dma_wait3A_476 : memref<1x128xi32, #tpu.memory_space<vmem>> -> memref<128xi32, #tpu.memory_space<vmem>>
    %dma_wait3A_478 = arith.constant 0 : i32
    %dma_wait3A_479 = arith.constant 0 : i32
    %dma_wait3A_480 = tpu.memref_slice %arg11[%dma_wait3A_478, %dma_wait3A_479] : memref<10000x16xf32, #tpu.memory_space<vmem_shared>> -> memref<10000x16xf32, #tpu.memory_space<vmem_shared>>
    tpu.wait_indirect_dma semaphore(%arg13 : memref<!tpu.dma_semaphore, #tpu.memory_space<semaphore_mem>>) src(%dma_wait3A_474 : memref<128x16xf32, #tpu.memory_space<vmem>>) dst(%dma_wait3A_480 : memref<10000x16xf32, #tpu.memory_space<vmem_shared>>)
    %dma_wait3A_481 = arith.constant 37 : i32
    %dma_wait3A_482 = arith.constant 77 : i32
    %dma_wait3A_483 = arith.constant 0 : i32
    %dma_wait3A_484 = arith.constant 0 : i32
    %dma_wait3A_485 = tpu.memref_slice %arg10[%dma_wait3A_481, %dma_wait3A_483, %dma_wait3A_484] : memref<40x128x16xf32, #tpu.memory_space<vmem>> -> memref<1x128x16xf32, #tpu.memory_space<vmem>>
    %dma_wait3A_486 = tpu.memref_squeeze %dma_wait3A_485 : memref<1x128x16xf32, #tpu.memory_space<vmem>> -> memref<128x16xf32, #tpu.memory_space<vmem>>
    %dma_wait3A_487 = arith.constant 0 : i32
    %dma_wait3A_488 = tpu.memref_slice %arg7[%dma_wait3A_482, %dma_wait3A_487] : memref<78x128xi32, #tpu.memory_space<vmem>> -> memref<1x128xi32, #tpu.memory_space<vmem>>
    %dma_wait3A_489 = tpu.memref_squeeze %dma_wait3A_488 : memref<1x128xi32, #tpu.memory_space<vmem>> -> memref<128xi32, #tpu.memory_space<vmem>>
    %dma_wait3A_490 = arith.constant 0 : i32
    %dma_wait3A_491 = arith.constant 0 : i32
    %dma_wait3A_492 = tpu.memref_slice %arg11[%dma_wait3A_490, %dma_wait3A_491] : memref<10000x16xf32, #tpu.memory_space<vmem_shared>> -> memref<10000x16xf32, #tpu.memory_space<vmem_shared>>
    tpu.wait_indirect_dma semaphore(%arg13 : memref<!tpu.dma_semaphore, #tpu.memory_space<semaphore_mem>>) src(%dma_wait3A_486 : memref<128x16xf32, #tpu.memory_space<vmem>>) dst(%dma_wait3A_492 : memref<10000x16xf32, #tpu.memory_space<vmem_shared>>)
    %lt3A_493 = arith.constant 4 : i32
    %lt3A_494 = arith.cmpi slt, %add3A, %lt3A_493 : i32
    %convert_element_type3A_495 = arith.extui %lt3A_494 : i1 to i32
    %cond3A_496 = arith.constant 0 : i32
    %cond3A_497 = arith.cmpi ne, %convert_element_type3A_495, %cond3A_496 : i32
    scf.if %cond3A_497 {
      %dma_start3A_503 = arith.constant 0 : i32
      %dma_start3A_504 = arith.constant 0 : i32
      %dma_start3A_505 = arith.constant 0 : i32
      %dma_start3A_506 = arith.constant 0 : i32
      %dma_start3A_507 = tpu.memref_slice %arg10[%dma_start3A_504, %dma_start3A_505, %dma_start3A_506] : memref<40x128x16xf32, #tpu.memory_space<vmem>> -> memref<1x128x16xf32, #tpu.memory_space<vmem>>
      %dma_start3A_508 = tpu.memref_squeeze %dma_start3A_507 : memref<1x128x16xf32, #tpu.memory_space<vmem>> -> memref<128x16xf32, #tpu.memory_space<vmem>>
      %dma_start3A_509 = arith.constant 0 : i32
      %dma_start3A_510 = tpu.memref_slice %arg8[%dma_start3A_503, %dma_start3A_509] : memref<1x128xi32, #tpu.memory_space<vmem>> -> memref<1x128xi32, #tpu.memory_space<vmem>>
      %dma_start3A_511 = tpu.memref_squeeze %dma_start3A_510 : memref<1x128xi32, #tpu.memory_space<vmem>> -> memref<128xi32, #tpu.memory_space<vmem>>
      %dma_start3A_512 = arith.constant 0 : i32
      %dma_start3A_513 = arith.constant 0 : i32
      %dma_start3A_514 = tpu.memref_slice %arg2[%dma_start3A_512, %dma_start3A_513] : memref<10000x16xf32, #tpu.memory_space<hbm>> -> memref<10000x16xf32, #tpu.memory_space<hbm>>
      tpu.enqueue_indirect_dma source(%dma_start3A_514 : memref<10000x16xf32, #tpu.memory_space<hbm>>) target(%dma_start3A_508 : memref<128x16xf32, #tpu.memory_space<vmem>>) offsets(%dma_start3A_511 : memref<128xi32, #tpu.memory_space<vmem>>) semaphore(%arg12 : memref<!tpu.dma_semaphore, #tpu.memory_space<semaphore_mem>>)
      %dma_wait3A_515 = arith.constant 0 : i32
      %dma_wait3A_516 = arith.constant 0 : i32
      %dma_wait3A_517 = arith.constant 0 : i32
      %dma_wait3A_518 = arith.constant 0 : i32
      %dma_wait3A_519 = tpu.memref_slice %arg10[%dma_wait3A_516, %dma_wait3A_517, %dma_wait3A_518] : memref<40x128x16xf32, #tpu.memory_space<vmem>> -> memref<1x128x16xf32, #tpu.memory_space<vmem>>
      %dma_wait3A_520 = tpu.memref_squeeze %dma_wait3A_519 : memref<1x128x16xf32, #tpu.memory_space<vmem>> -> memref<128x16xf32, #tpu.memory_space<vmem>>
      %dma_wait3A_521 = arith.constant 0 : i32
      %dma_wait3A_522 = tpu.memref_slice %arg8[%dma_wait3A_515, %dma_wait3A_521] : memref<1x128xi32, #tpu.memory_space<vmem>> -> memref<1x128xi32, #tpu.memory_space<vmem>>
      %dma_wait3A_523 = tpu.memref_squeeze %dma_wait3A_522 : memref<1x128xi32, #tpu.memory_space<vmem>> -> memref<128xi32, #tpu.memory_space<vmem>>
      %dma_wait3A_524 = arith.constant 0 : i32
      %dma_wait3A_525 = arith.constant 0 : i32
      %dma_wait3A_526 = tpu.memref_slice %arg2[%dma_wait3A_524, %dma_wait3A_525] : memref<10000x16xf32, #tpu.memory_space<hbm>> -> memref<10000x16xf32, #tpu.memory_space<hbm>>
      tpu.wait_indirect_dma semaphore(%arg12 : memref<!tpu.dma_semaphore, #tpu.memory_space<semaphore_mem>>) src(%dma_wait3A_526 : memref<10000x16xf32, #tpu.memory_space<hbm>>) dst(%dma_wait3A_520 : memref<128x16xf32, #tpu.memory_space<vmem>>)
      %dma_start3A_527 = arith.constant 0 : i32
      %dma_start3A_528 = arith.constant 0 : i32
      %dma_start3A_529 = arith.constant 0 : i32
      %dma_start3A_530 = arith.constant 0 : i32
      %dma_start3A_531 = tpu.memref_slice %arg10[%dma_start3A_527, %dma_start3A_529, %dma_start3A_530] : memref<40x128x16xf32, #tpu.memory_space<vmem>> -> memref<1x128x16xf32, #tpu.memory_space<vmem>>
      %dma_start3A_532 = tpu.memref_squeeze %dma_start3A_531 : memref<1x128x16xf32, #tpu.memory_space<vmem>> -> memref<128x16xf32, #tpu.memory_space<vmem>>
      %dma_start3A_533 = arith.constant 0 : i32
      %dma_start3A_534 = tpu.memref_slice %arg9[%dma_start3A_528, %dma_start3A_533] : memref<1x128xi32, #tpu.memory_space<vmem>> -> memref<1x128xi32, #tpu.memory_space<vmem>>
      %dma_start3A_535 = tpu.memref_squeeze %dma_start3A_534 : memref<1x128xi32, #tpu.memory_space<vmem>> -> memref<128xi32, #tpu.memory_space<vmem>>
      %dma_start3A_536 = arith.constant 0 : i32
      %dma_start3A_537 = arith.constant 0 : i32
      %dma_start3A_538 = tpu.memref_slice %arg11[%dma_start3A_536, %dma_start3A_537] : memref<10000x16xf32, #tpu.memory_space<vmem_shared>> -> memref<10000x16xf32, #tpu.memory_space<vmem_shared>>
      tpu.enqueue_indirect_dma source(%dma_start3A_532 : memref<128x16xf32, #tpu.memory_space<vmem>>) target(%dma_start3A_538 : memref<10000x16xf32, #tpu.memory_space<vmem_shared>>) offsets(%dma_start3A_535 : memref<128xi32, #tpu.memory_space<vmem>>) semaphore(%arg13 : memref<!tpu.dma_semaphore, #tpu.memory_space<semaphore_mem>>) {add = true}
      %dma_wait3A_539 = arith.constant 0 : i32
      %dma_wait3A_540 = arith.constant 0 : i32
      %dma_wait3A_541 = arith.constant 0 : i32
      %dma_wait3A_542 = arith.constant 0 : i32
      %dma_wait3A_543 = tpu.memref_slice %arg10[%dma_wait3A_539, %dma_wait3A_541, %dma_wait3A_542] : memref<40x128x16xf32, #tpu.memory_space<vmem>> -> memref<1x128x16xf32, #tpu.memory_space<vmem>>
      %dma_wait3A_544 = tpu.memref_squeeze %dma_wait3A_543 : memref<1x128x16xf32, #tpu.memory_space<vmem>> -> memref<128x16xf32, #tpu.memory_space<vmem>>
      %dma_wait3A_545 = arith.constant 0 : i32
      %dma_wait3A_546 = tpu.memref_slice %arg9[%dma_wait3A_540, %dma_wait3A_545] : memref<1x128xi32, #tpu.memory_space<vmem>> -> memref<1x128xi32, #tpu.memory_space<vmem>>
      %dma_wait3A_547 = tpu.memref_squeeze %dma_wait3A_546 : memref<1x128xi32, #tpu.memory_space<vmem>> -> memref<128xi32, #tpu.memory_space<vmem>>
      %dma_wait3A_548 = arith.constant 0 : i32
      %dma_wait3A_549 = arith.constant 0 : i32
      %dma_wait3A_550 = tpu.memref_slice %arg11[%dma_wait3A_548, %dma_wait3A_549] : memref<10000x16xf32, #tpu.memory_space<vmem_shared>> -> memref<10000x16xf32, #tpu.memory_space<vmem_shared>>
      tpu.wait_indirect_dma semaphore(%arg13 : memref<!tpu.dma_semaphore, #tpu.memory_space<semaphore_mem>>) src(%dma_wait3A_544 : memref<128x16xf32, #tpu.memory_space<vmem>>) dst(%dma_wait3A_550 : memref<10000x16xf32, #tpu.memory_space<vmem_shared>>)
    } else {
    }
    %barrier3A_498 = arith.constant 0 : index
    tpu.barrier barrier_id(%barrier3A_498)
    %mul3A_499 = arith.constant 625 : i32
    %mul3A_500 = arith.muli %arg1, %mul3A_499 : i32
    %mul3A_501 = arith.constant 625 : i32
    %mul3A_502 = arith.muli %arg1, %mul3A_501 : i32
    "tpu.region"() ({
      %run_scoped3A_503 = tpu.sem_alloc : memref<!tpu.dma_semaphore, #tpu.memory_space<semaphore_mem>>
      %dma_start3A_504 = arith.constant 0 : i32
      %dma_start3A_505 = tpu.memref_slice %arg5[%arg0, %mul3A_502, %dma_start3A_504] : memref<2x10000x16xf32, #tpu.memory_space<hbm>> -> memref<1x625x16xf32, #tpu.memory_space<hbm>>
      %dma_start3A_506 = tpu.memref_squeeze %dma_start3A_505 : memref<1x625x16xf32, #tpu.memory_space<hbm>> -> memref<625x16xf32, #tpu.memory_space<hbm>>
      %dma_start3A_507 = arith.constant 0 : i32
      %dma_start3A_508 = tpu.memref_slice %arg11[%mul3A_500, %dma_start3A_507] : memref<10000x16xf32, #tpu.memory_space<vmem_shared>> -> memref<625x16xf32, #tpu.memory_space<vmem_shared>>
      tpu.enqueue_dma source(%dma_start3A_508 : memref<625x16xf32, #tpu.memory_space<vmem_shared>>) target(%dma_start3A_506 : memref<625x16xf32, #tpu.memory_space<hbm>>) target_semaphore(%run_scoped3A_503 : memref<!tpu.dma_semaphore, #tpu.memory_space<semaphore_mem>>)
      %dma_wait3A_509 = arith.constant 0 : i32
      %dma_wait3A_510 = tpu.memref_slice %arg5[%arg0, %mul3A_502, %dma_wait3A_509] : memref<2x10000x16xf32, #tpu.memory_space<hbm>> -> memref<1x625x16xf32, #tpu.memory_space<hbm>>
      %dma_wait3A_511 = tpu.memref_squeeze %dma_wait3A_510 : memref<1x625x16xf32, #tpu.memory_space<hbm>> -> memref<625x16xf32, #tpu.memory_space<hbm>>
      %dma_wait3A_512 = arith.constant 0 : i32
      %dma_wait3A_513 = tpu.memref_slice %arg11[%mul3A_500, %dma_wait3A_512] : memref<10000x16xf32, #tpu.memory_space<vmem_shared>> -> memref<625x16xf32, #tpu.memory_space<vmem_shared>>
      tpu.wait_dma2 semaphore(%run_scoped3A_503 : memref<!tpu.dma_semaphore, #tpu.memory_space<semaphore_mem>>) src(%dma_wait3A_513 : memref<625x16xf32, #tpu.memory_space<vmem_shared>>) dst(%dma_wait3A_511 : memref<625x16xf32, #tpu.memory_space<hbm>>)
      tpu.yield
    }) : () -> ()
    return
  }
}

#map = affine_map<(d0, d1) -> (0, 0)>
#map1 = affine_map<(d0, d1) -> (0, 0, 0)>
module attributes {stable_mosaic.version = 14 : i64} {
  func.func @agg(%arg0: i32, %arg1: i32, %arg2: memref<10000x16xf32, #tpu.memory_space<hbm>>, %arg3: memref<2x2500x128xi32, #tpu.memory_space<hbm>>, %arg4: memref<625x16xf32, #tpu.memory_space<hbm>>, %arg5: memref<2x10000x16xf32, #tpu.memory_space<hbm>>, %arg6: memref<78x128xi32, #tpu.memory_space<vmem>>, %arg7: memref<78x128xi32, #tpu.memory_space<vmem>>, %arg8: memref<1x128xi32, #tpu.memory_space<vmem>>, %arg9: memref<1x128xi32, #tpu.memory_space<vmem>>, %arg10: memref<40x128x16xf32, #tpu.memory_space<vmem>>, %arg11: memref<10000x16xf32, #tpu.memory_space<vmem_shared>>, %arg12: memref<!tpu.dma_semaphore, #tpu.memory_space<semaphore_mem>>, %arg13: memref<!tpu.dma_semaphore, #tpu.memory_space<semaphore_mem>>) attributes {dimension_semantics = [#tpu.dimension_semantics<core_parallel>, #tpu.dimension_semantics<subcore_parallel>], iteration_bounds = array<i64: 2, 16>, scalar_prefetch = 0 : i64, scratch_operands = 8 : i64, tpu.core_type = #tpu.core_type<sc_vector_subcore>, window_params = [{transform_indices = #map}, {transform_indices = #map1}, {transform_indices = #map}, {transform_indices = #map1}]} {
    %mul3A = arith.constant 16 : i32
    %mul3A_0 = arith.muli %arg0, %mul3A : i32
    %add3A = arith.addi %mul3A_0, %arg1 : i32
    %mul3A_1 = arith.constant 78 : i32
    %mul3A_2 = arith.muli %add3A, %mul3A_1 : i32
    %run_scoped3A = arith.constant 0 : i32
    "tpu.region"() ({
      %run_scoped3A_503 = tpu.sem_alloc : memref<!tpu.dma_semaphore, #tpu.memory_space<semaphore_mem>>
      %dma_start3A_504 = arith.constant 0 : i32
      %dma_start3A_505 = tpu.memref_slice %arg3[%run_scoped3A, %mul3A_2, %dma_start3A_504] : memref<2x2500x128xi32, #tpu.memory_space<hbm>> -> memref<1x78x128xi32, #tpu.memory_space<hbm>>
      %dma_start3A_506 = tpu.memref_squeeze %dma_start3A_505 : memref<1x78x128xi32, #tpu.memory_space<hbm>> -> memref<78x128xi32, #tpu.memory_space<hbm>>
      %dma_start3A_507 = arith.constant 0 : i32
      %dma_start3A_508 = tpu.memref_slice %arg3[%run_scoped3A, %mul3A_2, %dma_start3A_507] : memref<2x2500x128xi32, #tpu.memory_space<hbm>> -> memref<1x78x128xi32, #tpu.memory_space<hbm>>
      %dma_start3A_509 = tpu.memref_squeeze %dma_start3A_508 : memref<1x78x128xi32, #tpu.memory_space<hbm>> -> memref<78x128xi32, #tpu.memory_space<hbm>>
      tpu.enqueue_dma source(%dma_start3A_509 : memref<78x128xi32, #tpu.memory_space<hbm>>) target(%arg6 : memref<78x128xi32, #tpu.memory_space<vmem>>) target_semaphore(%run_scoped3A_503 : memref<!tpu.dma_semaphore, #tpu.memory_space<semaphore_mem>>)
      %dma_wait3A_510 = arith.constant 0 : i32
      %dma_wait3A_511 = tpu.memref_slice %arg3[%run_scoped3A, %mul3A_2, %dma_wait3A_510] : memref<2x2500x128xi32, #tpu.memory_space<hbm>> -> memref<1x78x128xi32, #tpu.memory_space<hbm>>
      %dma_wait3A_512 = tpu.memref_squeeze %dma_wait3A_511 : memref<1x78x128xi32, #tpu.memory_space<hbm>> -> memref<78x128xi32, #tpu.memory_space<hbm>>
      %dma_wait3A_513 = arith.constant 0 : i32
      %dma_wait3A_514 = tpu.memref_slice %arg3[%run_scoped3A, %mul3A_2, %dma_wait3A_513] : memref<2x2500x128xi32, #tpu.memory_space<hbm>> -> memref<1x78x128xi32, #tpu.memory_space<hbm>>
      %dma_wait3A_515 = tpu.memref_squeeze %dma_wait3A_514 : memref<1x78x128xi32, #tpu.memory_space<hbm>> -> memref<78x128xi32, #tpu.memory_space<hbm>>
      tpu.wait_dma2 semaphore(%run_scoped3A_503 : memref<!tpu.dma_semaphore, #tpu.memory_space<semaphore_mem>>) src(%dma_wait3A_515 : memref<78x128xi32, #tpu.memory_space<hbm>>) dst(%arg6 : memref<78x128xi32, #tpu.memory_space<vmem>>)
      tpu.yield
    }) : () -> ()
    %mul3A_3 = arith.constant 78 : i32
    %mul3A_4 = arith.muli %add3A, %mul3A_3 : i32
    %run_scoped3A_5 = arith.constant 1 : i32
    "tpu.region"() ({
      %run_scoped3A_503 = tpu.sem_alloc : memref<!tpu.dma_semaphore, #tpu.memory_space<semaphore_mem>>
      %dma_start3A_504 = arith.constant 0 : i32
      %dma_start3A_505 = tpu.memref_slice %arg3[%run_scoped3A_5, %mul3A_4, %dma_start3A_504] : memref<2x2500x128xi32, #tpu.memory_space<hbm>> -> memref<1x78x128xi32, #tpu.memory_space<hbm>>
      %dma_start3A_506 = tpu.memref_squeeze %dma_start3A_505 : memref<1x78x128xi32, #tpu.memory_space<hbm>> -> memref<78x128xi32, #tpu.memory_space<hbm>>
      %dma_start3A_507 = arith.constant 0 : i32
      %dma_start3A_508 = tpu.memref_slice %arg3[%run_scoped3A_5, %mul3A_4, %dma_start3A_507] : memref<2x2500x128xi32, #tpu.memory_space<hbm>> -> memref<1x78x128xi32, #tpu.memory_space<hbm>>
      %dma_start3A_509 = tpu.memref_squeeze %dma_start3A_508 : memref<1x78x128xi32, #tpu.memory_space<hbm>> -> memref<78x128xi32, #tpu.memory_space<hbm>>
      tpu.enqueue_dma source(%dma_start3A_509 : memref<78x128xi32, #tpu.memory_space<hbm>>) target(%arg7 : memref<78x128xi32, #tpu.memory_space<vmem>>) target_semaphore(%run_scoped3A_503 : memref<!tpu.dma_semaphore, #tpu.memory_space<semaphore_mem>>)
      %dma_wait3A_510 = arith.constant 0 : i32
      %dma_wait3A_511 = tpu.memref_slice %arg3[%run_scoped3A_5, %mul3A_4, %dma_wait3A_510] : memref<2x2500x128xi32, #tpu.memory_space<hbm>> -> memref<1x78x128xi32, #tpu.memory_space<hbm>>
      %dma_wait3A_512 = tpu.memref_squeeze %dma_wait3A_511 : memref<1x78x128xi32, #tpu.memory_space<hbm>> -> memref<78x128xi32, #tpu.memory_space<hbm>>
      %dma_wait3A_513 = arith.constant 0 : i32
      %dma_wait3A_514 = tpu.memref_slice %arg3[%run_scoped3A_5, %mul3A_4, %dma_wait3A_513] : memref<2x2500x128xi32, #tpu.memory_space<hbm>> -> memref<1x78x128xi32, #tpu.memory_space<hbm>>
      %dma_wait3A_515 = tpu.memref_squeeze %dma_wait3A_514 : memref<1x78x128xi32, #tpu.memory_space<hbm>> -> memref<78x128xi32, #tpu.memory_space<hbm>>
      tpu.wait_dma2 semaphore(%run_scoped3A_503 : memref<!tpu.dma_semaphore, #tpu.memory_space<semaphore_mem>>) src(%dma_wait3A_515 : memref<78x128xi32, #tpu.memory_space<hbm>>) dst(%arg7 : memref<78x128xi32, #tpu.memory_space<vmem>>)
      tpu.yield
    }) : () -> ()
    %lt3A = arith.constant 4 : i32
    %lt3A_6 = arith.cmpi slt, %add3A, %lt3A : i32
    %convert_element_type3A = arith.extui %lt3A_6 : i1 to i32
    %cond3A = arith.constant 0 : i32
    %cond3A_7 = arith.cmpi ne, %convert_element_type3A, %cond3A : i32
    scf.if %cond3A_7 {
      %add3A_503 = arith.constant 2496 : i32
      %add3A_504 = arith.addi %add3A_503, %add3A : i32
      %run_scoped3A_505 = arith.constant 0 : i32
      "tpu.region"() ({
        %run_scoped3A_509 = tpu.sem_alloc : memref<!tpu.dma_semaphore, #tpu.memory_space<semaphore_mem>>
        %dma_start3A_510 = arith.constant 0 : i32
        %dma_start3A_511 = tpu.memref_slice %arg3[%run_scoped3A_505, %add3A_504, %dma_start3A_510] : memref<2x2500x128xi32, #tpu.memory_space<hbm>> -> memref<1x1x128xi32, #tpu.memory_space<hbm>>
        %dma_start3A_512 = tpu.memref_squeeze %dma_start3A_511 : memref<1x1x128xi32, #tpu.memory_space<hbm>> -> memref<1x128xi32, #tpu.memory_space<hbm>>
        %dma_start3A_513 = arith.constant 0 : i32
        %dma_start3A_514 = tpu.memref_slice %arg3[%run_scoped3A_505, %add3A_504, %dma_start3A_513] : memref<2x2500x128xi32, #tpu.memory_space<hbm>> -> memref<1x1x128xi32, #tpu.memory_space<hbm>>
        %dma_start3A_515 = tpu.memref_squeeze %dma_start3A_514 : memref<1x1x128xi32, #tpu.memory_space<hbm>> -> memref<1x128xi32, #tpu.memory_space<hbm>>
        tpu.enqueue_dma source(%dma_start3A_515 : memref<1x128xi32, #tpu.memory_space<hbm>>) target(%arg8 : memref<1x128xi32, #tpu.memory_space<vmem>>) target_semaphore(%run_scoped3A_509 : memref<!tpu.dma_semaphore, #tpu.memory_space<semaphore_mem>>)
        %dma_wait3A_516 = arith.constant 0 : i32
        %dma_wait3A_517 = tpu.memref_slice %arg3[%run_scoped3A_505, %add3A_504, %dma_wait3A_516] : memref<2x2500x128xi32, #tpu.memory_space<hbm>> -> memref<1x1x128xi32, #tpu.memory_space<hbm>>
        %dma_wait3A_518 = tpu.memref_squeeze %dma_wait3A_517 : memref<1x1x128xi32, #tpu.memory_space<hbm>> -> memref<1x128xi32, #tpu.memory_space<hbm>>
        %dma_wait3A_519 = arith.constant 0 : i32
        %dma_wait3A_520 = tpu.memref_slice %arg3[%run_scoped3A_505, %add3A_504, %dma_wait3A_519] : memref<2x2500x128xi32, #tpu.memory_space<hbm>> -> memref<1x1x128xi32, #tpu.memory_space<hbm>>
        %dma_wait3A_521 = tpu.memref_squeeze %dma_wait3A_520 : memref<1x1x128xi32, #tpu.memory_space<hbm>> -> memref<1x128xi32, #tpu.memory_space<hbm>>
        tpu.wait_dma2 semaphore(%run_scoped3A_509 : memref<!tpu.dma_semaphore, #tpu.memory_space<semaphore_mem>>) src(%dma_wait3A_521 : memref<1x128xi32, #tpu.memory_space<hbm>>) dst(%arg8 : memref<1x128xi32, #tpu.memory_space<vmem>>)
        tpu.yield
      }) : () -> ()
      %add3A_506 = arith.constant 2496 : i32
      %add3A_507 = arith.addi %add3A_506, %add3A : i32
      %run_scoped3A_508 = arith.constant 1 : i32
      "tpu.region"() ({
        %run_scoped3A_509 = tpu.sem_alloc : memref<!tpu.dma_semaphore, #tpu.memory_space<semaphore_mem>>
        %dma_start3A_510 = arith.constant 0 : i32
        %dma_start3A_511 = tpu.memref_slice %arg3[%run_scoped3A_508, %add3A_507, %dma_start3A_510] : memref<2x2500x128xi32, #tpu.memory_space<hbm>> -> memref<1x1x128xi32, #tpu.memory_space<hbm>>
        %dma_start3A_512 = tpu.memref_squeeze %dma_start3A_511 : memref<1x1x128xi32, #tpu.memory_space<hbm>> -> memref<1x128xi32, #tpu.memory_space<hbm>>
        %dma_start3A_513 = arith.constant 0 : i32
        %dma_start3A_514 = tpu.memref_slice %arg3[%run_scoped3A_508, %add3A_507, %dma_start3A_513] : memref<2x2500x128xi32, #tpu.memory_space<hbm>> -> memref<1x1x128xi32, #tpu.memory_space<hbm>>
        %dma_start3A_515 = tpu.memref_squeeze %dma_start3A_514 : memref<1x1x128xi32, #tpu.memory_space<hbm>> -> memref<1x128xi32, #tpu.memory_space<hbm>>
        tpu.enqueue_dma source(%dma_start3A_515 : memref<1x128xi32, #tpu.memory_space<hbm>>) target(%arg9 : memref<1x128xi32, #tpu.memory_space<vmem>>) target_semaphore(%run_scoped3A_509 : memref<!tpu.dma_semaphore, #tpu.memory_space<semaphore_mem>>)
        %dma_wait3A_516 = arith.constant 0 : i32
        %dma_wait3A_517 = tpu.memref_slice %arg3[%run_scoped3A_508, %add3A_507, %dma_wait3A_516] : memref<2x2500x128xi32, #tpu.memory_space<hbm>> -> memref<1x1x128xi32, #tpu.memory_space<hbm>>
        %dma_wait3A_518 = tpu.memref_squeeze %dma_wait3A_517 : memref<1x1x128xi32, #tpu.memory_space<hbm>> -> memref<1x128xi32, #tpu.memory_space<hbm>>
        %dma_wait3A_519 = arith.constant 0 : i32
        %dma_wait3A_520 = tpu.memref_slice %arg3[%run_scoped3A_508, %add3A_507, %dma_wait3A_519] : memref<2x2500x128xi32, #tpu.memory_space<hbm>> -> memref<1x1x128xi32, #tpu.memory_space<hbm>>
        %dma_wait3A_521 = tpu.memref_squeeze %dma_wait3A_520 : memref<1x1x128xi32, #tpu.memory_space<hbm>> -> memref<1x128xi32, #tpu.memory_space<hbm>>
        tpu.wait_dma2 semaphore(%run_scoped3A_509 : memref<!tpu.dma_semaphore, #tpu.memory_space<semaphore_mem>>) src(%dma_wait3A_521 : memref<1x128xi32, #tpu.memory_space<hbm>>) dst(%arg9 : memref<1x128xi32, #tpu.memory_space<vmem>>)
        tpu.yield
      }) : () -> ()
    } else {
    }
    %mul3A_8 = arith.constant 625 : i32
    %mul3A_9 = arith.muli %arg1, %mul3A_8 : i32
    "tpu.region"() ({
      %run_scoped3A_503 = tpu.sem_alloc : memref<!tpu.dma_semaphore, #tpu.memory_space<semaphore_mem>>
      %dma_start3A_504 = arith.constant 0 : i32
      %dma_start3A_505 = tpu.memref_slice %arg11[%mul3A_9, %dma_start3A_504] : memref<10000x16xf32, #tpu.memory_space<vmem_shared>> -> memref<625x16xf32, #tpu.memory_space<vmem_shared>>
      tpu.enqueue_dma source(%arg4 : memref<625x16xf32, #tpu.memory_space<hbm>>) target(%dma_start3A_505 : memref<625x16xf32, #tpu.memory_space<vmem_shared>>) target_semaphore(%run_scoped3A_503 : memref<!tpu.dma_semaphore, #tpu.memory_space<semaphore_mem>>)
      %dma_wait3A_506 = arith.constant 0 : i32
      %dma_wait3A_507 = tpu.memref_slice %arg11[%mul3A_9, %dma_wait3A_506] : memref<10000x16xf32, #tpu.memory_space<vmem_shared>> -> memref<625x16xf32, #tpu.memory_space<vmem_shared>>
      tpu.wait_dma2 semaphore(%run_scoped3A_503 : memref<!tpu.dma_semaphore, #tpu.memory_space<semaphore_mem>>) src(%arg4 : memref<625x16xf32, #tpu.memory_space<hbm>>) dst(%dma_wait3A_507 : memref<625x16xf32, #tpu.memory_space<vmem_shared>>)
      tpu.yield
    }) : () -> ()
    %barrier3A = arith.constant 0 : index
    tpu.barrier barrier_id(%barrier3A)
    %dma_start3A = arith.constant 0 : i32
    %dma_start3A_10 = arith.constant 0 : i32
    %dma_start3A_11 = arith.constant 0 : i32
    %dma_start3A_12 = arith.constant 0 : i32
    %dma_start3A_13 = tpu.memref_slice %arg10[%dma_start3A_10, %dma_start3A_11, %dma_start3A_12] : memref<40x128x16xf32, #tpu.memory_space<vmem>> -> memref<1x128x16xf32, #tpu.memory_space<vmem>>
    %dma_start3A_14 = tpu.memref_squeeze %dma_start3A_13 : memref<1x128x16xf32, #tpu.memory_space<vmem>> -> memref<128x16xf32, #tpu.memory_space<vmem>>
    %dma_start3A_15 = arith.constant 0 : i32
    %dma_start3A_16 = tpu.memref_slice %arg6[%dma_start3A, %dma_start3A_15] : memref<78x128xi32, #tpu.memory_space<vmem>> -> memref<1x128xi32, #tpu.memory_space<vmem>>
    %dma_start3A_17 = tpu.memref_squeeze %dma_start3A_16 : memref<1x128xi32, #tpu.memory_space<vmem>> -> memref<128xi32, #tpu.memory_space<vmem>>
    %dma_start3A_18 = arith.constant 0 : i32
    %dma_start3A_19 = arith.constant 0 : i32
    %dma_start3A_20 = tpu.memref_slice %arg2[%dma_start3A_18, %dma_start3A_19] : memref<10000x16xf32, #tpu.memory_space<hbm>> -> memref<10000x16xf32, #tpu.memory_space<hbm>>
    tpu.enqueue_indirect_dma source(%dma_start3A_20 : memref<10000x16xf32, #tpu.memory_space<hbm>>) target(%dma_start3A_14 : memref<128x16xf32, #tpu.memory_space<vmem>>) offsets(%dma_start3A_17 : memref<128xi32, #tpu.memory_space<vmem>>) semaphore(%arg12 : memref<!tpu.dma_semaphore, #tpu.memory_space<semaphore_mem>>)
    %dma_start3A_21 = arith.constant 1 : i32
    %dma_start3A_22 = arith.constant 1 : i32
    %dma_start3A_23 = arith.constant 0 : i32
    %dma_start3A_24 = arith.constant 0 : i32
    %dma_start3A_25 = tpu.memref_slice %arg10[%dma_start3A_22, %dma_start3A_23, %dma_start3A_24] : memref<40x128x16xf32, #tpu.memory_space<vmem>> -> memref<1x128x16xf32, #tpu.memory_space<vmem>>
    %dma_start3A_26 = tpu.memref_squeeze %dma_start3A_25 : memref<1x128x16xf32, #tpu.memory_space<vmem>> -> memref<128x16xf32, #tpu.memory_space<vmem>>
    %dma_start3A_27 = arith.constant 0 : i32
    %dma_start3A_28 = tpu.memref_slice %arg6[%dma_start3A_21, %dma_start3A_27] : memref<78x128xi32, #tpu.memory_space<vmem>> -> memref<1x128xi32, #tpu.memory_space<vmem>>
    %dma_start3A_29 = tpu.memref_squeeze %dma_start3A_28 : memref<1x128xi32, #tpu.memory_space<vmem>> -> memref<128xi32, #tpu.memory_space<vmem>>
    %dma_start3A_30 = arith.constant 0 : i32
    %dma_start3A_31 = arith.constant 0 : i32
    %dma_start3A_32 = tpu.memref_slice %arg2[%dma_start3A_30, %dma_start3A_31] : memref<10000x16xf32, #tpu.memory_space<hbm>> -> memref<10000x16xf32, #tpu.memory_space<hbm>>
    tpu.enqueue_indirect_dma source(%dma_start3A_32 : memref<10000x16xf32, #tpu.memory_space<hbm>>) target(%dma_start3A_26 : memref<128x16xf32, #tpu.memory_space<vmem>>) offsets(%dma_start3A_29 : memref<128xi32, #tpu.memory_space<vmem>>) semaphore(%arg12 : memref<!tpu.dma_semaphore, #tpu.memory_space<semaphore_mem>>)
    %dma_start3A_33 = arith.constant 2 : i32
    %dma_start3A_34 = arith.constant 2 : i32
    %dma_start3A_35 = arith.constant 0 : i32
    %dma_start3A_36 = arith.constant 0 : i32
    %dma_start3A_37 = tpu.memref_slice %arg10[%dma_start3A_34, %dma_start3A_35, %dma_start3A_36] : memref<40x128x16xf32, #tpu.memory_space<vmem>> -> memref<1x128x16xf32, #tpu.memory_space<vmem>>
    %dma_start3A_38 = tpu.memref_squeeze %dma_start3A_37 : memref<1x128x16xf32, #tpu.memory_space<vmem>> -> memref<128x16xf32, #tpu.memory_space<vmem>>
    %dma_start3A_39 = arith.constant 0 : i32
    %dma_start3A_40 = tpu.memref_slice %arg6[%dma_start3A_33, %dma_start3A_39] : memref<78x128xi32, #tpu.memory_space<vmem>> -> memref<1x128xi32, #tpu.memory_space<vmem>>
    %dma_start3A_41 = tpu.memref_squeeze %dma_start3A_40 : memref<1x128xi32, #tpu.memory_space<vmem>> -> memref<128xi32, #tpu.memory_space<vmem>>
    %dma_start3A_42 = arith.constant 0 : i32
    %dma_start3A_43 = arith.constant 0 : i32
    %dma_start3A_44 = tpu.memref_slice %arg2[%dma_start3A_42, %dma_start3A_43] : memref<10000x16xf32, #tpu.memory_space<hbm>> -> memref<10000x16xf32, #tpu.memory_space<hbm>>
    tpu.enqueue_indirect_dma source(%dma_start3A_44 : memref<10000x16xf32, #tpu.memory_space<hbm>>) target(%dma_start3A_38 : memref<128x16xf32, #tpu.memory_space<vmem>>) offsets(%dma_start3A_41 : memref<128xi32, #tpu.memory_space<vmem>>) semaphore(%arg12 : memref<!tpu.dma_semaphore, #tpu.memory_space<semaphore_mem>>)
    %dma_start3A_45 = arith.constant 3 : i32
    %dma_start3A_46 = arith.constant 3 : i32
    %dma_start3A_47 = arith.constant 0 : i32
    %dma_start3A_48 = arith.constant 0 : i32
    %dma_start3A_49 = tpu.memref_slice %arg10[%dma_start3A_46, %dma_start3A_47, %dma_start3A_48] : memref<40x128x16xf32, #tpu.memory_space<vmem>> -> memref<1x128x16xf32, #tpu.memory_space<vmem>>
    %dma_start3A_50 = tpu.memref_squeeze %dma_start3A_49 : memref<1x128x16xf32, #tpu.memory_space<vmem>> -> memref<128x16xf32, #tpu.memory_space<vmem>>
    %dma_start3A_51 = arith.constant 0 : i32
    %dma_start3A_52 = tpu.memref_slice %arg6[%dma_start3A_45, %dma_start3A_51] : memref<78x128xi32, #tpu.memory_space<vmem>> -> memref<1x128xi32, #tpu.memory_space<vmem>>
    %dma_start3A_53 = tpu.memref_squeeze %dma_start3A_52 : memref<1x128xi32, #tpu.memory_space<vmem>> -> memref<128xi32, #tpu.memory_space<vmem>>
    %dma_start3A_54 = arith.constant 0 : i32
    %dma_start3A_55 = arith.constant 0 : i32
    %dma_start3A_56 = tpu.memref_slice %arg2[%dma_start3A_54, %dma_start3A_55] : memref<10000x16xf32, #tpu.memory_space<hbm>> -> memref<10000x16xf32, #tpu.memory_space<hbm>>
    tpu.enqueue_indirect_dma source(%dma_start3A_56 : memref<10000x16xf32, #tpu.memory_space<hbm>>) target(%dma_start3A_50 : memref<128x16xf32, #tpu.memory_space<vmem>>) offsets(%dma_start3A_53 : memref<128xi32, #tpu.memory_space<vmem>>) semaphore(%arg12 : memref<!tpu.dma_semaphore, #tpu.memory_space<semaphore_mem>>)
    %dma_start3A_57 = arith.constant 4 : i32
    %dma_start3A_58 = arith.constant 4 : i32
    %dma_start3A_59 = arith.constant 0 : i32
    %dma_start3A_60 = arith.constant 0 : i32
    %dma_start3A_61 = tpu.memref_slice %arg10[%dma_start3A_58, %dma_start3A_59, %dma_start3A_60] : memref<40x128x16xf32, #tpu.memory_space<vmem>> -> memref<1x128x16xf32, #tpu.memory_space<vmem>>
    %dma_start3A_62 = tpu.memref_squeeze %dma_start3A_61 : memref<1x128x16xf32, #tpu.memory_space<vmem>> -> memref<128x16xf32, #tpu.memory_space<vmem>>
    %dma_start3A_63 = arith.constant 0 : i32
    %dma_start3A_64 = tpu.memref_slice %arg6[%dma_start3A_57, %dma_start3A_63] : memref<78x128xi32, #tpu.memory_space<vmem>> -> memref<1x128xi32, #tpu.memory_space<vmem>>
    %dma_start3A_65 = tpu.memref_squeeze %dma_start3A_64 : memref<1x128xi32, #tpu.memory_space<vmem>> -> memref<128xi32, #tpu.memory_space<vmem>>
    %dma_start3A_66 = arith.constant 0 : i32
    %dma_start3A_67 = arith.constant 0 : i32
    %dma_start3A_68 = tpu.memref_slice %arg2[%dma_start3A_66, %dma_start3A_67] : memref<10000x16xf32, #tpu.memory_space<hbm>> -> memref<10000x16xf32, #tpu.memory_space<hbm>>
    tpu.enqueue_indirect_dma source(%dma_start3A_68 : memref<10000x16xf32, #tpu.memory_space<hbm>>) target(%dma_start3A_62 : memref<128x16xf32, #tpu.memory_space<vmem>>) offsets(%dma_start3A_65 : memref<128xi32, #tpu.memory_space<vmem>>) semaphore(%arg12 : memref<!tpu.dma_semaphore, #tpu.memory_space<semaphore_mem>>)
    %dma_start3A_69 = arith.constant 5 : i32
    %dma_start3A_70 = arith.constant 5 : i32
    %dma_start3A_71 = arith.constant 0 : i32
    %dma_start3A_72 = arith.constant 0 : i32
    %dma_start3A_73 = tpu.memref_slice %arg10[%dma_start3A_70, %dma_start3A_71, %dma_start3A_72] : memref<40x128x16xf32, #tpu.memory_space<vmem>> -> memref<1x128x16xf32, #tpu.memory_space<vmem>>
    %dma_start3A_74 = tpu.memref_squeeze %dma_start3A_73 : memref<1x128x16xf32, #tpu.memory_space<vmem>> -> memref<128x16xf32, #tpu.memory_space<vmem>>
    %dma_start3A_75 = arith.constant 0 : i32
    %dma_start3A_76 = tpu.memref_slice %arg6[%dma_start3A_69, %dma_start3A_75] : memref<78x128xi32, #tpu.memory_space<vmem>> -> memref<1x128xi32, #tpu.memory_space<vmem>>
    %dma_start3A_77 = tpu.memref_squeeze %dma_start3A_76 : memref<1x128xi32, #tpu.memory_space<vmem>> -> memref<128xi32, #tpu.memory_space<vmem>>
    %dma_start3A_78 = arith.constant 0 : i32
    %dma_start3A_79 = arith.constant 0 : i32
    %dma_start3A_80 = tpu.memref_slice %arg2[%dma_start3A_78, %dma_start3A_79] : memref<10000x16xf32, #tpu.memory_space<hbm>> -> memref<10000x16xf32, #tpu.memory_space<hbm>>
    tpu.enqueue_indirect_dma source(%dma_start3A_80 : memref<10000x16xf32, #tpu.memory_space<hbm>>) target(%dma_start3A_74 : memref<128x16xf32, #tpu.memory_space<vmem>>) offsets(%dma_start3A_77 : memref<128xi32, #tpu.memory_space<vmem>>) semaphore(%arg12 : memref<!tpu.dma_semaphore, #tpu.memory_space<semaphore_mem>>)
    %dma_start3A_81 = arith.constant 6 : i32
    %dma_start3A_82 = arith.constant 6 : i32
    %dma_start3A_83 = arith.constant 0 : i32
    %dma_start3A_84 = arith.constant 0 : i32
    %dma_start3A_85 = tpu.memref_slice %arg10[%dma_start3A_82, %dma_start3A_83, %dma_start3A_84] : memref<40x128x16xf32, #tpu.memory_space<vmem>> -> memref<1x128x16xf32, #tpu.memory_space<vmem>>
    %dma_start3A_86 = tpu.memref_squeeze %dma_start3A_85 : memref<1x128x16xf32, #tpu.memory_space<vmem>> -> memref<128x16xf32, #tpu.memory_space<vmem>>
    %dma_start3A_87 = arith.constant 0 : i32
    %dma_start3A_88 = tpu.memref_slice %arg6[%dma_start3A_81, %dma_start3A_87] : memref<78x128xi32, #tpu.memory_space<vmem>> -> memref<1x128xi32, #tpu.memory_space<vmem>>
    %dma_start3A_89 = tpu.memref_squeeze %dma_start3A_88 : memref<1x128xi32, #tpu.memory_space<vmem>> -> memref<128xi32, #tpu.memory_space<vmem>>
    %dma_start3A_90 = arith.constant 0 : i32
    %dma_start3A_91 = arith.constant 0 : i32
    %dma_start3A_92 = tpu.memref_slice %arg2[%dma_start3A_90, %dma_start3A_91] : memref<10000x16xf32, #tpu.memory_space<hbm>> -> memref<10000x16xf32, #tpu.memory_space<hbm>>
    tpu.enqueue_indirect_dma source(%dma_start3A_92 : memref<10000x16xf32, #tpu.memory_space<hbm>>) target(%dma_start3A_86 : memref<128x16xf32, #tpu.memory_space<vmem>>) offsets(%dma_start3A_89 : memref<128xi32, #tpu.memory_space<vmem>>) semaphore(%arg12 : memref<!tpu.dma_semaphore, #tpu.memory_space<semaphore_mem>>)
    %dma_start3A_93 = arith.constant 7 : i32
    %dma_start3A_94 = arith.constant 7 : i32
    %dma_start3A_95 = arith.constant 0 : i32
    %dma_start3A_96 = arith.constant 0 : i32
    %dma_start3A_97 = tpu.memref_slice %arg10[%dma_start3A_94, %dma_start3A_95, %dma_start3A_96] : memref<40x128x16xf32, #tpu.memory_space<vmem>> -> memref<1x128x16xf32, #tpu.memory_space<vmem>>
    %dma_start3A_98 = tpu.memref_squeeze %dma_start3A_97 : memref<1x128x16xf32, #tpu.memory_space<vmem>> -> memref<128x16xf32, #tpu.memory_space<vmem>>
    %dma_start3A_99 = arith.constant 0 : i32
    %dma_start3A_100 = tpu.memref_slice %arg6[%dma_start3A_93, %dma_start3A_99] : memref<78x128xi32, #tpu.memory_space<vmem>> -> memref<1x128xi32, #tpu.memory_space<vmem>>
    %dma_start3A_101 = tpu.memref_squeeze %dma_start3A_100 : memref<1x128xi32, #tpu.memory_space<vmem>> -> memref<128xi32, #tpu.memory_space<vmem>>
    %dma_start3A_102 = arith.constant 0 : i32
    %dma_start3A_103 = arith.constant 0 : i32
    %dma_start3A_104 = tpu.memref_slice %arg2[%dma_start3A_102, %dma_start3A_103] : memref<10000x16xf32, #tpu.memory_space<hbm>> -> memref<10000x16xf32, #tpu.memory_space<hbm>>
    tpu.enqueue_indirect_dma source(%dma_start3A_104 : memref<10000x16xf32, #tpu.memory_space<hbm>>) target(%dma_start3A_98 : memref<128x16xf32, #tpu.memory_space<vmem>>) offsets(%dma_start3A_101 : memref<128xi32, #tpu.memory_space<vmem>>) semaphore(%arg12 : memref<!tpu.dma_semaphore, #tpu.memory_space<semaphore_mem>>)
    %dma_start3A_105 = arith.constant 8 : i32
    %dma_start3A_106 = arith.constant 8 : i32
    %dma_start3A_107 = arith.constant 0 : i32
    %dma_start3A_108 = arith.constant 0 : i32
    %dma_start3A_109 = tpu.memref_slice %arg10[%dma_start3A_106, %dma_start3A_107, %dma_start3A_108] : memref<40x128x16xf32, #tpu.memory_space<vmem>> -> memref<1x128x16xf32, #tpu.memory_space<vmem>>
    %dma_start3A_110 = tpu.memref_squeeze %dma_start3A_109 : memref<1x128x16xf32, #tpu.memory_space<vmem>> -> memref<128x16xf32, #tpu.memory_space<vmem>>
    %dma_start3A_111 = arith.constant 0 : i32
    %dma_start3A_112 = tpu.memref_slice %arg6[%dma_start3A_105, %dma_start3A_111] : memref<78x128xi32, #tpu.memory_space<vmem>> -> memref<1x128xi32, #tpu.memory_space<vmem>>
    %dma_start3A_113 = tpu.memref_squeeze %dma_start3A_112 : memref<1x128xi32, #tpu.memory_space<vmem>> -> memref<128xi32, #tpu.memory_space<vmem>>
    %dma_start3A_114 = arith.constant 0 : i32
    %dma_start3A_115 = arith.constant 0 : i32
    %dma_start3A_116 = tpu.memref_slice %arg2[%dma_start3A_114, %dma_start3A_115] : memref<10000x16xf32, #tpu.memory_space<hbm>> -> memref<10000x16xf32, #tpu.memory_space<hbm>>
    tpu.enqueue_indirect_dma source(%dma_start3A_116 : memref<10000x16xf32, #tpu.memory_space<hbm>>) target(%dma_start3A_110 : memref<128x16xf32, #tpu.memory_space<vmem>>) offsets(%dma_start3A_113 : memref<128xi32, #tpu.memory_space<vmem>>) semaphore(%arg12 : memref<!tpu.dma_semaphore, #tpu.memory_space<semaphore_mem>>)
    %dma_start3A_117 = arith.constant 9 : i32
    %dma_start3A_118 = arith.constant 9 : i32
    %dma_start3A_119 = arith.constant 0 : i32
    %dma_start3A_120 = arith.constant 0 : i32
    %dma_start3A_121 = tpu.memref_slice %arg10[%dma_start3A_118, %dma_start3A_119, %dma_start3A_120] : memref<40x128x16xf32, #tpu.memory_space<vmem>> -> memref<1x128x16xf32, #tpu.memory_space<vmem>>
    %dma_start3A_122 = tpu.memref_squeeze %dma_start3A_121 : memref<1x128x16xf32, #tpu.memory_space<vmem>> -> memref<128x16xf32, #tpu.memory_space<vmem>>
    %dma_start3A_123 = arith.constant 0 : i32
    %dma_start3A_124 = tpu.memref_slice %arg6[%dma_start3A_117, %dma_start3A_123] : memref<78x128xi32, #tpu.memory_space<vmem>> -> memref<1x128xi32, #tpu.memory_space<vmem>>
    %dma_start3A_125 = tpu.memref_squeeze %dma_start3A_124 : memref<1x128xi32, #tpu.memory_space<vmem>> -> memref<128xi32, #tpu.memory_space<vmem>>
    %dma_start3A_126 = arith.constant 0 : i32
    %dma_start3A_127 = arith.constant 0 : i32
    %dma_start3A_128 = tpu.memref_slice %arg2[%dma_start3A_126, %dma_start3A_127] : memref<10000x16xf32, #tpu.memory_space<hbm>> -> memref<10000x16xf32, #tpu.memory_space<hbm>>
    tpu.enqueue_indirect_dma source(%dma_start3A_128 : memref<10000x16xf32, #tpu.memory_space<hbm>>) target(%dma_start3A_122 : memref<128x16xf32, #tpu.memory_space<vmem>>) offsets(%dma_start3A_125 : memref<128xi32, #tpu.memory_space<vmem>>) semaphore(%arg12 : memref<!tpu.dma_semaphore, #tpu.memory_space<semaphore_mem>>)
    %dma_start3A_129 = arith.constant 10 : i32
    %dma_start3A_130 = arith.constant 10 : i32
    %dma_start3A_131 = arith.constant 0 : i32
    %dma_start3A_132 = arith.constant 0 : i32
    %dma_start3A_133 = tpu.memref_slice %arg10[%dma_start3A_130, %dma_start3A_131, %dma_start3A_132] : memref<40x128x16xf32, #tpu.memory_space<vmem>> -> memref<1x128x16xf32, #tpu.memory_space<vmem>>
    %dma_start3A_134 = tpu.memref_squeeze %dma_start3A_133 : memref<1x128x16xf32, #tpu.memory_space<vmem>> -> memref<128x16xf32, #tpu.memory_space<vmem>>
    %dma_start3A_135 = arith.constant 0 : i32
    %dma_start3A_136 = tpu.memref_slice %arg6[%dma_start3A_129, %dma_start3A_135] : memref<78x128xi32, #tpu.memory_space<vmem>> -> memref<1x128xi32, #tpu.memory_space<vmem>>
    %dma_start3A_137 = tpu.memref_squeeze %dma_start3A_136 : memref<1x128xi32, #tpu.memory_space<vmem>> -> memref<128xi32, #tpu.memory_space<vmem>>
    %dma_start3A_138 = arith.constant 0 : i32
    %dma_start3A_139 = arith.constant 0 : i32
    %dma_start3A_140 = tpu.memref_slice %arg2[%dma_start3A_138, %dma_start3A_139] : memref<10000x16xf32, #tpu.memory_space<hbm>> -> memref<10000x16xf32, #tpu.memory_space<hbm>>
    tpu.enqueue_indirect_dma source(%dma_start3A_140 : memref<10000x16xf32, #tpu.memory_space<hbm>>) target(%dma_start3A_134 : memref<128x16xf32, #tpu.memory_space<vmem>>) offsets(%dma_start3A_137 : memref<128xi32, #tpu.memory_space<vmem>>) semaphore(%arg12 : memref<!tpu.dma_semaphore, #tpu.memory_space<semaphore_mem>>)
    %dma_start3A_141 = arith.constant 11 : i32
    %dma_start3A_142 = arith.constant 11 : i32
    %dma_start3A_143 = arith.constant 0 : i32
    %dma_start3A_144 = arith.constant 0 : i32
    %dma_start3A_145 = tpu.memref_slice %arg10[%dma_start3A_142, %dma_start3A_143, %dma_start3A_144] : memref<40x128x16xf32, #tpu.memory_space<vmem>> -> memref<1x128x16xf32, #tpu.memory_space<vmem>>
    %dma_start3A_146 = tpu.memref_squeeze %dma_start3A_145 : memref<1x128x16xf32, #tpu.memory_space<vmem>> -> memref<128x16xf32, #tpu.memory_space<vmem>>
    %dma_start3A_147 = arith.constant 0 : i32
    %dma_start3A_148 = tpu.memref_slice %arg6[%dma_start3A_141, %dma_start3A_147] : memref<78x128xi32, #tpu.memory_space<vmem>> -> memref<1x128xi32, #tpu.memory_space<vmem>>
    %dma_start3A_149 = tpu.memref_squeeze %dma_start3A_148 : memref<1x128xi32, #tpu.memory_space<vmem>> -> memref<128xi32, #tpu.memory_space<vmem>>
    %dma_start3A_150 = arith.constant 0 : i32
    %dma_start3A_151 = arith.constant 0 : i32
    %dma_start3A_152 = tpu.memref_slice %arg2[%dma_start3A_150, %dma_start3A_151] : memref<10000x16xf32, #tpu.memory_space<hbm>> -> memref<10000x16xf32, #tpu.memory_space<hbm>>
    tpu.enqueue_indirect_dma source(%dma_start3A_152 : memref<10000x16xf32, #tpu.memory_space<hbm>>) target(%dma_start3A_146 : memref<128x16xf32, #tpu.memory_space<vmem>>) offsets(%dma_start3A_149 : memref<128xi32, #tpu.memory_space<vmem>>) semaphore(%arg12 : memref<!tpu.dma_semaphore, #tpu.memory_space<semaphore_mem>>)
    %dma_start3A_153 = arith.constant 12 : i32
    %dma_start3A_154 = arith.constant 12 : i32
    %dma_start3A_155 = arith.constant 0 : i32
    %dma_start3A_156 = arith.constant 0 : i32
    %dma_start3A_157 = tpu.memref_slice %arg10[%dma_start3A_154, %dma_start3A_155, %dma_start3A_156] : memref<40x128x16xf32, #tpu.memory_space<vmem>> -> memref<1x128x16xf32, #tpu.memory_space<vmem>>
    %dma_start3A_158 = tpu.memref_squeeze %dma_start3A_157 : memref<1x128x16xf32, #tpu.memory_space<vmem>> -> memref<128x16xf32, #tpu.memory_space<vmem>>
    %dma_start3A_159 = arith.constant 0 : i32
    %dma_start3A_160 = tpu.memref_slice %arg6[%dma_start3A_153, %dma_start3A_159] : memref<78x128xi32, #tpu.memory_space<vmem>> -> memref<1x128xi32, #tpu.memory_space<vmem>>
    %dma_start3A_161 = tpu.memref_squeeze %dma_start3A_160 : memref<1x128xi32, #tpu.memory_space<vmem>> -> memref<128xi32, #tpu.memory_space<vmem>>
    %dma_start3A_162 = arith.constant 0 : i32
    %dma_start3A_163 = arith.constant 0 : i32
    %dma_start3A_164 = tpu.memref_slice %arg2[%dma_start3A_162, %dma_start3A_163] : memref<10000x16xf32, #tpu.memory_space<hbm>> -> memref<10000x16xf32, #tpu.memory_space<hbm>>
    tpu.enqueue_indirect_dma source(%dma_start3A_164 : memref<10000x16xf32, #tpu.memory_space<hbm>>) target(%dma_start3A_158 : memref<128x16xf32, #tpu.memory_space<vmem>>) offsets(%dma_start3A_161 : memref<128xi32, #tpu.memory_space<vmem>>) semaphore(%arg12 : memref<!tpu.dma_semaphore, #tpu.memory_space<semaphore_mem>>)
    %dma_start3A_165 = arith.constant 13 : i32
    %dma_start3A_166 = arith.constant 13 : i32
    %dma_start3A_167 = arith.constant 0 : i32
    %dma_start3A_168 = arith.constant 0 : i32
    %dma_start3A_169 = tpu.memref_slice %arg10[%dma_start3A_166, %dma_start3A_167, %dma_start3A_168] : memref<40x128x16xf32, #tpu.memory_space<vmem>> -> memref<1x128x16xf32, #tpu.memory_space<vmem>>
    %dma_start3A_170 = tpu.memref_squeeze %dma_start3A_169 : memref<1x128x16xf32, #tpu.memory_space<vmem>> -> memref<128x16xf32, #tpu.memory_space<vmem>>
    %dma_start3A_171 = arith.constant 0 : i32
    %dma_start3A_172 = tpu.memref_slice %arg6[%dma_start3A_165, %dma_start3A_171] : memref<78x128xi32, #tpu.memory_space<vmem>> -> memref<1x128xi32, #tpu.memory_space<vmem>>
    %dma_start3A_173 = tpu.memref_squeeze %dma_start3A_172 : memref<1x128xi32, #tpu.memory_space<vmem>> -> memref<128xi32, #tpu.memory_space<vmem>>
    %dma_start3A_174 = arith.constant 0 : i32
    %dma_start3A_175 = arith.constant 0 : i32
    %dma_start3A_176 = tpu.memref_slice %arg2[%dma_start3A_174, %dma_start3A_175] : memref<10000x16xf32, #tpu.memory_space<hbm>> -> memref<10000x16xf32, #tpu.memory_space<hbm>>
    tpu.enqueue_indirect_dma source(%dma_start3A_176 : memref<10000x16xf32, #tpu.memory_space<hbm>>) target(%dma_start3A_170 : memref<128x16xf32, #tpu.memory_space<vmem>>) offsets(%dma_start3A_173 : memref<128xi32, #tpu.memory_space<vmem>>) semaphore(%arg12 : memref<!tpu.dma_semaphore, #tpu.memory_space<semaphore_mem>>)
    %dma_start3A_177 = arith.constant 14 : i32
    %dma_start3A_178 = arith.constant 14 : i32
    %dma_start3A_179 = arith.constant 0 : i32
    %dma_start3A_180 = arith.constant 0 : i32
    %dma_start3A_181 = tpu.memref_slice %arg10[%dma_start3A_178, %dma_start3A_179, %dma_start3A_180] : memref<40x128x16xf32, #tpu.memory_space<vmem>> -> memref<1x128x16xf32, #tpu.memory_space<vmem>>
    %dma_start3A_182 = tpu.memref_squeeze %dma_start3A_181 : memref<1x128x16xf32, #tpu.memory_space<vmem>> -> memref<128x16xf32, #tpu.memory_space<vmem>>
    %dma_start3A_183 = arith.constant 0 : i32
    %dma_start3A_184 = tpu.memref_slice %arg6[%dma_start3A_177, %dma_start3A_183] : memref<78x128xi32, #tpu.memory_space<vmem>> -> memref<1x128xi32, #tpu.memory_space<vmem>>
    %dma_start3A_185 = tpu.memref_squeeze %dma_start3A_184 : memref<1x128xi32, #tpu.memory_space<vmem>> -> memref<128xi32, #tpu.memory_space<vmem>>
    %dma_start3A_186 = arith.constant 0 : i32
    %dma_start3A_187 = arith.constant 0 : i32
    %dma_start3A_188 = tpu.memref_slice %arg2[%dma_start3A_186, %dma_start3A_187] : memref<10000x16xf32, #tpu.memory_space<hbm>> -> memref<10000x16xf32, #tpu.memory_space<hbm>>
    tpu.enqueue_indirect_dma source(%dma_start3A_188 : memref<10000x16xf32, #tpu.memory_space<hbm>>) target(%dma_start3A_182 : memref<128x16xf32, #tpu.memory_space<vmem>>) offsets(%dma_start3A_185 : memref<128xi32, #tpu.memory_space<vmem>>) semaphore(%arg12 : memref<!tpu.dma_semaphore, #tpu.memory_space<semaphore_mem>>)
    %dma_start3A_189 = arith.constant 15 : i32
    %dma_start3A_190 = arith.constant 15 : i32
    %dma_start3A_191 = arith.constant 0 : i32
    %dma_start3A_192 = arith.constant 0 : i32
    %dma_start3A_193 = tpu.memref_slice %arg10[%dma_start3A_190, %dma_start3A_191, %dma_start3A_192] : memref<40x128x16xf32, #tpu.memory_space<vmem>> -> memref<1x128x16xf32, #tpu.memory_space<vmem>>
    %dma_start3A_194 = tpu.memref_squeeze %dma_start3A_193 : memref<1x128x16xf32, #tpu.memory_space<vmem>> -> memref<128x16xf32, #tpu.memory_space<vmem>>
    %dma_start3A_195 = arith.constant 0 : i32
    %dma_start3A_196 = tpu.memref_slice %arg6[%dma_start3A_189, %dma_start3A_195] : memref<78x128xi32, #tpu.memory_space<vmem>> -> memref<1x128xi32, #tpu.memory_space<vmem>>
    %dma_start3A_197 = tpu.memref_squeeze %dma_start3A_196 : memref<1x128xi32, #tpu.memory_space<vmem>> -> memref<128xi32, #tpu.memory_space<vmem>>
    %dma_start3A_198 = arith.constant 0 : i32
    %dma_start3A_199 = arith.constant 0 : i32
    %dma_start3A_200 = tpu.memref_slice %arg2[%dma_start3A_198, %dma_start3A_199] : memref<10000x16xf32, #tpu.memory_space<hbm>> -> memref<10000x16xf32, #tpu.memory_space<hbm>>
    tpu.enqueue_indirect_dma source(%dma_start3A_200 : memref<10000x16xf32, #tpu.memory_space<hbm>>) target(%dma_start3A_194 : memref<128x16xf32, #tpu.memory_space<vmem>>) offsets(%dma_start3A_197 : memref<128xi32, #tpu.memory_space<vmem>>) semaphore(%arg12 : memref<!tpu.dma_semaphore, #tpu.memory_space<semaphore_mem>>)
    %dma_start3A_201 = arith.constant 16 : i32
    %dma_start3A_202 = arith.constant 16 : i32
    %dma_start3A_203 = arith.constant 0 : i32
    %dma_start3A_204 = arith.constant 0 : i32
    %dma_start3A_205 = tpu.memref_slice %arg10[%dma_start3A_202, %dma_start3A_203, %dma_start3A_204] : memref<40x128x16xf32, #tpu.memory_space<vmem>> -> memref<1x128x16xf32, #tpu.memory_space<vmem>>
    %dma_start3A_206 = tpu.memref_squeeze %dma_start3A_205 : memref<1x128x16xf32, #tpu.memory_space<vmem>> -> memref<128x16xf32, #tpu.memory_space<vmem>>
    %dma_start3A_207 = arith.constant 0 : i32
    %dma_start3A_208 = tpu.memref_slice %arg6[%dma_start3A_201, %dma_start3A_207] : memref<78x128xi32, #tpu.memory_space<vmem>> -> memref<1x128xi32, #tpu.memory_space<vmem>>
    %dma_start3A_209 = tpu.memref_squeeze %dma_start3A_208 : memref<1x128xi32, #tpu.memory_space<vmem>> -> memref<128xi32, #tpu.memory_space<vmem>>
    %dma_start3A_210 = arith.constant 0 : i32
    %dma_start3A_211 = arith.constant 0 : i32
    %dma_start3A_212 = tpu.memref_slice %arg2[%dma_start3A_210, %dma_start3A_211] : memref<10000x16xf32, #tpu.memory_space<hbm>> -> memref<10000x16xf32, #tpu.memory_space<hbm>>
    tpu.enqueue_indirect_dma source(%dma_start3A_212 : memref<10000x16xf32, #tpu.memory_space<hbm>>) target(%dma_start3A_206 : memref<128x16xf32, #tpu.memory_space<vmem>>) offsets(%dma_start3A_209 : memref<128xi32, #tpu.memory_space<vmem>>) semaphore(%arg12 : memref<!tpu.dma_semaphore, #tpu.memory_space<semaphore_mem>>)
    %dma_start3A_213 = arith.constant 17 : i32
    %dma_start3A_214 = arith.constant 17 : i32
    %dma_start3A_215 = arith.constant 0 : i32
    %dma_start3A_216 = arith.constant 0 : i32
    %dma_start3A_217 = tpu.memref_slice %arg10[%dma_start3A_214, %dma_start3A_215, %dma_start3A_216] : memref<40x128x16xf32, #tpu.memory_space<vmem>> -> memref<1x128x16xf32, #tpu.memory_space<vmem>>
    %dma_start3A_218 = tpu.memref_squeeze %dma_start3A_217 : memref<1x128x16xf32, #tpu.memory_space<vmem>> -> memref<128x16xf32, #tpu.memory_space<vmem>>
    %dma_start3A_219 = arith.constant 0 : i32
    %dma_start3A_220 = tpu.memref_slice %arg6[%dma_start3A_213, %dma_start3A_219] : memref<78x128xi32, #tpu.memory_space<vmem>> -> memref<1x128xi32, #tpu.memory_space<vmem>>
    %dma_start3A_221 = tpu.memref_squeeze %dma_start3A_220 : memref<1x128xi32, #tpu.memory_space<vmem>> -> memref<128xi32, #tpu.memory_space<vmem>>
    %dma_start3A_222 = arith.constant 0 : i32
    %dma_start3A_223 = arith.constant 0 : i32
    %dma_start3A_224 = tpu.memref_slice %arg2[%dma_start3A_222, %dma_start3A_223] : memref<10000x16xf32, #tpu.memory_space<hbm>> -> memref<10000x16xf32, #tpu.memory_space<hbm>>
    tpu.enqueue_indirect_dma source(%dma_start3A_224 : memref<10000x16xf32, #tpu.memory_space<hbm>>) target(%dma_start3A_218 : memref<128x16xf32, #tpu.memory_space<vmem>>) offsets(%dma_start3A_221 : memref<128xi32, #tpu.memory_space<vmem>>) semaphore(%arg12 : memref<!tpu.dma_semaphore, #tpu.memory_space<semaphore_mem>>)
    %dma_start3A_225 = arith.constant 18 : i32
    %dma_start3A_226 = arith.constant 18 : i32
    %dma_start3A_227 = arith.constant 0 : i32
    %dma_start3A_228 = arith.constant 0 : i32
    %dma_start3A_229 = tpu.memref_slice %arg10[%dma_start3A_226, %dma_start3A_227, %dma_start3A_228] : memref<40x128x16xf32, #tpu.memory_space<vmem>> -> memref<1x128x16xf32, #tpu.memory_space<vmem>>
    %dma_start3A_230 = tpu.memref_squeeze %dma_start3A_229 : memref<1x128x16xf32, #tpu.memory_space<vmem>> -> memref<128x16xf32, #tpu.memory_space<vmem>>
    %dma_start3A_231 = arith.constant 0 : i32
    %dma_start3A_232 = tpu.memref_slice %arg6[%dma_start3A_225, %dma_start3A_231] : memref<78x128xi32, #tpu.memory_space<vmem>> -> memref<1x128xi32, #tpu.memory_space<vmem>>
    %dma_start3A_233 = tpu.memref_squeeze %dma_start3A_232 : memref<1x128xi32, #tpu.memory_space<vmem>> -> memref<128xi32, #tpu.memory_space<vmem>>
    %dma_start3A_234 = arith.constant 0 : i32
    %dma_start3A_235 = arith.constant 0 : i32
    %dma_start3A_236 = tpu.memref_slice %arg2[%dma_start3A_234, %dma_start3A_235] : memref<10000x16xf32, #tpu.memory_space<hbm>> -> memref<10000x16xf32, #tpu.memory_space<hbm>>
    tpu.enqueue_indirect_dma source(%dma_start3A_236 : memref<10000x16xf32, #tpu.memory_space<hbm>>) target(%dma_start3A_230 : memref<128x16xf32, #tpu.memory_space<vmem>>) offsets(%dma_start3A_233 : memref<128xi32, #tpu.memory_space<vmem>>) semaphore(%arg12 : memref<!tpu.dma_semaphore, #tpu.memory_space<semaphore_mem>>)
    %dma_start3A_237 = arith.constant 19 : i32
    %dma_start3A_238 = arith.constant 19 : i32
    %dma_start3A_239 = arith.constant 0 : i32
    %dma_start3A_240 = arith.constant 0 : i32
    %dma_start3A_241 = tpu.memref_slice %arg10[%dma_start3A_238, %dma_start3A_239, %dma_start3A_240] : memref<40x128x16xf32, #tpu.memory_space<vmem>> -> memref<1x128x16xf32, #tpu.memory_space<vmem>>
    %dma_start3A_242 = tpu.memref_squeeze %dma_start3A_241 : memref<1x128x16xf32, #tpu.memory_space<vmem>> -> memref<128x16xf32, #tpu.memory_space<vmem>>
    %dma_start3A_243 = arith.constant 0 : i32
    %dma_start3A_244 = tpu.memref_slice %arg6[%dma_start3A_237, %dma_start3A_243] : memref<78x128xi32, #tpu.memory_space<vmem>> -> memref<1x128xi32, #tpu.memory_space<vmem>>
    %dma_start3A_245 = tpu.memref_squeeze %dma_start3A_244 : memref<1x128xi32, #tpu.memory_space<vmem>> -> memref<128xi32, #tpu.memory_space<vmem>>
    %dma_start3A_246 = arith.constant 0 : i32
    %dma_start3A_247 = arith.constant 0 : i32
    %dma_start3A_248 = tpu.memref_slice %arg2[%dma_start3A_246, %dma_start3A_247] : memref<10000x16xf32, #tpu.memory_space<hbm>> -> memref<10000x16xf32, #tpu.memory_space<hbm>>
    tpu.enqueue_indirect_dma source(%dma_start3A_248 : memref<10000x16xf32, #tpu.memory_space<hbm>>) target(%dma_start3A_242 : memref<128x16xf32, #tpu.memory_space<vmem>>) offsets(%dma_start3A_245 : memref<128xi32, #tpu.memory_space<vmem>>) semaphore(%arg12 : memref<!tpu.dma_semaphore, #tpu.memory_space<semaphore_mem>>)
    %scan3A = arith.constant 0 : i32
    %scan3A_249 = arith.constant 0 : i32
    %scan3A_250 = arith.constant 78 : i32
    %scan3A_251 = arith.addi %scan3A_249, %scan3A_250 : i32
    %scan3A_252 = arith.constant 1 : i32
    scf.for %scan3A_503 = %scan3A_249 to %scan3A_251 step %scan3A_252  : i32 {
      %jit3A = arith.constant 40 : i32
      %eq3A = arith.constant 0 : i32
      %eq3A_504 = arith.cmpi eq, %jit3A, %eq3A : i32
      %jit3A_505 = arith.constant 1 : i32
      %select_n3A = arith.select %eq3A_504, %jit3A_505, %jit3A : i32
      %rem3A = arith.remsi %scan3A_503, %select_n3A : i32
      %ne3A = arith.constant 0 : i32
      %ne3A_506 = arith.cmpi ne, %rem3A, %ne3A : i32
      %lt3A_507 = arith.constant 0 : i32
      %lt3A_508 = arith.cmpi slt, %rem3A, %lt3A_507 : i32
      %lt3A_509 = arith.constant 0 : i32
      %lt3A_510 = arith.cmpi slt, %select_n3A, %lt3A_509 : i32
      %ne3A_511 = arith.xori %lt3A_508, %lt3A_510 : i1
      %and3A = arith.andi %ne3A_511, %ne3A_506 : i1
      %add3A_512 = arith.addi %rem3A, %select_n3A : i32
      %select_n3A_513 = arith.select %and3A, %add3A_512, %rem3A : i32
      %dma_wait3A_514 = arith.constant 0 : i32
      %dma_wait3A_515 = arith.constant 0 : i32
      %dma_wait3A_516 = tpu.memref_slice %arg10[%select_n3A_513, %dma_wait3A_514, %dma_wait3A_515] : memref<40x128x16xf32, #tpu.memory_space<vmem>> -> memref<1x128x16xf32, #tpu.memory_space<vmem>>
      %dma_wait3A_517 = tpu.memref_squeeze %dma_wait3A_516 : memref<1x128x16xf32, #tpu.memory_space<vmem>> -> memref<128x16xf32, #tpu.memory_space<vmem>>
      %dma_wait3A_518 = arith.constant 0 : i32
      %dma_wait3A_519 = tpu.memref_slice %arg6[%scan3A_503, %dma_wait3A_518] : memref<78x128xi32, #tpu.memory_space<vmem>> -> memref<1x128xi32, #tpu.memory_space<vmem>>
      %dma_wait3A_520 = tpu.memref_squeeze %dma_wait3A_519 : memref<1x128xi32, #tpu.memory_space<vmem>> -> memref<128xi32, #tpu.memory_space<vmem>>
      %dma_wait3A_521 = arith.constant 0 : i32
      %dma_wait3A_522 = arith.constant 0 : i32
      %dma_wait3A_523 = tpu.memref_slice %arg2[%dma_wait3A_521, %dma_wait3A_522] : memref<10000x16xf32, #tpu.memory_space<hbm>> -> memref<10000x16xf32, #tpu.memory_space<hbm>>
      tpu.wait_indirect_dma semaphore(%arg12 : memref<!tpu.dma_semaphore, #tpu.memory_space<semaphore_mem>>) src(%dma_wait3A_523 : memref<10000x16xf32, #tpu.memory_space<hbm>>) dst(%dma_wait3A_517 : memref<128x16xf32, #tpu.memory_space<vmem>>)
      %dma_start3A_524 = arith.constant 0 : i32
      %dma_start3A_525 = arith.constant 0 : i32
      %dma_start3A_526 = tpu.memref_slice %arg10[%select_n3A_513, %dma_start3A_524, %dma_start3A_525] : memref<40x128x16xf32, #tpu.memory_space<vmem>> -> memref<1x128x16xf32, #tpu.memory_space<vmem>>
      %dma_start3A_527 = tpu.memref_squeeze %dma_start3A_526 : memref<1x128x16xf32, #tpu.memory_space<vmem>> -> memref<128x16xf32, #tpu.memory_space<vmem>>
      %dma_start3A_528 = arith.constant 0 : i32
      %dma_start3A_529 = tpu.memref_slice %arg7[%scan3A_503, %dma_start3A_528] : memref<78x128xi32, #tpu.memory_space<vmem>> -> memref<1x128xi32, #tpu.memory_space<vmem>>
      %dma_start3A_530 = tpu.memref_squeeze %dma_start3A_529 : memref<1x128xi32, #tpu.memory_space<vmem>> -> memref<128xi32, #tpu.memory_space<vmem>>
      %dma_start3A_531 = arith.constant 0 : i32
      %dma_start3A_532 = arith.constant 0 : i32
      %dma_start3A_533 = tpu.memref_slice %arg11[%dma_start3A_531, %dma_start3A_532] : memref<10000x16xf32, #tpu.memory_space<vmem_shared>> -> memref<10000x16xf32, #tpu.memory_space<vmem_shared>>
      tpu.enqueue_indirect_dma source(%dma_start3A_527 : memref<128x16xf32, #tpu.memory_space<vmem>>) target(%dma_start3A_533 : memref<10000x16xf32, #tpu.memory_space<vmem_shared>>) offsets(%dma_start3A_530 : memref<128xi32, #tpu.memory_space<vmem>>) semaphore(%arg13 : memref<!tpu.dma_semaphore, #tpu.memory_space<semaphore_mem>>) {add = true}
      %ge3A = arith.constant 20 : i32
      %ge3A_534 = arith.cmpi sge, %scan3A_503, %ge3A : i32
      %convert_element_type3A_535 = arith.extui %ge3A_534 : i1 to i32
      %cond3A_536 = arith.constant 0 : i32
      %cond3A_537 = arith.cmpi ne, %convert_element_type3A_535, %cond3A_536 : i32
      scf.if %cond3A_537 {
        %sub3A = arith.constant 20 : i32
        %sub3A_545 = arith.subi %scan3A_503, %sub3A : i32
        %jit3A_546 = arith.constant 40 : i32
        %eq3A_547 = arith.constant 0 : i32
        %eq3A_548 = arith.cmpi eq, %jit3A_546, %eq3A_547 : i32
        %jit3A_549 = arith.constant 1 : i32
        %select_n3A_550 = arith.select %eq3A_548, %jit3A_549, %jit3A_546 : i32
        %rem3A_551 = arith.remsi %sub3A_545, %select_n3A_550 : i32
        %ne3A_552 = arith.constant 0 : i32
        %ne3A_553 = arith.cmpi ne, %rem3A_551, %ne3A_552 : i32
        %lt3A_554 = arith.constant 0 : i32
        %lt3A_555 = arith.cmpi slt, %rem3A_551, %lt3A_554 : i32
        %lt3A_556 = arith.constant 0 : i32
        %lt3A_557 = arith.cmpi slt, %select_n3A_550, %lt3A_556 : i32
        %ne3A_558 = arith.xori %lt3A_555, %lt3A_557 : i1
        %and3A_559 = arith.andi %ne3A_558, %ne3A_553 : i1
        %add3A_560 = arith.addi %rem3A_551, %select_n3A_550 : i32
        %select_n3A_561 = arith.select %and3A_559, %add3A_560, %rem3A_551 : i32
        %dma_wait3A_562 = arith.constant 0 : i32
        %dma_wait3A_563 = arith.constant 0 : i32
        %dma_wait3A_564 = tpu.memref_slice %arg10[%select_n3A_561, %dma_wait3A_562, %dma_wait3A_563] : memref<40x128x16xf32, #tpu.memory_space<vmem>> -> memref<1x128x16xf32, #tpu.memory_space<vmem>>
        %dma_wait3A_565 = tpu.memref_squeeze %dma_wait3A_564 : memref<1x128x16xf32, #tpu.memory_space<vmem>> -> memref<128x16xf32, #tpu.memory_space<vmem>>
        %dma_wait3A_566 = arith.constant 0 : i32
        %dma_wait3A_567 = tpu.memref_slice %arg7[%sub3A_545, %dma_wait3A_566] : memref<78x128xi32, #tpu.memory_space<vmem>> -> memref<1x128xi32, #tpu.memory_space<vmem>>
        %dma_wait3A_568 = tpu.memref_squeeze %dma_wait3A_567 : memref<1x128xi32, #tpu.memory_space<vmem>> -> memref<128xi32, #tpu.memory_space<vmem>>
        %dma_wait3A_569 = arith.constant 0 : i32
        %dma_wait3A_570 = arith.constant 0 : i32
        %dma_wait3A_571 = tpu.memref_slice %arg11[%dma_wait3A_569, %dma_wait3A_570] : memref<10000x16xf32, #tpu.memory_space<vmem_shared>> -> memref<10000x16xf32, #tpu.memory_space<vmem_shared>>
        tpu.wait_indirect_dma semaphore(%arg13 : memref<!tpu.dma_semaphore, #tpu.memory_space<semaphore_mem>>) src(%dma_wait3A_565 : memref<128x16xf32, #tpu.memory_space<vmem>>) dst(%dma_wait3A_571 : memref<10000x16xf32, #tpu.memory_space<vmem_shared>>)
      } else {
      }
      %add3A_538 = arith.constant 20 : i32
      %add3A_539 = arith.addi %scan3A_503, %add3A_538 : i32
      %lt3A_540 = arith.constant 78 : i32
      %lt3A_541 = arith.cmpi slt, %add3A_539, %lt3A_540 : i32
      %convert_element_type3A_542 = arith.extui %lt3A_541 : i1 to i32
      %cond3A_543 = arith.constant 0 : i32
      %cond3A_544 = arith.cmpi ne, %convert_element_type3A_542, %cond3A_543 : i32
      scf.if %cond3A_544 {
        %add3A_545 = arith.constant 20 : i32
        %add3A_546 = arith.addi %scan3A_503, %add3A_545 : i32
        %jit3A_547 = arith.constant 40 : i32
        %eq3A_548 = arith.constant 0 : i32
        %eq3A_549 = arith.cmpi eq, %jit3A_547, %eq3A_548 : i32
        %jit3A_550 = arith.constant 1 : i32
        %select_n3A_551 = arith.select %eq3A_549, %jit3A_550, %jit3A_547 : i32
        %rem3A_552 = arith.remsi %add3A_546, %select_n3A_551 : i32
        %ne3A_553 = arith.constant 0 : i32
        %ne3A_554 = arith.cmpi ne, %rem3A_552, %ne3A_553 : i32
        %lt3A_555 = arith.constant 0 : i32
        %lt3A_556 = arith.cmpi slt, %rem3A_552, %lt3A_555 : i32
        %lt3A_557 = arith.constant 0 : i32
        %lt3A_558 = arith.cmpi slt, %select_n3A_551, %lt3A_557 : i32
        %ne3A_559 = arith.xori %lt3A_556, %lt3A_558 : i1
        %and3A_560 = arith.andi %ne3A_559, %ne3A_554 : i1
        %add3A_561 = arith.addi %rem3A_552, %select_n3A_551 : i32
        %select_n3A_562 = arith.select %and3A_560, %add3A_561, %rem3A_552 : i32
        %dma_start3A_563 = arith.constant 0 : i32
        %dma_start3A_564 = arith.constant 0 : i32
        %dma_start3A_565 = tpu.memref_slice %arg10[%select_n3A_562, %dma_start3A_563, %dma_start3A_564] : memref<40x128x16xf32, #tpu.memory_space<vmem>> -> memref<1x128x16xf32, #tpu.memory_space<vmem>>
        %dma_start3A_566 = tpu.memref_squeeze %dma_start3A_565 : memref<1x128x16xf32, #tpu.memory_space<vmem>> -> memref<128x16xf32, #tpu.memory_space<vmem>>
        %dma_start3A_567 = arith.constant 0 : i32
        %dma_start3A_568 = tpu.memref_slice %arg6[%add3A_546, %dma_start3A_567] : memref<78x128xi32, #tpu.memory_space<vmem>> -> memref<1x128xi32, #tpu.memory_space<vmem>>
        %dma_start3A_569 = tpu.memref_squeeze %dma_start3A_568 : memref<1x128xi32, #tpu.memory_space<vmem>> -> memref<128xi32, #tpu.memory_space<vmem>>
        %dma_start3A_570 = arith.constant 0 : i32
        %dma_start3A_571 = arith.constant 0 : i32
        %dma_start3A_572 = tpu.memref_slice %arg2[%dma_start3A_570, %dma_start3A_571] : memref<10000x16xf32, #tpu.memory_space<hbm>> -> memref<10000x16xf32, #tpu.memory_space<hbm>>
        tpu.enqueue_indirect_dma source(%dma_start3A_572 : memref<10000x16xf32, #tpu.memory_space<hbm>>) target(%dma_start3A_566 : memref<128x16xf32, #tpu.memory_space<vmem>>) offsets(%dma_start3A_569 : memref<128xi32, #tpu.memory_space<vmem>>) semaphore(%arg12 : memref<!tpu.dma_semaphore, #tpu.memory_space<semaphore_mem>>)
      } else {
      }
    }
    %scan3A_253 = arith.constant 78 : i32
    %dma_wait3A = arith.constant 18 : i32
    %dma_wait3A_254 = arith.constant 58 : i32
    %dma_wait3A_255 = arith.constant 0 : i32
    %dma_wait3A_256 = arith.constant 0 : i32
    %dma_wait3A_257 = tpu.memref_slice %arg10[%dma_wait3A, %dma_wait3A_255, %dma_wait3A_256] : memref<40x128x16xf32, #tpu.memory_space<vmem>> -> memref<1x128x16xf32, #tpu.memory_space<vmem>>
    %dma_wait3A_258 = tpu.memref_squeeze %dma_wait3A_257 : memref<1x128x16xf32, #tpu.memory_space<vmem>> -> memref<128x16xf32, #tpu.memory_space<vmem>>
    %dma_wait3A_259 = arith.constant 0 : i32
    %dma_wait3A_260 = tpu.memref_slice %arg7[%dma_wait3A_254, %dma_wait3A_259] : memref<78x128xi32, #tpu.memory_space<vmem>> -> memref<1x128xi32, #tpu.memory_space<vmem>>
    %dma_wait3A_261 = tpu.memref_squeeze %dma_wait3A_260 : memref<1x128xi32, #tpu.memory_space<vmem>> -> memref<128xi32, #tpu.memory_space<vmem>>
    %dma_wait3A_262 = arith.constant 0 : i32
    %dma_wait3A_263 = arith.constant 0 : i32
    %dma_wait3A_264 = tpu.memref_slice %arg11[%dma_wait3A_262, %dma_wait3A_263] : memref<10000x16xf32, #tpu.memory_space<vmem_shared>> -> memref<10000x16xf32, #tpu.memory_space<vmem_shared>>
    tpu.wait_indirect_dma semaphore(%arg13 : memref<!tpu.dma_semaphore, #tpu.memory_space<semaphore_mem>>) src(%dma_wait3A_258 : memref<128x16xf32, #tpu.memory_space<vmem>>) dst(%dma_wait3A_264 : memref<10000x16xf32, #tpu.memory_space<vmem_shared>>)
    %dma_wait3A_265 = arith.constant 19 : i32
    %dma_wait3A_266 = arith.constant 59 : i32
    %dma_wait3A_267 = arith.constant 0 : i32
    %dma_wait3A_268 = arith.constant 0 : i32
    %dma_wait3A_269 = tpu.memref_slice %arg10[%dma_wait3A_265, %dma_wait3A_267, %dma_wait3A_268] : memref<40x128x16xf32, #tpu.memory_space<vmem>> -> memref<1x128x16xf32, #tpu.memory_space<vmem>>
    %dma_wait3A_270 = tpu.memref_squeeze %dma_wait3A_269 : memref<1x128x16xf32, #tpu.memory_space<vmem>> -> memref<128x16xf32, #tpu.memory_space<vmem>>
    %dma_wait3A_271 = arith.constant 0 : i32
    %dma_wait3A_272 = tpu.memref_slice %arg7[%dma_wait3A_266, %dma_wait3A_271] : memref<78x128xi32, #tpu.memory_space<vmem>> -> memref<1x128xi32, #tpu.memory_space<vmem>>
    %dma_wait3A_273 = tpu.memref_squeeze %dma_wait3A_272 : memref<1x128xi32, #tpu.memory_space<vmem>> -> memref<128xi32, #tpu.memory_space<vmem>>
    %dma_wait3A_274 = arith.constant 0 : i32
    %dma_wait3A_275 = arith.constant 0 : i32
    %dma_wait3A_276 = tpu.memref_slice %arg11[%dma_wait3A_274, %dma_wait3A_275] : memref<10000x16xf32, #tpu.memory_space<vmem_shared>> -> memref<10000x16xf32, #tpu.memory_space<vmem_shared>>
    tpu.wait_indirect_dma semaphore(%arg13 : memref<!tpu.dma_semaphore, #tpu.memory_space<semaphore_mem>>) src(%dma_wait3A_270 : memref<128x16xf32, #tpu.memory_space<vmem>>) dst(%dma_wait3A_276 : memref<10000x16xf32, #tpu.memory_space<vmem_shared>>)
    %dma_wait3A_277 = arith.constant 20 : i32
    %dma_wait3A_278 = arith.constant 60 : i32
    %dma_wait3A_279 = arith.constant 0 : i32
    %dma_wait3A_280 = arith.constant 0 : i32
    %dma_wait3A_281 = tpu.memref_slice %arg10[%dma_wait3A_277, %dma_wait3A_279, %dma_wait3A_280] : memref<40x128x16xf32, #tpu.memory_space<vmem>> -> memref<1x128x16xf32, #tpu.memory_space<vmem>>
    %dma_wait3A_282 = tpu.memref_squeeze %dma_wait3A_281 : memref<1x128x16xf32, #tpu.memory_space<vmem>> -> memref<128x16xf32, #tpu.memory_space<vmem>>
    %dma_wait3A_283 = arith.constant 0 : i32
    %dma_wait3A_284 = tpu.memref_slice %arg7[%dma_wait3A_278, %dma_wait3A_283] : memref<78x128xi32, #tpu.memory_space<vmem>> -> memref<1x128xi32, #tpu.memory_space<vmem>>
    %dma_wait3A_285 = tpu.memref_squeeze %dma_wait3A_284 : memref<1x128xi32, #tpu.memory_space<vmem>> -> memref<128xi32, #tpu.memory_space<vmem>>
    %dma_wait3A_286 = arith.constant 0 : i32
    %dma_wait3A_287 = arith.constant 0 : i32
    %dma_wait3A_288 = tpu.memref_slice %arg11[%dma_wait3A_286, %dma_wait3A_287] : memref<10000x16xf32, #tpu.memory_space<vmem_shared>> -> memref<10000x16xf32, #tpu.memory_space<vmem_shared>>
    tpu.wait_indirect_dma semaphore(%arg13 : memref<!tpu.dma_semaphore, #tpu.memory_space<semaphore_mem>>) src(%dma_wait3A_282 : memref<128x16xf32, #tpu.memory_space<vmem>>) dst(%dma_wait3A_288 : memref<10000x16xf32, #tpu.memory_space<vmem_shared>>)
    %dma_wait3A_289 = arith.constant 21 : i32
    %dma_wait3A_290 = arith.constant 61 : i32
    %dma_wait3A_291 = arith.constant 0 : i32
    %dma_wait3A_292 = arith.constant 0 : i32
    %dma_wait3A_293 = tpu.memref_slice %arg10[%dma_wait3A_289, %dma_wait3A_291, %dma_wait3A_292] : memref<40x128x16xf32, #tpu.memory_space<vmem>> -> memref<1x128x16xf32, #tpu.memory_space<vmem>>
    %dma_wait3A_294 = tpu.memref_squeeze %dma_wait3A_293 : memref<1x128x16xf32, #tpu.memory_space<vmem>> -> memref<128x16xf32, #tpu.memory_space<vmem>>
    %dma_wait3A_295 = arith.constant 0 : i32
    %dma_wait3A_296 = tpu.memref_slice %arg7[%dma_wait3A_290, %dma_wait3A_295] : memref<78x128xi32, #tpu.memory_space<vmem>> -> memref<1x128xi32, #tpu.memory_space<vmem>>
    %dma_wait3A_297 = tpu.memref_squeeze %dma_wait3A_296 : memref<1x128xi32, #tpu.memory_space<vmem>> -> memref<128xi32, #tpu.memory_space<vmem>>
    %dma_wait3A_298 = arith.constant 0 : i32
    %dma_wait3A_299 = arith.constant 0 : i32
    %dma_wait3A_300 = tpu.memref_slice %arg11[%dma_wait3A_298, %dma_wait3A_299] : memref<10000x16xf32, #tpu.memory_space<vmem_shared>> -> memref<10000x16xf32, #tpu.memory_space<vmem_shared>>
    tpu.wait_indirect_dma semaphore(%arg13 : memref<!tpu.dma_semaphore, #tpu.memory_space<semaphore_mem>>) src(%dma_wait3A_294 : memref<128x16xf32, #tpu.memory_space<vmem>>) dst(%dma_wait3A_300 : memref<10000x16xf32, #tpu.memory_space<vmem_shared>>)
    %dma_wait3A_301 = arith.constant 22 : i32
    %dma_wait3A_302 = arith.constant 62 : i32
    %dma_wait3A_303 = arith.constant 0 : i32
    %dma_wait3A_304 = arith.constant 0 : i32
    %dma_wait3A_305 = tpu.memref_slice %arg10[%dma_wait3A_301, %dma_wait3A_303, %dma_wait3A_304] : memref<40x128x16xf32, #tpu.memory_space<vmem>> -> memref<1x128x16xf32, #tpu.memory_space<vmem>>
    %dma_wait3A_306 = tpu.memref_squeeze %dma_wait3A_305 : memref<1x128x16xf32, #tpu.memory_space<vmem>> -> memref<128x16xf32, #tpu.memory_space<vmem>>
    %dma_wait3A_307 = arith.constant 0 : i32
    %dma_wait3A_308 = tpu.memref_slice %arg7[%dma_wait3A_302, %dma_wait3A_307] : memref<78x128xi32, #tpu.memory_space<vmem>> -> memref<1x128xi32, #tpu.memory_space<vmem>>
    %dma_wait3A_309 = tpu.memref_squeeze %dma_wait3A_308 : memref<1x128xi32, #tpu.memory_space<vmem>> -> memref<128xi32, #tpu.memory_space<vmem>>
    %dma_wait3A_310 = arith.constant 0 : i32
    %dma_wait3A_311 = arith.constant 0 : i32
    %dma_wait3A_312 = tpu.memref_slice %arg11[%dma_wait3A_310, %dma_wait3A_311] : memref<10000x16xf32, #tpu.memory_space<vmem_shared>> -> memref<10000x16xf32, #tpu.memory_space<vmem_shared>>
    tpu.wait_indirect_dma semaphore(%arg13 : memref<!tpu.dma_semaphore, #tpu.memory_space<semaphore_mem>>) src(%dma_wait3A_306 : memref<128x16xf32, #tpu.memory_space<vmem>>) dst(%dma_wait3A_312 : memref<10000x16xf32, #tpu.memory_space<vmem_shared>>)
    %dma_wait3A_313 = arith.constant 23 : i32
    %dma_wait3A_314 = arith.constant 63 : i32
    %dma_wait3A_315 = arith.constant 0 : i32
    %dma_wait3A_316 = arith.constant 0 : i32
    %dma_wait3A_317 = tpu.memref_slice %arg10[%dma_wait3A_313, %dma_wait3A_315, %dma_wait3A_316] : memref<40x128x16xf32, #tpu.memory_space<vmem>> -> memref<1x128x16xf32, #tpu.memory_space<vmem>>
    %dma_wait3A_318 = tpu.memref_squeeze %dma_wait3A_317 : memref<1x128x16xf32, #tpu.memory_space<vmem>> -> memref<128x16xf32, #tpu.memory_space<vmem>>
    %dma_wait3A_319 = arith.constant 0 : i32
    %dma_wait3A_320 = tpu.memref_slice %arg7[%dma_wait3A_314, %dma_wait3A_319] : memref<78x128xi32, #tpu.memory_space<vmem>> -> memref<1x128xi32, #tpu.memory_space<vmem>>
    %dma_wait3A_321 = tpu.memref_squeeze %dma_wait3A_320 : memref<1x128xi32, #tpu.memory_space<vmem>> -> memref<128xi32, #tpu.memory_space<vmem>>
    %dma_wait3A_322 = arith.constant 0 : i32
    %dma_wait3A_323 = arith.constant 0 : i32
    %dma_wait3A_324 = tpu.memref_slice %arg11[%dma_wait3A_322, %dma_wait3A_323] : memref<10000x16xf32, #tpu.memory_space<vmem_shared>> -> memref<10000x16xf32, #tpu.memory_space<vmem_shared>>
    tpu.wait_indirect_dma semaphore(%arg13 : memref<!tpu.dma_semaphore, #tpu.memory_space<semaphore_mem>>) src(%dma_wait3A_318 : memref<128x16xf32, #tpu.memory_space<vmem>>) dst(%dma_wait3A_324 : memref<10000x16xf32, #tpu.memory_space<vmem_shared>>)
    %dma_wait3A_325 = arith.constant 24 : i32
    %dma_wait3A_326 = arith.constant 64 : i32
    %dma_wait3A_327 = arith.constant 0 : i32
    %dma_wait3A_328 = arith.constant 0 : i32
    %dma_wait3A_329 = tpu.memref_slice %arg10[%dma_wait3A_325, %dma_wait3A_327, %dma_wait3A_328] : memref<40x128x16xf32, #tpu.memory_space<vmem>> -> memref<1x128x16xf32, #tpu.memory_space<vmem>>
    %dma_wait3A_330 = tpu.memref_squeeze %dma_wait3A_329 : memref<1x128x16xf32, #tpu.memory_space<vmem>> -> memref<128x16xf32, #tpu.memory_space<vmem>>
    %dma_wait3A_331 = arith.constant 0 : i32
    %dma_wait3A_332 = tpu.memref_slice %arg7[%dma_wait3A_326, %dma_wait3A_331] : memref<78x128xi32, #tpu.memory_space<vmem>> -> memref<1x128xi32, #tpu.memory_space<vmem>>
    %dma_wait3A_333 = tpu.memref_squeeze %dma_wait3A_332 : memref<1x128xi32, #tpu.memory_space<vmem>> -> memref<128xi32, #tpu.memory_space<vmem>>
    %dma_wait3A_334 = arith.constant 0 : i32
    %dma_wait3A_335 = arith.constant 0 : i32
    %dma_wait3A_336 = tpu.memref_slice %arg11[%dma_wait3A_334, %dma_wait3A_335] : memref<10000x16xf32, #tpu.memory_space<vmem_shared>> -> memref<10000x16xf32, #tpu.memory_space<vmem_shared>>
    tpu.wait_indirect_dma semaphore(%arg13 : memref<!tpu.dma_semaphore, #tpu.memory_space<semaphore_mem>>) src(%dma_wait3A_330 : memref<128x16xf32, #tpu.memory_space<vmem>>) dst(%dma_wait3A_336 : memref<10000x16xf32, #tpu.memory_space<vmem_shared>>)
    %dma_wait3A_337 = arith.constant 25 : i32
    %dma_wait3A_338 = arith.constant 65 : i32
    %dma_wait3A_339 = arith.constant 0 : i32
    %dma_wait3A_340 = arith.constant 0 : i32
    %dma_wait3A_341 = tpu.memref_slice %arg10[%dma_wait3A_337, %dma_wait3A_339, %dma_wait3A_340] : memref<40x128x16xf32, #tpu.memory_space<vmem>> -> memref<1x128x16xf32, #tpu.memory_space<vmem>>
    %dma_wait3A_342 = tpu.memref_squeeze %dma_wait3A_341 : memref<1x128x16xf32, #tpu.memory_space<vmem>> -> memref<128x16xf32, #tpu.memory_space<vmem>>
    %dma_wait3A_343 = arith.constant 0 : i32
    %dma_wait3A_344 = tpu.memref_slice %arg7[%dma_wait3A_338, %dma_wait3A_343] : memref<78x128xi32, #tpu.memory_space<vmem>> -> memref<1x128xi32, #tpu.memory_space<vmem>>
    %dma_wait3A_345 = tpu.memref_squeeze %dma_wait3A_344 : memref<1x128xi32, #tpu.memory_space<vmem>> -> memref<128xi32, #tpu.memory_space<vmem>>
    %dma_wait3A_346 = arith.constant 0 : i32
    %dma_wait3A_347 = arith.constant 0 : i32
    %dma_wait3A_348 = tpu.memref_slice %arg11[%dma_wait3A_346, %dma_wait3A_347] : memref<10000x16xf32, #tpu.memory_space<vmem_shared>> -> memref<10000x16xf32, #tpu.memory_space<vmem_shared>>
    tpu.wait_indirect_dma semaphore(%arg13 : memref<!tpu.dma_semaphore, #tpu.memory_space<semaphore_mem>>) src(%dma_wait3A_342 : memref<128x16xf32, #tpu.memory_space<vmem>>) dst(%dma_wait3A_348 : memref<10000x16xf32, #tpu.memory_space<vmem_shared>>)
    %dma_wait3A_349 = arith.constant 26 : i32
    %dma_wait3A_350 = arith.constant 66 : i32
    %dma_wait3A_351 = arith.constant 0 : i32
    %dma_wait3A_352 = arith.constant 0 : i32
    %dma_wait3A_353 = tpu.memref_slice %arg10[%dma_wait3A_349, %dma_wait3A_351, %dma_wait3A_352] : memref<40x128x16xf32, #tpu.memory_space<vmem>> -> memref<1x128x16xf32, #tpu.memory_space<vmem>>
    %dma_wait3A_354 = tpu.memref_squeeze %dma_wait3A_353 : memref<1x128x16xf32, #tpu.memory_space<vmem>> -> memref<128x16xf32, #tpu.memory_space<vmem>>
    %dma_wait3A_355 = arith.constant 0 : i32
    %dma_wait3A_356 = tpu.memref_slice %arg7[%dma_wait3A_350, %dma_wait3A_355] : memref<78x128xi32, #tpu.memory_space<vmem>> -> memref<1x128xi32, #tpu.memory_space<vmem>>
    %dma_wait3A_357 = tpu.memref_squeeze %dma_wait3A_356 : memref<1x128xi32, #tpu.memory_space<vmem>> -> memref<128xi32, #tpu.memory_space<vmem>>
    %dma_wait3A_358 = arith.constant 0 : i32
    %dma_wait3A_359 = arith.constant 0 : i32
    %dma_wait3A_360 = tpu.memref_slice %arg11[%dma_wait3A_358, %dma_wait3A_359] : memref<10000x16xf32, #tpu.memory_space<vmem_shared>> -> memref<10000x16xf32, #tpu.memory_space<vmem_shared>>
    tpu.wait_indirect_dma semaphore(%arg13 : memref<!tpu.dma_semaphore, #tpu.memory_space<semaphore_mem>>) src(%dma_wait3A_354 : memref<128x16xf32, #tpu.memory_space<vmem>>) dst(%dma_wait3A_360 : memref<10000x16xf32, #tpu.memory_space<vmem_shared>>)
    %dma_wait3A_361 = arith.constant 27 : i32
    %dma_wait3A_362 = arith.constant 67 : i32
    %dma_wait3A_363 = arith.constant 0 : i32
    %dma_wait3A_364 = arith.constant 0 : i32
    %dma_wait3A_365 = tpu.memref_slice %arg10[%dma_wait3A_361, %dma_wait3A_363, %dma_wait3A_364] : memref<40x128x16xf32, #tpu.memory_space<vmem>> -> memref<1x128x16xf32, #tpu.memory_space<vmem>>
    %dma_wait3A_366 = tpu.memref_squeeze %dma_wait3A_365 : memref<1x128x16xf32, #tpu.memory_space<vmem>> -> memref<128x16xf32, #tpu.memory_space<vmem>>
    %dma_wait3A_367 = arith.constant 0 : i32
    %dma_wait3A_368 = tpu.memref_slice %arg7[%dma_wait3A_362, %dma_wait3A_367] : memref<78x128xi32, #tpu.memory_space<vmem>> -> memref<1x128xi32, #tpu.memory_space<vmem>>
    %dma_wait3A_369 = tpu.memref_squeeze %dma_wait3A_368 : memref<1x128xi32, #tpu.memory_space<vmem>> -> memref<128xi32, #tpu.memory_space<vmem>>
    %dma_wait3A_370 = arith.constant 0 : i32
    %dma_wait3A_371 = arith.constant 0 : i32
    %dma_wait3A_372 = tpu.memref_slice %arg11[%dma_wait3A_370, %dma_wait3A_371] : memref<10000x16xf32, #tpu.memory_space<vmem_shared>> -> memref<10000x16xf32, #tpu.memory_space<vmem_shared>>
    tpu.wait_indirect_dma semaphore(%arg13 : memref<!tpu.dma_semaphore, #tpu.memory_space<semaphore_mem>>) src(%dma_wait3A_366 : memref<128x16xf32, #tpu.memory_space<vmem>>) dst(%dma_wait3A_372 : memref<10000x16xf32, #tpu.memory_space<vmem_shared>>)
    %dma_wait3A_373 = arith.constant 28 : i32
    %dma_wait3A_374 = arith.constant 68 : i32
    %dma_wait3A_375 = arith.constant 0 : i32
    %dma_wait3A_376 = arith.constant 0 : i32
    %dma_wait3A_377 = tpu.memref_slice %arg10[%dma_wait3A_373, %dma_wait3A_375, %dma_wait3A_376] : memref<40x128x16xf32, #tpu.memory_space<vmem>> -> memref<1x128x16xf32, #tpu.memory_space<vmem>>
    %dma_wait3A_378 = tpu.memref_squeeze %dma_wait3A_377 : memref<1x128x16xf32, #tpu.memory_space<vmem>> -> memref<128x16xf32, #tpu.memory_space<vmem>>
    %dma_wait3A_379 = arith.constant 0 : i32
    %dma_wait3A_380 = tpu.memref_slice %arg7[%dma_wait3A_374, %dma_wait3A_379] : memref<78x128xi32, #tpu.memory_space<vmem>> -> memref<1x128xi32, #tpu.memory_space<vmem>>
    %dma_wait3A_381 = tpu.memref_squeeze %dma_wait3A_380 : memref<1x128xi32, #tpu.memory_space<vmem>> -> memref<128xi32, #tpu.memory_space<vmem>>
    %dma_wait3A_382 = arith.constant 0 : i32
    %dma_wait3A_383 = arith.constant 0 : i32
    %dma_wait3A_384 = tpu.memref_slice %arg11[%dma_wait3A_382, %dma_wait3A_383] : memref<10000x16xf32, #tpu.memory_space<vmem_shared>> -> memref<10000x16xf32, #tpu.memory_space<vmem_shared>>
    tpu.wait_indirect_dma semaphore(%arg13 : memref<!tpu.dma_semaphore, #tpu.memory_space<semaphore_mem>>) src(%dma_wait3A_378 : memref<128x16xf32, #tpu.memory_space<vmem>>) dst(%dma_wait3A_384 : memref<10000x16xf32, #tpu.memory_space<vmem_shared>>)
    %dma_wait3A_385 = arith.constant 29 : i32
    %dma_wait3A_386 = arith.constant 69 : i32
    %dma_wait3A_387 = arith.constant 0 : i32
    %dma_wait3A_388 = arith.constant 0 : i32
    %dma_wait3A_389 = tpu.memref_slice %arg10[%dma_wait3A_385, %dma_wait3A_387, %dma_wait3A_388] : memref<40x128x16xf32, #tpu.memory_space<vmem>> -> memref<1x128x16xf32, #tpu.memory_space<vmem>>
    %dma_wait3A_390 = tpu.memref_squeeze %dma_wait3A_389 : memref<1x128x16xf32, #tpu.memory_space<vmem>> -> memref<128x16xf32, #tpu.memory_space<vmem>>
    %dma_wait3A_391 = arith.constant 0 : i32
    %dma_wait3A_392 = tpu.memref_slice %arg7[%dma_wait3A_386, %dma_wait3A_391] : memref<78x128xi32, #tpu.memory_space<vmem>> -> memref<1x128xi32, #tpu.memory_space<vmem>>
    %dma_wait3A_393 = tpu.memref_squeeze %dma_wait3A_392 : memref<1x128xi32, #tpu.memory_space<vmem>> -> memref<128xi32, #tpu.memory_space<vmem>>
    %dma_wait3A_394 = arith.constant 0 : i32
    %dma_wait3A_395 = arith.constant 0 : i32
    %dma_wait3A_396 = tpu.memref_slice %arg11[%dma_wait3A_394, %dma_wait3A_395] : memref<10000x16xf32, #tpu.memory_space<vmem_shared>> -> memref<10000x16xf32, #tpu.memory_space<vmem_shared>>
    tpu.wait_indirect_dma semaphore(%arg13 : memref<!tpu.dma_semaphore, #tpu.memory_space<semaphore_mem>>) src(%dma_wait3A_390 : memref<128x16xf32, #tpu.memory_space<vmem>>) dst(%dma_wait3A_396 : memref<10000x16xf32, #tpu.memory_space<vmem_shared>>)
    %dma_wait3A_397 = arith.constant 30 : i32
    %dma_wait3A_398 = arith.constant 70 : i32
    %dma_wait3A_399 = arith.constant 0 : i32
    %dma_wait3A_400 = arith.constant 0 : i32
    %dma_wait3A_401 = tpu.memref_slice %arg10[%dma_wait3A_397, %dma_wait3A_399, %dma_wait3A_400] : memref<40x128x16xf32, #tpu.memory_space<vmem>> -> memref<1x128x16xf32, #tpu.memory_space<vmem>>
    %dma_wait3A_402 = tpu.memref_squeeze %dma_wait3A_401 : memref<1x128x16xf32, #tpu.memory_space<vmem>> -> memref<128x16xf32, #tpu.memory_space<vmem>>
    %dma_wait3A_403 = arith.constant 0 : i32
    %dma_wait3A_404 = tpu.memref_slice %arg7[%dma_wait3A_398, %dma_wait3A_403] : memref<78x128xi32, #tpu.memory_space<vmem>> -> memref<1x128xi32, #tpu.memory_space<vmem>>
    %dma_wait3A_405 = tpu.memref_squeeze %dma_wait3A_404 : memref<1x128xi32, #tpu.memory_space<vmem>> -> memref<128xi32, #tpu.memory_space<vmem>>
    %dma_wait3A_406 = arith.constant 0 : i32
    %dma_wait3A_407 = arith.constant 0 : i32
    %dma_wait3A_408 = tpu.memref_slice %arg11[%dma_wait3A_406, %dma_wait3A_407] : memref<10000x16xf32, #tpu.memory_space<vmem_shared>> -> memref<10000x16xf32, #tpu.memory_space<vmem_shared>>
    tpu.wait_indirect_dma semaphore(%arg13 : memref<!tpu.dma_semaphore, #tpu.memory_space<semaphore_mem>>) src(%dma_wait3A_402 : memref<128x16xf32, #tpu.memory_space<vmem>>) dst(%dma_wait3A_408 : memref<10000x16xf32, #tpu.memory_space<vmem_shared>>)
    %dma_wait3A_409 = arith.constant 31 : i32
    %dma_wait3A_410 = arith.constant 71 : i32
    %dma_wait3A_411 = arith.constant 0 : i32
    %dma_wait3A_412 = arith.constant 0 : i32
    %dma_wait3A_413 = tpu.memref_slice %arg10[%dma_wait3A_409, %dma_wait3A_411, %dma_wait3A_412] : memref<40x128x16xf32, #tpu.memory_space<vmem>> -> memref<1x128x16xf32, #tpu.memory_space<vmem>>
    %dma_wait3A_414 = tpu.memref_squeeze %dma_wait3A_413 : memref<1x128x16xf32, #tpu.memory_space<vmem>> -> memref<128x16xf32, #tpu.memory_space<vmem>>
    %dma_wait3A_415 = arith.constant 0 : i32
    %dma_wait3A_416 = tpu.memref_slice %arg7[%dma_wait3A_410, %dma_wait3A_415] : memref<78x128xi32, #tpu.memory_space<vmem>> -> memref<1x128xi32, #tpu.memory_space<vmem>>
    %dma_wait3A_417 = tpu.memref_squeeze %dma_wait3A_416 : memref<1x128xi32, #tpu.memory_space<vmem>> -> memref<128xi32, #tpu.memory_space<vmem>>
    %dma_wait3A_418 = arith.constant 0 : i32
    %dma_wait3A_419 = arith.constant 0 : i32
    %dma_wait3A_420 = tpu.memref_slice %arg11[%dma_wait3A_418, %dma_wait3A_419] : memref<10000x16xf32, #tpu.memory_space<vmem_shared>> -> memref<10000x16xf32, #tpu.memory_space<vmem_shared>>
    tpu.wait_indirect_dma semaphore(%arg13 : memref<!tpu.dma_semaphore, #tpu.memory_space<semaphore_mem>>) src(%dma_wait3A_414 : memref<128x16xf32, #tpu.memory_space<vmem>>) dst(%dma_wait3A_420 : memref<10000x16xf32, #tpu.memory_space<vmem_shared>>)
    %dma_wait3A_421 = arith.constant 32 : i32
    %dma_wait3A_422 = arith.constant 72 : i32
    %dma_wait3A_423 = arith.constant 0 : i32
    %dma_wait3A_424 = arith.constant 0 : i32
    %dma_wait3A_425 = tpu.memref_slice %arg10[%dma_wait3A_421, %dma_wait3A_423, %dma_wait3A_424] : memref<40x128x16xf32, #tpu.memory_space<vmem>> -> memref<1x128x16xf32, #tpu.memory_space<vmem>>
    %dma_wait3A_426 = tpu.memref_squeeze %dma_wait3A_425 : memref<1x128x16xf32, #tpu.memory_space<vmem>> -> memref<128x16xf32, #tpu.memory_space<vmem>>
    %dma_wait3A_427 = arith.constant 0 : i32
    %dma_wait3A_428 = tpu.memref_slice %arg7[%dma_wait3A_422, %dma_wait3A_427] : memref<78x128xi32, #tpu.memory_space<vmem>> -> memref<1x128xi32, #tpu.memory_space<vmem>>
    %dma_wait3A_429 = tpu.memref_squeeze %dma_wait3A_428 : memref<1x128xi32, #tpu.memory_space<vmem>> -> memref<128xi32, #tpu.memory_space<vmem>>
    %dma_wait3A_430 = arith.constant 0 : i32
    %dma_wait3A_431 = arith.constant 0 : i32
    %dma_wait3A_432 = tpu.memref_slice %arg11[%dma_wait3A_430, %dma_wait3A_431] : memref<10000x16xf32, #tpu.memory_space<vmem_shared>> -> memref<10000x16xf32, #tpu.memory_space<vmem_shared>>
    tpu.wait_indirect_dma semaphore(%arg13 : memref<!tpu.dma_semaphore, #tpu.memory_space<semaphore_mem>>) src(%dma_wait3A_426 : memref<128x16xf32, #tpu.memory_space<vmem>>) dst(%dma_wait3A_432 : memref<10000x16xf32, #tpu.memory_space<vmem_shared>>)
    %dma_wait3A_433 = arith.constant 33 : i32
    %dma_wait3A_434 = arith.constant 73 : i32
    %dma_wait3A_435 = arith.constant 0 : i32
    %dma_wait3A_436 = arith.constant 0 : i32
    %dma_wait3A_437 = tpu.memref_slice %arg10[%dma_wait3A_433, %dma_wait3A_435, %dma_wait3A_436] : memref<40x128x16xf32, #tpu.memory_space<vmem>> -> memref<1x128x16xf32, #tpu.memory_space<vmem>>
    %dma_wait3A_438 = tpu.memref_squeeze %dma_wait3A_437 : memref<1x128x16xf32, #tpu.memory_space<vmem>> -> memref<128x16xf32, #tpu.memory_space<vmem>>
    %dma_wait3A_439 = arith.constant 0 : i32
    %dma_wait3A_440 = tpu.memref_slice %arg7[%dma_wait3A_434, %dma_wait3A_439] : memref<78x128xi32, #tpu.memory_space<vmem>> -> memref<1x128xi32, #tpu.memory_space<vmem>>
    %dma_wait3A_441 = tpu.memref_squeeze %dma_wait3A_440 : memref<1x128xi32, #tpu.memory_space<vmem>> -> memref<128xi32, #tpu.memory_space<vmem>>
    %dma_wait3A_442 = arith.constant 0 : i32
    %dma_wait3A_443 = arith.constant 0 : i32
    %dma_wait3A_444 = tpu.memref_slice %arg11[%dma_wait3A_442, %dma_wait3A_443] : memref<10000x16xf32, #tpu.memory_space<vmem_shared>> -> memref<10000x16xf32, #tpu.memory_space<vmem_shared>>
    tpu.wait_indirect_dma semaphore(%arg13 : memref<!tpu.dma_semaphore, #tpu.memory_space<semaphore_mem>>) src(%dma_wait3A_438 : memref<128x16xf32, #tpu.memory_space<vmem>>) dst(%dma_wait3A_444 : memref<10000x16xf32, #tpu.memory_space<vmem_shared>>)
    %dma_wait3A_445 = arith.constant 34 : i32
    %dma_wait3A_446 = arith.constant 74 : i32
    %dma_wait3A_447 = arith.constant 0 : i32
    %dma_wait3A_448 = arith.constant 0 : i32
    %dma_wait3A_449 = tpu.memref_slice %arg10[%dma_wait3A_445, %dma_wait3A_447, %dma_wait3A_448] : memref<40x128x16xf32, #tpu.memory_space<vmem>> -> memref<1x128x16xf32, #tpu.memory_space<vmem>>
    %dma_wait3A_450 = tpu.memref_squeeze %dma_wait3A_449 : memref<1x128x16xf32, #tpu.memory_space<vmem>> -> memref<128x16xf32, #tpu.memory_space<vmem>>
    %dma_wait3A_451 = arith.constant 0 : i32
    %dma_wait3A_452 = tpu.memref_slice %arg7[%dma_wait3A_446, %dma_wait3A_451] : memref<78x128xi32, #tpu.memory_space<vmem>> -> memref<1x128xi32, #tpu.memory_space<vmem>>
    %dma_wait3A_453 = tpu.memref_squeeze %dma_wait3A_452 : memref<1x128xi32, #tpu.memory_space<vmem>> -> memref<128xi32, #tpu.memory_space<vmem>>
    %dma_wait3A_454 = arith.constant 0 : i32
    %dma_wait3A_455 = arith.constant 0 : i32
    %dma_wait3A_456 = tpu.memref_slice %arg11[%dma_wait3A_454, %dma_wait3A_455] : memref<10000x16xf32, #tpu.memory_space<vmem_shared>> -> memref<10000x16xf32, #tpu.memory_space<vmem_shared>>
    tpu.wait_indirect_dma semaphore(%arg13 : memref<!tpu.dma_semaphore, #tpu.memory_space<semaphore_mem>>) src(%dma_wait3A_450 : memref<128x16xf32, #tpu.memory_space<vmem>>) dst(%dma_wait3A_456 : memref<10000x16xf32, #tpu.memory_space<vmem_shared>>)
    %dma_wait3A_457 = arith.constant 35 : i32
    %dma_wait3A_458 = arith.constant 75 : i32
    %dma_wait3A_459 = arith.constant 0 : i32
    %dma_wait3A_460 = arith.constant 0 : i32
    %dma_wait3A_461 = tpu.memref_slice %arg10[%dma_wait3A_457, %dma_wait3A_459, %dma_wait3A_460] : memref<40x128x16xf32, #tpu.memory_space<vmem>> -> memref<1x128x16xf32, #tpu.memory_space<vmem>>
    %dma_wait3A_462 = tpu.memref_squeeze %dma_wait3A_461 : memref<1x128x16xf32, #tpu.memory_space<vmem>> -> memref<128x16xf32, #tpu.memory_space<vmem>>
    %dma_wait3A_463 = arith.constant 0 : i32
    %dma_wait3A_464 = tpu.memref_slice %arg7[%dma_wait3A_458, %dma_wait3A_463] : memref<78x128xi32, #tpu.memory_space<vmem>> -> memref<1x128xi32, #tpu.memory_space<vmem>>
    %dma_wait3A_465 = tpu.memref_squeeze %dma_wait3A_464 : memref<1x128xi32, #tpu.memory_space<vmem>> -> memref<128xi32, #tpu.memory_space<vmem>>
    %dma_wait3A_466 = arith.constant 0 : i32
    %dma_wait3A_467 = arith.constant 0 : i32
    %dma_wait3A_468 = tpu.memref_slice %arg11[%dma_wait3A_466, %dma_wait3A_467] : memref<10000x16xf32, #tpu.memory_space<vmem_shared>> -> memref<10000x16xf32, #tpu.memory_space<vmem_shared>>
    tpu.wait_indirect_dma semaphore(%arg13 : memref<!tpu.dma_semaphore, #tpu.memory_space<semaphore_mem>>) src(%dma_wait3A_462 : memref<128x16xf32, #tpu.memory_space<vmem>>) dst(%dma_wait3A_468 : memref<10000x16xf32, #tpu.memory_space<vmem_shared>>)
    %dma_wait3A_469 = arith.constant 36 : i32
    %dma_wait3A_470 = arith.constant 76 : i32
    %dma_wait3A_471 = arith.constant 0 : i32
    %dma_wait3A_472 = arith.constant 0 : i32
    %dma_wait3A_473 = tpu.memref_slice %arg10[%dma_wait3A_469, %dma_wait3A_471, %dma_wait3A_472] : memref<40x128x16xf32, #tpu.memory_space<vmem>> -> memref<1x128x16xf32, #tpu.memory_space<vmem>>
    %dma_wait3A_474 = tpu.memref_squeeze %dma_wait3A_473 : memref<1x128x16xf32, #tpu.memory_space<vmem>> -> memref<128x16xf32, #tpu.memory_space<vmem>>
    %dma_wait3A_475 = arith.constant 0 : i32
    %dma_wait3A_476 = tpu.memref_slice %arg7[%dma_wait3A_470, %dma_wait3A_475] : memref<78x128xi32, #tpu.memory_space<vmem>> -> memref<1x128xi32, #tpu.memory_space<vmem>>
    %dma_wait3A_477 = tpu.memref_squeeze %dma_wait3A_476 : memref<1x128xi32, #tpu.memory_space<vmem>> -> memref<128xi32, #tpu.memory_space<vmem>>
    %dma_wait3A_478 = arith.constant 0 : i32
    %dma_wait3A_479 = arith.constant 0 : i32
    %dma_wait3A_480 = tpu.memref_slice %arg11[%dma_wait3A_478, %dma_wait3A_479] : memref<10000x16xf32, #tpu.memory_space<vmem_shared>> -> memref<10000x16xf32, #tpu.memory_space<vmem_shared>>
    tpu.wait_indirect_dma semaphore(%arg13 : memref<!tpu.dma_semaphore, #tpu.memory_space<semaphore_mem>>) src(%dma_wait3A_474 : memref<128x16xf32, #tpu.memory_space<vmem>>) dst(%dma_wait3A_480 : memref<10000x16xf32, #tpu.memory_space<vmem_shared>>)
    %dma_wait3A_481 = arith.constant 37 : i32
    %dma_wait3A_482 = arith.constant 77 : i32
    %dma_wait3A_483 = arith.constant 0 : i32
    %dma_wait3A_484 = arith.constant 0 : i32
    %dma_wait3A_485 = tpu.memref_slice %arg10[%dma_wait3A_481, %dma_wait3A_483, %dma_wait3A_484] : memref<40x128x16xf32, #tpu.memory_space<vmem>> -> memref<1x128x16xf32, #tpu.memory_space<vmem>>
    %dma_wait3A_486 = tpu.memref_squeeze %dma_wait3A_485 : memref<1x128x16xf32, #tpu.memory_space<vmem>> -> memref<128x16xf32, #tpu.memory_space<vmem>>
    %dma_wait3A_487 = arith.constant 0 : i32
    %dma_wait3A_488 = tpu.memref_slice %arg7[%dma_wait3A_482, %dma_wait3A_487] : memref<78x128xi32, #tpu.memory_space<vmem>> -> memref<1x128xi32, #tpu.memory_space<vmem>>
    %dma_wait3A_489 = tpu.memref_squeeze %dma_wait3A_488 : memref<1x128xi32, #tpu.memory_space<vmem>> -> memref<128xi32, #tpu.memory_space<vmem>>
    %dma_wait3A_490 = arith.constant 0 : i32
    %dma_wait3A_491 = arith.constant 0 : i32
    %dma_wait3A_492 = tpu.memref_slice %arg11[%dma_wait3A_490, %dma_wait3A_491] : memref<10000x16xf32, #tpu.memory_space<vmem_shared>> -> memref<10000x16xf32, #tpu.memory_space<vmem_shared>>
    tpu.wait_indirect_dma semaphore(%arg13 : memref<!tpu.dma_semaphore, #tpu.memory_space<semaphore_mem>>) src(%dma_wait3A_486 : memref<128x16xf32, #tpu.memory_space<vmem>>) dst(%dma_wait3A_492 : memref<10000x16xf32, #tpu.memory_space<vmem_shared>>)
    %lt3A_493 = arith.constant 4 : i32
    %lt3A_494 = arith.cmpi slt, %add3A, %lt3A_493 : i32
    %convert_element_type3A_495 = arith.extui %lt3A_494 : i1 to i32
    %cond3A_496 = arith.constant 0 : i32
    %cond3A_497 = arith.cmpi ne, %convert_element_type3A_495, %cond3A_496 : i32
    scf.if %cond3A_497 {
      %dma_start3A_503 = arith.constant 0 : i32
      %dma_start3A_504 = arith.constant 0 : i32
      %dma_start3A_505 = arith.constant 0 : i32
      %dma_start3A_506 = arith.constant 0 : i32
      %dma_start3A_507 = tpu.memref_slice %arg10[%dma_start3A_504, %dma_start3A_505, %dma_start3A_506] : memref<40x128x16xf32, #tpu.memory_space<vmem>> -> memref<1x128x16xf32, #tpu.memory_space<vmem>>
      %dma_start3A_508 = tpu.memref_squeeze %dma_start3A_507 : memref<1x128x16xf32, #tpu.memory_space<vmem>> -> memref<128x16xf32, #tpu.memory_space<vmem>>
      %dma_start3A_509 = arith.constant 0 : i32
      %dma_start3A_510 = tpu.memref_slice %arg8[%dma_start3A_503, %dma_start3A_509] : memref<1x128xi32, #tpu.memory_space<vmem>> -> memref<1x128xi32, #tpu.memory_space<vmem>>
      %dma_start3A_511 = tpu.memref_squeeze %dma_start3A_510 : memref<1x128xi32, #tpu.memory_space<vmem>> -> memref<128xi32, #tpu.memory_space<vmem>>
      %dma_start3A_512 = arith.constant 0 : i32
      %dma_start3A_513 = arith.constant 0 : i32
      %dma_start3A_514 = tpu.memref_slice %arg2[%dma_start3A_512, %dma_start3A_513] : memref<10000x16xf32, #tpu.memory_space<hbm>> -> memref<10000x16xf32, #tpu.memory_space<hbm>>
      tpu.enqueue_indirect_dma source(%dma_start3A_514 : memref<10000x16xf32, #tpu.memory_space<hbm>>) target(%dma_start3A_508 : memref<128x16xf32, #tpu.memory_space<vmem>>) offsets(%dma_start3A_511 : memref<128xi32, #tpu.memory_space<vmem>>) semaphore(%arg12 : memref<!tpu.dma_semaphore, #tpu.memory_space<semaphore_mem>>)
      %dma_wait3A_515 = arith.constant 0 : i32
      %dma_wait3A_516 = arith.constant 0 : i32
      %dma_wait3A_517 = arith.constant 0 : i32
      %dma_wait3A_518 = arith.constant 0 : i32
      %dma_wait3A_519 = tpu.memref_slice %arg10[%dma_wait3A_516, %dma_wait3A_517, %dma_wait3A_518] : memref<40x128x16xf32, #tpu.memory_space<vmem>> -> memref<1x128x16xf32, #tpu.memory_space<vmem>>
      %dma_wait3A_520 = tpu.memref_squeeze %dma_wait3A_519 : memref<1x128x16xf32, #tpu.memory_space<vmem>> -> memref<128x16xf32, #tpu.memory_space<vmem>>
      %dma_wait3A_521 = arith.constant 0 : i32
      %dma_wait3A_522 = tpu.memref_slice %arg8[%dma_wait3A_515, %dma_wait3A_521] : memref<1x128xi32, #tpu.memory_space<vmem>> -> memref<1x128xi32, #tpu.memory_space<vmem>>
      %dma_wait3A_523 = tpu.memref_squeeze %dma_wait3A_522 : memref<1x128xi32, #tpu.memory_space<vmem>> -> memref<128xi32, #tpu.memory_space<vmem>>
      %dma_wait3A_524 = arith.constant 0 : i32
      %dma_wait3A_525 = arith.constant 0 : i32
      %dma_wait3A_526 = tpu.memref_slice %arg2[%dma_wait3A_524, %dma_wait3A_525] : memref<10000x16xf32, #tpu.memory_space<hbm>> -> memref<10000x16xf32, #tpu.memory_space<hbm>>
      tpu.wait_indirect_dma semaphore(%arg12 : memref<!tpu.dma_semaphore, #tpu.memory_space<semaphore_mem>>) src(%dma_wait3A_526 : memref<10000x16xf32, #tpu.memory_space<hbm>>) dst(%dma_wait3A_520 : memref<128x16xf32, #tpu.memory_space<vmem>>)
      %dma_start3A_527 = arith.constant 0 : i32
      %dma_start3A_528 = arith.constant 0 : i32
      %dma_start3A_529 = arith.constant 0 : i32
      %dma_start3A_530 = arith.constant 0 : i32
      %dma_start3A_531 = tpu.memref_slice %arg10[%dma_start3A_527, %dma_start3A_529, %dma_start3A_530] : memref<40x128x16xf32, #tpu.memory_space<vmem>> -> memref<1x128x16xf32, #tpu.memory_space<vmem>>
      %dma_start3A_532 = tpu.memref_squeeze %dma_start3A_531 : memref<1x128x16xf32, #tpu.memory_space<vmem>> -> memref<128x16xf32, #tpu.memory_space<vmem>>
      %dma_start3A_533 = arith.constant 0 : i32
      %dma_start3A_534 = tpu.memref_slice %arg9[%dma_start3A_528, %dma_start3A_533] : memref<1x128xi32, #tpu.memory_space<vmem>> -> memref<1x128xi32, #tpu.memory_space<vmem>>
      %dma_start3A_535 = tpu.memref_squeeze %dma_start3A_534 : memref<1x128xi32, #tpu.memory_space<vmem>> -> memref<128xi32, #tpu.memory_space<vmem>>
      %dma_start3A_536 = arith.constant 0 : i32
      %dma_start3A_537 = arith.constant 0 : i32
      %dma_start3A_538 = tpu.memref_slice %arg11[%dma_start3A_536, %dma_start3A_537] : memref<10000x16xf32, #tpu.memory_space<vmem_shared>> -> memref<10000x16xf32, #tpu.memory_space<vmem_shared>>
      tpu.enqueue_indirect_dma source(%dma_start3A_532 : memref<128x16xf32, #tpu.memory_space<vmem>>) target(%dma_start3A_538 : memref<10000x16xf32, #tpu.memory_space<vmem_shared>>) offsets(%dma_start3A_535 : memref<128xi32, #tpu.memory_space<vmem>>) semaphore(%arg13 : memref<!tpu.dma_semaphore, #tpu.memory_space<semaphore_mem>>) {add = true}
      %dma_wait3A_539 = arith.constant 0 : i32
      %dma_wait3A_540 = arith.constant 0 : i32
      %dma_wait3A_541 = arith.constant 0 : i32
      %dma_wait3A_542 = arith.constant 0 : i32
      %dma_wait3A_543 = tpu.memref_slice %arg10[%dma_wait3A_539, %dma_wait3A_541, %dma_wait3A_542] : memref<40x128x16xf32, #tpu.memory_space<vmem>> -> memref<1x128x16xf32, #tpu.memory_space<vmem>>
      %dma_wait3A_544 = tpu.memref_squeeze %dma_wait3A_543 : memref<1x128x16xf32, #tpu.memory_space<vmem>> -> memref<128x16xf32, #tpu.memory_space<vmem>>
      %dma_wait3A_545 = arith.constant 0 : i32
      %dma_wait3A_546 = tpu.memref_slice %arg9[%dma_wait3A_540, %dma_wait3A_545] : memref<1x128xi32, #tpu.memory_space<vmem>> -> memref<1x128xi32, #tpu.memory_space<vmem>>
      %dma_wait3A_547 = tpu.memref_squeeze %dma_wait3A_546 : memref<1x128xi32, #tpu.memory_space<vmem>> -> memref<128xi32, #tpu.memory_space<vmem>>
      %dma_wait3A_548 = arith.constant 0 : i32
      %dma_wait3A_549 = arith.constant 0 : i32
      %dma_wait3A_550 = tpu.memref_slice %arg11[%dma_wait3A_548, %dma_wait3A_549] : memref<10000x16xf32, #tpu.memory_space<vmem_shared>> -> memref<10000x16xf32, #tpu.memory_space<vmem_shared>>
      tpu.wait_indirect_dma semaphore(%arg13 : memref<!tpu.dma_semaphore, #tpu.memory_space<semaphore_mem>>) src(%dma_wait3A_544 : memref<128x16xf32, #tpu.memory_space<vmem>>) dst(%dma_wait3A_550 : memref<10000x16xf32, #tpu.memory_space<vmem_shared>>)
    } else {
    }
    %barrier3A_498 = arith.constant 0 : index
    tpu.barrier barrier_id(%barrier3A_498)
    %mul3A_499 = arith.constant 625 : i32
    %mul3A_500 = arith.muli %arg1, %mul3A_499 : i32
    %mul3A_501 = arith.constant 625 : i32
    %mul3A_502 = arith.muli %arg1, %mul3A_501 : i32
    "tpu.region"() ({
      %run_scoped3A_503 = tpu.sem_alloc : memref<!tpu.dma_semaphore, #tpu.memory_space<semaphore_mem>>
      %dma_start3A_504 = arith.constant 0 : i32
      %dma_start3A_505 = tpu.memref_slice %arg5[%arg0, %mul3A_502, %dma_start3A_504] : memref<2x10000x16xf32, #tpu.memory_space<hbm>> -> memref<1x625x16xf32, #tpu.memory_space<hbm>>
      %dma_start3A_506 = tpu.memref_squeeze %dma_start3A_505 : memref<1x625x16xf32, #tpu.memory_space<hbm>> -> memref<625x16xf32, #tpu.memory_space<hbm>>
      %dma_start3A_507 = arith.constant 0 : i32
      %dma_start3A_508 = tpu.memref_slice %arg11[%mul3A_500, %dma_start3A_507] : memref<10000x16xf32, #tpu.memory_space<vmem_shared>> -> memref<625x16xf32, #tpu.memory_space<vmem_shared>>
      tpu.enqueue_dma source(%dma_start3A_508 : memref<625x16xf32, #tpu.memory_space<vmem_shared>>) target(%dma_start3A_506 : memref<625x16xf32, #tpu.memory_space<hbm>>) target_semaphore(%run_scoped3A_503 : memref<!tpu.dma_semaphore, #tpu.memory_space<semaphore_mem>>)
      %dma_wait3A_509 = arith.constant 0 : i32
      %dma_wait3A_510 = tpu.memref_slice %arg5[%arg0, %mul3A_502, %dma_wait3A_509] : memref<2x10000x16xf32, #tpu.memory_space<hbm>> -> memref<1x625x16xf32, #tpu.memory_space<hbm>>
      %dma_wait3A_511 = tpu.memref_squeeze %dma_wait3A_510 : memref<1x625x16xf32, #tpu.memory_space<hbm>> -> memref<625x16xf32, #tpu.memory_space<hbm>>
      %dma_wait3A_512 = arith.constant 0 : i32
      %dma_wait3A_513 = tpu.memref_slice %arg11[%mul3A_500, %dma_wait3A_512] : memref<10000x16xf32, #tpu.memory_space<vmem_shared>> -> memref<625x16xf32, #tpu.memory_space<vmem_shared>>
      tpu.wait_dma2 semaphore(%run_scoped3A_503 : memref<!tpu.dma_semaphore, #tpu.memory_space<semaphore_mem>>) src(%dma_wait3A_513 : memref<625x16xf32, #tpu.memory_space<vmem_shared>>) dst(%dma_wait3A_511 : memref<625x16xf32, #tpu.memory_space<hbm>>)
      tpu.yield
    }) : () -> ()
    return
  }
}

#map = affine_map<(d0, d1) -> (0, 0)>
#map1 = affine_map<(d0, d1) -> (0, 0, 0)>
module attributes {stable_mosaic.version = 14 : i64} {
  func.func @deg(%arg0: i32, %arg1: i32, %arg2: memref<128x8xf32, #tpu.memory_space<hbm>>, %arg3: memref<2x2500x128xi32, #tpu.memory_space<hbm>>, %arg4: memref<625x8xf32, #tpu.memory_space<hbm>>, %arg5: memref<2x10000x8xf32, #tpu.memory_space<hbm>>, %arg6: memref<78x128xi32, #tpu.memory_space<vmem>>, %arg7: memref<1x128xi32, #tpu.memory_space<vmem>>, %arg8: memref<128x8xf32, #tpu.memory_space<vmem>>, %arg9: memref<10000x8xf32, #tpu.memory_space<vmem_shared>>, %arg10: memref<!tpu.dma_semaphore, #tpu.memory_space<semaphore_mem>>) attributes {dimension_semantics = [#tpu.dimension_semantics<core_parallel>, #tpu.dimension_semantics<subcore_parallel>], iteration_bounds = array<i64: 2, 16>, scalar_prefetch = 0 : i64, scratch_operands = 5 : i64, tpu.core_type = #tpu.core_type<sc_vector_subcore>, window_params = [{transform_indices = #map}, {transform_indices = #map1}, {transform_indices = #map}, {transform_indices = #map1}]} {
    %mul3A = arith.constant 16 : i32
    %mul3A_0 = arith.muli %arg0, %mul3A : i32
    %add3A = arith.addi %mul3A_0, %arg1 : i32
    %mul3A_1 = arith.constant 78 : i32
    %mul3A_2 = arith.muli %add3A, %mul3A_1 : i32
    %run_scoped3A = arith.constant 1 : i32
    "tpu.region"() ({
      %run_scoped3A_189 = tpu.sem_alloc : memref<!tpu.dma_semaphore, #tpu.memory_space<semaphore_mem>>
      %dma_start3A = arith.constant 0 : i32
      %dma_start3A_190 = tpu.memref_slice %arg3[%run_scoped3A, %mul3A_2, %dma_start3A] : memref<2x2500x128xi32, #tpu.memory_space<hbm>> -> memref<1x78x128xi32, #tpu.memory_space<hbm>>
      %dma_start3A_191 = tpu.memref_squeeze %dma_start3A_190 : memref<1x78x128xi32, #tpu.memory_space<hbm>> -> memref<78x128xi32, #tpu.memory_space<hbm>>
      %dma_start3A_192 = arith.constant 0 : i32
      %dma_start3A_193 = tpu.memref_slice %arg3[%run_scoped3A, %mul3A_2, %dma_start3A_192] : memref<2x2500x128xi32, #tpu.memory_space<hbm>> -> memref<1x78x128xi32, #tpu.memory_space<hbm>>
      %dma_start3A_194 = tpu.memref_squeeze %dma_start3A_193 : memref<1x78x128xi32, #tpu.memory_space<hbm>> -> memref<78x128xi32, #tpu.memory_space<hbm>>
      tpu.enqueue_dma source(%dma_start3A_194 : memref<78x128xi32, #tpu.memory_space<hbm>>) target(%arg6 : memref<78x128xi32, #tpu.memory_space<vmem>>) target_semaphore(%run_scoped3A_189 : memref<!tpu.dma_semaphore, #tpu.memory_space<semaphore_mem>>)
      %dma_wait3A_195 = arith.constant 0 : i32
      %dma_wait3A_196 = tpu.memref_slice %arg3[%run_scoped3A, %mul3A_2, %dma_wait3A_195] : memref<2x2500x128xi32, #tpu.memory_space<hbm>> -> memref<1x78x128xi32, #tpu.memory_space<hbm>>
      %dma_wait3A_197 = tpu.memref_squeeze %dma_wait3A_196 : memref<1x78x128xi32, #tpu.memory_space<hbm>> -> memref<78x128xi32, #tpu.memory_space<hbm>>
      %dma_wait3A_198 = arith.constant 0 : i32
      %dma_wait3A_199 = tpu.memref_slice %arg3[%run_scoped3A, %mul3A_2, %dma_wait3A_198] : memref<2x2500x128xi32, #tpu.memory_space<hbm>> -> memref<1x78x128xi32, #tpu.memory_space<hbm>>
      %dma_wait3A_200 = tpu.memref_squeeze %dma_wait3A_199 : memref<1x78x128xi32, #tpu.memory_space<hbm>> -> memref<78x128xi32, #tpu.memory_space<hbm>>
      tpu.wait_dma2 semaphore(%run_scoped3A_189 : memref<!tpu.dma_semaphore, #tpu.memory_space<semaphore_mem>>) src(%dma_wait3A_200 : memref<78x128xi32, #tpu.memory_space<hbm>>) dst(%arg6 : memref<78x128xi32, #tpu.memory_space<vmem>>)
      tpu.yield
    }) : () -> ()
    %lt3A = arith.constant 4 : i32
    %lt3A_3 = arith.cmpi slt, %add3A, %lt3A : i32
    %convert_element_type3A = arith.extui %lt3A_3 : i1 to i32
    %cond3A = arith.constant 0 : i32
    %cond3A_4 = arith.cmpi ne, %convert_element_type3A, %cond3A : i32
    scf.if %cond3A_4 {
      %add3A_189 = arith.constant 2496 : i32
      %add3A_190 = arith.addi %add3A_189, %add3A : i32
      %run_scoped3A_191 = arith.constant 1 : i32
      "tpu.region"() ({
        %run_scoped3A_192 = tpu.sem_alloc : memref<!tpu.dma_semaphore, #tpu.memory_space<semaphore_mem>>
        %dma_start3A = arith.constant 0 : i32
        %dma_start3A_193 = tpu.memref_slice %arg3[%run_scoped3A_191, %add3A_190, %dma_start3A] : memref<2x2500x128xi32, #tpu.memory_space<hbm>> -> memref<1x1x128xi32, #tpu.memory_space<hbm>>
        %dma_start3A_194 = tpu.memref_squeeze %dma_start3A_193 : memref<1x1x128xi32, #tpu.memory_space<hbm>> -> memref<1x128xi32, #tpu.memory_space<hbm>>
        %dma_start3A_195 = arith.constant 0 : i32
        %dma_start3A_196 = tpu.memref_slice %arg3[%run_scoped3A_191, %add3A_190, %dma_start3A_195] : memref<2x2500x128xi32, #tpu.memory_space<hbm>> -> memref<1x1x128xi32, #tpu.memory_space<hbm>>
        %dma_start3A_197 = tpu.memref_squeeze %dma_start3A_196 : memref<1x1x128xi32, #tpu.memory_space<hbm>> -> memref<1x128xi32, #tpu.memory_space<hbm>>
        tpu.enqueue_dma source(%dma_start3A_197 : memref<1x128xi32, #tpu.memory_space<hbm>>) target(%arg7 : memref<1x128xi32, #tpu.memory_space<vmem>>) target_semaphore(%run_scoped3A_192 : memref<!tpu.dma_semaphore, #tpu.memory_space<semaphore_mem>>)
        %dma_wait3A_198 = arith.constant 0 : i32
        %dma_wait3A_199 = tpu.memref_slice %arg3[%run_scoped3A_191, %add3A_190, %dma_wait3A_198] : memref<2x2500x128xi32, #tpu.memory_space<hbm>> -> memref<1x1x128xi32, #tpu.memory_space<hbm>>
        %dma_wait3A_200 = tpu.memref_squeeze %dma_wait3A_199 : memref<1x1x128xi32, #tpu.memory_space<hbm>> -> memref<1x128xi32, #tpu.memory_space<hbm>>
        %dma_wait3A_201 = arith.constant 0 : i32
        %dma_wait3A_202 = tpu.memref_slice %arg3[%run_scoped3A_191, %add3A_190, %dma_wait3A_201] : memref<2x2500x128xi32, #tpu.memory_space<hbm>> -> memref<1x1x128xi32, #tpu.memory_space<hbm>>
        %dma_wait3A_203 = tpu.memref_squeeze %dma_wait3A_202 : memref<1x1x128xi32, #tpu.memory_space<hbm>> -> memref<1x128xi32, #tpu.memory_space<hbm>>
        tpu.wait_dma2 semaphore(%run_scoped3A_192 : memref<!tpu.dma_semaphore, #tpu.memory_space<semaphore_mem>>) src(%dma_wait3A_203 : memref<1x128xi32, #tpu.memory_space<hbm>>) dst(%arg7 : memref<1x128xi32, #tpu.memory_space<vmem>>)
        tpu.yield
      }) : () -> ()
    } else {
    }
    "tpu.region"() ({
      %run_scoped3A_189 = tpu.sem_alloc : memref<!tpu.dma_semaphore, #tpu.memory_space<semaphore_mem>>
      tpu.enqueue_dma source(%arg2 : memref<128x8xf32, #tpu.memory_space<hbm>>) target(%arg8 : memref<128x8xf32, #tpu.memory_space<vmem>>) target_semaphore(%run_scoped3A_189 : memref<!tpu.dma_semaphore, #tpu.memory_space<semaphore_mem>>)
      tpu.wait_dma2 semaphore(%run_scoped3A_189 : memref<!tpu.dma_semaphore, #tpu.memory_space<semaphore_mem>>) src(%arg2 : memref<128x8xf32, #tpu.memory_space<hbm>>) dst(%arg8 : memref<128x8xf32, #tpu.memory_space<vmem>>)
      tpu.yield
    }) : () -> ()
    %mul3A_5 = arith.constant 625 : i32
    %mul3A_6 = arith.muli %arg1, %mul3A_5 : i32
    "tpu.region"() ({
      %run_scoped3A_189 = tpu.sem_alloc : memref<!tpu.dma_semaphore, #tpu.memory_space<semaphore_mem>>
      %dma_start3A = arith.constant 0 : i32
      %dma_start3A_190 = tpu.memref_slice %arg9[%mul3A_6, %dma_start3A] : memref<10000x8xf32, #tpu.memory_space<vmem_shared>> -> memref<625x8xf32, #tpu.memory_space<vmem_shared>>
      tpu.enqueue_dma source(%arg4 : memref<625x8xf32, #tpu.memory_space<hbm>>) target(%dma_start3A_190 : memref<625x8xf32, #tpu.memory_space<vmem_shared>>) target_semaphore(%run_scoped3A_189 : memref<!tpu.dma_semaphore, #tpu.memory_space<semaphore_mem>>)
      %dma_wait3A_191 = arith.constant 0 : i32
      %dma_wait3A_192 = tpu.memref_slice %arg9[%mul3A_6, %dma_wait3A_191] : memref<10000x8xf32, #tpu.memory_space<vmem_shared>> -> memref<625x8xf32, #tpu.memory_space<vmem_shared>>
      tpu.wait_dma2 semaphore(%run_scoped3A_189 : memref<!tpu.dma_semaphore, #tpu.memory_space<semaphore_mem>>) src(%arg4 : memref<625x8xf32, #tpu.memory_space<hbm>>) dst(%dma_wait3A_192 : memref<625x8xf32, #tpu.memory_space<vmem_shared>>)
      tpu.yield
    }) : () -> ()
    %barrier3A = arith.constant 0 : index
    tpu.barrier barrier_id(%barrier3A)
    %scan3A = arith.constant 0 : i32
    %scan3A_7 = arith.constant 0 : i32
    %scan3A_8 = arith.constant 78 : i32
    %scan3A_9 = arith.addi %scan3A_7, %scan3A_8 : i32
    %scan3A_10 = arith.constant 1 : i32
    scf.for %scan3A_189 = %scan3A_7 to %scan3A_9 step %scan3A_10  : i32 {
      %dma_start3A = arith.constant 0 : i32
      %dma_start3A_190 = tpu.memref_slice %arg6[%scan3A_189, %dma_start3A] : memref<78x128xi32, #tpu.memory_space<vmem>> -> memref<1x128xi32, #tpu.memory_space<vmem>>
      %dma_start3A_191 = tpu.memref_squeeze %dma_start3A_190 : memref<1x128xi32, #tpu.memory_space<vmem>> -> memref<128xi32, #tpu.memory_space<vmem>>
      %dma_start3A_192 = arith.constant 0 : i32
      %dma_start3A_193 = arith.constant 0 : i32
      %dma_start3A_194 = tpu.memref_slice %arg9[%dma_start3A_192, %dma_start3A_193] : memref<10000x8xf32, #tpu.memory_space<vmem_shared>> -> memref<10000x8xf32, #tpu.memory_space<vmem_shared>>
      tpu.enqueue_indirect_dma source(%arg8 : memref<128x8xf32, #tpu.memory_space<vmem>>) target(%dma_start3A_194 : memref<10000x8xf32, #tpu.memory_space<vmem_shared>>) offsets(%dma_start3A_191 : memref<128xi32, #tpu.memory_space<vmem>>) semaphore(%arg10 : memref<!tpu.dma_semaphore, #tpu.memory_space<semaphore_mem>>) {add = true}
      %ge3A = arith.constant 24 : i32
      %ge3A_195 = arith.cmpi sge, %scan3A_189, %ge3A : i32
      %convert_element_type3A_196 = arith.extui %ge3A_195 : i1 to i32
      %cond3A_197 = arith.constant 0 : i32
      %cond3A_198 = arith.cmpi ne, %convert_element_type3A_196, %cond3A_197 : i32
      scf.if %cond3A_198 {
        %sub3A = arith.constant 24 : i32
        %sub3A_199 = arith.subi %scan3A_189, %sub3A : i32
        %dma_wait3A_200 = arith.constant 0 : i32
        %dma_wait3A_201 = tpu.memref_slice %arg6[%sub3A_199, %dma_wait3A_200] : memref<78x128xi32, #tpu.memory_space<vmem>> -> memref<1x128xi32, #tpu.memory_space<vmem>>
        %dma_wait3A_202 = tpu.memref_squeeze %dma_wait3A_201 : memref<1x128xi32, #tpu.memory_space<vmem>> -> memref<128xi32, #tpu.memory_space<vmem>>
        %dma_wait3A_203 = arith.constant 0 : i32
        %dma_wait3A_204 = arith.constant 0 : i32
        %dma_wait3A_205 = tpu.memref_slice %arg9[%dma_wait3A_203, %dma_wait3A_204] : memref<10000x8xf32, #tpu.memory_space<vmem_shared>> -> memref<10000x8xf32, #tpu.memory_space<vmem_shared>>
        tpu.wait_indirect_dma semaphore(%arg10 : memref<!tpu.dma_semaphore, #tpu.memory_space<semaphore_mem>>) src(%arg8 : memref<128x8xf32, #tpu.memory_space<vmem>>) dst(%dma_wait3A_205 : memref<10000x8xf32, #tpu.memory_space<vmem_shared>>)
      } else {
      }
    }
    %scan3A_11 = arith.constant 78 : i32
    %dma_wait3A = arith.constant 54 : i32
    %dma_wait3A_12 = arith.constant 0 : i32
    %dma_wait3A_13 = tpu.memref_slice %arg6[%dma_wait3A, %dma_wait3A_12] : memref<78x128xi32, #tpu.memory_space<vmem>> -> memref<1x128xi32, #tpu.memory_space<vmem>>
    %dma_wait3A_14 = tpu.memref_squeeze %dma_wait3A_13 : memref<1x128xi32, #tpu.memory_space<vmem>> -> memref<128xi32, #tpu.memory_space<vmem>>
    %dma_wait3A_15 = arith.constant 0 : i32
    %dma_wait3A_16 = arith.constant 0 : i32
    %dma_wait3A_17 = tpu.memref_slice %arg9[%dma_wait3A_15, %dma_wait3A_16] : memref<10000x8xf32, #tpu.memory_space<vmem_shared>> -> memref<10000x8xf32, #tpu.memory_space<vmem_shared>>
    tpu.wait_indirect_dma semaphore(%arg10 : memref<!tpu.dma_semaphore, #tpu.memory_space<semaphore_mem>>) src(%arg8 : memref<128x8xf32, #tpu.memory_space<vmem>>) dst(%dma_wait3A_17 : memref<10000x8xf32, #tpu.memory_space<vmem_shared>>)
    %dma_wait3A_18 = arith.constant 55 : i32
    %dma_wait3A_19 = arith.constant 0 : i32
    %dma_wait3A_20 = tpu.memref_slice %arg6[%dma_wait3A_18, %dma_wait3A_19] : memref<78x128xi32, #tpu.memory_space<vmem>> -> memref<1x128xi32, #tpu.memory_space<vmem>>
    %dma_wait3A_21 = tpu.memref_squeeze %dma_wait3A_20 : memref<1x128xi32, #tpu.memory_space<vmem>> -> memref<128xi32, #tpu.memory_space<vmem>>
    %dma_wait3A_22 = arith.constant 0 : i32
    %dma_wait3A_23 = arith.constant 0 : i32
    %dma_wait3A_24 = tpu.memref_slice %arg9[%dma_wait3A_22, %dma_wait3A_23] : memref<10000x8xf32, #tpu.memory_space<vmem_shared>> -> memref<10000x8xf32, #tpu.memory_space<vmem_shared>>
    tpu.wait_indirect_dma semaphore(%arg10 : memref<!tpu.dma_semaphore, #tpu.memory_space<semaphore_mem>>) src(%arg8 : memref<128x8xf32, #tpu.memory_space<vmem>>) dst(%dma_wait3A_24 : memref<10000x8xf32, #tpu.memory_space<vmem_shared>>)
    %dma_wait3A_25 = arith.constant 56 : i32
    %dma_wait3A_26 = arith.constant 0 : i32
    %dma_wait3A_27 = tpu.memref_slice %arg6[%dma_wait3A_25, %dma_wait3A_26] : memref<78x128xi32, #tpu.memory_space<vmem>> -> memref<1x128xi32, #tpu.memory_space<vmem>>
    %dma_wait3A_28 = tpu.memref_squeeze %dma_wait3A_27 : memref<1x128xi32, #tpu.memory_space<vmem>> -> memref<128xi32, #tpu.memory_space<vmem>>
    %dma_wait3A_29 = arith.constant 0 : i32
    %dma_wait3A_30 = arith.constant 0 : i32
    %dma_wait3A_31 = tpu.memref_slice %arg9[%dma_wait3A_29, %dma_wait3A_30] : memref<10000x8xf32, #tpu.memory_space<vmem_shared>> -> memref<10000x8xf32, #tpu.memory_space<vmem_shared>>
    tpu.wait_indirect_dma semaphore(%arg10 : memref<!tpu.dma_semaphore, #tpu.memory_space<semaphore_mem>>) src(%arg8 : memref<128x8xf32, #tpu.memory_space<vmem>>) dst(%dma_wait3A_31 : memref<10000x8xf32, #tpu.memory_space<vmem_shared>>)
    %dma_wait3A_32 = arith.constant 57 : i32
    %dma_wait3A_33 = arith.constant 0 : i32
    %dma_wait3A_34 = tpu.memref_slice %arg6[%dma_wait3A_32, %dma_wait3A_33] : memref<78x128xi32, #tpu.memory_space<vmem>> -> memref<1x128xi32, #tpu.memory_space<vmem>>
    %dma_wait3A_35 = tpu.memref_squeeze %dma_wait3A_34 : memref<1x128xi32, #tpu.memory_space<vmem>> -> memref<128xi32, #tpu.memory_space<vmem>>
    %dma_wait3A_36 = arith.constant 0 : i32
    %dma_wait3A_37 = arith.constant 0 : i32
    %dma_wait3A_38 = tpu.memref_slice %arg9[%dma_wait3A_36, %dma_wait3A_37] : memref<10000x8xf32, #tpu.memory_space<vmem_shared>> -> memref<10000x8xf32, #tpu.memory_space<vmem_shared>>
    tpu.wait_indirect_dma semaphore(%arg10 : memref<!tpu.dma_semaphore, #tpu.memory_space<semaphore_mem>>) src(%arg8 : memref<128x8xf32, #tpu.memory_space<vmem>>) dst(%dma_wait3A_38 : memref<10000x8xf32, #tpu.memory_space<vmem_shared>>)
    %dma_wait3A_39 = arith.constant 58 : i32
    %dma_wait3A_40 = arith.constant 0 : i32
    %dma_wait3A_41 = tpu.memref_slice %arg6[%dma_wait3A_39, %dma_wait3A_40] : memref<78x128xi32, #tpu.memory_space<vmem>> -> memref<1x128xi32, #tpu.memory_space<vmem>>
    %dma_wait3A_42 = tpu.memref_squeeze %dma_wait3A_41 : memref<1x128xi32, #tpu.memory_space<vmem>> -> memref<128xi32, #tpu.memory_space<vmem>>
    %dma_wait3A_43 = arith.constant 0 : i32
    %dma_wait3A_44 = arith.constant 0 : i32
    %dma_wait3A_45 = tpu.memref_slice %arg9[%dma_wait3A_43, %dma_wait3A_44] : memref<10000x8xf32, #tpu.memory_space<vmem_shared>> -> memref<10000x8xf32, #tpu.memory_space<vmem_shared>>
    tpu.wait_indirect_dma semaphore(%arg10 : memref<!tpu.dma_semaphore, #tpu.memory_space<semaphore_mem>>) src(%arg8 : memref<128x8xf32, #tpu.memory_space<vmem>>) dst(%dma_wait3A_45 : memref<10000x8xf32, #tpu.memory_space<vmem_shared>>)
    %dma_wait3A_46 = arith.constant 59 : i32
    %dma_wait3A_47 = arith.constant 0 : i32
    %dma_wait3A_48 = tpu.memref_slice %arg6[%dma_wait3A_46, %dma_wait3A_47] : memref<78x128xi32, #tpu.memory_space<vmem>> -> memref<1x128xi32, #tpu.memory_space<vmem>>
    %dma_wait3A_49 = tpu.memref_squeeze %dma_wait3A_48 : memref<1x128xi32, #tpu.memory_space<vmem>> -> memref<128xi32, #tpu.memory_space<vmem>>
    %dma_wait3A_50 = arith.constant 0 : i32
    %dma_wait3A_51 = arith.constant 0 : i32
    %dma_wait3A_52 = tpu.memref_slice %arg9[%dma_wait3A_50, %dma_wait3A_51] : memref<10000x8xf32, #tpu.memory_space<vmem_shared>> -> memref<10000x8xf32, #tpu.memory_space<vmem_shared>>
    tpu.wait_indirect_dma semaphore(%arg10 : memref<!tpu.dma_semaphore, #tpu.memory_space<semaphore_mem>>) src(%arg8 : memref<128x8xf32, #tpu.memory_space<vmem>>) dst(%dma_wait3A_52 : memref<10000x8xf32, #tpu.memory_space<vmem_shared>>)
    %dma_wait3A_53 = arith.constant 60 : i32
    %dma_wait3A_54 = arith.constant 0 : i32
    %dma_wait3A_55 = tpu.memref_slice %arg6[%dma_wait3A_53, %dma_wait3A_54] : memref<78x128xi32, #tpu.memory_space<vmem>> -> memref<1x128xi32, #tpu.memory_space<vmem>>
    %dma_wait3A_56 = tpu.memref_squeeze %dma_wait3A_55 : memref<1x128xi32, #tpu.memory_space<vmem>> -> memref<128xi32, #tpu.memory_space<vmem>>
    %dma_wait3A_57 = arith.constant 0 : i32
    %dma_wait3A_58 = arith.constant 0 : i32
    %dma_wait3A_59 = tpu.memref_slice %arg9[%dma_wait3A_57, %dma_wait3A_58] : memref<10000x8xf32, #tpu.memory_space<vmem_shared>> -> memref<10000x8xf32, #tpu.memory_space<vmem_shared>>
    tpu.wait_indirect_dma semaphore(%arg10 : memref<!tpu.dma_semaphore, #tpu.memory_space<semaphore_mem>>) src(%arg8 : memref<128x8xf32, #tpu.memory_space<vmem>>) dst(%dma_wait3A_59 : memref<10000x8xf32, #tpu.memory_space<vmem_shared>>)
    %dma_wait3A_60 = arith.constant 61 : i32
    %dma_wait3A_61 = arith.constant 0 : i32
    %dma_wait3A_62 = tpu.memref_slice %arg6[%dma_wait3A_60, %dma_wait3A_61] : memref<78x128xi32, #tpu.memory_space<vmem>> -> memref<1x128xi32, #tpu.memory_space<vmem>>
    %dma_wait3A_63 = tpu.memref_squeeze %dma_wait3A_62 : memref<1x128xi32, #tpu.memory_space<vmem>> -> memref<128xi32, #tpu.memory_space<vmem>>
    %dma_wait3A_64 = arith.constant 0 : i32
    %dma_wait3A_65 = arith.constant 0 : i32
    %dma_wait3A_66 = tpu.memref_slice %arg9[%dma_wait3A_64, %dma_wait3A_65] : memref<10000x8xf32, #tpu.memory_space<vmem_shared>> -> memref<10000x8xf32, #tpu.memory_space<vmem_shared>>
    tpu.wait_indirect_dma semaphore(%arg10 : memref<!tpu.dma_semaphore, #tpu.memory_space<semaphore_mem>>) src(%arg8 : memref<128x8xf32, #tpu.memory_space<vmem>>) dst(%dma_wait3A_66 : memref<10000x8xf32, #tpu.memory_space<vmem_shared>>)
    %dma_wait3A_67 = arith.constant 62 : i32
    %dma_wait3A_68 = arith.constant 0 : i32
    %dma_wait3A_69 = tpu.memref_slice %arg6[%dma_wait3A_67, %dma_wait3A_68] : memref<78x128xi32, #tpu.memory_space<vmem>> -> memref<1x128xi32, #tpu.memory_space<vmem>>
    %dma_wait3A_70 = tpu.memref_squeeze %dma_wait3A_69 : memref<1x128xi32, #tpu.memory_space<vmem>> -> memref<128xi32, #tpu.memory_space<vmem>>
    %dma_wait3A_71 = arith.constant 0 : i32
    %dma_wait3A_72 = arith.constant 0 : i32
    %dma_wait3A_73 = tpu.memref_slice %arg9[%dma_wait3A_71, %dma_wait3A_72] : memref<10000x8xf32, #tpu.memory_space<vmem_shared>> -> memref<10000x8xf32, #tpu.memory_space<vmem_shared>>
    tpu.wait_indirect_dma semaphore(%arg10 : memref<!tpu.dma_semaphore, #tpu.memory_space<semaphore_mem>>) src(%arg8 : memref<128x8xf32, #tpu.memory_space<vmem>>) dst(%dma_wait3A_73 : memref<10000x8xf32, #tpu.memory_space<vmem_shared>>)
    %dma_wait3A_74 = arith.constant 63 : i32
    %dma_wait3A_75 = arith.constant 0 : i32
    %dma_wait3A_76 = tpu.memref_slice %arg6[%dma_wait3A_74, %dma_wait3A_75] : memref<78x128xi32, #tpu.memory_space<vmem>> -> memref<1x128xi32, #tpu.memory_space<vmem>>
    %dma_wait3A_77 = tpu.memref_squeeze %dma_wait3A_76 : memref<1x128xi32, #tpu.memory_space<vmem>> -> memref<128xi32, #tpu.memory_space<vmem>>
    %dma_wait3A_78 = arith.constant 0 : i32
    %dma_wait3A_79 = arith.constant 0 : i32
    %dma_wait3A_80 = tpu.memref_slice %arg9[%dma_wait3A_78, %dma_wait3A_79] : memref<10000x8xf32, #tpu.memory_space<vmem_shared>> -> memref<10000x8xf32, #tpu.memory_space<vmem_shared>>
    tpu.wait_indirect_dma semaphore(%arg10 : memref<!tpu.dma_semaphore, #tpu.memory_space<semaphore_mem>>) src(%arg8 : memref<128x8xf32, #tpu.memory_space<vmem>>) dst(%dma_wait3A_80 : memref<10000x8xf32, #tpu.memory_space<vmem_shared>>)
    %dma_wait3A_81 = arith.constant 64 : i32
    %dma_wait3A_82 = arith.constant 0 : i32
    %dma_wait3A_83 = tpu.memref_slice %arg6[%dma_wait3A_81, %dma_wait3A_82] : memref<78x128xi32, #tpu.memory_space<vmem>> -> memref<1x128xi32, #tpu.memory_space<vmem>>
    %dma_wait3A_84 = tpu.memref_squeeze %dma_wait3A_83 : memref<1x128xi32, #tpu.memory_space<vmem>> -> memref<128xi32, #tpu.memory_space<vmem>>
    %dma_wait3A_85 = arith.constant 0 : i32
    %dma_wait3A_86 = arith.constant 0 : i32
    %dma_wait3A_87 = tpu.memref_slice %arg9[%dma_wait3A_85, %dma_wait3A_86] : memref<10000x8xf32, #tpu.memory_space<vmem_shared>> -> memref<10000x8xf32, #tpu.memory_space<vmem_shared>>
    tpu.wait_indirect_dma semaphore(%arg10 : memref<!tpu.dma_semaphore, #tpu.memory_space<semaphore_mem>>) src(%arg8 : memref<128x8xf32, #tpu.memory_space<vmem>>) dst(%dma_wait3A_87 : memref<10000x8xf32, #tpu.memory_space<vmem_shared>>)
    %dma_wait3A_88 = arith.constant 65 : i32
    %dma_wait3A_89 = arith.constant 0 : i32
    %dma_wait3A_90 = tpu.memref_slice %arg6[%dma_wait3A_88, %dma_wait3A_89] : memref<78x128xi32, #tpu.memory_space<vmem>> -> memref<1x128xi32, #tpu.memory_space<vmem>>
    %dma_wait3A_91 = tpu.memref_squeeze %dma_wait3A_90 : memref<1x128xi32, #tpu.memory_space<vmem>> -> memref<128xi32, #tpu.memory_space<vmem>>
    %dma_wait3A_92 = arith.constant 0 : i32
    %dma_wait3A_93 = arith.constant 0 : i32
    %dma_wait3A_94 = tpu.memref_slice %arg9[%dma_wait3A_92, %dma_wait3A_93] : memref<10000x8xf32, #tpu.memory_space<vmem_shared>> -> memref<10000x8xf32, #tpu.memory_space<vmem_shared>>
    tpu.wait_indirect_dma semaphore(%arg10 : memref<!tpu.dma_semaphore, #tpu.memory_space<semaphore_mem>>) src(%arg8 : memref<128x8xf32, #tpu.memory_space<vmem>>) dst(%dma_wait3A_94 : memref<10000x8xf32, #tpu.memory_space<vmem_shared>>)
    %dma_wait3A_95 = arith.constant 66 : i32
    %dma_wait3A_96 = arith.constant 0 : i32
    %dma_wait3A_97 = tpu.memref_slice %arg6[%dma_wait3A_95, %dma_wait3A_96] : memref<78x128xi32, #tpu.memory_space<vmem>> -> memref<1x128xi32, #tpu.memory_space<vmem>>
    %dma_wait3A_98 = tpu.memref_squeeze %dma_wait3A_97 : memref<1x128xi32, #tpu.memory_space<vmem>> -> memref<128xi32, #tpu.memory_space<vmem>>
    %dma_wait3A_99 = arith.constant 0 : i32
    %dma_wait3A_100 = arith.constant 0 : i32
    %dma_wait3A_101 = tpu.memref_slice %arg9[%dma_wait3A_99, %dma_wait3A_100] : memref<10000x8xf32, #tpu.memory_space<vmem_shared>> -> memref<10000x8xf32, #tpu.memory_space<vmem_shared>>
    tpu.wait_indirect_dma semaphore(%arg10 : memref<!tpu.dma_semaphore, #tpu.memory_space<semaphore_mem>>) src(%arg8 : memref<128x8xf32, #tpu.memory_space<vmem>>) dst(%dma_wait3A_101 : memref<10000x8xf32, #tpu.memory_space<vmem_shared>>)
    %dma_wait3A_102 = arith.constant 67 : i32
    %dma_wait3A_103 = arith.constant 0 : i32
    %dma_wait3A_104 = tpu.memref_slice %arg6[%dma_wait3A_102, %dma_wait3A_103] : memref<78x128xi32, #tpu.memory_space<vmem>> -> memref<1x128xi32, #tpu.memory_space<vmem>>
    %dma_wait3A_105 = tpu.memref_squeeze %dma_wait3A_104 : memref<1x128xi32, #tpu.memory_space<vmem>> -> memref<128xi32, #tpu.memory_space<vmem>>
    %dma_wait3A_106 = arith.constant 0 : i32
    %dma_wait3A_107 = arith.constant 0 : i32
    %dma_wait3A_108 = tpu.memref_slice %arg9[%dma_wait3A_106, %dma_wait3A_107] : memref<10000x8xf32, #tpu.memory_space<vmem_shared>> -> memref<10000x8xf32, #tpu.memory_space<vmem_shared>>
    tpu.wait_indirect_dma semaphore(%arg10 : memref<!tpu.dma_semaphore, #tpu.memory_space<semaphore_mem>>) src(%arg8 : memref<128x8xf32, #tpu.memory_space<vmem>>) dst(%dma_wait3A_108 : memref<10000x8xf32, #tpu.memory_space<vmem_shared>>)
    %dma_wait3A_109 = arith.constant 68 : i32
    %dma_wait3A_110 = arith.constant 0 : i32
    %dma_wait3A_111 = tpu.memref_slice %arg6[%dma_wait3A_109, %dma_wait3A_110] : memref<78x128xi32, #tpu.memory_space<vmem>> -> memref<1x128xi32, #tpu.memory_space<vmem>>
    %dma_wait3A_112 = tpu.memref_squeeze %dma_wait3A_111 : memref<1x128xi32, #tpu.memory_space<vmem>> -> memref<128xi32, #tpu.memory_space<vmem>>
    %dma_wait3A_113 = arith.constant 0 : i32
    %dma_wait3A_114 = arith.constant 0 : i32
    %dma_wait3A_115 = tpu.memref_slice %arg9[%dma_wait3A_113, %dma_wait3A_114] : memref<10000x8xf32, #tpu.memory_space<vmem_shared>> -> memref<10000x8xf32, #tpu.memory_space<vmem_shared>>
    tpu.wait_indirect_dma semaphore(%arg10 : memref<!tpu.dma_semaphore, #tpu.memory_space<semaphore_mem>>) src(%arg8 : memref<128x8xf32, #tpu.memory_space<vmem>>) dst(%dma_wait3A_115 : memref<10000x8xf32, #tpu.memory_space<vmem_shared>>)
    %dma_wait3A_116 = arith.constant 69 : i32
    %dma_wait3A_117 = arith.constant 0 : i32
    %dma_wait3A_118 = tpu.memref_slice %arg6[%dma_wait3A_116, %dma_wait3A_117] : memref<78x128xi32, #tpu.memory_space<vmem>> -> memref<1x128xi32, #tpu.memory_space<vmem>>
    %dma_wait3A_119 = tpu.memref_squeeze %dma_wait3A_118 : memref<1x128xi32, #tpu.memory_space<vmem>> -> memref<128xi32, #tpu.memory_space<vmem>>
    %dma_wait3A_120 = arith.constant 0 : i32
    %dma_wait3A_121 = arith.constant 0 : i32
    %dma_wait3A_122 = tpu.memref_slice %arg9[%dma_wait3A_120, %dma_wait3A_121] : memref<10000x8xf32, #tpu.memory_space<vmem_shared>> -> memref<10000x8xf32, #tpu.memory_space<vmem_shared>>
    tpu.wait_indirect_dma semaphore(%arg10 : memref<!tpu.dma_semaphore, #tpu.memory_space<semaphore_mem>>) src(%arg8 : memref<128x8xf32, #tpu.memory_space<vmem>>) dst(%dma_wait3A_122 : memref<10000x8xf32, #tpu.memory_space<vmem_shared>>)
    %dma_wait3A_123 = arith.constant 70 : i32
    %dma_wait3A_124 = arith.constant 0 : i32
    %dma_wait3A_125 = tpu.memref_slice %arg6[%dma_wait3A_123, %dma_wait3A_124] : memref<78x128xi32, #tpu.memory_space<vmem>> -> memref<1x128xi32, #tpu.memory_space<vmem>>
    %dma_wait3A_126 = tpu.memref_squeeze %dma_wait3A_125 : memref<1x128xi32, #tpu.memory_space<vmem>> -> memref<128xi32, #tpu.memory_space<vmem>>
    %dma_wait3A_127 = arith.constant 0 : i32
    %dma_wait3A_128 = arith.constant 0 : i32
    %dma_wait3A_129 = tpu.memref_slice %arg9[%dma_wait3A_127, %dma_wait3A_128] : memref<10000x8xf32, #tpu.memory_space<vmem_shared>> -> memref<10000x8xf32, #tpu.memory_space<vmem_shared>>
    tpu.wait_indirect_dma semaphore(%arg10 : memref<!tpu.dma_semaphore, #tpu.memory_space<semaphore_mem>>) src(%arg8 : memref<128x8xf32, #tpu.memory_space<vmem>>) dst(%dma_wait3A_129 : memref<10000x8xf32, #tpu.memory_space<vmem_shared>>)
    %dma_wait3A_130 = arith.constant 71 : i32
    %dma_wait3A_131 = arith.constant 0 : i32
    %dma_wait3A_132 = tpu.memref_slice %arg6[%dma_wait3A_130, %dma_wait3A_131] : memref<78x128xi32, #tpu.memory_space<vmem>> -> memref<1x128xi32, #tpu.memory_space<vmem>>
    %dma_wait3A_133 = tpu.memref_squeeze %dma_wait3A_132 : memref<1x128xi32, #tpu.memory_space<vmem>> -> memref<128xi32, #tpu.memory_space<vmem>>
    %dma_wait3A_134 = arith.constant 0 : i32
    %dma_wait3A_135 = arith.constant 0 : i32
    %dma_wait3A_136 = tpu.memref_slice %arg9[%dma_wait3A_134, %dma_wait3A_135] : memref<10000x8xf32, #tpu.memory_space<vmem_shared>> -> memref<10000x8xf32, #tpu.memory_space<vmem_shared>>
    tpu.wait_indirect_dma semaphore(%arg10 : memref<!tpu.dma_semaphore, #tpu.memory_space<semaphore_mem>>) src(%arg8 : memref<128x8xf32, #tpu.memory_space<vmem>>) dst(%dma_wait3A_136 : memref<10000x8xf32, #tpu.memory_space<vmem_shared>>)
    %dma_wait3A_137 = arith.constant 72 : i32
    %dma_wait3A_138 = arith.constant 0 : i32
    %dma_wait3A_139 = tpu.memref_slice %arg6[%dma_wait3A_137, %dma_wait3A_138] : memref<78x128xi32, #tpu.memory_space<vmem>> -> memref<1x128xi32, #tpu.memory_space<vmem>>
    %dma_wait3A_140 = tpu.memref_squeeze %dma_wait3A_139 : memref<1x128xi32, #tpu.memory_space<vmem>> -> memref<128xi32, #tpu.memory_space<vmem>>
    %dma_wait3A_141 = arith.constant 0 : i32
    %dma_wait3A_142 = arith.constant 0 : i32
    %dma_wait3A_143 = tpu.memref_slice %arg9[%dma_wait3A_141, %dma_wait3A_142] : memref<10000x8xf32, #tpu.memory_space<vmem_shared>> -> memref<10000x8xf32, #tpu.memory_space<vmem_shared>>
    tpu.wait_indirect_dma semaphore(%arg10 : memref<!tpu.dma_semaphore, #tpu.memory_space<semaphore_mem>>) src(%arg8 : memref<128x8xf32, #tpu.memory_space<vmem>>) dst(%dma_wait3A_143 : memref<10000x8xf32, #tpu.memory_space<vmem_shared>>)
    %dma_wait3A_144 = arith.constant 73 : i32
    %dma_wait3A_145 = arith.constant 0 : i32
    %dma_wait3A_146 = tpu.memref_slice %arg6[%dma_wait3A_144, %dma_wait3A_145] : memref<78x128xi32, #tpu.memory_space<vmem>> -> memref<1x128xi32, #tpu.memory_space<vmem>>
    %dma_wait3A_147 = tpu.memref_squeeze %dma_wait3A_146 : memref<1x128xi32, #tpu.memory_space<vmem>> -> memref<128xi32, #tpu.memory_space<vmem>>
    %dma_wait3A_148 = arith.constant 0 : i32
    %dma_wait3A_149 = arith.constant 0 : i32
    %dma_wait3A_150 = tpu.memref_slice %arg9[%dma_wait3A_148, %dma_wait3A_149] : memref<10000x8xf32, #tpu.memory_space<vmem_shared>> -> memref<10000x8xf32, #tpu.memory_space<vmem_shared>>
    tpu.wait_indirect_dma semaphore(%arg10 : memref<!tpu.dma_semaphore, #tpu.memory_space<semaphore_mem>>) src(%arg8 : memref<128x8xf32, #tpu.memory_space<vmem>>) dst(%dma_wait3A_150 : memref<10000x8xf32, #tpu.memory_space<vmem_shared>>)
    %dma_wait3A_151 = arith.constant 74 : i32
    %dma_wait3A_152 = arith.constant 0 : i32
    %dma_wait3A_153 = tpu.memref_slice %arg6[%dma_wait3A_151, %dma_wait3A_152] : memref<78x128xi32, #tpu.memory_space<vmem>> -> memref<1x128xi32, #tpu.memory_space<vmem>>
    %dma_wait3A_154 = tpu.memref_squeeze %dma_wait3A_153 : memref<1x128xi32, #tpu.memory_space<vmem>> -> memref<128xi32, #tpu.memory_space<vmem>>
    %dma_wait3A_155 = arith.constant 0 : i32
    %dma_wait3A_156 = arith.constant 0 : i32
    %dma_wait3A_157 = tpu.memref_slice %arg9[%dma_wait3A_155, %dma_wait3A_156] : memref<10000x8xf32, #tpu.memory_space<vmem_shared>> -> memref<10000x8xf32, #tpu.memory_space<vmem_shared>>
    tpu.wait_indirect_dma semaphore(%arg10 : memref<!tpu.dma_semaphore, #tpu.memory_space<semaphore_mem>>) src(%arg8 : memref<128x8xf32, #tpu.memory_space<vmem>>) dst(%dma_wait3A_157 : memref<10000x8xf32, #tpu.memory_space<vmem_shared>>)
    %dma_wait3A_158 = arith.constant 75 : i32
    %dma_wait3A_159 = arith.constant 0 : i32
    %dma_wait3A_160 = tpu.memref_slice %arg6[%dma_wait3A_158, %dma_wait3A_159] : memref<78x128xi32, #tpu.memory_space<vmem>> -> memref<1x128xi32, #tpu.memory_space<vmem>>
    %dma_wait3A_161 = tpu.memref_squeeze %dma_wait3A_160 : memref<1x128xi32, #tpu.memory_space<vmem>> -> memref<128xi32, #tpu.memory_space<vmem>>
    %dma_wait3A_162 = arith.constant 0 : i32
    %dma_wait3A_163 = arith.constant 0 : i32
    %dma_wait3A_164 = tpu.memref_slice %arg9[%dma_wait3A_162, %dma_wait3A_163] : memref<10000x8xf32, #tpu.memory_space<vmem_shared>> -> memref<10000x8xf32, #tpu.memory_space<vmem_shared>>
    tpu.wait_indirect_dma semaphore(%arg10 : memref<!tpu.dma_semaphore, #tpu.memory_space<semaphore_mem>>) src(%arg8 : memref<128x8xf32, #tpu.memory_space<vmem>>) dst(%dma_wait3A_164 : memref<10000x8xf32, #tpu.memory_space<vmem_shared>>)
    %dma_wait3A_165 = arith.constant 76 : i32
    %dma_wait3A_166 = arith.constant 0 : i32
    %dma_wait3A_167 = tpu.memref_slice %arg6[%dma_wait3A_165, %dma_wait3A_166] : memref<78x128xi32, #tpu.memory_space<vmem>> -> memref<1x128xi32, #tpu.memory_space<vmem>>
    %dma_wait3A_168 = tpu.memref_squeeze %dma_wait3A_167 : memref<1x128xi32, #tpu.memory_space<vmem>> -> memref<128xi32, #tpu.memory_space<vmem>>
    %dma_wait3A_169 = arith.constant 0 : i32
    %dma_wait3A_170 = arith.constant 0 : i32
    %dma_wait3A_171 = tpu.memref_slice %arg9[%dma_wait3A_169, %dma_wait3A_170] : memref<10000x8xf32, #tpu.memory_space<vmem_shared>> -> memref<10000x8xf32, #tpu.memory_space<vmem_shared>>
    tpu.wait_indirect_dma semaphore(%arg10 : memref<!tpu.dma_semaphore, #tpu.memory_space<semaphore_mem>>) src(%arg8 : memref<128x8xf32, #tpu.memory_space<vmem>>) dst(%dma_wait3A_171 : memref<10000x8xf32, #tpu.memory_space<vmem_shared>>)
    %dma_wait3A_172 = arith.constant 77 : i32
    %dma_wait3A_173 = arith.constant 0 : i32
    %dma_wait3A_174 = tpu.memref_slice %arg6[%dma_wait3A_172, %dma_wait3A_173] : memref<78x128xi32, #tpu.memory_space<vmem>> -> memref<1x128xi32, #tpu.memory_space<vmem>>
    %dma_wait3A_175 = tpu.memref_squeeze %dma_wait3A_174 : memref<1x128xi32, #tpu.memory_space<vmem>> -> memref<128xi32, #tpu.memory_space<vmem>>
    %dma_wait3A_176 = arith.constant 0 : i32
    %dma_wait3A_177 = arith.constant 0 : i32
    %dma_wait3A_178 = tpu.memref_slice %arg9[%dma_wait3A_176, %dma_wait3A_177] : memref<10000x8xf32, #tpu.memory_space<vmem_shared>> -> memref<10000x8xf32, #tpu.memory_space<vmem_shared>>
    tpu.wait_indirect_dma semaphore(%arg10 : memref<!tpu.dma_semaphore, #tpu.memory_space<semaphore_mem>>) src(%arg8 : memref<128x8xf32, #tpu.memory_space<vmem>>) dst(%dma_wait3A_178 : memref<10000x8xf32, #tpu.memory_space<vmem_shared>>)
    %lt3A_179 = arith.constant 4 : i32
    %lt3A_180 = arith.cmpi slt, %add3A, %lt3A_179 : i32
    %convert_element_type3A_181 = arith.extui %lt3A_180 : i1 to i32
    %cond3A_182 = arith.constant 0 : i32
    %cond3A_183 = arith.cmpi ne, %convert_element_type3A_181, %cond3A_182 : i32
    scf.if %cond3A_183 {
      %dma_start3A = arith.constant 0 : i32
      %dma_start3A_189 = arith.constant 0 : i32
      %dma_start3A_190 = tpu.memref_slice %arg7[%dma_start3A, %dma_start3A_189] : memref<1x128xi32, #tpu.memory_space<vmem>> -> memref<1x128xi32, #tpu.memory_space<vmem>>
      %dma_start3A_191 = tpu.memref_squeeze %dma_start3A_190 : memref<1x128xi32, #tpu.memory_space<vmem>> -> memref<128xi32, #tpu.memory_space<vmem>>
      %dma_start3A_192 = arith.constant 0 : i32
      %dma_start3A_193 = arith.constant 0 : i32
      %dma_start3A_194 = tpu.memref_slice %arg9[%dma_start3A_192, %dma_start3A_193] : memref<10000x8xf32, #tpu.memory_space<vmem_shared>> -> memref<10000x8xf32, #tpu.memory_space<vmem_shared>>
      tpu.enqueue_indirect_dma source(%arg8 : memref<128x8xf32, #tpu.memory_space<vmem>>) target(%dma_start3A_194 : memref<10000x8xf32, #tpu.memory_space<vmem_shared>>) offsets(%dma_start3A_191 : memref<128xi32, #tpu.memory_space<vmem>>) semaphore(%arg10 : memref<!tpu.dma_semaphore, #tpu.memory_space<semaphore_mem>>) {add = true}
      %dma_wait3A_195 = arith.constant 0 : i32
      %dma_wait3A_196 = arith.constant 0 : i32
      %dma_wait3A_197 = tpu.memref_slice %arg7[%dma_wait3A_195, %dma_wait3A_196] : memref<1x128xi32, #tpu.memory_space<vmem>> -> memref<1x128xi32, #tpu.memory_space<vmem>>
      %dma_wait3A_198 = tpu.memref_squeeze %dma_wait3A_197 : memref<1x128xi32, #tpu.memory_space<vmem>> -> memref<128xi32, #tpu.memory_space<vmem>>
      %dma_wait3A_199 = arith.constant 0 : i32
      %dma_wait3A_200 = arith.constant 0 : i32
      %dma_wait3A_201 = tpu.memref_slice %arg9[%dma_wait3A_199, %dma_wait3A_200] : memref<10000x8xf32, #tpu.memory_space<vmem_shared>> -> memref<10000x8xf32, #tpu.memory_space<vmem_shared>>
      tpu.wait_indirect_dma semaphore(%arg10 : memref<!tpu.dma_semaphore, #tpu.memory_space<semaphore_mem>>) src(%arg8 : memref<128x8xf32, #tpu.memory_space<vmem>>) dst(%dma_wait3A_201 : memref<10000x8xf32, #tpu.memory_space<vmem_shared>>)
    } else {
    }
    %barrier3A_184 = arith.constant 0 : index
    tpu.barrier barrier_id(%barrier3A_184)
    %mul3A_185 = arith.constant 625 : i32
    %mul3A_186 = arith.muli %arg1, %mul3A_185 : i32
    %mul3A_187 = arith.constant 625 : i32
    %mul3A_188 = arith.muli %arg1, %mul3A_187 : i32
    "tpu.region"() ({
      %run_scoped3A_189 = tpu.sem_alloc : memref<!tpu.dma_semaphore, #tpu.memory_space<semaphore_mem>>
      %dma_start3A = arith.constant 0 : i32
      %dma_start3A_190 = tpu.memref_slice %arg5[%arg0, %mul3A_188, %dma_start3A] : memref<2x10000x8xf32, #tpu.memory_space<hbm>> -> memref<1x625x8xf32, #tpu.memory_space<hbm>>
      %dma_start3A_191 = tpu.memref_squeeze %dma_start3A_190 : memref<1x625x8xf32, #tpu.memory_space<hbm>> -> memref<625x8xf32, #tpu.memory_space<hbm>>
      %dma_start3A_192 = arith.constant 0 : i32
      %dma_start3A_193 = tpu.memref_slice %arg9[%mul3A_186, %dma_start3A_192] : memref<10000x8xf32, #tpu.memory_space<vmem_shared>> -> memref<625x8xf32, #tpu.memory_space<vmem_shared>>
      tpu.enqueue_dma source(%dma_start3A_193 : memref<625x8xf32, #tpu.memory_space<vmem_shared>>) target(%dma_start3A_191 : memref<625x8xf32, #tpu.memory_space<hbm>>) target_semaphore(%run_scoped3A_189 : memref<!tpu.dma_semaphore, #tpu.memory_space<semaphore_mem>>)
      %dma_wait3A_194 = arith.constant 0 : i32
      %dma_wait3A_195 = tpu.memref_slice %arg5[%arg0, %mul3A_188, %dma_wait3A_194] : memref<2x10000x8xf32, #tpu.memory_space<hbm>> -> memref<1x625x8xf32, #tpu.memory_space<hbm>>
      %dma_wait3A_196 = tpu.memref_squeeze %dma_wait3A_195 : memref<1x625x8xf32, #tpu.memory_space<hbm>> -> memref<625x8xf32, #tpu.memory_space<hbm>>
      %dma_wait3A_197 = arith.constant 0 : i32
      %dma_wait3A_198 = tpu.memref_slice %arg9[%mul3A_186, %dma_wait3A_197] : memref<10000x8xf32, #tpu.memory_space<vmem_shared>> -> memref<625x8xf32, #tpu.memory_space<vmem_shared>>
      tpu.wait_dma2 semaphore(%run_scoped3A_189 : memref<!tpu.dma_semaphore, #tpu.memory_space<semaphore_mem>>) src(%dma_wait3A_198 : memref<625x8xf32, #tpu.memory_space<vmem_shared>>) dst(%dma_wait3A_196 : memref<625x8xf32, #tpu.memory_space<hbm>>)
      tpu.yield
    }) : () -> ()
    return
  }
}

#map = affine_map<(d0, d1) -> (0, 0)>
#map1 = affine_map<(d0, d1) -> (0, 0, 0)>
module attributes {stable_mosaic.version = 14 : i64} {
  func.func @agg(%arg0: i32, %arg1: i32, %arg2: memref<10000x32xf32, #tpu.memory_space<hbm>>, %arg3: memref<2x2500x128xi32, #tpu.memory_space<hbm>>, %arg4: memref<625x32xf32, #tpu.memory_space<hbm>>, %arg5: memref<2x10000x32xf32, #tpu.memory_space<hbm>>, %arg6: memref<78x128xi32, #tpu.memory_space<vmem>>, %arg7: memref<78x128xi32, #tpu.memory_space<vmem>>, %arg8: memref<1x128xi32, #tpu.memory_space<vmem>>, %arg9: memref<1x128xi32, #tpu.memory_space<vmem>>, %arg10: memref<22x128x32xf32, #tpu.memory_space<vmem>>, %arg11: memref<10000x32xf32, #tpu.memory_space<vmem_shared>>, %arg12: memref<!tpu.dma_semaphore, #tpu.memory_space<semaphore_mem>>, %arg13: memref<!tpu.dma_semaphore, #tpu.memory_space<semaphore_mem>>) attributes {dimension_semantics = [#tpu.dimension_semantics<core_parallel>, #tpu.dimension_semantics<subcore_parallel>], iteration_bounds = array<i64: 2, 16>, scalar_prefetch = 0 : i64, scratch_operands = 8 : i64, tpu.core_type = #tpu.core_type<sc_vector_subcore>, window_params = [{transform_indices = #map}, {transform_indices = #map1}, {transform_indices = #map}, {transform_indices = #map1}]} {
    %mul3A = arith.constant 16 : i32
    %mul3A_0 = arith.muli %arg0, %mul3A : i32
    %add3A = arith.addi %mul3A_0, %arg1 : i32
    %mul3A_1 = arith.constant 78 : i32
    %mul3A_2 = arith.muli %add3A, %mul3A_1 : i32
    %run_scoped3A = arith.constant 0 : i32
    "tpu.region"() ({
      %run_scoped3A_287 = tpu.sem_alloc : memref<!tpu.dma_semaphore, #tpu.memory_space<semaphore_mem>>
      %dma_start3A_288 = arith.constant 0 : i32
      %dma_start3A_289 = tpu.memref_slice %arg3[%run_scoped3A, %mul3A_2, %dma_start3A_288] : memref<2x2500x128xi32, #tpu.memory_space<hbm>> -> memref<1x78x128xi32, #tpu.memory_space<hbm>>
      %dma_start3A_290 = tpu.memref_squeeze %dma_start3A_289 : memref<1x78x128xi32, #tpu.memory_space<hbm>> -> memref<78x128xi32, #tpu.memory_space<hbm>>
      %dma_start3A_291 = arith.constant 0 : i32
      %dma_start3A_292 = tpu.memref_slice %arg3[%run_scoped3A, %mul3A_2, %dma_start3A_291] : memref<2x2500x128xi32, #tpu.memory_space<hbm>> -> memref<1x78x128xi32, #tpu.memory_space<hbm>>
      %dma_start3A_293 = tpu.memref_squeeze %dma_start3A_292 : memref<1x78x128xi32, #tpu.memory_space<hbm>> -> memref<78x128xi32, #tpu.memory_space<hbm>>
      tpu.enqueue_dma source(%dma_start3A_293 : memref<78x128xi32, #tpu.memory_space<hbm>>) target(%arg6 : memref<78x128xi32, #tpu.memory_space<vmem>>) target_semaphore(%run_scoped3A_287 : memref<!tpu.dma_semaphore, #tpu.memory_space<semaphore_mem>>)
      %dma_wait3A_294 = arith.constant 0 : i32
      %dma_wait3A_295 = tpu.memref_slice %arg3[%run_scoped3A, %mul3A_2, %dma_wait3A_294] : memref<2x2500x128xi32, #tpu.memory_space<hbm>> -> memref<1x78x128xi32, #tpu.memory_space<hbm>>
      %dma_wait3A_296 = tpu.memref_squeeze %dma_wait3A_295 : memref<1x78x128xi32, #tpu.memory_space<hbm>> -> memref<78x128xi32, #tpu.memory_space<hbm>>
      %dma_wait3A_297 = arith.constant 0 : i32
      %dma_wait3A_298 = tpu.memref_slice %arg3[%run_scoped3A, %mul3A_2, %dma_wait3A_297] : memref<2x2500x128xi32, #tpu.memory_space<hbm>> -> memref<1x78x128xi32, #tpu.memory_space<hbm>>
      %dma_wait3A_299 = tpu.memref_squeeze %dma_wait3A_298 : memref<1x78x128xi32, #tpu.memory_space<hbm>> -> memref<78x128xi32, #tpu.memory_space<hbm>>
      tpu.wait_dma2 semaphore(%run_scoped3A_287 : memref<!tpu.dma_semaphore, #tpu.memory_space<semaphore_mem>>) src(%dma_wait3A_299 : memref<78x128xi32, #tpu.memory_space<hbm>>) dst(%arg6 : memref<78x128xi32, #tpu.memory_space<vmem>>)
      tpu.yield
    }) : () -> ()
    %mul3A_3 = arith.constant 78 : i32
    %mul3A_4 = arith.muli %add3A, %mul3A_3 : i32
    %run_scoped3A_5 = arith.constant 1 : i32
    "tpu.region"() ({
      %run_scoped3A_287 = tpu.sem_alloc : memref<!tpu.dma_semaphore, #tpu.memory_space<semaphore_mem>>
      %dma_start3A_288 = arith.constant 0 : i32
      %dma_start3A_289 = tpu.memref_slice %arg3[%run_scoped3A_5, %mul3A_4, %dma_start3A_288] : memref<2x2500x128xi32, #tpu.memory_space<hbm>> -> memref<1x78x128xi32, #tpu.memory_space<hbm>>
      %dma_start3A_290 = tpu.memref_squeeze %dma_start3A_289 : memref<1x78x128xi32, #tpu.memory_space<hbm>> -> memref<78x128xi32, #tpu.memory_space<hbm>>
      %dma_start3A_291 = arith.constant 0 : i32
      %dma_start3A_292 = tpu.memref_slice %arg3[%run_scoped3A_5, %mul3A_4, %dma_start3A_291] : memref<2x2500x128xi32, #tpu.memory_space<hbm>> -> memref<1x78x128xi32, #tpu.memory_space<hbm>>
      %dma_start3A_293 = tpu.memref_squeeze %dma_start3A_292 : memref<1x78x128xi32, #tpu.memory_space<hbm>> -> memref<78x128xi32, #tpu.memory_space<hbm>>
      tpu.enqueue_dma source(%dma_start3A_293 : memref<78x128xi32, #tpu.memory_space<hbm>>) target(%arg7 : memref<78x128xi32, #tpu.memory_space<vmem>>) target_semaphore(%run_scoped3A_287 : memref<!tpu.dma_semaphore, #tpu.memory_space<semaphore_mem>>)
      %dma_wait3A_294 = arith.constant 0 : i32
      %dma_wait3A_295 = tpu.memref_slice %arg3[%run_scoped3A_5, %mul3A_4, %dma_wait3A_294] : memref<2x2500x128xi32, #tpu.memory_space<hbm>> -> memref<1x78x128xi32, #tpu.memory_space<hbm>>
      %dma_wait3A_296 = tpu.memref_squeeze %dma_wait3A_295 : memref<1x78x128xi32, #tpu.memory_space<hbm>> -> memref<78x128xi32, #tpu.memory_space<hbm>>
      %dma_wait3A_297 = arith.constant 0 : i32
      %dma_wait3A_298 = tpu.memref_slice %arg3[%run_scoped3A_5, %mul3A_4, %dma_wait3A_297] : memref<2x2500x128xi32, #tpu.memory_space<hbm>> -> memref<1x78x128xi32, #tpu.memory_space<hbm>>
      %dma_wait3A_299 = tpu.memref_squeeze %dma_wait3A_298 : memref<1x78x128xi32, #tpu.memory_space<hbm>> -> memref<78x128xi32, #tpu.memory_space<hbm>>
      tpu.wait_dma2 semaphore(%run_scoped3A_287 : memref<!tpu.dma_semaphore, #tpu.memory_space<semaphore_mem>>) src(%dma_wait3A_299 : memref<78x128xi32, #tpu.memory_space<hbm>>) dst(%arg7 : memref<78x128xi32, #tpu.memory_space<vmem>>)
      tpu.yield
    }) : () -> ()
    %lt3A = arith.constant 4 : i32
    %lt3A_6 = arith.cmpi slt, %add3A, %lt3A : i32
    %convert_element_type3A = arith.extui %lt3A_6 : i1 to i32
    %cond3A = arith.constant 0 : i32
    %cond3A_7 = arith.cmpi ne, %convert_element_type3A, %cond3A : i32
    scf.if %cond3A_7 {
      %add3A_287 = arith.constant 2496 : i32
      %add3A_288 = arith.addi %add3A_287, %add3A : i32
      %run_scoped3A_289 = arith.constant 0 : i32
      "tpu.region"() ({
        %run_scoped3A_293 = tpu.sem_alloc : memref<!tpu.dma_semaphore, #tpu.memory_space<semaphore_mem>>
        %dma_start3A_294 = arith.constant 0 : i32
        %dma_start3A_295 = tpu.memref_slice %arg3[%run_scoped3A_289, %add3A_288, %dma_start3A_294] : memref<2x2500x128xi32, #tpu.memory_space<hbm>> -> memref<1x1x128xi32, #tpu.memory_space<hbm>>
        %dma_start3A_296 = tpu.memref_squeeze %dma_start3A_295 : memref<1x1x128xi32, #tpu.memory_space<hbm>> -> memref<1x128xi32, #tpu.memory_space<hbm>>
        %dma_start3A_297 = arith.constant 0 : i32
        %dma_start3A_298 = tpu.memref_slice %arg3[%run_scoped3A_289, %add3A_288, %dma_start3A_297] : memref<2x2500x128xi32, #tpu.memory_space<hbm>> -> memref<1x1x128xi32, #tpu.memory_space<hbm>>
        %dma_start3A_299 = tpu.memref_squeeze %dma_start3A_298 : memref<1x1x128xi32, #tpu.memory_space<hbm>> -> memref<1x128xi32, #tpu.memory_space<hbm>>
        tpu.enqueue_dma source(%dma_start3A_299 : memref<1x128xi32, #tpu.memory_space<hbm>>) target(%arg8 : memref<1x128xi32, #tpu.memory_space<vmem>>) target_semaphore(%run_scoped3A_293 : memref<!tpu.dma_semaphore, #tpu.memory_space<semaphore_mem>>)
        %dma_wait3A_300 = arith.constant 0 : i32
        %dma_wait3A_301 = tpu.memref_slice %arg3[%run_scoped3A_289, %add3A_288, %dma_wait3A_300] : memref<2x2500x128xi32, #tpu.memory_space<hbm>> -> memref<1x1x128xi32, #tpu.memory_space<hbm>>
        %dma_wait3A_302 = tpu.memref_squeeze %dma_wait3A_301 : memref<1x1x128xi32, #tpu.memory_space<hbm>> -> memref<1x128xi32, #tpu.memory_space<hbm>>
        %dma_wait3A_303 = arith.constant 0 : i32
        %dma_wait3A_304 = tpu.memref_slice %arg3[%run_scoped3A_289, %add3A_288, %dma_wait3A_303] : memref<2x2500x128xi32, #tpu.memory_space<hbm>> -> memref<1x1x128xi32, #tpu.memory_space<hbm>>
        %dma_wait3A_305 = tpu.memref_squeeze %dma_wait3A_304 : memref<1x1x128xi32, #tpu.memory_space<hbm>> -> memref<1x128xi32, #tpu.memory_space<hbm>>
        tpu.wait_dma2 semaphore(%run_scoped3A_293 : memref<!tpu.dma_semaphore, #tpu.memory_space<semaphore_mem>>) src(%dma_wait3A_305 : memref<1x128xi32, #tpu.memory_space<hbm>>) dst(%arg8 : memref<1x128xi32, #tpu.memory_space<vmem>>)
        tpu.yield
      }) : () -> ()
      %add3A_290 = arith.constant 2496 : i32
      %add3A_291 = arith.addi %add3A_290, %add3A : i32
      %run_scoped3A_292 = arith.constant 1 : i32
      "tpu.region"() ({
        %run_scoped3A_293 = tpu.sem_alloc : memref<!tpu.dma_semaphore, #tpu.memory_space<semaphore_mem>>
        %dma_start3A_294 = arith.constant 0 : i32
        %dma_start3A_295 = tpu.memref_slice %arg3[%run_scoped3A_292, %add3A_291, %dma_start3A_294] : memref<2x2500x128xi32, #tpu.memory_space<hbm>> -> memref<1x1x128xi32, #tpu.memory_space<hbm>>
        %dma_start3A_296 = tpu.memref_squeeze %dma_start3A_295 : memref<1x1x128xi32, #tpu.memory_space<hbm>> -> memref<1x128xi32, #tpu.memory_space<hbm>>
        %dma_start3A_297 = arith.constant 0 : i32
        %dma_start3A_298 = tpu.memref_slice %arg3[%run_scoped3A_292, %add3A_291, %dma_start3A_297] : memref<2x2500x128xi32, #tpu.memory_space<hbm>> -> memref<1x1x128xi32, #tpu.memory_space<hbm>>
        %dma_start3A_299 = tpu.memref_squeeze %dma_start3A_298 : memref<1x1x128xi32, #tpu.memory_space<hbm>> -> memref<1x128xi32, #tpu.memory_space<hbm>>
        tpu.enqueue_dma source(%dma_start3A_299 : memref<1x128xi32, #tpu.memory_space<hbm>>) target(%arg9 : memref<1x128xi32, #tpu.memory_space<vmem>>) target_semaphore(%run_scoped3A_293 : memref<!tpu.dma_semaphore, #tpu.memory_space<semaphore_mem>>)
        %dma_wait3A_300 = arith.constant 0 : i32
        %dma_wait3A_301 = tpu.memref_slice %arg3[%run_scoped3A_292, %add3A_291, %dma_wait3A_300] : memref<2x2500x128xi32, #tpu.memory_space<hbm>> -> memref<1x1x128xi32, #tpu.memory_space<hbm>>
        %dma_wait3A_302 = tpu.memref_squeeze %dma_wait3A_301 : memref<1x1x128xi32, #tpu.memory_space<hbm>> -> memref<1x128xi32, #tpu.memory_space<hbm>>
        %dma_wait3A_303 = arith.constant 0 : i32
        %dma_wait3A_304 = tpu.memref_slice %arg3[%run_scoped3A_292, %add3A_291, %dma_wait3A_303] : memref<2x2500x128xi32, #tpu.memory_space<hbm>> -> memref<1x1x128xi32, #tpu.memory_space<hbm>>
        %dma_wait3A_305 = tpu.memref_squeeze %dma_wait3A_304 : memref<1x1x128xi32, #tpu.memory_space<hbm>> -> memref<1x128xi32, #tpu.memory_space<hbm>>
        tpu.wait_dma2 semaphore(%run_scoped3A_293 : memref<!tpu.dma_semaphore, #tpu.memory_space<semaphore_mem>>) src(%dma_wait3A_305 : memref<1x128xi32, #tpu.memory_space<hbm>>) dst(%arg9 : memref<1x128xi32, #tpu.memory_space<vmem>>)
        tpu.yield
      }) : () -> ()
    } else {
    }
    %mul3A_8 = arith.constant 625 : i32
    %mul3A_9 = arith.muli %arg1, %mul3A_8 : i32
    "tpu.region"() ({
      %run_scoped3A_287 = tpu.sem_alloc : memref<!tpu.dma_semaphore, #tpu.memory_space<semaphore_mem>>
      %dma_start3A_288 = arith.constant 0 : i32
      %dma_start3A_289 = tpu.memref_slice %arg11[%mul3A_9, %dma_start3A_288] : memref<10000x32xf32, #tpu.memory_space<vmem_shared>> -> memref<625x32xf32, #tpu.memory_space<vmem_shared>>
      tpu.enqueue_dma source(%arg4 : memref<625x32xf32, #tpu.memory_space<hbm>>) target(%dma_start3A_289 : memref<625x32xf32, #tpu.memory_space<vmem_shared>>) target_semaphore(%run_scoped3A_287 : memref<!tpu.dma_semaphore, #tpu.memory_space<semaphore_mem>>)
      %dma_wait3A_290 = arith.constant 0 : i32
      %dma_wait3A_291 = tpu.memref_slice %arg11[%mul3A_9, %dma_wait3A_290] : memref<10000x32xf32, #tpu.memory_space<vmem_shared>> -> memref<625x32xf32, #tpu.memory_space<vmem_shared>>
      tpu.wait_dma2 semaphore(%run_scoped3A_287 : memref<!tpu.dma_semaphore, #tpu.memory_space<semaphore_mem>>) src(%arg4 : memref<625x32xf32, #tpu.memory_space<hbm>>) dst(%dma_wait3A_291 : memref<625x32xf32, #tpu.memory_space<vmem_shared>>)
      tpu.yield
    }) : () -> ()
    %barrier3A = arith.constant 0 : index
    tpu.barrier barrier_id(%barrier3A)
    %dma_start3A = arith.constant 0 : i32
    %dma_start3A_10 = arith.constant 0 : i32
    %dma_start3A_11 = arith.constant 0 : i32
    %dma_start3A_12 = arith.constant 0 : i32
    %dma_start3A_13 = tpu.memref_slice %arg10[%dma_start3A_10, %dma_start3A_11, %dma_start3A_12] : memref<22x128x32xf32, #tpu.memory_space<vmem>> -> memref<1x128x32xf32, #tpu.memory_space<vmem>>
    %dma_start3A_14 = tpu.memref_squeeze %dma_start3A_13 : memref<1x128x32xf32, #tpu.memory_space<vmem>> -> memref<128x32xf32, #tpu.memory_space<vmem>>
    %dma_start3A_15 = arith.constant 0 : i32
    %dma_start3A_16 = tpu.memref_slice %arg6[%dma_start3A, %dma_start3A_15] : memref<78x128xi32, #tpu.memory_space<vmem>> -> memref<1x128xi32, #tpu.memory_space<vmem>>
    %dma_start3A_17 = tpu.memref_squeeze %dma_start3A_16 : memref<1x128xi32, #tpu.memory_space<vmem>> -> memref<128xi32, #tpu.memory_space<vmem>>
    %dma_start3A_18 = arith.constant 0 : i32
    %dma_start3A_19 = arith.constant 0 : i32
    %dma_start3A_20 = tpu.memref_slice %arg2[%dma_start3A_18, %dma_start3A_19] : memref<10000x32xf32, #tpu.memory_space<hbm>> -> memref<10000x32xf32, #tpu.memory_space<hbm>>
    tpu.enqueue_indirect_dma source(%dma_start3A_20 : memref<10000x32xf32, #tpu.memory_space<hbm>>) target(%dma_start3A_14 : memref<128x32xf32, #tpu.memory_space<vmem>>) offsets(%dma_start3A_17 : memref<128xi32, #tpu.memory_space<vmem>>) semaphore(%arg12 : memref<!tpu.dma_semaphore, #tpu.memory_space<semaphore_mem>>)
    %dma_start3A_21 = arith.constant 1 : i32
    %dma_start3A_22 = arith.constant 1 : i32
    %dma_start3A_23 = arith.constant 0 : i32
    %dma_start3A_24 = arith.constant 0 : i32
    %dma_start3A_25 = tpu.memref_slice %arg10[%dma_start3A_22, %dma_start3A_23, %dma_start3A_24] : memref<22x128x32xf32, #tpu.memory_space<vmem>> -> memref<1x128x32xf32, #tpu.memory_space<vmem>>
    %dma_start3A_26 = tpu.memref_squeeze %dma_start3A_25 : memref<1x128x32xf32, #tpu.memory_space<vmem>> -> memref<128x32xf32, #tpu.memory_space<vmem>>
    %dma_start3A_27 = arith.constant 0 : i32
    %dma_start3A_28 = tpu.memref_slice %arg6[%dma_start3A_21, %dma_start3A_27] : memref<78x128xi32, #tpu.memory_space<vmem>> -> memref<1x128xi32, #tpu.memory_space<vmem>>
    %dma_start3A_29 = tpu.memref_squeeze %dma_start3A_28 : memref<1x128xi32, #tpu.memory_space<vmem>> -> memref<128xi32, #tpu.memory_space<vmem>>
    %dma_start3A_30 = arith.constant 0 : i32
    %dma_start3A_31 = arith.constant 0 : i32
    %dma_start3A_32 = tpu.memref_slice %arg2[%dma_start3A_30, %dma_start3A_31] : memref<10000x32xf32, #tpu.memory_space<hbm>> -> memref<10000x32xf32, #tpu.memory_space<hbm>>
    tpu.enqueue_indirect_dma source(%dma_start3A_32 : memref<10000x32xf32, #tpu.memory_space<hbm>>) target(%dma_start3A_26 : memref<128x32xf32, #tpu.memory_space<vmem>>) offsets(%dma_start3A_29 : memref<128xi32, #tpu.memory_space<vmem>>) semaphore(%arg12 : memref<!tpu.dma_semaphore, #tpu.memory_space<semaphore_mem>>)
    %dma_start3A_33 = arith.constant 2 : i32
    %dma_start3A_34 = arith.constant 2 : i32
    %dma_start3A_35 = arith.constant 0 : i32
    %dma_start3A_36 = arith.constant 0 : i32
    %dma_start3A_37 = tpu.memref_slice %arg10[%dma_start3A_34, %dma_start3A_35, %dma_start3A_36] : memref<22x128x32xf32, #tpu.memory_space<vmem>> -> memref<1x128x32xf32, #tpu.memory_space<vmem>>
    %dma_start3A_38 = tpu.memref_squeeze %dma_start3A_37 : memref<1x128x32xf32, #tpu.memory_space<vmem>> -> memref<128x32xf32, #tpu.memory_space<vmem>>
    %dma_start3A_39 = arith.constant 0 : i32
    %dma_start3A_40 = tpu.memref_slice %arg6[%dma_start3A_33, %dma_start3A_39] : memref<78x128xi32, #tpu.memory_space<vmem>> -> memref<1x128xi32, #tpu.memory_space<vmem>>
    %dma_start3A_41 = tpu.memref_squeeze %dma_start3A_40 : memref<1x128xi32, #tpu.memory_space<vmem>> -> memref<128xi32, #tpu.memory_space<vmem>>
    %dma_start3A_42 = arith.constant 0 : i32
    %dma_start3A_43 = arith.constant 0 : i32
    %dma_start3A_44 = tpu.memref_slice %arg2[%dma_start3A_42, %dma_start3A_43] : memref<10000x32xf32, #tpu.memory_space<hbm>> -> memref<10000x32xf32, #tpu.memory_space<hbm>>
    tpu.enqueue_indirect_dma source(%dma_start3A_44 : memref<10000x32xf32, #tpu.memory_space<hbm>>) target(%dma_start3A_38 : memref<128x32xf32, #tpu.memory_space<vmem>>) offsets(%dma_start3A_41 : memref<128xi32, #tpu.memory_space<vmem>>) semaphore(%arg12 : memref<!tpu.dma_semaphore, #tpu.memory_space<semaphore_mem>>)
    %dma_start3A_45 = arith.constant 3 : i32
    %dma_start3A_46 = arith.constant 3 : i32
    %dma_start3A_47 = arith.constant 0 : i32
    %dma_start3A_48 = arith.constant 0 : i32
    %dma_start3A_49 = tpu.memref_slice %arg10[%dma_start3A_46, %dma_start3A_47, %dma_start3A_48] : memref<22x128x32xf32, #tpu.memory_space<vmem>> -> memref<1x128x32xf32, #tpu.memory_space<vmem>>
    %dma_start3A_50 = tpu.memref_squeeze %dma_start3A_49 : memref<1x128x32xf32, #tpu.memory_space<vmem>> -> memref<128x32xf32, #tpu.memory_space<vmem>>
    %dma_start3A_51 = arith.constant 0 : i32
    %dma_start3A_52 = tpu.memref_slice %arg6[%dma_start3A_45, %dma_start3A_51] : memref<78x128xi32, #tpu.memory_space<vmem>> -> memref<1x128xi32, #tpu.memory_space<vmem>>
    %dma_start3A_53 = tpu.memref_squeeze %dma_start3A_52 : memref<1x128xi32, #tpu.memory_space<vmem>> -> memref<128xi32, #tpu.memory_space<vmem>>
    %dma_start3A_54 = arith.constant 0 : i32
    %dma_start3A_55 = arith.constant 0 : i32
    %dma_start3A_56 = tpu.memref_slice %arg2[%dma_start3A_54, %dma_start3A_55] : memref<10000x32xf32, #tpu.memory_space<hbm>> -> memref<10000x32xf32, #tpu.memory_space<hbm>>
    tpu.enqueue_indirect_dma source(%dma_start3A_56 : memref<10000x32xf32, #tpu.memory_space<hbm>>) target(%dma_start3A_50 : memref<128x32xf32, #tpu.memory_space<vmem>>) offsets(%dma_start3A_53 : memref<128xi32, #tpu.memory_space<vmem>>) semaphore(%arg12 : memref<!tpu.dma_semaphore, #tpu.memory_space<semaphore_mem>>)
    %dma_start3A_57 = arith.constant 4 : i32
    %dma_start3A_58 = arith.constant 4 : i32
    %dma_start3A_59 = arith.constant 0 : i32
    %dma_start3A_60 = arith.constant 0 : i32
    %dma_start3A_61 = tpu.memref_slice %arg10[%dma_start3A_58, %dma_start3A_59, %dma_start3A_60] : memref<22x128x32xf32, #tpu.memory_space<vmem>> -> memref<1x128x32xf32, #tpu.memory_space<vmem>>
    %dma_start3A_62 = tpu.memref_squeeze %dma_start3A_61 : memref<1x128x32xf32, #tpu.memory_space<vmem>> -> memref<128x32xf32, #tpu.memory_space<vmem>>
    %dma_start3A_63 = arith.constant 0 : i32
    %dma_start3A_64 = tpu.memref_slice %arg6[%dma_start3A_57, %dma_start3A_63] : memref<78x128xi32, #tpu.memory_space<vmem>> -> memref<1x128xi32, #tpu.memory_space<vmem>>
    %dma_start3A_65 = tpu.memref_squeeze %dma_start3A_64 : memref<1x128xi32, #tpu.memory_space<vmem>> -> memref<128xi32, #tpu.memory_space<vmem>>
    %dma_start3A_66 = arith.constant 0 : i32
    %dma_start3A_67 = arith.constant 0 : i32
    %dma_start3A_68 = tpu.memref_slice %arg2[%dma_start3A_66, %dma_start3A_67] : memref<10000x32xf32, #tpu.memory_space<hbm>> -> memref<10000x32xf32, #tpu.memory_space<hbm>>
    tpu.enqueue_indirect_dma source(%dma_start3A_68 : memref<10000x32xf32, #tpu.memory_space<hbm>>) target(%dma_start3A_62 : memref<128x32xf32, #tpu.memory_space<vmem>>) offsets(%dma_start3A_65 : memref<128xi32, #tpu.memory_space<vmem>>) semaphore(%arg12 : memref<!tpu.dma_semaphore, #tpu.memory_space<semaphore_mem>>)
    %dma_start3A_69 = arith.constant 5 : i32
    %dma_start3A_70 = arith.constant 5 : i32
    %dma_start3A_71 = arith.constant 0 : i32
    %dma_start3A_72 = arith.constant 0 : i32
    %dma_start3A_73 = tpu.memref_slice %arg10[%dma_start3A_70, %dma_start3A_71, %dma_start3A_72] : memref<22x128x32xf32, #tpu.memory_space<vmem>> -> memref<1x128x32xf32, #tpu.memory_space<vmem>>
    %dma_start3A_74 = tpu.memref_squeeze %dma_start3A_73 : memref<1x128x32xf32, #tpu.memory_space<vmem>> -> memref<128x32xf32, #tpu.memory_space<vmem>>
    %dma_start3A_75 = arith.constant 0 : i32
    %dma_start3A_76 = tpu.memref_slice %arg6[%dma_start3A_69, %dma_start3A_75] : memref<78x128xi32, #tpu.memory_space<vmem>> -> memref<1x128xi32, #tpu.memory_space<vmem>>
    %dma_start3A_77 = tpu.memref_squeeze %dma_start3A_76 : memref<1x128xi32, #tpu.memory_space<vmem>> -> memref<128xi32, #tpu.memory_space<vmem>>
    %dma_start3A_78 = arith.constant 0 : i32
    %dma_start3A_79 = arith.constant 0 : i32
    %dma_start3A_80 = tpu.memref_slice %arg2[%dma_start3A_78, %dma_start3A_79] : memref<10000x32xf32, #tpu.memory_space<hbm>> -> memref<10000x32xf32, #tpu.memory_space<hbm>>
    tpu.enqueue_indirect_dma source(%dma_start3A_80 : memref<10000x32xf32, #tpu.memory_space<hbm>>) target(%dma_start3A_74 : memref<128x32xf32, #tpu.memory_space<vmem>>) offsets(%dma_start3A_77 : memref<128xi32, #tpu.memory_space<vmem>>) semaphore(%arg12 : memref<!tpu.dma_semaphore, #tpu.memory_space<semaphore_mem>>)
    %dma_start3A_81 = arith.constant 6 : i32
    %dma_start3A_82 = arith.constant 6 : i32
    %dma_start3A_83 = arith.constant 0 : i32
    %dma_start3A_84 = arith.constant 0 : i32
    %dma_start3A_85 = tpu.memref_slice %arg10[%dma_start3A_82, %dma_start3A_83, %dma_start3A_84] : memref<22x128x32xf32, #tpu.memory_space<vmem>> -> memref<1x128x32xf32, #tpu.memory_space<vmem>>
    %dma_start3A_86 = tpu.memref_squeeze %dma_start3A_85 : memref<1x128x32xf32, #tpu.memory_space<vmem>> -> memref<128x32xf32, #tpu.memory_space<vmem>>
    %dma_start3A_87 = arith.constant 0 : i32
    %dma_start3A_88 = tpu.memref_slice %arg6[%dma_start3A_81, %dma_start3A_87] : memref<78x128xi32, #tpu.memory_space<vmem>> -> memref<1x128xi32, #tpu.memory_space<vmem>>
    %dma_start3A_89 = tpu.memref_squeeze %dma_start3A_88 : memref<1x128xi32, #tpu.memory_space<vmem>> -> memref<128xi32, #tpu.memory_space<vmem>>
    %dma_start3A_90 = arith.constant 0 : i32
    %dma_start3A_91 = arith.constant 0 : i32
    %dma_start3A_92 = tpu.memref_slice %arg2[%dma_start3A_90, %dma_start3A_91] : memref<10000x32xf32, #tpu.memory_space<hbm>> -> memref<10000x32xf32, #tpu.memory_space<hbm>>
    tpu.enqueue_indirect_dma source(%dma_start3A_92 : memref<10000x32xf32, #tpu.memory_space<hbm>>) target(%dma_start3A_86 : memref<128x32xf32, #tpu.memory_space<vmem>>) offsets(%dma_start3A_89 : memref<128xi32, #tpu.memory_space<vmem>>) semaphore(%arg12 : memref<!tpu.dma_semaphore, #tpu.memory_space<semaphore_mem>>)
    %dma_start3A_93 = arith.constant 7 : i32
    %dma_start3A_94 = arith.constant 7 : i32
    %dma_start3A_95 = arith.constant 0 : i32
    %dma_start3A_96 = arith.constant 0 : i32
    %dma_start3A_97 = tpu.memref_slice %arg10[%dma_start3A_94, %dma_start3A_95, %dma_start3A_96] : memref<22x128x32xf32, #tpu.memory_space<vmem>> -> memref<1x128x32xf32, #tpu.memory_space<vmem>>
    %dma_start3A_98 = tpu.memref_squeeze %dma_start3A_97 : memref<1x128x32xf32, #tpu.memory_space<vmem>> -> memref<128x32xf32, #tpu.memory_space<vmem>>
    %dma_start3A_99 = arith.constant 0 : i32
    %dma_start3A_100 = tpu.memref_slice %arg6[%dma_start3A_93, %dma_start3A_99] : memref<78x128xi32, #tpu.memory_space<vmem>> -> memref<1x128xi32, #tpu.memory_space<vmem>>
    %dma_start3A_101 = tpu.memref_squeeze %dma_start3A_100 : memref<1x128xi32, #tpu.memory_space<vmem>> -> memref<128xi32, #tpu.memory_space<vmem>>
    %dma_start3A_102 = arith.constant 0 : i32
    %dma_start3A_103 = arith.constant 0 : i32
    %dma_start3A_104 = tpu.memref_slice %arg2[%dma_start3A_102, %dma_start3A_103] : memref<10000x32xf32, #tpu.memory_space<hbm>> -> memref<10000x32xf32, #tpu.memory_space<hbm>>
    tpu.enqueue_indirect_dma source(%dma_start3A_104 : memref<10000x32xf32, #tpu.memory_space<hbm>>) target(%dma_start3A_98 : memref<128x32xf32, #tpu.memory_space<vmem>>) offsets(%dma_start3A_101 : memref<128xi32, #tpu.memory_space<vmem>>) semaphore(%arg12 : memref<!tpu.dma_semaphore, #tpu.memory_space<semaphore_mem>>)
    %dma_start3A_105 = arith.constant 8 : i32
    %dma_start3A_106 = arith.constant 8 : i32
    %dma_start3A_107 = arith.constant 0 : i32
    %dma_start3A_108 = arith.constant 0 : i32
    %dma_start3A_109 = tpu.memref_slice %arg10[%dma_start3A_106, %dma_start3A_107, %dma_start3A_108] : memref<22x128x32xf32, #tpu.memory_space<vmem>> -> memref<1x128x32xf32, #tpu.memory_space<vmem>>
    %dma_start3A_110 = tpu.memref_squeeze %dma_start3A_109 : memref<1x128x32xf32, #tpu.memory_space<vmem>> -> memref<128x32xf32, #tpu.memory_space<vmem>>
    %dma_start3A_111 = arith.constant 0 : i32
    %dma_start3A_112 = tpu.memref_slice %arg6[%dma_start3A_105, %dma_start3A_111] : memref<78x128xi32, #tpu.memory_space<vmem>> -> memref<1x128xi32, #tpu.memory_space<vmem>>
    %dma_start3A_113 = tpu.memref_squeeze %dma_start3A_112 : memref<1x128xi32, #tpu.memory_space<vmem>> -> memref<128xi32, #tpu.memory_space<vmem>>
    %dma_start3A_114 = arith.constant 0 : i32
    %dma_start3A_115 = arith.constant 0 : i32
    %dma_start3A_116 = tpu.memref_slice %arg2[%dma_start3A_114, %dma_start3A_115] : memref<10000x32xf32, #tpu.memory_space<hbm>> -> memref<10000x32xf32, #tpu.memory_space<hbm>>
    tpu.enqueue_indirect_dma source(%dma_start3A_116 : memref<10000x32xf32, #tpu.memory_space<hbm>>) target(%dma_start3A_110 : memref<128x32xf32, #tpu.memory_space<vmem>>) offsets(%dma_start3A_113 : memref<128xi32, #tpu.memory_space<vmem>>) semaphore(%arg12 : memref<!tpu.dma_semaphore, #tpu.memory_space<semaphore_mem>>)
    %dma_start3A_117 = arith.constant 9 : i32
    %dma_start3A_118 = arith.constant 9 : i32
    %dma_start3A_119 = arith.constant 0 : i32
    %dma_start3A_120 = arith.constant 0 : i32
    %dma_start3A_121 = tpu.memref_slice %arg10[%dma_start3A_118, %dma_start3A_119, %dma_start3A_120] : memref<22x128x32xf32, #tpu.memory_space<vmem>> -> memref<1x128x32xf32, #tpu.memory_space<vmem>>
    %dma_start3A_122 = tpu.memref_squeeze %dma_start3A_121 : memref<1x128x32xf32, #tpu.memory_space<vmem>> -> memref<128x32xf32, #tpu.memory_space<vmem>>
    %dma_start3A_123 = arith.constant 0 : i32
    %dma_start3A_124 = tpu.memref_slice %arg6[%dma_start3A_117, %dma_start3A_123] : memref<78x128xi32, #tpu.memory_space<vmem>> -> memref<1x128xi32, #tpu.memory_space<vmem>>
    %dma_start3A_125 = tpu.memref_squeeze %dma_start3A_124 : memref<1x128xi32, #tpu.memory_space<vmem>> -> memref<128xi32, #tpu.memory_space<vmem>>
    %dma_start3A_126 = arith.constant 0 : i32
    %dma_start3A_127 = arith.constant 0 : i32
    %dma_start3A_128 = tpu.memref_slice %arg2[%dma_start3A_126, %dma_start3A_127] : memref<10000x32xf32, #tpu.memory_space<hbm>> -> memref<10000x32xf32, #tpu.memory_space<hbm>>
    tpu.enqueue_indirect_dma source(%dma_start3A_128 : memref<10000x32xf32, #tpu.memory_space<hbm>>) target(%dma_start3A_122 : memref<128x32xf32, #tpu.memory_space<vmem>>) offsets(%dma_start3A_125 : memref<128xi32, #tpu.memory_space<vmem>>) semaphore(%arg12 : memref<!tpu.dma_semaphore, #tpu.memory_space<semaphore_mem>>)
    %dma_start3A_129 = arith.constant 10 : i32
    %dma_start3A_130 = arith.constant 10 : i32
    %dma_start3A_131 = arith.constant 0 : i32
    %dma_start3A_132 = arith.constant 0 : i32
    %dma_start3A_133 = tpu.memref_slice %arg10[%dma_start3A_130, %dma_start3A_131, %dma_start3A_132] : memref<22x128x32xf32, #tpu.memory_space<vmem>> -> memref<1x128x32xf32, #tpu.memory_space<vmem>>
    %dma_start3A_134 = tpu.memref_squeeze %dma_start3A_133 : memref<1x128x32xf32, #tpu.memory_space<vmem>> -> memref<128x32xf32, #tpu.memory_space<vmem>>
    %dma_start3A_135 = arith.constant 0 : i32
    %dma_start3A_136 = tpu.memref_slice %arg6[%dma_start3A_129, %dma_start3A_135] : memref<78x128xi32, #tpu.memory_space<vmem>> -> memref<1x128xi32, #tpu.memory_space<vmem>>
    %dma_start3A_137 = tpu.memref_squeeze %dma_start3A_136 : memref<1x128xi32, #tpu.memory_space<vmem>> -> memref<128xi32, #tpu.memory_space<vmem>>
    %dma_start3A_138 = arith.constant 0 : i32
    %dma_start3A_139 = arith.constant 0 : i32
    %dma_start3A_140 = tpu.memref_slice %arg2[%dma_start3A_138, %dma_start3A_139] : memref<10000x32xf32, #tpu.memory_space<hbm>> -> memref<10000x32xf32, #tpu.memory_space<hbm>>
    tpu.enqueue_indirect_dma source(%dma_start3A_140 : memref<10000x32xf32, #tpu.memory_space<hbm>>) target(%dma_start3A_134 : memref<128x32xf32, #tpu.memory_space<vmem>>) offsets(%dma_start3A_137 : memref<128xi32, #tpu.memory_space<vmem>>) semaphore(%arg12 : memref<!tpu.dma_semaphore, #tpu.memory_space<semaphore_mem>>)
    %scan3A = arith.constant 0 : i32
    %scan3A_141 = arith.constant 0 : i32
    %scan3A_142 = arith.constant 78 : i32
    %scan3A_143 = arith.addi %scan3A_141, %scan3A_142 : i32
    %scan3A_144 = arith.constant 1 : i32
    scf.for %scan3A_287 = %scan3A_141 to %scan3A_143 step %scan3A_144  : i32 {
      %jit3A = arith.constant 22 : i32
      %eq3A = arith.constant 0 : i32
      %eq3A_288 = arith.cmpi eq, %jit3A, %eq3A : i32
      %jit3A_289 = arith.constant 1 : i32
      %select_n3A = arith.select %eq3A_288, %jit3A_289, %jit3A : i32
      %rem3A = arith.remsi %scan3A_287, %select_n3A : i32
      %ne3A = arith.constant 0 : i32
      %ne3A_290 = arith.cmpi ne, %rem3A, %ne3A : i32
      %lt3A_291 = arith.constant 0 : i32
      %lt3A_292 = arith.cmpi slt, %rem3A, %lt3A_291 : i32
      %lt3A_293 = arith.constant 0 : i32
      %lt3A_294 = arith.cmpi slt, %select_n3A, %lt3A_293 : i32
      %ne3A_295 = arith.xori %lt3A_292, %lt3A_294 : i1
      %and3A = arith.andi %ne3A_295, %ne3A_290 : i1
      %add3A_296 = arith.addi %rem3A, %select_n3A : i32
      %select_n3A_297 = arith.select %and3A, %add3A_296, %rem3A : i32
      %dma_wait3A_298 = arith.constant 0 : i32
      %dma_wait3A_299 = arith.constant 0 : i32
      %dma_wait3A_300 = tpu.memref_slice %arg10[%select_n3A_297, %dma_wait3A_298, %dma_wait3A_299] : memref<22x128x32xf32, #tpu.memory_space<vmem>> -> memref<1x128x32xf32, #tpu.memory_space<vmem>>
      %dma_wait3A_301 = tpu.memref_squeeze %dma_wait3A_300 : memref<1x128x32xf32, #tpu.memory_space<vmem>> -> memref<128x32xf32, #tpu.memory_space<vmem>>
      %dma_wait3A_302 = arith.constant 0 : i32
      %dma_wait3A_303 = tpu.memref_slice %arg6[%scan3A_287, %dma_wait3A_302] : memref<78x128xi32, #tpu.memory_space<vmem>> -> memref<1x128xi32, #tpu.memory_space<vmem>>
      %dma_wait3A_304 = tpu.memref_squeeze %dma_wait3A_303 : memref<1x128xi32, #tpu.memory_space<vmem>> -> memref<128xi32, #tpu.memory_space<vmem>>
      %dma_wait3A_305 = arith.constant 0 : i32
      %dma_wait3A_306 = arith.constant 0 : i32
      %dma_wait3A_307 = tpu.memref_slice %arg2[%dma_wait3A_305, %dma_wait3A_306] : memref<10000x32xf32, #tpu.memory_space<hbm>> -> memref<10000x32xf32, #tpu.memory_space<hbm>>
      tpu.wait_indirect_dma semaphore(%arg12 : memref<!tpu.dma_semaphore, #tpu.memory_space<semaphore_mem>>) src(%dma_wait3A_307 : memref<10000x32xf32, #tpu.memory_space<hbm>>) dst(%dma_wait3A_301 : memref<128x32xf32, #tpu.memory_space<vmem>>)
      %dma_start3A_308 = arith.constant 0 : i32
      %dma_start3A_309 = arith.constant 0 : i32
      %dma_start3A_310 = tpu.memref_slice %arg10[%select_n3A_297, %dma_start3A_308, %dma_start3A_309] : memref<22x128x32xf32, #tpu.memory_space<vmem>> -> memref<1x128x32xf32, #tpu.memory_space<vmem>>
      %dma_start3A_311 = tpu.memref_squeeze %dma_start3A_310 : memref<1x128x32xf32, #tpu.memory_space<vmem>> -> memref<128x32xf32, #tpu.memory_space<vmem>>
      %dma_start3A_312 = arith.constant 0 : i32
      %dma_start3A_313 = tpu.memref_slice %arg7[%scan3A_287, %dma_start3A_312] : memref<78x128xi32, #tpu.memory_space<vmem>> -> memref<1x128xi32, #tpu.memory_space<vmem>>
      %dma_start3A_314 = tpu.memref_squeeze %dma_start3A_313 : memref<1x128xi32, #tpu.memory_space<vmem>> -> memref<128xi32, #tpu.memory_space<vmem>>
      %dma_start3A_315 = arith.constant 0 : i32
      %dma_start3A_316 = arith.constant 0 : i32
      %dma_start3A_317 = tpu.memref_slice %arg11[%dma_start3A_315, %dma_start3A_316] : memref<10000x32xf32, #tpu.memory_space<vmem_shared>> -> memref<10000x32xf32, #tpu.memory_space<vmem_shared>>
      tpu.enqueue_indirect_dma source(%dma_start3A_311 : memref<128x32xf32, #tpu.memory_space<vmem>>) target(%dma_start3A_317 : memref<10000x32xf32, #tpu.memory_space<vmem_shared>>) offsets(%dma_start3A_314 : memref<128xi32, #tpu.memory_space<vmem>>) semaphore(%arg13 : memref<!tpu.dma_semaphore, #tpu.memory_space<semaphore_mem>>) {add = true}
      %ge3A = arith.constant 11 : i32
      %ge3A_318 = arith.cmpi sge, %scan3A_287, %ge3A : i32
      %convert_element_type3A_319 = arith.extui %ge3A_318 : i1 to i32
      %cond3A_320 = arith.constant 0 : i32
      %cond3A_321 = arith.cmpi ne, %convert_element_type3A_319, %cond3A_320 : i32
      scf.if %cond3A_321 {
        %sub3A = arith.constant 11 : i32
        %sub3A_329 = arith.subi %scan3A_287, %sub3A : i32
        %jit3A_330 = arith.constant 22 : i32
        %eq3A_331 = arith.constant 0 : i32
        %eq3A_332 = arith.cmpi eq, %jit3A_330, %eq3A_331 : i32
        %jit3A_333 = arith.constant 1 : i32
        %select_n3A_334 = arith.select %eq3A_332, %jit3A_333, %jit3A_330 : i32
        %rem3A_335 = arith.remsi %sub3A_329, %select_n3A_334 : i32
        %ne3A_336 = arith.constant 0 : i32
        %ne3A_337 = arith.cmpi ne, %rem3A_335, %ne3A_336 : i32
        %lt3A_338 = arith.constant 0 : i32
        %lt3A_339 = arith.cmpi slt, %rem3A_335, %lt3A_338 : i32
        %lt3A_340 = arith.constant 0 : i32
        %lt3A_341 = arith.cmpi slt, %select_n3A_334, %lt3A_340 : i32
        %ne3A_342 = arith.xori %lt3A_339, %lt3A_341 : i1
        %and3A_343 = arith.andi %ne3A_342, %ne3A_337 : i1
        %add3A_344 = arith.addi %rem3A_335, %select_n3A_334 : i32
        %select_n3A_345 = arith.select %and3A_343, %add3A_344, %rem3A_335 : i32
        %dma_wait3A_346 = arith.constant 0 : i32
        %dma_wait3A_347 = arith.constant 0 : i32
        %dma_wait3A_348 = tpu.memref_slice %arg10[%select_n3A_345, %dma_wait3A_346, %dma_wait3A_347] : memref<22x128x32xf32, #tpu.memory_space<vmem>> -> memref<1x128x32xf32, #tpu.memory_space<vmem>>
        %dma_wait3A_349 = tpu.memref_squeeze %dma_wait3A_348 : memref<1x128x32xf32, #tpu.memory_space<vmem>> -> memref<128x32xf32, #tpu.memory_space<vmem>>
        %dma_wait3A_350 = arith.constant 0 : i32
        %dma_wait3A_351 = tpu.memref_slice %arg7[%sub3A_329, %dma_wait3A_350] : memref<78x128xi32, #tpu.memory_space<vmem>> -> memref<1x128xi32, #tpu.memory_space<vmem>>
        %dma_wait3A_352 = tpu.memref_squeeze %dma_wait3A_351 : memref<1x128xi32, #tpu.memory_space<vmem>> -> memref<128xi32, #tpu.memory_space<vmem>>
        %dma_wait3A_353 = arith.constant 0 : i32
        %dma_wait3A_354 = arith.constant 0 : i32
        %dma_wait3A_355 = tpu.memref_slice %arg11[%dma_wait3A_353, %dma_wait3A_354] : memref<10000x32xf32, #tpu.memory_space<vmem_shared>> -> memref<10000x32xf32, #tpu.memory_space<vmem_shared>>
        tpu.wait_indirect_dma semaphore(%arg13 : memref<!tpu.dma_semaphore, #tpu.memory_space<semaphore_mem>>) src(%dma_wait3A_349 : memref<128x32xf32, #tpu.memory_space<vmem>>) dst(%dma_wait3A_355 : memref<10000x32xf32, #tpu.memory_space<vmem_shared>>)
      } else {
      }
      %add3A_322 = arith.constant 11 : i32
      %add3A_323 = arith.addi %scan3A_287, %add3A_322 : i32
      %lt3A_324 = arith.constant 78 : i32
      %lt3A_325 = arith.cmpi slt, %add3A_323, %lt3A_324 : i32
      %convert_element_type3A_326 = arith.extui %lt3A_325 : i1 to i32
      %cond3A_327 = arith.constant 0 : i32
      %cond3A_328 = arith.cmpi ne, %convert_element_type3A_326, %cond3A_327 : i32
      scf.if %cond3A_328 {
        %add3A_329 = arith.constant 11 : i32
        %add3A_330 = arith.addi %scan3A_287, %add3A_329 : i32
        %jit3A_331 = arith.constant 22 : i32
        %eq3A_332 = arith.constant 0 : i32
        %eq3A_333 = arith.cmpi eq, %jit3A_331, %eq3A_332 : i32
        %jit3A_334 = arith.constant 1 : i32
        %select_n3A_335 = arith.select %eq3A_333, %jit3A_334, %jit3A_331 : i32
        %rem3A_336 = arith.remsi %add3A_330, %select_n3A_335 : i32
        %ne3A_337 = arith.constant 0 : i32
        %ne3A_338 = arith.cmpi ne, %rem3A_336, %ne3A_337 : i32
        %lt3A_339 = arith.constant 0 : i32
        %lt3A_340 = arith.cmpi slt, %rem3A_336, %lt3A_339 : i32
        %lt3A_341 = arith.constant 0 : i32
        %lt3A_342 = arith.cmpi slt, %select_n3A_335, %lt3A_341 : i32
        %ne3A_343 = arith.xori %lt3A_340, %lt3A_342 : i1
        %and3A_344 = arith.andi %ne3A_343, %ne3A_338 : i1
        %add3A_345 = arith.addi %rem3A_336, %select_n3A_335 : i32
        %select_n3A_346 = arith.select %and3A_344, %add3A_345, %rem3A_336 : i32
        %dma_start3A_347 = arith.constant 0 : i32
        %dma_start3A_348 = arith.constant 0 : i32
        %dma_start3A_349 = tpu.memref_slice %arg10[%select_n3A_346, %dma_start3A_347, %dma_start3A_348] : memref<22x128x32xf32, #tpu.memory_space<vmem>> -> memref<1x128x32xf32, #tpu.memory_space<vmem>>
        %dma_start3A_350 = tpu.memref_squeeze %dma_start3A_349 : memref<1x128x32xf32, #tpu.memory_space<vmem>> -> memref<128x32xf32, #tpu.memory_space<vmem>>
        %dma_start3A_351 = arith.constant 0 : i32
        %dma_start3A_352 = tpu.memref_slice %arg6[%add3A_330, %dma_start3A_351] : memref<78x128xi32, #tpu.memory_space<vmem>> -> memref<1x128xi32, #tpu.memory_space<vmem>>
        %dma_start3A_353 = tpu.memref_squeeze %dma_start3A_352 : memref<1x128xi32, #tpu.memory_space<vmem>> -> memref<128xi32, #tpu.memory_space<vmem>>
        %dma_start3A_354 = arith.constant 0 : i32
        %dma_start3A_355 = arith.constant 0 : i32
        %dma_start3A_356 = tpu.memref_slice %arg2[%dma_start3A_354, %dma_start3A_355] : memref<10000x32xf32, #tpu.memory_space<hbm>> -> memref<10000x32xf32, #tpu.memory_space<hbm>>
        tpu.enqueue_indirect_dma source(%dma_start3A_356 : memref<10000x32xf32, #tpu.memory_space<hbm>>) target(%dma_start3A_350 : memref<128x32xf32, #tpu.memory_space<vmem>>) offsets(%dma_start3A_353 : memref<128xi32, #tpu.memory_space<vmem>>) semaphore(%arg12 : memref<!tpu.dma_semaphore, #tpu.memory_space<semaphore_mem>>)
      } else {
      }
    }
    %scan3A_145 = arith.constant 78 : i32
    %dma_wait3A = arith.constant 1 : i32
    %dma_wait3A_146 = arith.constant 67 : i32
    %dma_wait3A_147 = arith.constant 0 : i32
    %dma_wait3A_148 = arith.constant 0 : i32
    %dma_wait3A_149 = tpu.memref_slice %arg10[%dma_wait3A, %dma_wait3A_147, %dma_wait3A_148] : memref<22x128x32xf32, #tpu.memory_space<vmem>> -> memref<1x128x32xf32, #tpu.memory_space<vmem>>
    %dma_wait3A_150 = tpu.memref_squeeze %dma_wait3A_149 : memref<1x128x32xf32, #tpu.memory_space<vmem>> -> memref<128x32xf32, #tpu.memory_space<vmem>>
    %dma_wait3A_151 = arith.constant 0 : i32
    %dma_wait3A_152 = tpu.memref_slice %arg7[%dma_wait3A_146, %dma_wait3A_151] : memref<78x128xi32, #tpu.memory_space<vmem>> -> memref<1x128xi32, #tpu.memory_space<vmem>>
    %dma_wait3A_153 = tpu.memref_squeeze %dma_wait3A_152 : memref<1x128xi32, #tpu.memory_space<vmem>> -> memref<128xi32, #tpu.memory_space<vmem>>
    %dma_wait3A_154 = arith.constant 0 : i32
    %dma_wait3A_155 = arith.constant 0 : i32
    %dma_wait3A_156 = tpu.memref_slice %arg11[%dma_wait3A_154, %dma_wait3A_155] : memref<10000x32xf32, #tpu.memory_space<vmem_shared>> -> memref<10000x32xf32, #tpu.memory_space<vmem_shared>>
    tpu.wait_indirect_dma semaphore(%arg13 : memref<!tpu.dma_semaphore, #tpu.memory_space<semaphore_mem>>) src(%dma_wait3A_150 : memref<128x32xf32, #tpu.memory_space<vmem>>) dst(%dma_wait3A_156 : memref<10000x32xf32, #tpu.memory_space<vmem_shared>>)
    %dma_wait3A_157 = arith.constant 2 : i32
    %dma_wait3A_158 = arith.constant 68 : i32
    %dma_wait3A_159 = arith.constant 0 : i32
    %dma_wait3A_160 = arith.constant 0 : i32
    %dma_wait3A_161 = tpu.memref_slice %arg10[%dma_wait3A_157, %dma_wait3A_159, %dma_wait3A_160] : memref<22x128x32xf32, #tpu.memory_space<vmem>> -> memref<1x128x32xf32, #tpu.memory_space<vmem>>
    %dma_wait3A_162 = tpu.memref_squeeze %dma_wait3A_161 : memref<1x128x32xf32, #tpu.memory_space<vmem>> -> memref<128x32xf32, #tpu.memory_space<vmem>>
    %dma_wait3A_163 = arith.constant 0 : i32
    %dma_wait3A_164 = tpu.memref_slice %arg7[%dma_wait3A_158, %dma_wait3A_163] : memref<78x128xi32, #tpu.memory_space<vmem>> -> memref<1x128xi32, #tpu.memory_space<vmem>>
    %dma_wait3A_165 = tpu.memref_squeeze %dma_wait3A_164 : memref<1x128xi32, #tpu.memory_space<vmem>> -> memref<128xi32, #tpu.memory_space<vmem>>
    %dma_wait3A_166 = arith.constant 0 : i32
    %dma_wait3A_167 = arith.constant 0 : i32
    %dma_wait3A_168 = tpu.memref_slice %arg11[%dma_wait3A_166, %dma_wait3A_167] : memref<10000x32xf32, #tpu.memory_space<vmem_shared>> -> memref<10000x32xf32, #tpu.memory_space<vmem_shared>>
    tpu.wait_indirect_dma semaphore(%arg13 : memref<!tpu.dma_semaphore, #tpu.memory_space<semaphore_mem>>) src(%dma_wait3A_162 : memref<128x32xf32, #tpu.memory_space<vmem>>) dst(%dma_wait3A_168 : memref<10000x32xf32, #tpu.memory_space<vmem_shared>>)
    %dma_wait3A_169 = arith.constant 3 : i32
    %dma_wait3A_170 = arith.constant 69 : i32
    %dma_wait3A_171 = arith.constant 0 : i32
    %dma_wait3A_172 = arith.constant 0 : i32
    %dma_wait3A_173 = tpu.memref_slice %arg10[%dma_wait3A_169, %dma_wait3A_171, %dma_wait3A_172] : memref<22x128x32xf32, #tpu.memory_space<vmem>> -> memref<1x128x32xf32, #tpu.memory_space<vmem>>
    %dma_wait3A_174 = tpu.memref_squeeze %dma_wait3A_173 : memref<1x128x32xf32, #tpu.memory_space<vmem>> -> memref<128x32xf32, #tpu.memory_space<vmem>>
    %dma_wait3A_175 = arith.constant 0 : i32
    %dma_wait3A_176 = tpu.memref_slice %arg7[%dma_wait3A_170, %dma_wait3A_175] : memref<78x128xi32, #tpu.memory_space<vmem>> -> memref<1x128xi32, #tpu.memory_space<vmem>>
    %dma_wait3A_177 = tpu.memref_squeeze %dma_wait3A_176 : memref<1x128xi32, #tpu.memory_space<vmem>> -> memref<128xi32, #tpu.memory_space<vmem>>
    %dma_wait3A_178 = arith.constant 0 : i32
    %dma_wait3A_179 = arith.constant 0 : i32
    %dma_wait3A_180 = tpu.memref_slice %arg11[%dma_wait3A_178, %dma_wait3A_179] : memref<10000x32xf32, #tpu.memory_space<vmem_shared>> -> memref<10000x32xf32, #tpu.memory_space<vmem_shared>>
    tpu.wait_indirect_dma semaphore(%arg13 : memref<!tpu.dma_semaphore, #tpu.memory_space<semaphore_mem>>) src(%dma_wait3A_174 : memref<128x32xf32, #tpu.memory_space<vmem>>) dst(%dma_wait3A_180 : memref<10000x32xf32, #tpu.memory_space<vmem_shared>>)
    %dma_wait3A_181 = arith.constant 4 : i32
    %dma_wait3A_182 = arith.constant 70 : i32
    %dma_wait3A_183 = arith.constant 0 : i32
    %dma_wait3A_184 = arith.constant 0 : i32
    %dma_wait3A_185 = tpu.memref_slice %arg10[%dma_wait3A_181, %dma_wait3A_183, %dma_wait3A_184] : memref<22x128x32xf32, #tpu.memory_space<vmem>> -> memref<1x128x32xf32, #tpu.memory_space<vmem>>
    %dma_wait3A_186 = tpu.memref_squeeze %dma_wait3A_185 : memref<1x128x32xf32, #tpu.memory_space<vmem>> -> memref<128x32xf32, #tpu.memory_space<vmem>>
    %dma_wait3A_187 = arith.constant 0 : i32
    %dma_wait3A_188 = tpu.memref_slice %arg7[%dma_wait3A_182, %dma_wait3A_187] : memref<78x128xi32, #tpu.memory_space<vmem>> -> memref<1x128xi32, #tpu.memory_space<vmem>>
    %dma_wait3A_189 = tpu.memref_squeeze %dma_wait3A_188 : memref<1x128xi32, #tpu.memory_space<vmem>> -> memref<128xi32, #tpu.memory_space<vmem>>
    %dma_wait3A_190 = arith.constant 0 : i32
    %dma_wait3A_191 = arith.constant 0 : i32
    %dma_wait3A_192 = tpu.memref_slice %arg11[%dma_wait3A_190, %dma_wait3A_191] : memref<10000x32xf32, #tpu.memory_space<vmem_shared>> -> memref<10000x32xf32, #tpu.memory_space<vmem_shared>>
    tpu.wait_indirect_dma semaphore(%arg13 : memref<!tpu.dma_semaphore, #tpu.memory_space<semaphore_mem>>) src(%dma_wait3A_186 : memref<128x32xf32, #tpu.memory_space<vmem>>) dst(%dma_wait3A_192 : memref<10000x32xf32, #tpu.memory_space<vmem_shared>>)
    %dma_wait3A_193 = arith.constant 5 : i32
    %dma_wait3A_194 = arith.constant 71 : i32
    %dma_wait3A_195 = arith.constant 0 : i32
    %dma_wait3A_196 = arith.constant 0 : i32
    %dma_wait3A_197 = tpu.memref_slice %arg10[%dma_wait3A_193, %dma_wait3A_195, %dma_wait3A_196] : memref<22x128x32xf32, #tpu.memory_space<vmem>> -> memref<1x128x32xf32, #tpu.memory_space<vmem>>
    %dma_wait3A_198 = tpu.memref_squeeze %dma_wait3A_197 : memref<1x128x32xf32, #tpu.memory_space<vmem>> -> memref<128x32xf32, #tpu.memory_space<vmem>>
    %dma_wait3A_199 = arith.constant 0 : i32
    %dma_wait3A_200 = tpu.memref_slice %arg7[%dma_wait3A_194, %dma_wait3A_199] : memref<78x128xi32, #tpu.memory_space<vmem>> -> memref<1x128xi32, #tpu.memory_space<vmem>>
    %dma_wait3A_201 = tpu.memref_squeeze %dma_wait3A_200 : memref<1x128xi32, #tpu.memory_space<vmem>> -> memref<128xi32, #tpu.memory_space<vmem>>
    %dma_wait3A_202 = arith.constant 0 : i32
    %dma_wait3A_203 = arith.constant 0 : i32
    %dma_wait3A_204 = tpu.memref_slice %arg11[%dma_wait3A_202, %dma_wait3A_203] : memref<10000x32xf32, #tpu.memory_space<vmem_shared>> -> memref<10000x32xf32, #tpu.memory_space<vmem_shared>>
    tpu.wait_indirect_dma semaphore(%arg13 : memref<!tpu.dma_semaphore, #tpu.memory_space<semaphore_mem>>) src(%dma_wait3A_198 : memref<128x32xf32, #tpu.memory_space<vmem>>) dst(%dma_wait3A_204 : memref<10000x32xf32, #tpu.memory_space<vmem_shared>>)
    %dma_wait3A_205 = arith.constant 6 : i32
    %dma_wait3A_206 = arith.constant 72 : i32
    %dma_wait3A_207 = arith.constant 0 : i32
    %dma_wait3A_208 = arith.constant 0 : i32
    %dma_wait3A_209 = tpu.memref_slice %arg10[%dma_wait3A_205, %dma_wait3A_207, %dma_wait3A_208] : memref<22x128x32xf32, #tpu.memory_space<vmem>> -> memref<1x128x32xf32, #tpu.memory_space<vmem>>
    %dma_wait3A_210 = tpu.memref_squeeze %dma_wait3A_209 : memref<1x128x32xf32, #tpu.memory_space<vmem>> -> memref<128x32xf32, #tpu.memory_space<vmem>>
    %dma_wait3A_211 = arith.constant 0 : i32
    %dma_wait3A_212 = tpu.memref_slice %arg7[%dma_wait3A_206, %dma_wait3A_211] : memref<78x128xi32, #tpu.memory_space<vmem>> -> memref<1x128xi32, #tpu.memory_space<vmem>>
    %dma_wait3A_213 = tpu.memref_squeeze %dma_wait3A_212 : memref<1x128xi32, #tpu.memory_space<vmem>> -> memref<128xi32, #tpu.memory_space<vmem>>
    %dma_wait3A_214 = arith.constant 0 : i32
    %dma_wait3A_215 = arith.constant 0 : i32
    %dma_wait3A_216 = tpu.memref_slice %arg11[%dma_wait3A_214, %dma_wait3A_215] : memref<10000x32xf32, #tpu.memory_space<vmem_shared>> -> memref<10000x32xf32, #tpu.memory_space<vmem_shared>>
    tpu.wait_indirect_dma semaphore(%arg13 : memref<!tpu.dma_semaphore, #tpu.memory_space<semaphore_mem>>) src(%dma_wait3A_210 : memref<128x32xf32, #tpu.memory_space<vmem>>) dst(%dma_wait3A_216 : memref<10000x32xf32, #tpu.memory_space<vmem_shared>>)
    %dma_wait3A_217 = arith.constant 7 : i32
    %dma_wait3A_218 = arith.constant 73 : i32
    %dma_wait3A_219 = arith.constant 0 : i32
    %dma_wait3A_220 = arith.constant 0 : i32
    %dma_wait3A_221 = tpu.memref_slice %arg10[%dma_wait3A_217, %dma_wait3A_219, %dma_wait3A_220] : memref<22x128x32xf32, #tpu.memory_space<vmem>> -> memref<1x128x32xf32, #tpu.memory_space<vmem>>
    %dma_wait3A_222 = tpu.memref_squeeze %dma_wait3A_221 : memref<1x128x32xf32, #tpu.memory_space<vmem>> -> memref<128x32xf32, #tpu.memory_space<vmem>>
    %dma_wait3A_223 = arith.constant 0 : i32
    %dma_wait3A_224 = tpu.memref_slice %arg7[%dma_wait3A_218, %dma_wait3A_223] : memref<78x128xi32, #tpu.memory_space<vmem>> -> memref<1x128xi32, #tpu.memory_space<vmem>>
    %dma_wait3A_225 = tpu.memref_squeeze %dma_wait3A_224 : memref<1x128xi32, #tpu.memory_space<vmem>> -> memref<128xi32, #tpu.memory_space<vmem>>
    %dma_wait3A_226 = arith.constant 0 : i32
    %dma_wait3A_227 = arith.constant 0 : i32
    %dma_wait3A_228 = tpu.memref_slice %arg11[%dma_wait3A_226, %dma_wait3A_227] : memref<10000x32xf32, #tpu.memory_space<vmem_shared>> -> memref<10000x32xf32, #tpu.memory_space<vmem_shared>>
    tpu.wait_indirect_dma semaphore(%arg13 : memref<!tpu.dma_semaphore, #tpu.memory_space<semaphore_mem>>) src(%dma_wait3A_222 : memref<128x32xf32, #tpu.memory_space<vmem>>) dst(%dma_wait3A_228 : memref<10000x32xf32, #tpu.memory_space<vmem_shared>>)
    %dma_wait3A_229 = arith.constant 8 : i32
    %dma_wait3A_230 = arith.constant 74 : i32
    %dma_wait3A_231 = arith.constant 0 : i32
    %dma_wait3A_232 = arith.constant 0 : i32
    %dma_wait3A_233 = tpu.memref_slice %arg10[%dma_wait3A_229, %dma_wait3A_231, %dma_wait3A_232] : memref<22x128x32xf32, #tpu.memory_space<vmem>> -> memref<1x128x32xf32, #tpu.memory_space<vmem>>
    %dma_wait3A_234 = tpu.memref_squeeze %dma_wait3A_233 : memref<1x128x32xf32, #tpu.memory_space<vmem>> -> memref<128x32xf32, #tpu.memory_space<vmem>>
    %dma_wait3A_235 = arith.constant 0 : i32
    %dma_wait3A_236 = tpu.memref_slice %arg7[%dma_wait3A_230, %dma_wait3A_235] : memref<78x128xi32, #tpu.memory_space<vmem>> -> memref<1x128xi32, #tpu.memory_space<vmem>>
    %dma_wait3A_237 = tpu.memref_squeeze %dma_wait3A_236 : memref<1x128xi32, #tpu.memory_space<vmem>> -> memref<128xi32, #tpu.memory_space<vmem>>
    %dma_wait3A_238 = arith.constant 0 : i32
    %dma_wait3A_239 = arith.constant 0 : i32
    %dma_wait3A_240 = tpu.memref_slice %arg11[%dma_wait3A_238, %dma_wait3A_239] : memref<10000x32xf32, #tpu.memory_space<vmem_shared>> -> memref<10000x32xf32, #tpu.memory_space<vmem_shared>>
    tpu.wait_indirect_dma semaphore(%arg13 : memref<!tpu.dma_semaphore, #tpu.memory_space<semaphore_mem>>) src(%dma_wait3A_234 : memref<128x32xf32, #tpu.memory_space<vmem>>) dst(%dma_wait3A_240 : memref<10000x32xf32, #tpu.memory_space<vmem_shared>>)
    %dma_wait3A_241 = arith.constant 9 : i32
    %dma_wait3A_242 = arith.constant 75 : i32
    %dma_wait3A_243 = arith.constant 0 : i32
    %dma_wait3A_244 = arith.constant 0 : i32
    %dma_wait3A_245 = tpu.memref_slice %arg10[%dma_wait3A_241, %dma_wait3A_243, %dma_wait3A_244] : memref<22x128x32xf32, #tpu.memory_space<vmem>> -> memref<1x128x32xf32, #tpu.memory_space<vmem>>
    %dma_wait3A_246 = tpu.memref_squeeze %dma_wait3A_245 : memref<1x128x32xf32, #tpu.memory_space<vmem>> -> memref<128x32xf32, #tpu.memory_space<vmem>>
    %dma_wait3A_247 = arith.constant 0 : i32
    %dma_wait3A_248 = tpu.memref_slice %arg7[%dma_wait3A_242, %dma_wait3A_247] : memref<78x128xi32, #tpu.memory_space<vmem>> -> memref<1x128xi32, #tpu.memory_space<vmem>>
    %dma_wait3A_249 = tpu.memref_squeeze %dma_wait3A_248 : memref<1x128xi32, #tpu.memory_space<vmem>> -> memref<128xi32, #tpu.memory_space<vmem>>
    %dma_wait3A_250 = arith.constant 0 : i32
    %dma_wait3A_251 = arith.constant 0 : i32
    %dma_wait3A_252 = tpu.memref_slice %arg11[%dma_wait3A_250, %dma_wait3A_251] : memref<10000x32xf32, #tpu.memory_space<vmem_shared>> -> memref<10000x32xf32, #tpu.memory_space<vmem_shared>>
    tpu.wait_indirect_dma semaphore(%arg13 : memref<!tpu.dma_semaphore, #tpu.memory_space<semaphore_mem>>) src(%dma_wait3A_246 : memref<128x32xf32, #tpu.memory_space<vmem>>) dst(%dma_wait3A_252 : memref<10000x32xf32, #tpu.memory_space<vmem_shared>>)
    %dma_wait3A_253 = arith.constant 10 : i32
    %dma_wait3A_254 = arith.constant 76 : i32
    %dma_wait3A_255 = arith.constant 0 : i32
    %dma_wait3A_256 = arith.constant 0 : i32
    %dma_wait3A_257 = tpu.memref_slice %arg10[%dma_wait3A_253, %dma_wait3A_255, %dma_wait3A_256] : memref<22x128x32xf32, #tpu.memory_space<vmem>> -> memref<1x128x32xf32, #tpu.memory_space<vmem>>
    %dma_wait3A_258 = tpu.memref_squeeze %dma_wait3A_257 : memref<1x128x32xf32, #tpu.memory_space<vmem>> -> memref<128x32xf32, #tpu.memory_space<vmem>>
    %dma_wait3A_259 = arith.constant 0 : i32
    %dma_wait3A_260 = tpu.memref_slice %arg7[%dma_wait3A_254, %dma_wait3A_259] : memref<78x128xi32, #tpu.memory_space<vmem>> -> memref<1x128xi32, #tpu.memory_space<vmem>>
    %dma_wait3A_261 = tpu.memref_squeeze %dma_wait3A_260 : memref<1x128xi32, #tpu.memory_space<vmem>> -> memref<128xi32, #tpu.memory_space<vmem>>
    %dma_wait3A_262 = arith.constant 0 : i32
    %dma_wait3A_263 = arith.constant 0 : i32
    %dma_wait3A_264 = tpu.memref_slice %arg11[%dma_wait3A_262, %dma_wait3A_263] : memref<10000x32xf32, #tpu.memory_space<vmem_shared>> -> memref<10000x32xf32, #tpu.memory_space<vmem_shared>>
    tpu.wait_indirect_dma semaphore(%arg13 : memref<!tpu.dma_semaphore, #tpu.memory_space<semaphore_mem>>) src(%dma_wait3A_258 : memref<128x32xf32, #tpu.memory_space<vmem>>) dst(%dma_wait3A_264 : memref<10000x32xf32, #tpu.memory_space<vmem_shared>>)
    %dma_wait3A_265 = arith.constant 11 : i32
    %dma_wait3A_266 = arith.constant 77 : i32
    %dma_wait3A_267 = arith.constant 0 : i32
    %dma_wait3A_268 = arith.constant 0 : i32
    %dma_wait3A_269 = tpu.memref_slice %arg10[%dma_wait3A_265, %dma_wait3A_267, %dma_wait3A_268] : memref<22x128x32xf32, #tpu.memory_space<vmem>> -> memref<1x128x32xf32, #tpu.memory_space<vmem>>
    %dma_wait3A_270 = tpu.memref_squeeze %dma_wait3A_269 : memref<1x128x32xf32, #tpu.memory_space<vmem>> -> memref<128x32xf32, #tpu.memory_space<vmem>>
    %dma_wait3A_271 = arith.constant 0 : i32
    %dma_wait3A_272 = tpu.memref_slice %arg7[%dma_wait3A_266, %dma_wait3A_271] : memref<78x128xi32, #tpu.memory_space<vmem>> -> memref<1x128xi32, #tpu.memory_space<vmem>>
    %dma_wait3A_273 = tpu.memref_squeeze %dma_wait3A_272 : memref<1x128xi32, #tpu.memory_space<vmem>> -> memref<128xi32, #tpu.memory_space<vmem>>
    %dma_wait3A_274 = arith.constant 0 : i32
    %dma_wait3A_275 = arith.constant 0 : i32
    %dma_wait3A_276 = tpu.memref_slice %arg11[%dma_wait3A_274, %dma_wait3A_275] : memref<10000x32xf32, #tpu.memory_space<vmem_shared>> -> memref<10000x32xf32, #tpu.memory_space<vmem_shared>>
    tpu.wait_indirect_dma semaphore(%arg13 : memref<!tpu.dma_semaphore, #tpu.memory_space<semaphore_mem>>) src(%dma_wait3A_270 : memref<128x32xf32, #tpu.memory_space<vmem>>) dst(%dma_wait3A_276 : memref<10000x32xf32, #tpu.memory_space<vmem_shared>>)
    %lt3A_277 = arith.constant 4 : i32
    %lt3A_278 = arith.cmpi slt, %add3A, %lt3A_277 : i32
    %convert_element_type3A_279 = arith.extui %lt3A_278 : i1 to i32
    %cond3A_280 = arith.constant 0 : i32
    %cond3A_281 = arith.cmpi ne, %convert_element_type3A_279, %cond3A_280 : i32
    scf.if %cond3A_281 {
      %dma_start3A_287 = arith.constant 0 : i32
      %dma_start3A_288 = arith.constant 0 : i32
      %dma_start3A_289 = arith.constant 0 : i32
      %dma_start3A_290 = arith.constant 0 : i32
      %dma_start3A_291 = tpu.memref_slice %arg10[%dma_start3A_288, %dma_start3A_289, %dma_start3A_290] : memref<22x128x32xf32, #tpu.memory_space<vmem>> -> memref<1x128x32xf32, #tpu.memory_space<vmem>>
      %dma_start3A_292 = tpu.memref_squeeze %dma_start3A_291 : memref<1x128x32xf32, #tpu.memory_space<vmem>> -> memref<128x32xf32, #tpu.memory_space<vmem>>
      %dma_start3A_293 = arith.constant 0 : i32
      %dma_start3A_294 = tpu.memref_slice %arg8[%dma_start3A_287, %dma_start3A_293] : memref<1x128xi32, #tpu.memory_space<vmem>> -> memref<1x128xi32, #tpu.memory_space<vmem>>
      %dma_start3A_295 = tpu.memref_squeeze %dma_start3A_294 : memref<1x128xi32, #tpu.memory_space<vmem>> -> memref<128xi32, #tpu.memory_space<vmem>>
      %dma_start3A_296 = arith.constant 0 : i32
      %dma_start3A_297 = arith.constant 0 : i32
      %dma_start3A_298 = tpu.memref_slice %arg2[%dma_start3A_296, %dma_start3A_297] : memref<10000x32xf32, #tpu.memory_space<hbm>> -> memref<10000x32xf32, #tpu.memory_space<hbm>>
      tpu.enqueue_indirect_dma source(%dma_start3A_298 : memref<10000x32xf32, #tpu.memory_space<hbm>>) target(%dma_start3A_292 : memref<128x32xf32, #tpu.memory_space<vmem>>) offsets(%dma_start3A_295 : memref<128xi32, #tpu.memory_space<vmem>>) semaphore(%arg12 : memref<!tpu.dma_semaphore, #tpu.memory_space<semaphore_mem>>)
      %dma_wait3A_299 = arith.constant 0 : i32
      %dma_wait3A_300 = arith.constant 0 : i32
      %dma_wait3A_301 = arith.constant 0 : i32
      %dma_wait3A_302 = arith.constant 0 : i32
      %dma_wait3A_303 = tpu.memref_slice %arg10[%dma_wait3A_300, %dma_wait3A_301, %dma_wait3A_302] : memref<22x128x32xf32, #tpu.memory_space<vmem>> -> memref<1x128x32xf32, #tpu.memory_space<vmem>>
      %dma_wait3A_304 = tpu.memref_squeeze %dma_wait3A_303 : memref<1x128x32xf32, #tpu.memory_space<vmem>> -> memref<128x32xf32, #tpu.memory_space<vmem>>
      %dma_wait3A_305 = arith.constant 0 : i32
      %dma_wait3A_306 = tpu.memref_slice %arg8[%dma_wait3A_299, %dma_wait3A_305] : memref<1x128xi32, #tpu.memory_space<vmem>> -> memref<1x128xi32, #tpu.memory_space<vmem>>
      %dma_wait3A_307 = tpu.memref_squeeze %dma_wait3A_306 : memref<1x128xi32, #tpu.memory_space<vmem>> -> memref<128xi32, #tpu.memory_space<vmem>>
      %dma_wait3A_308 = arith.constant 0 : i32
      %dma_wait3A_309 = arith.constant 0 : i32
      %dma_wait3A_310 = tpu.memref_slice %arg2[%dma_wait3A_308, %dma_wait3A_309] : memref<10000x32xf32, #tpu.memory_space<hbm>> -> memref<10000x32xf32, #tpu.memory_space<hbm>>
      tpu.wait_indirect_dma semaphore(%arg12 : memref<!tpu.dma_semaphore, #tpu.memory_space<semaphore_mem>>) src(%dma_wait3A_310 : memref<10000x32xf32, #tpu.memory_space<hbm>>) dst(%dma_wait3A_304 : memref<128x32xf32, #tpu.memory_space<vmem>>)
      %dma_start3A_311 = arith.constant 0 : i32
      %dma_start3A_312 = arith.constant 0 : i32
      %dma_start3A_313 = arith.constant 0 : i32
      %dma_start3A_314 = arith.constant 0 : i32
      %dma_start3A_315 = tpu.memref_slice %arg10[%dma_start3A_311, %dma_start3A_313, %dma_start3A_314] : memref<22x128x32xf32, #tpu.memory_space<vmem>> -> memref<1x128x32xf32, #tpu.memory_space<vmem>>
      %dma_start3A_316 = tpu.memref_squeeze %dma_start3A_315 : memref<1x128x32xf32, #tpu.memory_space<vmem>> -> memref<128x32xf32, #tpu.memory_space<vmem>>
      %dma_start3A_317 = arith.constant 0 : i32
      %dma_start3A_318 = tpu.memref_slice %arg9[%dma_start3A_312, %dma_start3A_317] : memref<1x128xi32, #tpu.memory_space<vmem>> -> memref<1x128xi32, #tpu.memory_space<vmem>>
      %dma_start3A_319 = tpu.memref_squeeze %dma_start3A_318 : memref<1x128xi32, #tpu.memory_space<vmem>> -> memref<128xi32, #tpu.memory_space<vmem>>
      %dma_start3A_320 = arith.constant 0 : i32
      %dma_start3A_321 = arith.constant 0 : i32
      %dma_start3A_322 = tpu.memref_slice %arg11[%dma_start3A_320, %dma_start3A_321] : memref<10000x32xf32, #tpu.memory_space<vmem_shared>> -> memref<10000x32xf32, #tpu.memory_space<vmem_shared>>
      tpu.enqueue_indirect_dma source(%dma_start3A_316 : memref<128x32xf32, #tpu.memory_space<vmem>>) target(%dma_start3A_322 : memref<10000x32xf32, #tpu.memory_space<vmem_shared>>) offsets(%dma_start3A_319 : memref<128xi32, #tpu.memory_space<vmem>>) semaphore(%arg13 : memref<!tpu.dma_semaphore, #tpu.memory_space<semaphore_mem>>) {add = true}
      %dma_wait3A_323 = arith.constant 0 : i32
      %dma_wait3A_324 = arith.constant 0 : i32
      %dma_wait3A_325 = arith.constant 0 : i32
      %dma_wait3A_326 = arith.constant 0 : i32
      %dma_wait3A_327 = tpu.memref_slice %arg10[%dma_wait3A_323, %dma_wait3A_325, %dma_wait3A_326] : memref<22x128x32xf32, #tpu.memory_space<vmem>> -> memref<1x128x32xf32, #tpu.memory_space<vmem>>
      %dma_wait3A_328 = tpu.memref_squeeze %dma_wait3A_327 : memref<1x128x32xf32, #tpu.memory_space<vmem>> -> memref<128x32xf32, #tpu.memory_space<vmem>>
      %dma_wait3A_329 = arith.constant 0 : i32
      %dma_wait3A_330 = tpu.memref_slice %arg9[%dma_wait3A_324, %dma_wait3A_329] : memref<1x128xi32, #tpu.memory_space<vmem>> -> memref<1x128xi32, #tpu.memory_space<vmem>>
      %dma_wait3A_331 = tpu.memref_squeeze %dma_wait3A_330 : memref<1x128xi32, #tpu.memory_space<vmem>> -> memref<128xi32, #tpu.memory_space<vmem>>
      %dma_wait3A_332 = arith.constant 0 : i32
      %dma_wait3A_333 = arith.constant 0 : i32
      %dma_wait3A_334 = tpu.memref_slice %arg11[%dma_wait3A_332, %dma_wait3A_333] : memref<10000x32xf32, #tpu.memory_space<vmem_shared>> -> memref<10000x32xf32, #tpu.memory_space<vmem_shared>>
      tpu.wait_indirect_dma semaphore(%arg13 : memref<!tpu.dma_semaphore, #tpu.memory_space<semaphore_mem>>) src(%dma_wait3A_328 : memref<128x32xf32, #tpu.memory_space<vmem>>) dst(%dma_wait3A_334 : memref<10000x32xf32, #tpu.memory_space<vmem_shared>>)
    } else {
    }
    %barrier3A_282 = arith.constant 0 : index
    tpu.barrier barrier_id(%barrier3A_282)
    %mul3A_283 = arith.constant 625 : i32
    %mul3A_284 = arith.muli %arg1, %mul3A_283 : i32
    %mul3A_285 = arith.constant 625 : i32
    %mul3A_286 = arith.muli %arg1, %mul3A_285 : i32
    "tpu.region"() ({
      %run_scoped3A_287 = tpu.sem_alloc : memref<!tpu.dma_semaphore, #tpu.memory_space<semaphore_mem>>
      %dma_start3A_288 = arith.constant 0 : i32
      %dma_start3A_289 = tpu.memref_slice %arg5[%arg0, %mul3A_286, %dma_start3A_288] : memref<2x10000x32xf32, #tpu.memory_space<hbm>> -> memref<1x625x32xf32, #tpu.memory_space<hbm>>
      %dma_start3A_290 = tpu.memref_squeeze %dma_start3A_289 : memref<1x625x32xf32, #tpu.memory_space<hbm>> -> memref<625x32xf32, #tpu.memory_space<hbm>>
      %dma_start3A_291 = arith.constant 0 : i32
      %dma_start3A_292 = tpu.memref_slice %arg11[%mul3A_284, %dma_start3A_291] : memref<10000x32xf32, #tpu.memory_space<vmem_shared>> -> memref<625x32xf32, #tpu.memory_space<vmem_shared>>
      tpu.enqueue_dma source(%dma_start3A_292 : memref<625x32xf32, #tpu.memory_space<vmem_shared>>) target(%dma_start3A_290 : memref<625x32xf32, #tpu.memory_space<hbm>>) target_semaphore(%run_scoped3A_287 : memref<!tpu.dma_semaphore, #tpu.memory_space<semaphore_mem>>)
      %dma_wait3A_293 = arith.constant 0 : i32
      %dma_wait3A_294 = tpu.memref_slice %arg5[%arg0, %mul3A_286, %dma_wait3A_293] : memref<2x10000x32xf32, #tpu.memory_space<hbm>> -> memref<1x625x32xf32, #tpu.memory_space<hbm>>
      %dma_wait3A_295 = tpu.memref_squeeze %dma_wait3A_294 : memref<1x625x32xf32, #tpu.memory_space<hbm>> -> memref<625x32xf32, #tpu.memory_space<hbm>>
      %dma_wait3A_296 = arith.constant 0 : i32
      %dma_wait3A_297 = tpu.memref_slice %arg11[%mul3A_284, %dma_wait3A_296] : memref<10000x32xf32, #tpu.memory_space<vmem_shared>> -> memref<625x32xf32, #tpu.memory_space<vmem_shared>>
      tpu.wait_dma2 semaphore(%run_scoped3A_287 : memref<!tpu.dma_semaphore, #tpu.memory_space<semaphore_mem>>) src(%dma_wait3A_297 : memref<625x32xf32, #tpu.memory_space<vmem_shared>>) dst(%dma_wait3A_295 : memref<625x32xf32, #tpu.memory_space<hbm>>)
      tpu.yield
    }) : () -> ()
    return
  }
}

module attributes {stable_mosaic.version = 14 : i64} {
  func.func @_mm1_body(%arg0: memref<10000x128xf32, #tpu.memory_space<vmem>>, %arg1: memref<4x128x128xf32, #tpu.memory_space<vmem>>, %arg2: memref<2500x128xf32, #tpu.memory_space<vmem>>) attributes {dimension_semantics = [], scalar_prefetch = 0 : i64, scratch_operands = 0 : i64, tpu.core_type = #tpu.core_type<tc>} {
    %get3A = arith.constant 0 : index
    %get3A_0 = arith.constant 0 : index
    %get3A_1 = tpu.strided_load %arg0[%get3A, %get3A_0] {strides = array<i32: 4, 1>} : memref<10000x128xf32, #tpu.memory_space<vmem>>, vector<2500x128xf32>
    %get3A_2 = arith.constant 0 : index
    %get3A_3 = arith.constant 0 : index
    %get3A_4 = arith.constant 0 : index
    %get3A_5 = vector.load %arg1[%get3A_2, %get3A_3, %get3A_4] : memref<4x128x128xf32, #tpu.memory_space<vmem>>, vector<1x128x128xf32>
    %get3A_6 = vector.shape_cast %get3A_5 : vector<1x128x128xf32> to vector<128x128xf32>
    %dot_general3A = arith.constant dense<0.000000e+00> : vector<2500x128xf32>
    %dot_general3A_7 = tpu.matmul %get3A_1, %get3A_6, %dot_general3A {dimension_numbers = #tpu.dot_dimension_numbers<[1], [0], [0], [1], [0, 0, 1, 1], [], []>, transpose_lhs_hint = false} : vector<2500x128xf32>, vector<128x128xf32>, vector<2500x128xf32> -> vector<2500x128xf32>
    %get3A_8 = arith.constant 1 : index
    %get3A_9 = arith.constant 0 : index
    %get3A_10 = tpu.strided_load %arg0[%get3A_8, %get3A_9] {strides = array<i32: 4, 1>} : memref<10000x128xf32, #tpu.memory_space<vmem>>, vector<2500x128xf32>
    %get3A_11 = arith.constant 1 : index
    %get3A_12 = arith.constant 0 : index
    %get3A_13 = arith.constant 0 : index
    %get3A_14 = vector.load %arg1[%get3A_11, %get3A_12, %get3A_13] : memref<4x128x128xf32, #tpu.memory_space<vmem>>, vector<1x128x128xf32>
    %get3A_15 = vector.shape_cast %get3A_14 : vector<1x128x128xf32> to vector<128x128xf32>
    %dot_general3A_16 = arith.constant dense<0.000000e+00> : vector<2500x128xf32>
    %dot_general3A_17 = tpu.matmul %get3A_10, %get3A_15, %dot_general3A_16 {dimension_numbers = #tpu.dot_dimension_numbers<[1], [0], [0], [1], [0, 0, 1, 1], [], []>, transpose_lhs_hint = false} : vector<2500x128xf32>, vector<128x128xf32>, vector<2500x128xf32> -> vector<2500x128xf32>
    %add3A = arith.addf %dot_general3A_7, %dot_general3A_17 : vector<2500x128xf32>
    %get3A_18 = arith.constant 2 : index
    %get3A_19 = arith.constant 0 : index
    %get3A_20 = tpu.strided_load %arg0[%get3A_18, %get3A_19] {strides = array<i32: 4, 1>} : memref<10000x128xf32, #tpu.memory_space<vmem>>, vector<2500x128xf32>
    %get3A_21 = arith.constant 2 : index
    %get3A_22 = arith.constant 0 : index
    %get3A_23 = arith.constant 0 : index
    %get3A_24 = vector.load %arg1[%get3A_21, %get3A_22, %get3A_23] : memref<4x128x128xf32, #tpu.memory_space<vmem>>, vector<1x128x128xf32>
    %get3A_25 = vector.shape_cast %get3A_24 : vector<1x128x128xf32> to vector<128x128xf32>
    %dot_general3A_26 = arith.constant dense<0.000000e+00> : vector<2500x128xf32>
    %dot_general3A_27 = tpu.matmul %get3A_20, %get3A_25, %dot_general3A_26 {dimension_numbers = #tpu.dot_dimension_numbers<[1], [0], [0], [1], [0, 0, 1, 1], [], []>, transpose_lhs_hint = false} : vector<2500x128xf32>, vector<128x128xf32>, vector<2500x128xf32> -> vector<2500x128xf32>
    %add3A_28 = arith.addf %add3A, %dot_general3A_27 : vector<2500x128xf32>
    %get3A_29 = arith.constant 3 : index
    %get3A_30 = arith.constant 0 : index
    %get3A_31 = tpu.strided_load %arg0[%get3A_29, %get3A_30] {strides = array<i32: 4, 1>} : memref<10000x128xf32, #tpu.memory_space<vmem>>, vector<2500x128xf32>
    %get3A_32 = arith.constant 3 : index
    %get3A_33 = arith.constant 0 : index
    %get3A_34 = arith.constant 0 : index
    %get3A_35 = vector.load %arg1[%get3A_32, %get3A_33, %get3A_34] : memref<4x128x128xf32, #tpu.memory_space<vmem>>, vector<1x128x128xf32>
    %get3A_36 = vector.shape_cast %get3A_35 : vector<1x128x128xf32> to vector<128x128xf32>
    %dot_general3A_37 = arith.constant dense<0.000000e+00> : vector<2500x128xf32>
    %dot_general3A_38 = tpu.matmul %get3A_31, %get3A_36, %dot_general3A_37 {dimension_numbers = #tpu.dot_dimension_numbers<[1], [0], [0], [1], [0, 0, 1, 1], [], []>, transpose_lhs_hint = false} : vector<2500x128xf32>, vector<128x128xf32>, vector<2500x128xf32> -> vector<2500x128xf32>
    %add3A_39 = arith.addf %add3A_28, %dot_general3A_38 : vector<2500x128xf32>
    %swap3A = arith.constant 0 : index
    %swap3A_40 = arith.constant 0 : index
    %swap3A_41 = vector.load %arg2[%swap3A, %swap3A_40] : memref<2500x128xf32, #tpu.memory_space<vmem>>, vector<2500x128xf32>
    tpu.vector_store %arg2[%swap3A, %swap3A_40], %add3A_39 {strides = array<i32>} : memref<2500x128xf32, #tpu.memory_space<vmem>>, vector<2500x128xf32>,
    return
  }
}

module attributes {stable_mosaic.version = 14 : i64} {
  func.func @_scale_body(%arg0: memref<2500x128xf32, #tpu.memory_space<vmem>>, %arg1: memref<2x625x128xf32, #tpu.memory_space<vmem>>, %arg2: memref<128x16xf32, #tpu.memory_space<vmem>>, %arg3: memref<8x128xf32, #tpu.memory_space<vmem>>, %arg4: memref<4x128xf32, #tpu.memory_space<vmem>>, %arg5: memref<2500x128xf32, #tpu.memory_space<vmem>>, %arg6: memref<2500x128xf32, #tpu.memory_space<vmem>>, %arg7: memref<1250x128xf32, #tpu.memory_space<vmem>>) attributes {dimension_semantics = [], scalar_prefetch = 0 : i64, scratch_operands = 0 : i64, tpu.core_type = #tpu.core_type<tc>} {
    %get3A = arith.constant 0 : index
    %get3A_0 = arith.constant 0 : index
    %get3A_1 = arith.constant 0 : index
    %get3A_2 = vector.load %arg1[%get3A, %get3A_0, %get3A_1] : memref<2x625x128xf32, #tpu.memory_space<vmem>>, vector<1x625x128xf32>
    %get3A_3 = vector.shape_cast %get3A_2 : vector<1x625x128xf32> to vector<625x128xf32>
    %get3A_4 = arith.constant 1 : index
    %get3A_5 = arith.constant 0 : index
    %get3A_6 = arith.constant 0 : index
    %get3A_7 = vector.load %arg1[%get3A_4, %get3A_5, %get3A_6] : memref<2x625x128xf32, #tpu.memory_space<vmem>>, vector<1x625x128xf32>
    %get3A_8 = vector.shape_cast %get3A_7 : vector<1x625x128xf32> to vector<625x128xf32>
    %add3A = arith.addf %get3A_3, %get3A_8 : vector<625x128xf32>
    %add3A_9 = arith.constant 1.000000e+00 : f32
    %add3A_10 = vector.broadcast %add3A_9 : f32 to vector<625x128xf32>
    %add3A_11 = arith.addf %add3A, %add3A_10 : vector<625x128xf32>
    %rsqrt3A = math.rsqrt %add3A_11 : vector<625x128xf32>
    %get3A_12 = arith.constant 0 : index
    %get3A_13 = arith.constant 0 : index
    %get3A_14 = vector.load %arg2[%get3A_12, %get3A_13] : memref<128x16xf32, #tpu.memory_space<vmem>>, vector<128x16xf32>
    %dot_general3A = arith.constant dense<0.000000e+00> : vector<625x16xf32>
    %dot_general3A_15 = tpu.matmul %rsqrt3A, %get3A_14, %dot_general3A {dimension_numbers = #tpu.dot_dimension_numbers<[1], [0], [0], [1], [0, 0, 1, 1], [], []>, transpose_lhs_hint = false} : vector<625x128xf32>, vector<128x16xf32>, vector<625x16xf32> -> vector<625x16xf32>
    %slice3A = vector.extract_strided_slice %dot_general3A_15 {offsets = [0, 0], sizes = [625, 8], strides = [1, 1]} : vector<625x16xf32> to vector<625x8xf32>
    %get3A_16 = arith.constant 0 : index
    %get3A_17 = arith.constant 0 : index
    %get3A_18 = vector.load %arg3[%get3A_16, %get3A_17] : memref<8x128xf32, #tpu.memory_space<vmem>>, vector<8x128xf32>
    %dot_general3A_19 = arith.constant dense<0.000000e+00> : vector<625x128xf32>
    %dot_general3A_20 = tpu.matmul %slice3A, %get3A_18, %dot_general3A_19 {dimension_numbers = #tpu.dot_dimension_numbers<[1], [0], [0], [1], [0, 0, 1, 1], [], []>, transpose_lhs_hint = false} : vector<625x8xf32>, vector<8x128xf32>, vector<625x128xf32> -> vector<625x128xf32>
    %swap3A = arith.constant 0 : index
    %swap3A_21 = arith.constant 0 : index
    %swap3A_22 = tpu.strided_load %arg7[%swap3A, %swap3A_21] {strides = array<i32: 2, 1>} : memref<1250x128xf32, #tpu.memory_space<vmem>>, vector<625x128xf32>
    tpu.strided_store %arg7[%swap3A, %swap3A_21], %dot_general3A_20 {strides = array<i32: 2, 1>} : memref<1250x128xf32, #tpu.memory_space<vmem>>, vector<625x128xf32>
    %slice3A_23 = vector.extract_strided_slice %dot_general3A_15 {offsets = [0, 8], sizes = [625, 8], strides = [1, 1]} : vector<625x16xf32> to vector<625x8xf32>
    %get3A_24 = arith.constant 0 : index
    %get3A_25 = arith.constant 0 : index
    %get3A_26 = vector.load %arg3[%get3A_24, %get3A_25] : memref<8x128xf32, #tpu.memory_space<vmem>>, vector<8x128xf32>
    %dot_general3A_27 = arith.constant dense<0.000000e+00> : vector<625x128xf32>
    %dot_general3A_28 = tpu.matmul %slice3A_23, %get3A_26, %dot_general3A_27 {dimension_numbers = #tpu.dot_dimension_numbers<[1], [0], [0], [1], [0, 0, 1, 1], [], []>, transpose_lhs_hint = false} : vector<625x8xf32>, vector<8x128xf32>, vector<625x128xf32> -> vector<625x128xf32>
    %swap3A_29 = arith.constant 1 : index
    %swap3A_30 = arith.constant 0 : index
    %swap3A_31 = tpu.strided_load %arg7[%swap3A_29, %swap3A_30] {strides = array<i32: 2, 1>} : memref<1250x128xf32, #tpu.memory_space<vmem>>, vector<625x128xf32>
    tpu.strided_store %arg7[%swap3A_29, %swap3A_30], %dot_general3A_28 {strides = array<i32: 2, 1>} : memref<1250x128xf32, #tpu.memory_space<vmem>>, vector<625x128xf32>
    %slice3A_32 = vector.extract_strided_slice %dot_general3A_15 {offsets = [0, 0], sizes = [625, 4], strides = [1, 1]} : vector<625x16xf32> to vector<625x4xf32>
    %get3A_33 = arith.constant 0 : index
    %get3A_34 = arith.constant 0 : index
    %get3A_35 = vector.load %arg4[%get3A_33, %get3A_34] : memref<4x128xf32, #tpu.memory_space<vmem>>, vector<4x128xf32>
    %dot_general3A_36 = arith.constant dense<0.000000e+00> : vector<625x128xf32>
    %dot_general3A_37 = tpu.matmul %slice3A_32, %get3A_35, %dot_general3A_36 {dimension_numbers = #tpu.dot_dimension_numbers<[1], [0], [0], [1], [0, 0, 1, 1], [], []>, transpose_lhs_hint = false} : vector<625x4xf32>, vector<4x128xf32>, vector<625x128xf32> -> vector<625x128xf32>
    %swap3A_38 = arith.constant 0 : index
    %swap3A_39 = arith.constant 0 : index
    %swap3A_40 = tpu.strided_load %arg6[%swap3A_38, %swap3A_39] {strides = array<i32: 4, 1>} : memref<2500x128xf32, #tpu.memory_space<vmem>>, vector<625x128xf32>
    tpu.strided_store %arg6[%swap3A_38, %swap3A_39], %dot_general3A_37 {strides = array<i32: 4, 1>} : memref<2500x128xf32, #tpu.memory_space<vmem>>, vector<625x128xf32>
    %slice3A_41 = vector.extract_strided_slice %dot_general3A_15 {offsets = [0, 4], sizes = [625, 4], strides = [1, 1]} : vector<625x16xf32> to vector<625x4xf32>
    %get3A_42 = arith.constant 0 : index
    %get3A_43 = arith.constant 0 : index
    %get3A_44 = vector.load %arg4[%get3A_42, %get3A_43] : memref<4x128xf32, #tpu.memory_space<vmem>>, vector<4x128xf32>
    %dot_general3A_45 = arith.constant dense<0.000000e+00> : vector<625x128xf32>
    %dot_general3A_46 = tpu.matmul %slice3A_41, %get3A_44, %dot_general3A_45 {dimension_numbers = #tpu.dot_dimension_numbers<[1], [0], [0], [1], [0, 0, 1, 1], [], []>, transpose_lhs_hint = false} : vector<625x4xf32>, vector<4x128xf32>, vector<625x128xf32> -> vector<625x128xf32>
    %swap3A_47 = arith.constant 1 : index
    %swap3A_48 = arith.constant 0 : index
    %swap3A_49 = tpu.strided_load %arg6[%swap3A_47, %swap3A_48] {strides = array<i32: 4, 1>} : memref<2500x128xf32, #tpu.memory_space<vmem>>, vector<625x128xf32>
    tpu.strided_store %arg6[%swap3A_47, %swap3A_48], %dot_general3A_46 {strides = array<i32: 4, 1>} : memref<2500x128xf32, #tpu.memory_space<vmem>>, vector<625x128xf32>
    %slice3A_50 = vector.extract_strided_slice %dot_general3A_15 {offsets = [0, 8], sizes = [625, 4], strides = [1, 1]} : vector<625x16xf32> to vector<625x4xf32>
    %get3A_51 = arith.constant 0 : index
    %get3A_52 = arith.constant 0 : index
    %get3A_53 = vector.load %arg4[%get3A_51, %get3A_52] : memref<4x128xf32, #tpu.memory_space<vmem>>, vector<4x128xf32>
    %dot_general3A_54 = arith.constant dense<0.000000e+00> : vector<625x128xf32>
    %dot_general3A_55 = tpu.matmul %slice3A_50, %get3A_53, %dot_general3A_54 {dimension_numbers = #tpu.dot_dimension_numbers<[1], [0], [0], [1], [0, 0, 1, 1], [], []>, transpose_lhs_hint = false} : vector<625x4xf32>, vector<4x128xf32>, vector<625x128xf32> -> vector<625x128xf32>
    %swap3A_56 = arith.constant 2 : index
    %swap3A_57 = arith.constant 0 : index
    %swap3A_58 = tpu.strided_load %arg6[%swap3A_56, %swap3A_57] {strides = array<i32: 4, 1>} : memref<2500x128xf32, #tpu.memory_space<vmem>>, vector<625x128xf32>
    tpu.strided_store %arg6[%swap3A_56, %swap3A_57], %dot_general3A_55 {strides = array<i32: 4, 1>} : memref<2500x128xf32, #tpu.memory_space<vmem>>, vector<625x128xf32>
    %slice3A_59 = vector.extract_strided_slice %dot_general3A_15 {offsets = [0, 12], sizes = [625, 4], strides = [1, 1]} : vector<625x16xf32> to vector<625x4xf32>
    %get3A_60 = arith.constant 0 : index
    %get3A_61 = arith.constant 0 : index
    %get3A_62 = vector.load %arg4[%get3A_60, %get3A_61] : memref<4x128xf32, #tpu.memory_space<vmem>>, vector<4x128xf32>
    %dot_general3A_63 = arith.constant dense<0.000000e+00> : vector<625x128xf32>
    %dot_general3A_64 = tpu.matmul %slice3A_59, %get3A_62, %dot_general3A_63 {dimension_numbers = #tpu.dot_dimension_numbers<[1], [0], [0], [1], [0, 0, 1, 1], [], []>, transpose_lhs_hint = false} : vector<625x4xf32>, vector<4x128xf32>, vector<625x128xf32> -> vector<625x128xf32>
    %swap3A_65 = arith.constant 3 : index
    %swap3A_66 = arith.constant 0 : index
    %swap3A_67 = tpu.strided_load %arg6[%swap3A_65, %swap3A_66] {strides = array<i32: 4, 1>} : memref<2500x128xf32, #tpu.memory_space<vmem>>, vector<625x128xf32>
    tpu.strided_store %arg6[%swap3A_65, %swap3A_66], %dot_general3A_64 {strides = array<i32: 4, 1>} : memref<2500x128xf32, #tpu.memory_space<vmem>>, vector<625x128xf32>
    %get3A_68 = arith.constant 0 : index
    %get3A_69 = arith.constant 0 : index
    %get3A_70 = vector.load %arg6[%get3A_68, %get3A_69] : memref<2500x128xf32, #tpu.memory_space<vmem>>, vector<2500x128xf32>
    %get3A_71 = arith.constant 0 : index
    %get3A_72 = arith.constant 0 : index
    %get3A_73 = vector.load %arg0[%get3A_71, %get3A_72] : memref<2500x128xf32, #tpu.memory_space<vmem>>, vector<2500x128xf32>
    %mul3A = arith.mulf %get3A_70, %get3A_73 : vector<2500x128xf32>
    %swap3A_74 = arith.constant 0 : index
    %swap3A_75 = arith.constant 0 : index
    %swap3A_76 = vector.load %arg5[%swap3A_74, %swap3A_75] : memref<2500x128xf32, #tpu.memory_space<vmem>>, vector<2500x128xf32>
    tpu.vector_store %arg5[%swap3A_74, %swap3A_75], %mul3A {strides = array<i32>} : memref<2500x128xf32, #tpu.memory_space<vmem>>, vector<2500x128xf32>,
    return
  }
}

module attributes {stable_mosaic.version = 14 : i64} {
  func.func @_mid1_body(%arg0: memref<2x2500x128xf32, #tpu.memory_space<vmem>>, %arg1: memref<2500x128xf32, #tpu.memory_space<vmem>>, %arg2: memref<2500x128xf32, #tpu.memory_space<vmem>>, %arg3: memref<1250x128xf32, #tpu.memory_space<vmem>>, %arg4: memref<1x128xf32, #tpu.memory_space<vmem>>, %arg5: memref<128x128xf32, #tpu.memory_space<vmem>>, %arg6: memref<128x128xf32, #tpu.memory_space<vmem>>, %arg7: memref<1250x128xf32, #tpu.memory_space<vmem>>, %arg8: memref<2500x128xf32, #tpu.memory_space<vmem>>) attributes {dimension_semantics = [], scalar_prefetch = 0 : i64, scratch_operands = 1 : i64, tpu.core_type = #tpu.core_type<tc>} {
    %get3A = arith.constant 0 : index
    %get3A_0 = arith.constant 0 : index
    %get3A_1 = vector.load %arg2[%get3A, %get3A_0] : memref<2500x128xf32, #tpu.memory_space<vmem>>, vector<2500x128xf32>
    %get3A_2 = arith.constant 0 : index
    %get3A_3 = arith.constant 0 : index
    %get3A_4 = arith.constant 0 : index
    %get3A_5 = vector.load %arg0[%get3A_2, %get3A_3, %get3A_4] : memref<2x2500x128xf32, #tpu.memory_space<vmem>>, vector<1x2500x128xf32>
    %get3A_6 = vector.shape_cast %get3A_5 : vector<1x2500x128xf32> to vector<2500x128xf32>
    %get3A_7 = arith.constant 1 : index
    %get3A_8 = arith.constant 0 : index
    %get3A_9 = arith.constant 0 : index
    %get3A_10 = vector.load %arg0[%get3A_7, %get3A_8, %get3A_9] : memref<2x2500x128xf32, #tpu.memory_space<vmem>>, vector<1x2500x128xf32>
    %get3A_11 = vector.shape_cast %get3A_10 : vector<1x2500x128xf32> to vector<2500x128xf32>
    %add3A = arith.addf %get3A_6, %get3A_11 : vector<2500x128xf32>
    %get3A_12 = arith.constant 0 : index
    %get3A_13 = arith.constant 0 : index
    %get3A_14 = vector.load %arg1[%get3A_12, %get3A_13] : memref<2500x128xf32, #tpu.memory_space<vmem>>, vector<2500x128xf32>
    %add3A_15 = arith.addf %add3A, %get3A_14 : vector<2500x128xf32>
    %mul3A = arith.mulf %get3A_1, %add3A_15 : vector<2500x128xf32>
    %get3A_16 = arith.constant 0 : index
    %get3A_17 = arith.constant 0 : index
    %get3A_18 = vector.load %arg4[%get3A_16, %get3A_17] : memref<1x128xf32, #tpu.memory_space<vmem>>, vector<1x128xf32>
    %add3A_19 = vector.broadcast %get3A_18 : vector<1x128xf32> to vector<2500x128xf32>
    %add3A_20 = arith.addf %mul3A, %add3A_19 : vector<2500x128xf32>
    %swap3A = arith.constant 0 : index
    %swap3A_21 = arith.constant 0 : index
    %swap3A_22 = vector.load %arg8[%swap3A, %swap3A_21] : memref<2500x128xf32, #tpu.memory_space<vmem>>, vector<2500x128xf32>
    tpu.vector_store %arg8[%swap3A, %swap3A_21], %add3A_20 {strides = array<i32>} : memref<2500x128xf32, #tpu.memory_space<vmem>>, vector<2500x128xf32>,
    %get3A_23 = arith.constant 0 : index
    %get3A_24 = arith.constant 0 : index
    %get3A_25 = tpu.strided_load %arg8[%get3A_23, %get3A_24] {strides = array<i32: 2, 1>} : memref<2500x128xf32, #tpu.memory_space<vmem>>, vector<1250x128xf32>
    %get3A_26 = arith.constant 0 : index
    %get3A_27 = arith.constant 0 : index
    %get3A_28 = vector.load %arg5[%get3A_26, %get3A_27] : memref<128x128xf32, #tpu.memory_space<vmem>>, vector<128x128xf32>
    %dot_general3A = arith.constant dense<0.000000e+00> : vector<1250x128xf32>
    %dot_general3A_29 = tpu.matmul %get3A_25, %get3A_28, %dot_general3A {dimension_numbers = #tpu.dot_dimension_numbers<[1], [0], [0], [1], [0, 0, 1, 1], [], []>, transpose_lhs_hint = false} : vector<1250x128xf32>, vector<128x128xf32>, vector<1250x128xf32> -> vector<1250x128xf32>
    %get3A_30 = arith.constant 1 : index
    %get3A_31 = arith.constant 0 : index
    %get3A_32 = tpu.strided_load %arg8[%get3A_30, %get3A_31] {strides = array<i32: 2, 1>} : memref<2500x128xf32, #tpu.memory_space<vmem>>, vector<1250x128xf32>
    %get3A_33 = arith.constant 0 : index
    %get3A_34 = arith.constant 0 : index
    %get3A_35 = vector.load %arg6[%get3A_33, %get3A_34] : memref<128x128xf32, #tpu.memory_space<vmem>>, vector<128x128xf32>
    %dot_general3A_36 = arith.constant dense<0.000000e+00> : vector<1250x128xf32>
    %dot_general3A_37 = tpu.matmul %get3A_32, %get3A_35, %dot_general3A_36 {dimension_numbers = #tpu.dot_dimension_numbers<[1], [0], [0], [1], [0, 0, 1, 1], [], []>, transpose_lhs_hint = false} : vector<1250x128xf32>, vector<128x128xf32>, vector<1250x128xf32> -> vector<1250x128xf32>
    %add3A_38 = arith.addf %dot_general3A_29, %dot_general3A_37 : vector<1250x128xf32>
    %get3A_39 = arith.constant 0 : index
    %get3A_40 = arith.constant 0 : index
    %get3A_41 = vector.load %arg3[%get3A_39, %get3A_40] : memref<1250x128xf32, #tpu.memory_space<vmem>>, vector<1250x128xf32>
    %mul3A_42 = arith.mulf %get3A_41, %add3A_38 : vector<1250x128xf32>
    %swap3A_43 = arith.constant 0 : index
    %swap3A_44 = arith.constant 0 : index
    %swap3A_45 = vector.load %arg7[%swap3A_43, %swap3A_44] : memref<1250x128xf32, #tpu.memory_space<vmem>>, vector<1250x128xf32>
    tpu.vector_store %arg7[%swap3A_43, %swap3A_44], %mul3A_42 {strides = array<i32>} : memref<1250x128xf32, #tpu.memory_space<vmem>>, vector<1250x128xf32>,
    return
  }
}

module attributes {stable_mosaic.version = 14 : i64} {
  func.func @_mid2_body(%arg0: memref<2x1250x128xf32, #tpu.memory_space<vmem>>, %arg1: memref<1250x128xf32, #tpu.memory_space<vmem>>, %arg2: memref<1250x128xf32, #tpu.memory_space<vmem>>, %arg3: memref<1x128xf32, #tpu.memory_space<vmem>>, %arg4: memref<128x128xf32, #tpu.memory_space<vmem>>, %arg5: memref<1250x128xf32, #tpu.memory_space<vmem>>) attributes {dimension_semantics = [], scalar_prefetch = 0 : i64, scratch_operands = 0 : i64, tpu.core_type = #tpu.core_type<tc>} {
    %get3A = arith.constant 0 : index
    %get3A_0 = arith.constant 0 : index
    %get3A_1 = vector.load %arg2[%get3A, %get3A_0] : memref<1250x128xf32, #tpu.memory_space<vmem>>, vector<1250x128xf32>
    %get3A_2 = arith.constant 0 : index
    %get3A_3 = arith.constant 0 : index
    %get3A_4 = arith.constant 0 : index
    %get3A_5 = vector.load %arg0[%get3A_2, %get3A_3, %get3A_4] : memref<2x1250x128xf32, #tpu.memory_space<vmem>>, vector<1x1250x128xf32>
    %get3A_6 = vector.shape_cast %get3A_5 : vector<1x1250x128xf32> to vector<1250x128xf32>
    %get3A_7 = arith.constant 1 : index
    %get3A_8 = arith.constant 0 : index
    %get3A_9 = arith.constant 0 : index
    %get3A_10 = vector.load %arg0[%get3A_7, %get3A_8, %get3A_9] : memref<2x1250x128xf32, #tpu.memory_space<vmem>>, vector<1x1250x128xf32>
    %get3A_11 = vector.shape_cast %get3A_10 : vector<1x1250x128xf32> to vector<1250x128xf32>
    %add3A = arith.addf %get3A_6, %get3A_11 : vector<1250x128xf32>
    %get3A_12 = arith.constant 0 : index
    %get3A_13 = arith.constant 0 : index
    %get3A_14 = vector.load %arg1[%get3A_12, %get3A_13] : memref<1250x128xf32, #tpu.memory_space<vmem>>, vector<1250x128xf32>
    %add3A_15 = arith.addf %add3A, %get3A_14 : vector<1250x128xf32>
    %mul3A = arith.mulf %get3A_1, %add3A_15 : vector<1250x128xf32>
    %get3A_16 = arith.constant 0 : index
    %get3A_17 = arith.constant 0 : index
    %get3A_18 = vector.load %arg3[%get3A_16, %get3A_17] : memref<1x128xf32, #tpu.memory_space<vmem>>, vector<1x128xf32>
    %add3A_19 = vector.broadcast %get3A_18 : vector<1x128xf32> to vector<1250x128xf32>
    %add3A_20 = arith.addf %mul3A, %add3A_19 : vector<1250x128xf32>
    %get3A_21 = arith.constant 0 : index
    %get3A_22 = arith.constant 0 : index
    %get3A_23 = vector.load %arg4[%get3A_21, %get3A_22] : memref<128x128xf32, #tpu.memory_space<vmem>>, vector<128x128xf32>
    %dot_general3A = arith.constant dense<0.000000e+00> : vector<1250x128xf32>
    %dot_general3A_24 = tpu.matmul %add3A_20, %get3A_23, %dot_general3A {dimension_numbers = #tpu.dot_dimension_numbers<[1], [0], [0], [1], [0, 0, 1, 1], [], []>, transpose_lhs_hint = false} : vector<1250x128xf32>, vector<128x128xf32>, vector<1250x128xf32> -> vector<1250x128xf32>
    %get3A_25 = arith.constant 0 : index
    %get3A_26 = arith.constant 0 : index
    %get3A_27 = vector.load %arg2[%get3A_25, %get3A_26] : memref<1250x128xf32, #tpu.memory_space<vmem>>, vector<1250x128xf32>
    %mul3A_28 = arith.mulf %get3A_27, %dot_general3A_24 : vector<1250x128xf32>
    %swap3A = arith.constant 0 : index
    %swap3A_29 = arith.constant 0 : index
    %swap3A_30 = vector.load %arg5[%swap3A, %swap3A_29] : memref<1250x128xf32, #tpu.memory_space<vmem>>, vector<1250x128xf32>
    tpu.vector_store %arg5[%swap3A, %swap3A_29], %mul3A_28 {strides = array<i32>} : memref<1250x128xf32, #tpu.memory_space<vmem>>, vector<1250x128xf32>,
    return
  }
}

module attributes {stable_mosaic.version = 14 : i64} {
  func.func @_fin_body(%arg0: memref<2x1250x128xf32, #tpu.memory_space<vmem>>, %arg1: memref<1250x128xf32, #tpu.memory_space<vmem>>, %arg2: memref<1250x128xf32, #tpu.memory_space<vmem>>, %arg3: memref<1x128xf32, #tpu.memory_space<vmem>>, %arg4: memref<128x128xf32, #tpu.memory_space<vmem>>, %arg5: memref<1250x128xf32, #tpu.memory_space<vmem>>) attributes {dimension_semantics = [], scalar_prefetch = 0 : i64, scratch_operands = 0 : i64, tpu.core_type = #tpu.core_type<tc>} {
    %get3A = arith.constant 0 : index
    %get3A_0 = arith.constant 0 : index
    %get3A_1 = vector.load %arg2[%get3A, %get3A_0] : memref<1250x128xf32, #tpu.memory_space<vmem>>, vector<1250x128xf32>
    %get3A_2 = arith.constant 0 : index
    %get3A_3 = arith.constant 0 : index
    %get3A_4 = arith.constant 0 : index
    %get3A_5 = vector.load %arg0[%get3A_2, %get3A_3, %get3A_4] : memref<2x1250x128xf32, #tpu.memory_space<vmem>>, vector<1x1250x128xf32>
    %get3A_6 = vector.shape_cast %get3A_5 : vector<1x1250x128xf32> to vector<1250x128xf32>
    %get3A_7 = arith.constant 1 : index
    %get3A_8 = arith.constant 0 : index
    %get3A_9 = arith.constant 0 : index
    %get3A_10 = vector.load %arg0[%get3A_7, %get3A_8, %get3A_9] : memref<2x1250x128xf32, #tpu.memory_space<vmem>>, vector<1x1250x128xf32>
    %get3A_11 = vector.shape_cast %get3A_10 : vector<1x1250x128xf32> to vector<1250x128xf32>
    %add3A = arith.addf %get3A_6, %get3A_11 : vector<1250x128xf32>
    %get3A_12 = arith.constant 0 : index
    %get3A_13 = arith.constant 0 : index
    %get3A_14 = vector.load %arg1[%get3A_12, %get3A_13] : memref<1250x128xf32, #tpu.memory_space<vmem>>, vector<1250x128xf32>
    %add3A_15 = arith.addf %add3A, %get3A_14 : vector<1250x128xf32>
    %mul3A = arith.mulf %get3A_1, %add3A_15 : vector<1250x128xf32>
    %get3A_16 = arith.constant 0 : index
    %get3A_17 = arith.constant 0 : index
    %get3A_18 = vector.load %arg3[%get3A_16, %get3A_17] : memref<1x128xf32, #tpu.memory_space<vmem>>, vector<1x128xf32>
    %add3A_19 = vector.broadcast %get3A_18 : vector<1x128xf32> to vector<1250x128xf32>
    %add3A_20 = arith.addf %mul3A, %add3A_19 : vector<1250x128xf32>
    %reduce_max3A = arith.constant dense<0xFF800000> : vector<1250xf32>
    %reduce_max3A_21 = vector.multi_reduction <maximumf>, %add3A_20, %reduce_max3A [1] : vector<1250x128xf32> to vector<1250xf32>
    %broadcast_in_dim3A = vector.shape_cast %reduce_max3A_21 : vector<1250xf32> to vector<1250x1xf32>
    %sub3A = vector.broadcast %broadcast_in_dim3A : vector<1250x1xf32> to vector<1250x128xf32>
    %sub3A_22 = arith.subf %add3A_20, %sub3A : vector<1250x128xf32>
    %exp3A = math.exp %sub3A_22 : vector<1250x128xf32>
    %get3A_23 = arith.constant 0 : index
    %get3A_24 = arith.constant 0 : index
    %get3A_25 = vector.load %arg4[%get3A_23, %get3A_24] : memref<128x128xf32, #tpu.memory_space<vmem>>, vector<128x128xf32>
    %dot_general3A = arith.constant dense<0.000000e+00> : vector<1250x128xf32>
    %dot_general3A_26 = tpu.matmul %exp3A, %get3A_25, %dot_general3A {dimension_numbers = #tpu.dot_dimension_numbers<[1], [0], [0], [1], [0, 0, 1, 1], [], []>, transpose_lhs_hint = false} : vector<1250x128xf32>, vector<128x128xf32>, vector<1250x128xf32> -> vector<1250x128xf32>
    %sub3A_27 = vector.broadcast %broadcast_in_dim3A : vector<1250x1xf32> to vector<1250x128xf32>
    %sub3A_28 = arith.subf %add3A_20, %sub3A_27 : vector<1250x128xf32>
    %log3A = math.log %dot_general3A_26 : vector<1250x128xf32>
    %sub3A_29 = arith.subf %sub3A_28, %log3A : vector<1250x128xf32>
    %swap3A = arith.constant 0 : index
    %swap3A_30 = arith.constant 0 : index
    %swap3A_31 = vector.load %arg5[%swap3A, %swap3A_30] : memref<1250x128xf32, #tpu.memory_space<vmem>>, vector<1250x128xf32>
    tpu.vector_store %arg5[%swap3A, %swap3A_30], %sub3A_29 {strides = array<i32>} : memref<1250x128xf32, #tpu.memory_space<vmem>>, vector<1250x128xf32>,
    return
  }
}

</mosaic_0001>

<sc_bundles>
// kernel: kernel.11.cloned.1.call-start
scs
__scs_entry_jumppad:
0x0: {  	(pc) =	sbr.rel $0x88, $3  }
0x1: {  	(tag) =	ssettag $0x0;
	lr =	simm.s32 $0x1  }
0x2: {  	[smem:$0x3F99] =	sst lr;
	_ =	strace $0xD0000000  }
0x3: {  	_ = 	snop  }
0x4: {  	_ = 	snop  }
0x5: {  	_ = 	snop  }
0x6: {  	_ = 	snop  }
0x7: {  	_ = 	snop  }
__scs_overlays_trampoline_lowered:
0x8: {  	[smem:$0x3FA8] =	sst s0  }
0x9: {  	[smem:$0x3FA9] =	sst s1  }
0xa: {  	[smem:$0x3FAA] =	sst s2  }
0xb: {  	[smem:$0x3FAB] =	sst s3  }
0xc: {  	[smem:$0x3FAC] =	sst s4  }
0xd: {  	[smem:$0x3FAD] =	sst s5  }
0xe: {  	[smem:$0x3FAE] =	sst s6  }
0xf: {  	[smem:$0x3FAF] =	sst s7  }
0x10: {  	[smem:$0x3FB0] =	sst s8  }
0x11: {  	[smem:$0x3FB1] =	sst s9;
	s0 =	simm.s32 @!p0 $0x0  }
0x12: {  	s1 =	sld [smem:$0x3F97];
	s0 =	simm.s32 @p0 $0x1  }
0x13: {  	[smem:$0x3FB2] =	sst s0;
	s0 =	simm.s32 @!p1 $0x0  }
0x14: {  	s2 =	sld [smem:$0x3F96];
	s0 =	simm.s32 @p1 $0x1  }
0x15: {  	[smem:$0x3FB3] =	sst s0;
	s0 =	simm.s32 @!p2 $0x0  }
0x16: {  	s3 =	sld [smem:$0x3FDB];
	s0 =	simm.s32 @p2 $0x1  }
0x17: {  	s4 =	simm.s32 $0x1BF5;
	[smem:$0x3FB5] =	sst s0  }
0x18: {  	s0 =	sld [smem:$0x3F98];
	_ =	swait.ge [sflag:s4], $0x0  }
0x19: {  	s7 =	sld [smem:$0x3F99]  }
0x1a: {  	s8 =	sadd.s32 $0xFFFFE003, lr  }
0x1b: {  	s9 =	sadd.s32 $0xFFFFFEF7, lr;
	s5 =	simm.s32 $0xFFFFFFFF;
	p2 =	slt.u32 s8, $0xFFFFF086  }
0x1c: {  	p1 =	slt.u32 s9, $0xF7A;
	s5 =	simm.s32 @!p2 $0x0  }
0x1d: {  	s5 =	simm.s32 @p1 $0x1;
	p0 =	seq.s32 s7, s2  }
0x1e: {  	s7 =	smul.u32 @!p0 $0xF7A, s2;
	p2 =	seq.s32 @!p0 s5, $0x0  }
0x1f: {  	s9 =	smul.u32 $0xF7A, s1;
	s8 =	simm.s32 @!p0 $0x1BF5;
	p2 =	por !p2, p0  }
0x20: {  	[sflag:s8] =	ssyncset.s32 @!p0 $0xFFFFF086;
	s6 =	sadd.s32 @!p0 s3, s7;
	s7 =	simm.s32 @!p0 $0x108  }
0x21: {  	s3 =	sadd.s32 s3, s9;
	s6 =	sadd.s32 @!p0 $0x88, s6;
	s7 =	simm.s32 @p2 $0x1082  }
0x22: {  	[simem:s7], [sflag:s8] =	dma.local @!p0 [hbm:s6], $0xF7A  }
0x23: {  	s9 =	sor.u32 $0xD0000000, s2;
	s6 =	simm.s32 $0x108;
	_ =	swait.ge @!p0 [sflag:s8], $0x0  }
0x24: {  	s3 =	sadd.s32 $0x88, s3;
	s6 =	simm.s32 @!p1 $0x1082;
	[sflag:s4] =	ssyncset.s32 $0xFFFFF086  }
0x25: {  	[simem:s6], [sflag:s4] =	dma.local [hbm:s3], $0xF7A  }
0x26: {  	[smem:$0x3F99] =	sst s1;
	(tag) =	ssettag s2;
	_ =	strace s9  }
0x27: {  	s1 =	sld [smem:$0x3FA9]  }
0x28: {  	s2 =	sld [smem:$0x3FAA]  }
0x29: {  	s4 =	sld [smem:$0x3FAC]  }
0x2a: {  	p0 =	seq.s32 s5, $0x0;
	s5 =	sld [smem:$0x3FAD]  }
0x2b: {  	s6 =	sld [smem:$0x3FAE]  }
0x2c: {  	s7 =	sld [smem:$0x3FAF]  }
0x2d: {  	s3 =	simm.s32 $0x108;
	s8 =	sld [smem:$0x3FB0]  }
0x2e: {  	s3 =	simm.s32 @!p0 $0x1082;
	s9 =	sld [smem:$0x3FB1]  }
0x2f: {  	lr =	sadd.s32 s0, s3;
	s0 =	sld [smem:$0x3FA8]  }
0x30: {  	s3 =	sld [smem:$0x3FAB]  }
0x31: {  	[smem:$0x3FB4] =	sst s10  }
0x32: {  	s10 =	sld [smem:$0x3FB2];
	_ =	sdelay $0x3  }
0x33: {  	p0 =	seq.s32 s10, $0x1;
	s10 =	sld [smem:$0x3FB4];
	_ =	sdelay $0x3  }
0x34: {  	[smem:$0x3FB4] =	sst s10  }
0x35: {  	s10 =	sld [smem:$0x3FB3];
	_ =	sdelay $0x3  }
0x36: {  	p1 =	seq.s32 s10, $0x1;
	s10 =	sld [smem:$0x3FB4];
	_ =	sdelay $0x3  }
0x37: {  	[smem:$0x3FB4] =	sst s10  }
0x38: {  	s10 =	sld [smem:$0x3FB5]  }
0x39: {  	_ = 	snop;
	(pc) =	sbr.ind lr, $3  }
0x3a: {  	_ = 	snop  }
0x3b: {  	_ = 	snop  }
0x3c: {  	p2 =	seq.s32 s10, $0x1;
	s10 =	sld [smem:$0x3FB4]  }
0x3d: {  	_ =	shalt  }
0x3e: {  	_ =	shalt  }
0x3f: {  	_ =	shalt  }
0x40: {  	_ =	shalt  }
0x41: {  	_ =	shalt  }
0x42: {  	_ =	shalt  }
0x43: {  	_ =	shalt  }
0x44: {  	_ =	shalt  }
0x45: {  	_ =	shalt  }
0x46: {  	_ =	shalt  }
0x47: {  	_ =	shalt  }
0x48: {  	_ =	shalt  }
0x49: {  	_ =	shalt  }
0x4a: {  	_ =	shalt  }
0x4b: {  	_ =	shalt  }
0x4c: {  	_ =	shalt  }
0x4d: {  	_ =	shalt  }
0x4e: {  	_ =	shalt  }
0x4f: {  	_ =	shalt  }
0x50: {  	_ =	shalt  }
0x51: {  	_ =	shalt  }
0x52: {  	_ =	shalt  }
0x53: {  	_ =	shalt  }
0x54: {  	_ =	shalt  }
0x55: {  	_ =	shalt  }
0x56: {  	_ =	shalt  }
0x57: {  	_ =	shalt  }
0x58: {  	_ =	shalt  }
0x59: {  	_ =	shalt  }
0x5a: {  	_ =	shalt  }
0x5b: {  	_ =	shalt  }
0x5c: {  	_ =	shalt  }
0x5d: {  	_ =	shalt  }
0x5e: {  	_ =	shalt  }
0x5f: {  	_ =	shalt  }
0x60: {  	_ =	shalt  }
0x61: {  	_ =	shalt  }
0x62: {  	_ =	shalt  }
0x63: {  	_ =	shalt  }
0x64: {  	_ =	shalt  }
0x65: {  	_ =	shalt  }
0x66: {  	_ =	shalt  }
0x67: {  	_ =	shalt  }
0x68: {  	_ =	shalt  }
0x69: {  	_ =	shalt  }
0x6a: {  	_ =	shalt  }
0x6b: {  	_ =	shalt  }
0x6c: {  	_ =	shalt  }
0x6d: {  	_ =	shalt  }
0x6e: {  	_ =	shalt  }
0x6f: {  	_ =	shalt  }
0x70: {  	_ =	shalt  }
0x71: {  	_ =	shalt  }
0x72: {  	_ =	shalt  }
0x73: {  	_ =	shalt  }
0x74: {  	_ =	shalt  }
0x75: {  	_ =	shalt  }
0x76: {  	_ =	shalt  }
0x77: {  	_ =	shalt  }
0x78: {  	_ =	shalt  }
0x79: {  	_ =	shalt  }
0x7a: {  	_ =	shalt  }
0x7b: {  	_ =	shalt  }
0x7c: {  	_ =	shalt  }
0x7d: {  	_ =	shalt  }
0x7e: {  	_ =	shalt  }
0x7f: {  	_ =	shalt  }
0x80: {  	_ =	shalt  }
0x81: {  	_ =	shalt  }
0x82: {  	_ =	shalt  }
0x83: {  	_ =	shalt  }
0x84: {  	_ =	shalt  }
0x85: {  	_ =	shalt  }
0x86: {  	_ =	shalt  }
0x87: {  	_ =	shalt  }
.Lfunc_end0:
.L_simem_size_0:
called_computation_lowered:
.L_overlay_start_0:
0x88: {  	s2 =	sld [smem:$0x3FD9]  }
0x89: {  	s3 =	sld [smem:$0x3FFE];
	_ =	sdelay $0x1  }
0x8a: {  	s1 =	srdreg.scid  }
0x8b: {  	s0 =	sand.u32 $0x1, s1  }
0x8c: {  	s17 =	sshll.u32 s0, $0xA;
	s2 =	sadd.s32 s3, s2  }
0x8d: {  	s2 =	sadd.s32 s2, s17  }
0x8e: {  	[smem:$0x3FC0] =	sst s2  }
0x8f: {  	_ = 	snop  }
0x90: {  	s2 =	sld [smem:$0x3FD0];
	(tm) =	ssettm $0x1  }
0x91: {  	s18 =	sld [smem:$0x3FFB];
	_ =	sdelay $0x3  }
0x92: {  	_ =	strace s18  }
0x93: {  	s3 =	sld [smem:$0x3FFC];
	_ =	sdelay $0x3  }
0x94: {  	_ =	strace s3  }
0x95: {  	s3 =	sld [smem:$0x3FFD];
	_ =	sdelay $0x3  }
0x96: {  	_ =	strace s3  }
0x97: {  	_ =	strace $0x8FFFFFFF  }
0x98: {  	s19 =	sld [smem:$0x3FDB];
	_ =	sdelay $0x1  }
0x99: {  	s4 =	simm.s32 $_scs_section_size  }
0x9a: {  	s5 =	simm.s32 $_size__tile_overlayer_lowered;
	s6 =	simm.s32 $_tile_overlayer_lowered  }
0x9b: {  	s22 =	simm.s32 $0x1BFF;
	s21 =	sshll.u32 s6, $0x1;
	s3 =	sadd.s32 s4, s19  }
0x9c: {  	s7 =	simm.s32 $0x0;
	s20 =	sshll.u32 s5, $0x1;
	s5 =	sadd.s32 s21, s3  }
0x9d: {  	[timem:s7], [sflag:s22] =	dma.local [hbm:s5], s20  }
0x9e: {  	_ =	swait.ge [sflag:s22], s20  }
0x9f: {  	s4 =	ssub.s32 $0x0, s20;
	[sflag:s22] =	ssyncset.done $0x0  }
0xa0: {  	[sflag:s22] =	ssyncadd.s32 s4;
	_ =	sdelay $0x1  }
0xa1: {  	s23 =	simm.s32 $0x1B8B  }
0xa2: {  	_ =	swait.ge [sflag:s23], $0x1  }
0xa3: {  	[sflag:s23] =	ssyncset.done $0x0  }
0xa4: {  	s25 =	simm.s32 $0x1B8E;
	s24 =	sld [smem:$0x3FFE];
	[sflag:s23] =	ssyncadd.s32 $0xFFFFFFFF  }
0xa5: {  	s26 =	simm.s32 $execute0_lowered;
	[smem:$0x3FD2] =	sst s25  }
0xa6: {  	s5 =	sshll.u32 s26, $0x1;
	_ =	strace $0x80000046;
	[dreg:$0x1] =	wrdreg $0xFFFFFFFF  }
0xa7: {  	s28 =	simm.s32 $_size_execute0_lowered;
	s3 =	sadd.s32 s3, s5;
	[dreg:$0x0] =	wrdreg $0x0  }
0xa8: {  	s5 =	sshll.u32 s28, $0x1;
	[dreg:$0x2] =	wrdreg s3  }
0xa9: {  	[dreg:$0x3] =	wrdreg s5  }
0xaa: {  	[dreg:$0x4] =	wrdreg $0xC0  }
0xab: {  	_ =	task [dreg:s7], $0x5FFFF  }
0xac: {  	[dreg:$0x1] =	wrdreg $0xFFFFFFFF  }
0xad: {  	[dreg:$0x0] =	wrdreg $0x60  }
0xae: {  	[dreg:$0x2] =	wrdreg s24  }
0xaf: {  	[dreg:$0x3] =	wrdreg s2  }
0xb0: {  	[dreg:$0x4] =	wrdreg $0x2B800  }
0xb1: {  	[dreg:$0x5] =	wrdreg $0x9  }
0xb2: {  	_ =	task.clear_ibuf [dreg:s7], $0x6FFFF;
	_ =	strace $0x90000046  }
0xb3: {  	s29 =	simm.s32 $0x9;
	_ =	strace $0x80000048  }
0xb4: {  	_ =	swait.ge [sflag:s29], $0x1  }
0xb5: {  	[sflag:s29] =	ssyncadd.s32 $0xFFFFFFFF  }
0xb6: {  	_ =	strace $0x90000048  }
0xb7: {  	_ =	sfence  }
0xb8: {  	s30 =	sld [smem:$0x0];
	_ =	sdelay $0x2  }
0xb9: {  	s31 =	sshll.u32 s1, $0xD;
	s1 =	sshrl.u32 s1, $0x2  }
0xba: {  	s3 =	sand.u32 $0x4000, s31;
	s1 =	sadd.s32 s1, s30  }
0xbb: {  	s0 =	sor.u32 s3, s0;
	s1 =	sshll.u32 s1, $0x11  }
0xbc: {  	s0 =	sor.u32 s1, s0  }
0xbd: {  	s0 =	sadd.s32 $0x8F2B, s0  }
0xbe: {  	[sflag:s0] =	ssyncadd.remote.s32 $0x1  }
0xbf: {  	_ =	sfence.sel $0xFFFF  }
0xc0: {  	[dreg:$0x0] =	wrdreg $0xFFFFFFFF;
	(pc) =	sbr.abs _section_cstart, $3  }
0xc1: {  	[dreg:$0x1] =	wrdreg $0xFFFFFFFF  }
0xc2: {  	_ =	task.clear_ibuf [dreg:s7], $0x2FFFF;
	_ =	strace $0x9FFFFFFF  }
0xc3: {  	(tm) =	ssettm $0x7FFFFFFF  }
tec
execute0_lowered:
.L_overlay_start_1:
0x0: {  	(tag) =	ssettag $0x1  }
0x1: {  	s5 =	rddreg [dreg:$0x0]  }
0x2: {  	s8 =	rddreg [dreg:$0x1]  }
0x3: {  	s1 =	rddreg [dreg:$0x2]  }
0x4: {  	s2 =	srdreg.scid;
	s0 =	rddreg [dreg:$0x3]  }
0x5: {  	s3 =	simm.s32 $0x0;
	s14 =	simm.s32 $0x80;
	s15 =	simm.s32 $0x1  }
0x6: {  	s16 =	simm.s32 $0x0;
	s6 =	sand.u32 $0x1, s2;
	s2 =	stileid.u32  }
0x7: {  	[smem:$0x7FF] =	sst s3;
	s9 =	sadd.s32 $0x3400, s5;
	s4 =	sshll.u32 s6, $0x4  }
0x8: {  	_ =	strace $0x80000047;
	s11 =	ssub.s32 $0x2, s6;
	s12 =	smul.u32 $0x1388, s2  }
0x9: {  	s6 =	smul.u32 $0x13880, s6;
	s26 =	sshll.u32 s2, $0x4;
	s31 =	sshll.u32 s2, $0x6  }
0xa: {  	s10 =	sor.u32 s2, s4;
	s4 =	sadd.s32 $0x17200, s5;
	s13 =	sshrl.u32 s11, $0x1  }
0xb: {  	s5 =	sadd.s32 $0x16E00, s5;
	s7 =	smul.u32 $0x2700, s10;
	s11 =	ssub.s32 s11, s13  }
0xc: {  	s28 =	sadd.s32 s12, s6;
	s30 =	sadd.s32 s12, s1;
	p0 =	sgt.u32 s10, $0x3  }
0xd: {  	s10 =	simm.s32 $0x2;
	s12 =	sor.u32 $0x1C02, s31;
	s7 =	sshrl.u32 s7, $0x3  }
0xe: {  	s29 =	sshrl.u32 s28, $0x3;
	s13 =	sshrl.u32 s30, $0x3;
	s7 =	sadd.s32 s9, s7  }
0xf: {  	s8 =	sadd.s32 s8, s29;
	s9 =	sadd.s32 s26, s9;
	s6 =	sadd.s32 $0x9C40, s7  }
0x10: {  	s7 =	sadd.s32 $0x13840, s9;
	s9 =	smax.u32 s11, $0x1;
	s11 =	simm.s32 $0x2780  }
.LBB2_1:
0x11: {  	[tilespmem:s3], [sflag:$0x2] =	stream.linear.gather [hbm4b:s6+s3], $0x2700, $0x38;
	[tilespmem:$0x3F08] =	vst v63  }
0x12: {  	_ =	swait.ge [sflag:s10], $0x2700  }
0x13: {  	[sflag:s10] =	ssyncset.done $0x0  }
0x14: {  	s17 =	simm.s32 @!p0 $0x0;
	s18 =	simm.s32 @!p0 $0x2700;
	[sflag:s10] =	ssyncadd.s32 $0xFFFFD900  }
0x15: {  	[tilespmem:s18], [sflag:$0x2] =	stream.linear.gather @!p0 [hbm4b:s7+s17], $0x80, $0x38;
	[tilespmem:$0x3F08] =	vst v63  }
0x16: {  	s17 =	simm.s32 @!p0 $0x2  }
0x17: {  	_ =	swait.ge @!p0 [sflag:s17], $0x80  }
0x18: {  	[sflag:s17] =	ssyncset.done @!p0 $0x0  }
0x19: {  	[sflag:s17] =	ssyncadd.s32 @!p0 $0xFFFFFF80  }
0x1a: {  	[tilespmem:s11], [sflag:$0x2] =	stream.linear.gather [hbm4b:s4+s3], $0x400, $0x38;
	[tilespmem:$0x3F08] =	vst v63  }
0x1b: {  	_ =	swait.ge [sflag:s10], $0x400  }
0x1c: {  	[sflag:s10] =	ssyncset.done $0x0  }
0x1d: {  	[sflag:s10] =	ssyncadd.s32 $0xFFFFFC00  }
0x1e: {  	[spmem:s13], [sflag:s12] =	dma.local [hbm:s5], $0x271  }
0x1f: {  	_ =	swait.ge [sflag:s10], $0x271  }
0x20: {  	[sflag:s10] =	ssyncset.done $0x0  }
0x21: {  	p1 =	por $0x1, $0x1;
	[sflag:s10] =	ssyncadd.s32 $0xFFFFFD8F  }
0x22: {  	s19 =	simm.s32 @!p1 $0x1;
	[bflag:$0x0] =	sbarrier.arrive $0xFFFF  }
0x23: {  	[spmem:s1] =	stream.indirect.scatter.add.f32 [tilespmem:s11], [sflag:$0x1], $0x8, s3, s14, $0xb8;
	[tilespmem:$0x3F08] =	vst v63  }
0x24: {  	_ =	swait.ge @!p1 [sflag:s19], $0x400  }
0x25: {  	s18 =	simm.s32 $0x0;
	s17 =	simm.s32 $0x1;
	[sflag:s19] =	ssyncset.done @!p1 $0x0  }
.LBB2_2:
0x26: {  	[sflag:s19] =	ssyncadd.s32 @!p1 $0xFFFFFC00  }
0x27: {  	s18 =	sadd.s32 $0x80, s18;
	s19 =	smov.u32 s17;
	s17 =	sadd.s32 $0x1, s17  }
0x28: {  	p2 =	sne.s32 s17, $0x4E  }
0x29: {  	[spmem:s1] =	stream.indirect.scatter.add.f32 [tilespmem:s11], [sflag:$0x1], $0x8, s18, s14, $0xb8;
	[tilespmem:$0x3F08] =	vst v63  }
.Ltmp0:
0x2a: {  	_ = 	snop;
	(pc) =	sbr.rel @p2 .LBB2_2-.Ltmp0, $4  }
0x2b: {  	p1 =	slt.u32 s19, $0x18  }
0x2c: {  	s19 =	simm.s32 @!p1 $0x1  }
0x2d: {  	_ =	swait.ge @!p1 [sflag:s19], $0x400  }
0x2e: {  	[sflag:s19] =	ssyncset.done @!p1 $0x0  }
0x2f: {  	[sflag:s19] =	ssyncadd.s32 @!p1 $0xFFFFFC00  }
0x30: {  	_ =	swait.ge [sflag:s15], $0x400  }
0x31: {  	[sflag:s15] =	ssyncset.done $0x0  }
0x32: {  	[sflag:s15] =	ssyncadd.s32 $0xFFFFFC00  }
0x33: {  	_ =	swait.ge [sflag:s15], $0x400  }
0x34: {  	[sflag:s15] =	ssyncset.done $0x0  }
0x35: {  	[sflag:s15] =	ssyncadd.s32 $0xFFFFFC00  }
0x36: {  	_ =	swait.ge [sflag:s15], $0x400  }
0x37: {  	[sflag:s15] =	ssyncset.done $0x0  }
0x38: {  	[sflag:s15] =	ssyncadd.s32 $0xFFFFFC00  }
0x39: {  	_ =	swait.ge [sflag:s15], $0x400  }
0x3a: {  	[sflag:s15] =	ssyncset.done $0x0  }
0x3b: {  	[sflag:s15] =	ssyncadd.s32 $0xFFFFFC00  }
0x3c: {  	_ =	swait.ge [sflag:s15], $0x400  }
0x3d: {  	[sflag:s15] =	ssyncset.done $0x0  }
0x3e: {  	[sflag:s15] =	ssyncadd.s32 $0xFFFFFC00  }
0x3f: {  	_ =	swait.ge [sflag:s15], $0x400  }
0x40: {  	[sflag:s15] =	ssyncset.done $0x0  }
0x41: {  	[sflag:s15] =	ssyncadd.s32 $0xFFFFFC00  }
0x42: {  	_ =	swait.ge [sflag:s15], $0x400  }
0x43: {  	[sflag:s15] =	ssyncset.done $0x0  }
0x44: {  	[sflag:s15] =	ssyncadd.s32 $0xFFFFFC00  }
0x45: {  	_ =	swait.ge [sflag:s15], $0x400  }
0x46: {  	[sflag:s15] =	ssyncset.done $0x0  }
0x47: {  	[sflag:s15] =	ssyncadd.s32 $0xFFFFFC00  }
0x48: {  	_ =	swait.ge [sflag:s15], $0x400  }
0x49: {  	[sflag:s15] =	ssyncset.done $0x0  }
0x4a: {  	[sflag:s15] =	ssyncadd.s32 $0xFFFFFC00  }
0x4b: {  	_ =	swait.ge [sflag:s15], $0x400  }
0x4c: {  	[sflag:s15] =	ssyncset.done $0x0  }
0x4d: {  	[sflag:s15] =	ssyncadd.s32 $0xFFFFFC00  }
0x4e: {  	_ =	swait.ge [sflag:s15], $0x400  }
0x4f: {  	[sflag:s15] =	ssyncset.done $0x0  }
0x50: {  	[sflag:s15] =	ssyncadd.s32 $0xFFFFFC00  }
0x51: {  	_ =	swait.ge [sflag:s15], $0x400  }
0x52: {  	[sflag:s15] =	ssyncset.done $0x0  }
0x53: {  	[sflag:s15] =	ssyncadd.s32 $0xFFFFFC00  }
0x54: {  	_ =	swait.ge [sflag:s15], $0x400  }
0x55: {  	[sflag:s15] =	ssyncset.done $0x0  }
0x56: {  	[sflag:s15] =	ssyncadd.s32 $0xFFFFFC00  }
0x57: {  	_ =	swait.ge [sflag:s15], $0x400  }
0x58: {  	[sflag:s15] =	ssyncset.done $0x0  }
0x59: {  	[sflag:s15] =	ssyncadd.s32 $0xFFFFFC00  }
0x5a: {  	_ =	swait.ge [sflag:s15], $0x400  }
0x5b: {  	[sflag:s15] =	ssyncset.done $0x0  }
0x5c: {  	[sflag:s15] =	ssyncadd.s32 $0xFFFFFC00  }
0x5d: {  	_ =	swait.ge [sflag:s15], $0x400  }
0x5e: {  	[sflag:s15] =	ssyncset.done $0x0  }
0x5f: {  	[sflag:s15] =	ssyncadd.s32 $0xFFFFFC00  }
0x60: {  	_ =	swait.ge [sflag:s15], $0x400  }
0x61: {  	[sflag:s15] =	ssyncset.done $0x0  }
0x62: {  	[sflag:s15] =	ssyncadd.s32 $0xFFFFFC00  }
0x63: {  	_ =	swait.ge [sflag:s15], $0x400  }
0x64: {  	[sflag:s15] =	ssyncset.done $0x0  }
0x65: {  	[sflag:s15] =	ssyncadd.s32 $0xFFFFFC00  }
0x66: {  	_ =	swait.ge [sflag:s15], $0x400  }
0x67: {  	[sflag:s15] =	ssyncset.done $0x0  }
0x68: {  	[sflag:s15] =	ssyncadd.s32 $0xFFFFFC00  }
0x69: {  	_ =	swait.ge [sflag:s15], $0x400  }
0x6a: {  	[sflag:s15] =	ssyncset.done $0x0  }
0x6b: {  	[sflag:s15] =	ssyncadd.s32 $0xFFFFFC00  }
0x6c: {  	_ =	swait.ge [sflag:s15], $0x400  }
0x6d: {  	[sflag:s15] =	ssyncset.done $0x0  }
0x6e: {  	[sflag:s15] =	ssyncadd.s32 $0xFFFFFC00  }
0x6f: {  	_ =	swait.ge [sflag:s15], $0x400  }
0x70: {  	[sflag:s15] =	ssyncset.done $0x0  }
0x71: {  	[sflag:s15] =	ssyncadd.s32 $0xFFFFFC00  }
0x72: {  	_ =	swait.ge [sflag:s15], $0x400  }
0x73: {  	[sflag:s15] =	ssyncset.done $0x0  }
0x74: {  	[sflag:s15] =	ssyncadd.s32 $0xFFFFFC00  }
0x75: {  	_ =	swait.ge [sflag:s15], $0x400  }
0x76: {  	s17 =	simm.s32 @!p0 $0x80;
	[sflag:s15] =	ssyncset.done $0x0  }
0x77: {  	s18 =	simm.s32 @!p0 $0x2700;
	s19 =	simm.s32 @!p0 $0x2780;
	[sflag:s15] =	ssyncadd.s32 $0xFFFFFC00  }
0x78: {  	[spmem:s1] =	stream.indirect.scatter.add.f32 @!p0 [tilespmem:s19], [sflag:$0x1], $0x8, s18, s17, $0xb8;
	[tilespmem:$0x3F08] =	vst v63  }
0x79: {  	s17 =	simm.s32 @!p0 $0x1  }
0x7a: {  	_ =	swait.ge @!p0 [sflag:s17], $0x400  }
0x7b: {  	s16 =	sadd.s32 $0x1, s16;
	[sflag:s17] =	ssyncset.done @!p0 $0x0  }
0x7c: {  	p1 =	sne.s32 s16, s9;
	[sflag:s17] =	ssyncadd.s32 @!p0 $0xFFFFFC00  }
.Ltmp1:
0x7d: {  	[bflag:$0x0] =	sbarrier.arrive $0xFFFF;
	(pc) =	sbr.rel @p1 .LBB2_1-.Ltmp1, $4  }
0x7e: {  	[hbm:s8], [sflag:s12] =	dma.local [spmem:s13], $0x271  }
0x7f: {  	_ =	swait.ge [sflag:s10], $0x271  }
0x80: {  	[sflag:s10] =	ssyncset.done $0x0  }
0x81: {  	[sflag:s10] =	ssyncadd.s32 $0xFFFFFD8F  }
0x82: {  	_ =	sfence.sel $0x180000  }
0x83: {  	[bflag:$0x0] =	sbarrier.arrive $0xFFFF  }
0x84: {  	p0 =	sne.s32 s2, $0x0;
	_ =	strace $0x90000047  }
0x85: {  	s0 =	sadd.s32 @!p0 $0x100000, s0;
	[bflag:$0x2] =	sbarrier.arrive $0xFFFF  }
0x86: {  	[sflag:s0] =	ssyncadd.tile.s32 @!p0 $0x1;
	_ =	shalt  }
.Lfunc_end2:
_tile_overlayer_lowered:
.L_overlay_start_2:
0x87: {  	(tag) =	ssettag $0x2  }
0x88: {  	s0 =	rddreg [dreg:$0x0];
	s2 =	stileid.u32  }
0x89: {  	s1 =	rddreg [dreg:$0x1];
	p0 =	sne.s32 s2, $0x0  }
0x8a: {  	s3 =	rddreg [dreg:$0x2];
	[bflag:$0x3] =	sbarrier.arrive $0xFFFF;
	s2 =	simm.s32 @!p0 $0x1C02  }
0x8b: {  	[timem:s3], [sflag:s2] =	dma.local @!p0 [hbm:s0], s1  }
0x8c: {  	s0 =	simm.s32 @!p0 $0x2  }
0x8d: {  	_ =	swait.ge @!p0 [sflag:s0], s1  }
0x8e: {  	s1 =	ssub.s32 @!p0 $0x0, s1;
	[sflag:s0] =	ssyncset.done @!p0 $0x0  }
0x8f: {  	[sflag:s0] =	ssyncadd.s32 @!p0 s1  }
0x90: {  	[bflag:$0x3] =	sbarrier.arrive $0xFFFF  }
0x91: {  	_ =	shalt  }

// kernel: kernel.14.cloned.1.call-start
scs
__scs_entry_jumppad:
0x0: {  	(pc) =	sbr.rel $0x88, $3  }
0x1: {  	(tag) =	ssettag $0x0;
	lr =	simm.s32 $0x1  }
0x2: {  	[smem:$0x3F99] =	sst lr;
	_ =	strace $0xD0000000  }
0x3: {  	_ = 	snop  }
0x4: {  	_ = 	snop  }
0x5: {  	_ = 	snop  }
0x6: {  	_ = 	snop  }
0x7: {  	_ = 	snop  }
__scs_overlays_trampoline_lowered:
0x8: {  	[smem:$0x3FA8] =	sst s0  }
0x9: {  	[smem:$0x3FA9] =	sst s1  }
0xa: {  	[smem:$0x3FAA] =	sst s2  }
0xb: {  	[smem:$0x3FAB] =	sst s3  }
0xc: {  	[smem:$0x3FAC] =	sst s4  }
0xd: {  	[smem:$0x3FAD] =	sst s5  }
0xe: {  	[smem:$0x3FAE] =	sst s6  }
0xf: {  	[smem:$0x3FAF] =	sst s7  }
0x10: {  	[smem:$0x3FB0] =	sst s8  }
0x11: {  	[smem:$0x3FB1] =	sst s9;
	s0 =	simm.s32 @!p0 $0x0  }
0x12: {  	s1 =	sld [smem:$0x3F97];
	s0 =	simm.s32 @p0 $0x1  }
0x13: {  	[smem:$0x3FB2] =	sst s0;
	s0 =	simm.s32 @!p1 $0x0  }
0x14: {  	s2 =	sld [smem:$0x3F96];
	s0 =	simm.s32 @p1 $0x1  }
0x15: {  	[smem:$0x3FB3] =	sst s0;
	s0 =	simm.s32 @!p2 $0x0  }
0x16: {  	s3 =	sld [smem:$0x3FDB];
	s0 =	simm.s32 @p2 $0x1  }
0x17: {  	s4 =	simm.s32 $0x1BF5;
	[smem:$0x3FB5] =	sst s0  }
0x18: {  	s0 =	sld [smem:$0x3F98];
	_ =	swait.ge [sflag:s4], $0x0  }
0x19: {  	s7 =	sld [smem:$0x3F99]  }
0x1a: {  	s8 =	sadd.s32 $0xFFFFE003, lr  }
0x1b: {  	s9 =	sadd.s32 $0xFFFFFEF7, lr;
	s5 =	simm.s32 $0xFFFFFFFF;
	p2 =	slt.u32 s8, $0xFFFFF086  }
0x1c: {  	p1 =	slt.u32 s9, $0xF7A;
	s5 =	simm.s32 @!p2 $0x0  }
0x1d: {  	s5 =	simm.s32 @p1 $0x1;
	p0 =	seq.s32 s7, s2  }
0x1e: {  	s7 =	smul.u32 @!p0 $0xF7A, s2;
	p2 =	seq.s32 @!p0 s5, $0x0  }
0x1f: {  	s9 =	smul.u32 $0xF7A, s1;
	s8 =	simm.s32 @!p0 $0x1BF5;
	p2 =	por !p2, p0  }
0x20: {  	[sflag:s8] =	ssyncset.s32 @!p0 $0xFFFFF086;
	s6 =	sadd.s32 @!p0 s3, s7;
	s7 =	simm.s32 @!p0 $0x108  }
0x21: {  	s3 =	sadd.s32 s3, s9;
	s6 =	sadd.s32 @!p0 $0x88, s6;
	s7 =	simm.s32 @p2 $0x1082  }
0x22: {  	[simem:s7], [sflag:s8] =	dma.local @!p0 [hbm:s6], $0xF7A  }
0x23: {  	s9 =	sor.u32 $0xD0000000, s2;
	s6 =	simm.s32 $0x108;
	_ =	swait.ge @!p0 [sflag:s8], $0x0  }
0x24: {  	s3 =	sadd.s32 $0x88, s3;
	s6 =	simm.s32 @!p1 $0x1082;
	[sflag:s4] =	ssyncset.s32 $0xFFFFF086  }
0x25: {  	[simem:s6], [sflag:s4] =	dma.local [hbm:s3], $0xF7A  }
0x26: {  	[smem:$0x3F99] =	sst s1;
	(tag) =	ssettag s2;
	_ =	strace s9  }
0x27: {  	s1 =	sld [smem:$0x3FA9]  }
0x28: {  	s2 =	sld [smem:$0x3FAA]  }
0x29: {  	s4 =	sld [smem:$0x3FAC]  }
0x2a: {  	p0 =	seq.s32 s5, $0x0;
	s5 =	sld [smem:$0x3FAD]  }
0x2b: {  	s6 =	sld [smem:$0x3FAE]  }
0x2c: {  	s7 =	sld [smem:$0x3FAF]  }
0x2d: {  	s3 =	simm.s32 $0x108;
	s8 =	sld [smem:$0x3FB0]  }
0x2e: {  	s3 =	simm.s32 @!p0 $0x1082;
	s9 =	sld [smem:$0x3FB1]  }
0x2f: {  	lr =	sadd.s32 s0, s3;
	s0 =	sld [smem:$0x3FA8]  }
0x30: {  	s3 =	sld [smem:$0x3FAB]  }
0x31: {  	[smem:$0x3FB4] =	sst s10  }
0x32: {  	s10 =	sld [smem:$0x3FB2];
	_ =	sdelay $0x3  }
0x33: {  	p0 =	seq.s32 s10, $0x1;
	s10 =	sld [smem:$0x3FB4];
	_ =	sdelay $0x3  }
0x34: {  	[smem:$0x3FB4] =	sst s10  }
0x35: {  	s10 =	sld [smem:$0x3FB3];
	_ =	sdelay $0x3  }
0x36: {  	p1 =	seq.s32 s10, $0x1;
	s10 =	sld [smem:$0x3FB4];
	_ =	sdelay $0x3  }
0x37: {  	[smem:$0x3FB4] =	sst s10  }
0x38: {  	s10 =	sld [smem:$0x3FB5]  }
0x39: {  	_ = 	snop;
	(pc) =	sbr.ind lr, $3  }
0x3a: {  	_ = 	snop  }
0x3b: {  	_ = 	snop  }
0x3c: {  	p2 =	seq.s32 s10, $0x1;
	s10 =	sld [smem:$0x3FB4]  }
0x3d: {  	_ =	shalt  }
0x3e: {  	_ =	shalt  }
0x3f: {  	_ =	shalt  }
0x40: {  	_ =	shalt  }
0x41: {  	_ =	shalt  }
0x42: {  	_ =	shalt  }
0x43: {  	_ =	shalt  }
0x44: {  	_ =	shalt  }
0x45: {  	_ =	shalt  }
0x46: {  	_ =	shalt  }
0x47: {  	_ =	shalt  }
0x48: {  	_ =	shalt  }
0x49: {  	_ =	shalt  }
0x4a: {  	_ =	shalt  }
0x4b: {  	_ =	shalt  }
0x4c: {  	_ =	shalt  }
0x4d: {  	_ =	shalt  }
0x4e: {  	_ =	shalt  }
0x4f: {  	_ =	shalt  }
0x50: {  	_ =	shalt  }
0x51: {  	_ =	shalt  }
0x52: {  	_ =	shalt  }
0x53: {  	_ =	shalt  }
0x54: {  	_ =	shalt  }
0x55: {  	_ =	shalt  }
0x56: {  	_ =	shalt  }
0x57: {  	_ =	shalt  }
0x58: {  	_ =	shalt  }
0x59: {  	_ =	shalt  }
0x5a: {  	_ =	shalt  }
0x5b: {  	_ =	shalt  }
0x5c: {  	_ =	shalt  }
0x5d: {  	_ =	shalt  }
0x5e: {  	_ =	shalt  }
0x5f: {  	_ =	shalt  }
0x60: {  	_ =	shalt  }
0x61: {  	_ =	shalt  }
0x62: {  	_ =	shalt  }
0x63: {  	_ =	shalt  }
0x64: {  	_ =	shalt  }
0x65: {  	_ =	shalt  }
0x66: {  	_ =	shalt  }
0x67: {  	_ =	shalt  }
0x68: {  	_ =	shalt  }
0x69: {  	_ =	shalt  }
0x6a: {  	_ =	shalt  }
0x6b: {  	_ =	shalt  }
0x6c: {  	_ =	shalt  }
0x6d: {  	_ =	shalt  }
0x6e: {  	_ =	shalt  }
0x6f: {  	_ =	shalt  }
0x70: {  	_ =	shalt  }
0x71: {  	_ =	shalt  }
0x72: {  	_ =	shalt  }
0x73: {  	_ =	shalt  }
0x74: {  	_ =	shalt  }
0x75: {  	_ =	shalt  }
0x76: {  	_ =	shalt  }
0x77: {  	_ =	shalt  }
0x78: {  	_ =	shalt  }
0x79: {  	_ =	shalt  }
0x7a: {  	_ =	shalt  }
0x7b: {  	_ =	shalt  }
0x7c: {  	_ =	shalt  }
0x7d: {  	_ =	shalt  }
0x7e: {  	_ =	shalt  }
0x7f: {  	_ =	shalt  }
0x80: {  	_ =	shalt  }
0x81: {  	_ =	shalt  }
0x82: {  	_ =	shalt  }
0x83: {  	_ =	shalt  }
0x84: {  	_ =	shalt  }
0x85: {  	_ =	shalt  }
0x86: {  	_ =	shalt  }
0x87: {  	_ =	shalt  }
.Lfunc_end0:
.L_simem_size_0:
called_computation.1_lowered:
.L_overlay_start_0:
0x88: {  	s2 =	sld [smem:$0x3FD9]  }
0x89: {  	s3 =	sld [smem:$0x3FFE];
	_ =	sdelay $0x1  }
0x8a: {  	s1 =	srdreg.scid  }
0x8b: {  	s0 =	sand.u32 $0x1, s1  }
0x8c: {  	s17 =	sshll.u32 s0, $0xA;
	s2 =	sadd.s32 s3, s2  }
0x8d: {  	s2 =	sadd.s32 s2, s17  }
0x8e: {  	[smem:$0x3FC0] =	sst s2  }
0x8f: {  	_ = 	snop  }
0x90: {  	s2 =	sld [smem:$0x3FD0];
	(tm) =	ssettm $0x1  }
0x91: {  	s18 =	sld [smem:$0x3FFB];
	_ =	sdelay $0x3  }
0x92: {  	_ =	strace s18  }
0x93: {  	s3 =	sld [smem:$0x3FFC];
	_ =	sdelay $0x3  }
0x94: {  	_ =	strace s3  }
0x95: {  	s3 =	sld [smem:$0x3FFD];
	_ =	sdelay $0x3  }
0x96: {  	_ =	strace s3  }
0x97: {  	_ =	strace $0x8FFFFFFF  }
0x98: {  	s19 =	sld [smem:$0x3FDB];
	_ =	sdelay $0x1  }
0x99: {  	s4 =	simm.s32 $_scs_section_size  }
0x9a: {  	s5 =	simm.s32 $_size__tile_overlayer_lowered;
	s6 =	simm.s32 $_tile_overlayer_lowered  }
0x9b: {  	s22 =	simm.s32 $0x1BFF;
	s21 =	sshll.u32 s6, $0x1;
	s3 =	sadd.s32 s4, s19  }
0x9c: {  	s7 =	simm.s32 $0x0;
	s20 =	sshll.u32 s5, $0x1;
	s5 =	sadd.s32 s21, s3  }
0x9d: {  	[timem:s7], [sflag:s22] =	dma.local [hbm:s5], s20  }
0x9e: {  	_ =	swait.ge [sflag:s22], s20  }
0x9f: {  	s4 =	ssub.s32 $0x0, s20;
	[sflag:s22] =	ssyncset.done $0x0  }
0xa0: {  	[sflag:s22] =	ssyncadd.s32 s4;
	_ =	sdelay $0x1  }
0xa1: {  	s23 =	simm.s32 $0x1B8B  }
0xa2: {  	_ =	swait.ge [sflag:s23], $0x1  }
0xa3: {  	[sflag:s23] =	ssyncset.done $0x0  }
0xa4: {  	s25 =	simm.s32 $0x1B8E;
	s24 =	sld [smem:$0x3FFE];
	[sflag:s23] =	ssyncadd.s32 $0xFFFFFFFF  }
0xa5: {  	s26 =	simm.s32 $execute0_lowered;
	[smem:$0x3FD2] =	sst s25  }
0xa6: {  	s5 =	sshll.u32 s26, $0x1;
	_ =	strace $0x80000049;
	[dreg:$0x1] =	wrdreg $0xFFFFFFFF  }
0xa7: {  	s28 =	simm.s32 $_size_execute0_lowered;
	s3 =	sadd.s32 s3, s5;
	[dreg:$0x0] =	wrdreg $0x0  }
0xa8: {  	s5 =	sshll.u32 s28, $0x1;
	[dreg:$0x2] =	wrdreg s3  }
0xa9: {  	[dreg:$0x3] =	wrdreg s5  }
0xaa: {  	[dreg:$0x4] =	wrdreg $0xC0  }
0xab: {  	_ =	task [dreg:s7], $0x5FFFF  }
0xac: {  	[dreg:$0x1] =	wrdreg $0xFFFFFFFF  }
0xad: {  	[dreg:$0x0] =	wrdreg $0x60  }
0xae: {  	[dreg:$0x2] =	wrdreg s24  }
0xaf: {  	[dreg:$0x3] =	wrdreg s2  }
0xb0: {  	[dreg:$0x4] =	wrdreg $0x1AF000  }
0xb1: {  	[dreg:$0x5] =	wrdreg $0x9  }
0xb2: {  	_ =	task.clear_ibuf [dreg:s7], $0x6FFFF;
	_ =	strace $0x90000049  }
0xb3: {  	s29 =	simm.s32 $0x9;
	_ =	strace $0x8000004B  }
0xb4: {  	_ =	swait.ge [sflag:s29], $0x1  }
0xb5: {  	[sflag:s29] =	ssyncadd.s32 $0xFFFFFFFF  }
0xb6: {  	_ =	strace $0x9000004B  }
0xb7: {  	_ =	sfence  }
0xb8: {  	s30 =	sld [smem:$0x0];
	_ =	sdelay $0x2  }
0xb9: {  	s31 =	sshll.u32 s1, $0xD;
	s1 =	sshrl.u32 s1, $0x2  }
0xba: {  	s3 =	sand.u32 $0x4000, s31;
	s1 =	sadd.s32 s1, s30  }
0xbb: {  	s0 =	sor.u32 s3, s0;
	s1 =	sshll.u32 s1, $0x11  }
0xbc: {  	s0 =	sor.u32 s1, s0  }
0xbd: {  	s0 =	sadd.s32 $0x8F2B, s0  }
0xbe: {  	[sflag:s0] =	ssyncadd.remote.s32 $0x1  }
0xbf: {  	_ =	sfence.sel $0xFFFF  }
0xc0: {  	[dreg:$0x0] =	wrdreg $0xFFFFFFFF;
	(pc) =	sbr.abs _section_cstart, $3  }
0xc1: {  	[dreg:$0x1] =	wrdreg $0xFFFFFFFF  }
0xc2: {  	_ =	task.clear_ibuf [dreg:s7], $0x2FFFF;
	_ =	strace $0x9FFFFFFF  }
0xc3: {  	(tm) =	ssettm $0x7FFFFFFF  }
tec
execute0_lowered:
.L_overlay_start_1:
0x0: {  	(tag) =	ssettag $0x1  }
0x1: {  	s0 =	rddreg [dreg:$0x0];
	s1 =	srdreg.scid  }
0x2: {  	s13 =	stileid.u32;
	s3 =	rddreg [dreg:$0x2];
	s4 =	simm.s32 $0x0  }
0x3: {  	s16 =	simm.s32 $0x80;
	s28 =	simm.s32 $0x300;
	s29 =	simm.s32 $0xAF00  }
0x4: {  	s30 =	simm.s32 $0x380;
	s31 =	simm.s32 $0xBF00;
	s17 =	simm.s32 $0x500  }
0x5: {  	s18 =	simm.s32 $0xEF00;
	s19 =	simm.s32 $0x1;
	s20 =	simm.s32 $0x2  }
0x6: {  	s21 =	simm.s32 $0x0;
	s1 =	sand.u32 $0x1, s1;
	s2 =	smul.u32 $0x4E20, s13  }
0x7: {  	[smem:$0x7FF] =	sst s4;
	s8 =	sadd.s32 $0x3400, s0;
	s9 =	sshll.u32 s13, $0x4  }
0x8: {  	s26 =	sshll.u32 s13, $0x6;
	s5 =	smul.u32 $0x4E200, s1;
	s6 =	sshll.u32 s1, $0x4  }
0x9: {  	_ =	strace $0x8000004A;
	s1 =	ssub.s32 $0x2, s1;
	s9 =	sadd.s32 s9, s8  }
0xa: {  	s14 =	sor.u32 $0x1C03, s26;
	s12 =	sor.u32 s13, s6;
	s25 =	sshrl.u32 s1, $0x1  }
0xb: {  	s13 =	simm.s32 $0xDF00;
	s7 =	sadd.s32 s2, s5;
	s5 =	sadd.s32 $0x16E00, s0  }
0xc: {  	s24 =	smul.u32 $0x2700, s12;
	s1 =	ssub.s32 s1, s25;
	s2 =	sadd.s32 s2, s3  }
0xd: {  	p0 =	sgt.u32 s12, $0x3;
	s12 =	simm.s32 $0x3;
	s23 =	sshrl.u32 s7, $0x3  }
0xe: {  	s11 =	smax.u32 s1, $0x1;
	s15 =	sshrl.u32 s2, $0x3;
	s1 =	simm.s32 $0x400  }
0xf: {  	s2 =	simm.s32 $0x480;
	s0 =	sadd.s32 s23, s0;
	s7 =	sshrl.u32 s24, $0x3  }
0x10: {  	s6 =	sadd.s32 s8, s7;
	s8 =	sadd.s32 $0x9C00, s9;
	s9 =	sadd.s32 $0x13840, s9  }
0x11: {  	s10 =	sadd.s32 $0x20C00, s0;
	s0 =	simm.s32 $0xCF00;
	s7 =	sadd.s32 $0x9C40, s6  }
.LBB2_1:
0x12: {  	[tilespmem:s4], [sflag:$0x3] =	stream.linear.gather [hbm4b:s6+s4], $0x2700, $0x38;
	[tilespmem:$0x1FD20] =	vst v63  }
0x13: {  	_ =	swait.ge [sflag:s12], $0x2700  }
0x14: {  	[sflag:s12] =	ssyncset.done $0x0  }
0x15: {  	s22 =	simm.s32 $0x2700;
	[sflag:s12] =	ssyncadd.s32 $0xFFFFD900  }
0x16: {  	[tilespmem:s22], [sflag:$0x3] =	stream.linear.gather [hbm4b:s7+s4], $0x2700, $0x38;
	[tilespmem:$0x1FD20] =	vst v63  }
0x17: {  	_ =	swait.ge [sflag:s12], $0x2700  }
0x18: {  	[sflag:s12] =	ssyncset.done $0x0  }
0x19: {  	s23 =	simm.s32 @!p0 $0x4E00;
	s22 =	simm.s32 @!p0 $0x0;
	[sflag:s12] =	ssyncadd.s32 $0xFFFFD900  }
0x1a: {  	[tilespmem:s23], [sflag:$0x3] =	stream.linear.gather @!p0 [hbm4b:s8+s22], $0x80, $0x38;
	[tilespmem:$0x1FD20] =	vst v63  }
0x1b: {  	s23 =	simm.s32 @!p0 $0x3  }
0x1c: {  	_ =	swait.ge @!p0 [sflag:s23], $0x80  }
0x1d: {  	[sflag:s23] =	ssyncset.done @!p0 $0x0  }
0x1e: {  	s24 =	simm.s32 @!p0 $0x4E80;
	[sflag:s23] =	ssyncadd.s32 @!p0 $0xFFFFFF80  }
0x1f: {  	[tilespmem:s24], [sflag:$0x3] =	stream.linear.gather @!p0 [hbm4b:s9+s22], $0x80, $0x38;
	[tilespmem:$0x1FD20] =	vst v63  }
0x20: {  	_ =	swait.ge @!p0 [sflag:s23], $0x80  }
0x21: {  	[sflag:s23] =	ssyncset.done @!p0 $0x0  }
0x22: {  	[sflag:s23] =	ssyncadd.s32 @!p0 $0xFFFFFF80  }
0x23: {  	s24 =	rddreg [dreg:$0x1]  }
0x24: {  	[spmem:s15], [sflag:s14] =	dma.local [hbm:s24], $0x9C4  }
0x25: {  	_ =	swait.ge [sflag:s12], $0x9C4  }
0x26: {  	[sflag:s12] =	ssyncset.done $0x0  }
0x27: {  	[sflag:s12] =	ssyncadd.s32 $0xFFFFF63C  }
0x28: {  	s25 =	simm.s32 $0x4F00;
	[bflag:$0x0] =	sbarrier.arrive $0xFFFF  }
0x29: {  	[tilespmem:s25], [sflag:$0x1] =	stream.indirect.gather [hbm4b:s5+s16], $0x20, s4, s16, $0xb8;
	[tilespmem:$0x1FD20] =	vst v63  }
0x2a: {  	s26 =	simm.s32 $0x5F00  }
0x2b: {  	[tilespmem:s26], [sflag:$0x1] =	stream.indirect.gather [hbm4b:s5+s16], $0x20, s16, s16, $0xb8;
	[tilespmem:$0x1FD20] =	vst v63  }
0x2c: {  	s23 =	simm.s32 $0x100;
	s24 =	simm.s32 $0x6F00  }
0x2d: {  	[tilespmem:s24], [sflag:$0x1] =	stream.indirect.gather [hbm4b:s5+s16], $0x20, s23, s16, $0xb8;
	[tilespmem:$0x1FD20] =	vst v63  }
0x2e: {  	s25 =	simm.s32 $0x180;
	s26 =	simm.s32 $0x7F00  }
0x2f: {  	[tilespmem:s26], [sflag:$0x1] =	stream.indirect.gather [hbm4b:s5+s16], $0x20, s25, s16, $0xb8;
	[tilespmem:$0x1FD20] =	vst v63  }
0x30: {  	s23 =	simm.s32 $0x200;
	s24 =	simm.s32 $0x8F00  }
0x31: {  	[tilespmem:s24], [sflag:$0x1] =	stream.indirect.gather [hbm4b:s5+s16], $0x20, s23, s16, $0xb8;
	[tilespmem:$0x1FD20] =	vst v63  }
0x32: {  	s25 =	simm.s32 $0x280;
	s26 =	simm.s32 $0x9F00  }
0x33: {  	[tilespmem:s26], [sflag:$0x1] =	stream.indirect.gather [hbm4b:s5+s16], $0x20, s25, s16, $0xb8;
	[tilespmem:$0x1FD20] =	vst v63  }
0x34: {  	_ = 	snop  }
0x35: {  	[tilespmem:s29], [sflag:$0x1] =	stream.indirect.gather [hbm4b:s5+s16], $0x20, s28, s16, $0xb8;
	[tilespmem:$0x1FD20] =	vst v63  }
0x36: {  	_ = 	snop  }
0x37: {  	[tilespmem:s31], [sflag:$0x1] =	stream.indirect.gather [hbm4b:s5+s16], $0x20, s30, s16, $0xb8;
	[tilespmem:$0x1FD20] =	vst v63  }
0x38: {  	_ = 	snop  }
0x39: {  	[tilespmem:s0], [sflag:$0x1] =	stream.indirect.gather [hbm4b:s5+s16], $0x20, s1, s16, $0xb8;
	[tilespmem:$0x1FD20] =	vst v63  }
0x3a: {  	_ = 	snop  }
0x3b: {  	[tilespmem:s13], [sflag:$0x1] =	stream.indirect.gather [hbm4b:s5+s16], $0x20, s2, s16, $0xb8;
	[tilespmem:$0x1FD20] =	vst v63  }
0x3c: {  	s22 =	simm.s32 $0x580;
	s23 =	simm.s32 $0x2700;
	s24 =	simm.s32 $0x0  }
0x3d: {  	[tilespmem:s18], [sflag:$0x1] =	stream.indirect.gather [hbm4b:s5+s16], $0x20, s17, s16, $0xb8;
	[tilespmem:$0x1FD20] =	vst v63  }
.LBB2_2:
0x3e: {  	s25 =	sand.u32 $0xFE, s24  }
0x3f: {  	s25 =	sshrl.u32 s25, $0x1  }
0x40: {  	s25 =	smul.u32 $0xBB, s25;
	_ =	sdelay $0x1  }
0x41: {  	s25 =	sshrl.u32 s25, $0xB  }
0x42: {  	s25 =	smul.u32 $0x16, s25;
	_ =	sdelay $0x1  }
0x43: {  	s25 =	ssub.s32 s24, s25  }
0x44: {  	_ =	swait.ge [sflag:s19], $0x1000;
	s25 =	sand.u32 $0xFF, s25  }
0x45: {  	[sflag:s19] =	ssyncset.done $0x0;
	s25 =	sshll.u32 s25, $0xC  }
0x46: {  	p1 =	slt.u32 s24, $0xB;
	[sflag:s19] =	ssyncadd.s32 $0xFFFFF000;
	s25 =	sadd.s32 $0x4F00, s25  }
0x47: {  	[spmem:s3] =	stream.indirect.scatter.add.f32 [tilespmem:s25], [sflag:$0x2], $0x20, s23, s16, $0xb8;
	[tilespmem:$0x1FD20] =	vst v63  }
0x48: {  	s25 =	simm.s32 @!p1 $0x2  }
0x49: {  	p2 =	sgt.u32 @!p1 s24, $0x42;
	_ =	swait.ge @!p1 [sflag:s25], $0x1000  }
0x4a: {  	p2 =	por p1, !p2;
	[sflag:s25] =	ssyncset.done @!p1 $0x0  }
0x4b: {  	[sflag:s25] =	ssyncadd.s32 @!p1 $0xFFFFF000;
	s25 =	sadd.s32 @p2 $0xB, s24  }
0x4c: {  	s26 =	sand.u32 @p2 $0xFE, s25  }
0x4d: {  	s26 =	sshrl.u32 @p2 s26, $0x1  }
0x4e: {  	s26 =	smul.u32 @p2 $0xBB, s26;
	_ =	sdelay $0x1  }
0x4f: {  	s26 =	sshrl.u32 @p2 s26, $0xB  }
0x50: {  	s26 =	smul.u32 @p2 $0x16, s26  }
0x51: {  	s24 =	sadd.s32 $0x1, s24  }
0x52: {  	p1 =	sne.s32 s24, $0x4E;
	s25 =	ssub.s32 @p2 s25, s26  }
.Ltmp0:
0x53: {  	s25 =	sand.u32 @p2 $0xFF, s25;
	(pc) =	sbr.rel @p1 .LBB2_2-.Ltmp0, $4  }
0x54: {  	s25 =	sshll.u32 @p2 s25, $0xC  }
0x55: {  	s25 =	sadd.s32 @p2 $0x4F00, s25  }
0x56: {  	[tilespmem:s25], [sflag:$0x1] =	stream.indirect.gather @p2 [hbm4b:s5+s16], $0x20, s22, s16, $0xb8;
	[tilespmem:$0x1FD20] =	vst v63  }
0x57: {  	s23 =	sadd.s32 $0x80, s23;
	s22 =	sadd.s32 $0x80, s22  }
0x58: {  	_ =	swait.ge [sflag:s20], $0x1000  }
0x59: {  	[sflag:s20] =	ssyncset.done $0x0  }
0x5a: {  	[sflag:s20] =	ssyncadd.s32 $0xFFFFF000  }
0x5b: {  	_ =	swait.ge [sflag:s20], $0x1000  }
0x5c: {  	[sflag:s20] =	ssyncset.done $0x0  }
0x5d: {  	[sflag:s20] =	ssyncadd.s32 $0xFFFFF000  }
0x5e: {  	_ =	swait.ge [sflag:s20], $0x1000  }
0x5f: {  	[sflag:s20] =	ssyncset.done $0x0  }
0x60: {  	[sflag:s20] =	ssyncadd.s32 $0xFFFFF000  }
0x61: {  	_ =	swait.ge [sflag:s20], $0x1000  }
0x62: {  	[sflag:s20] =	ssyncset.done $0x0  }
0x63: {  	[sflag:s20] =	ssyncadd.s32 $0xFFFFF000  }
0x64: {  	_ =	swait.ge [sflag:s20], $0x1000  }
0x65: {  	[sflag:s20] =	ssyncset.done $0x0  }
0x66: {  	[sflag:s20] =	ssyncadd.s32 $0xFFFFF000  }
0x67: {  	_ =	swait.ge [sflag:s20], $0x1000  }
0x68: {  	[sflag:s20] =	ssyncset.done $0x0  }
0x69: {  	[sflag:s20] =	ssyncadd.s32 $0xFFFFF000  }
0x6a: {  	_ =	swait.ge [sflag:s20], $0x1000  }
0x6b: {  	[sflag:s20] =	ssyncset.done $0x0  }
0x6c: {  	[sflag:s20] =	ssyncadd.s32 $0xFFFFF000  }
0x6d: {  	_ =	swait.ge [sflag:s20], $0x1000  }
0x6e: {  	[sflag:s20] =	ssyncset.done $0x0  }
0x6f: {  	[sflag:s20] =	ssyncadd.s32 $0xFFFFF000  }
0x70: {  	_ =	swait.ge [sflag:s20], $0x1000  }
0x71: {  	[sflag:s20] =	ssyncset.done $0x0  }
0x72: {  	[sflag:s20] =	ssyncadd.s32 $0xFFFFF000  }
0x73: {  	_ =	swait.ge [sflag:s20], $0x1000  }
0x74: {  	[sflag:s20] =	ssyncset.done $0x0  }
0x75: {  	[sflag:s20] =	ssyncadd.s32 $0xFFFFF000  }
0x76: {  	_ =	swait.ge [sflag:s20], $0x1000  }
0x77: {  	s22 =	simm.s32 @!p0 $0x80;
	[sflag:s20] =	ssyncset.done $0x0  }
0x78: {  	s23 =	simm.s32 @!p0 $0x4E00;
	s24 =	simm.s32 @!p0 $0x4F00;
	[sflag:s20] =	ssyncadd.s32 $0xFFFFF000  }
0x79: {  	[tilespmem:s24], [sflag:$0x1] =	stream.indirect.gather @!p0 [hbm4b:s5+s22], $0x20, s23, s22, $0xb8;
	[tilespmem:$0x1FD20] =	vst v63  }
0x7a: {  	s23 =	simm.s32 @!p0 $0x1  }
0x7b: {  	_ =	swait.ge @!p0 [sflag:s23], $0x1000  }
0x7c: {  	[sflag:s23] =	ssyncset.done @!p0 $0x0  }
0x7d: {  	[sflag:s23] =	ssyncadd.s32 @!p0 $0xFFFFF000;
	s23 =	simm.s32 @!p0 $0x4E80  }
0x7e: {  	[spmem:s3] =	stream.indirect.scatter.add.f32 @!p0 [tilespmem:s24], [sflag:$0x2], $0x20, s23, s22, $0xb8;
	[tilespmem:$0x1FD20] =	vst v63  }
0x7f: {  	s22 =	simm.s32 @!p0 $0x2  }
0x80: {  	_ =	swait.ge @!p0 [sflag:s22], $0x1000  }
0x81: {  	s21 =	sadd.s32 $0x1, s21;
	[sflag:s22] =	ssyncset.done @!p0 $0x0  }
0x82: {  	p1 =	sne.s32 s21, s11;
	[sflag:s22] =	ssyncadd.s32 @!p0 $0xFFFFF000  }
.Ltmp1:
0x83: {  	[bflag:$0x0] =	sbarrier.arrive $0xFFFF;
	(pc) =	sbr.rel @p1 .LBB2_1-.Ltmp1, $4  }
0x84: {  	[hbm:s10], [sflag:s14] =	dma.local [spmem:s15], $0x9C4  }
0x85: {  	_ =	swait.ge [sflag:s12], $0x9C4  }
0x86: {  	[sflag:s12] =	ssyncset.done $0x0  }
0x87: {  	[sflag:s12] =	ssyncadd.s32 $0xFFFFF63C  }
0x88: {  	_ =	sfence.sel $0x180000  }
0x89: {  	[bflag:$0x0] =	sbarrier.arrive $0xFFFF  }
0x8a: {  	_ =	strace $0x9000004A  }
0x8b: {  	s0 =	stileid.u32;
	[bflag:$0x2] =	sbarrier.arrive $0xFFFF  }
0x8c: {  	p0 =	sne.s32 s0, $0x0;
	s0 =	rddreg [dreg:$0x3]  }
0x8d: {  	s0 =	sadd.s32 @!p0 $0x100000, s0  }
0x8e: {  	[sflag:s0] =	ssyncadd.tile.s32 @!p0 $0x1;
	_ =	shalt  }
.Lfunc_end2:
_tile_overlayer_lowered:
.L_overlay_start_2:
0x8f: {  	(tag) =	ssettag $0x2  }
0x90: {  	s0 =	rddreg [dreg:$0x0];
	s2 =	stileid.u32  }
0x91: {  	s1 =	rddreg [dreg:$0x1];
	p0 =	sne.s32 s2, $0x0  }
0x92: {  	s3 =	rddreg [dreg:$0x2];
	[bflag:$0x3] =	sbarrier.arrive $0xFFFF;
	s2 =	simm.s32 @!p0 $0x1C03  }
0x93: {  	[timem:s3], [sflag:s2] =	dma.local @!p0 [hbm:s0], s1  }
0x94: {  	s0 =	simm.s32 @!p0 $0x3  }
0x95: {  	_ =	swait.ge @!p0 [sflag:s0], s1  }
0x96: {  	s1 =	ssub.s32 @!p0 $0x0, s1;
	[sflag:s0] =	ssyncset.done @!p0 $0x0  }
0x97: {  	[sflag:s0] =	ssyncadd.s32 @!p0 s1  }
0x98: {  	[bflag:$0x3] =	sbarrier.arrive $0xFFFF  }
0x99: {  	_ =	shalt  }

// kernel: kernel.17.cloned.1.call-start
scs
__scs_entry_jumppad:
0x0: {  	(pc) =	sbr.rel $0x88, $3  }
0x1: {  	(tag) =	ssettag $0x0;
	lr =	simm.s32 $0x1  }
0x2: {  	[smem:$0x3F99] =	sst lr;
	_ =	strace $0xD0000000  }
0x3: {  	_ = 	snop  }
0x4: {  	_ = 	snop  }
0x5: {  	_ = 	snop  }
0x6: {  	_ = 	snop  }
0x7: {  	_ = 	snop  }
__scs_overlays_trampoline_lowered:
0x8: {  	[smem:$0x3FA8] =	sst s0  }
0x9: {  	[smem:$0x3FA9] =	sst s1  }
0xa: {  	[smem:$0x3FAA] =	sst s2  }
0xb: {  	[smem:$0x3FAB] =	sst s3  }
0xc: {  	[smem:$0x3FAC] =	sst s4  }
0xd: {  	[smem:$0x3FAD] =	sst s5  }
0xe: {  	[smem:$0x3FAE] =	sst s6  }
0xf: {  	[smem:$0x3FAF] =	sst s7  }
0x10: {  	[smem:$0x3FB0] =	sst s8  }
0x11: {  	[smem:$0x3FB1] =	sst s9;
	s0 =	simm.s32 @!p0 $0x0  }
0x12: {  	s1 =	sld [smem:$0x3F97];
	s0 =	simm.s32 @p0 $0x1  }
0x13: {  	[smem:$0x3FB2] =	sst s0;
	s0 =	simm.s32 @!p1 $0x0  }
0x14: {  	s2 =	sld [smem:$0x3F96];
	s0 =	simm.s32 @p1 $0x1  }
0x15: {  	[smem:$0x3FB3] =	sst s0;
	s0 =	simm.s32 @!p2 $0x0  }
0x16: {  	s3 =	sld [smem:$0x3FDB];
	s0 =	simm.s32 @p2 $0x1  }
0x17: {  	s4 =	simm.s32 $0x1BF5;
	[smem:$0x3FB5] =	sst s0  }
0x18: {  	s0 =	sld [smem:$0x3F98];
	_ =	swait.ge [sflag:s4], $0x0  }
0x19: {  	s7 =	sld [smem:$0x3F99]  }
0x1a: {  	s8 =	sadd.s32 $0xFFFFE003, lr  }
0x1b: {  	s9 =	sadd.s32 $0xFFFFFEF7, lr;
	s5 =	simm.s32 $0xFFFFFFFF;
	p2 =	slt.u32 s8, $0xFFFFF086  }
0x1c: {  	p1 =	slt.u32 s9, $0xF7A;
	s5 =	simm.s32 @!p2 $0x0  }
0x1d: {  	s5 =	simm.s32 @p1 $0x1;
	p0 =	seq.s32 s7, s2  }
0x1e: {  	s7 =	smul.u32 @!p0 $0xF7A, s2;
	p2 =	seq.s32 @!p0 s5, $0x0  }
0x1f: {  	s9 =	smul.u32 $0xF7A, s1;
	s8 =	simm.s32 @!p0 $0x1BF5;
	p2 =	por !p2, p0  }
0x20: {  	[sflag:s8] =	ssyncset.s32 @!p0 $0xFFFFF086;
	s6 =	sadd.s32 @!p0 s3, s7;
	s7 =	simm.s32 @!p0 $0x108  }
0x21: {  	s3 =	sadd.s32 s3, s9;
	s6 =	sadd.s32 @!p0 $0x88, s6;
	s7 =	simm.s32 @p2 $0x1082  }
0x22: {  	[simem:s7], [sflag:s8] =	dma.local @!p0 [hbm:s6], $0xF7A  }
0x23: {  	s9 =	sor.u32 $0xD0000000, s2;
	s6 =	simm.s32 $0x108;
	_ =	swait.ge @!p0 [sflag:s8], $0x0  }
0x24: {  	s3 =	sadd.s32 $0x88, s3;
	s6 =	simm.s32 @!p1 $0x1082;
	[sflag:s4] =	ssyncset.s32 $0xFFFFF086  }
0x25: {  	[simem:s6], [sflag:s4] =	dma.local [hbm:s3], $0xF7A  }
0x26: {  	[smem:$0x3F99] =	sst s1;
	(tag) =	ssettag s2;
	_ =	strace s9  }
0x27: {  	s1 =	sld [smem:$0x3FA9]  }
0x28: {  	s2 =	sld [smem:$0x3FAA]  }
0x29: {  	s4 =	sld [smem:$0x3FAC]  }
0x2a: {  	p0 =	seq.s32 s5, $0x0;
	s5 =	sld [smem:$0x3FAD]  }
0x2b: {  	s6 =	sld [smem:$0x3FAE]  }
0x2c: {  	s7 =	sld [smem:$0x3FAF]  }
0x2d: {  	s3 =	simm.s32 $0x108;
	s8 =	sld [smem:$0x3FB0]  }
0x2e: {  	s3 =	simm.s32 @!p0 $0x1082;
	s9 =	sld [smem:$0x3FB1]  }
0x2f: {  	lr =	sadd.s32 s0, s3;
	s0 =	sld [smem:$0x3FA8]  }
0x30: {  	s3 =	sld [smem:$0x3FAB]  }
0x31: {  	[smem:$0x3FB4] =	sst s10  }
0x32: {  	s10 =	sld [smem:$0x3FB2];
	_ =	sdelay $0x3  }
0x33: {  	p0 =	seq.s32 s10, $0x1;
	s10 =	sld [smem:$0x3FB4];
	_ =	sdelay $0x3  }
0x34: {  	[smem:$0x3FB4] =	sst s10  }
0x35: {  	s10 =	sld [smem:$0x3FB3];
	_ =	sdelay $0x3  }
0x36: {  	p1 =	seq.s32 s10, $0x1;
	s10 =	sld [smem:$0x3FB4];
	_ =	sdelay $0x3  }
0x37: {  	[smem:$0x3FB4] =	sst s10  }
0x38: {  	s10 =	sld [smem:$0x3FB5]  }
0x39: {  	_ = 	snop;
	(pc) =	sbr.ind lr, $3  }
0x3a: {  	_ = 	snop  }
0x3b: {  	_ = 	snop  }
0x3c: {  	p2 =	seq.s32 s10, $0x1;
	s10 =	sld [smem:$0x3FB4]  }
0x3d: {  	_ =	shalt  }
0x3e: {  	_ =	shalt  }
0x3f: {  	_ =	shalt  }
0x40: {  	_ =	shalt  }
0x41: {  	_ =	shalt  }
0x42: {  	_ =	shalt  }
0x43: {  	_ =	shalt  }
0x44: {  	_ =	shalt  }
0x45: {  	_ =	shalt  }
0x46: {  	_ =	shalt  }
0x47: {  	_ =	shalt  }
0x48: {  	_ =	shalt  }
0x49: {  	_ =	shalt  }
0x4a: {  	_ =	shalt  }
0x4b: {  	_ =	shalt  }
0x4c: {  	_ =	shalt  }
0x4d: {  	_ =	shalt  }
0x4e: {  	_ =	shalt  }
0x4f: {  	_ =	shalt  }
0x50: {  	_ =	shalt  }
0x51: {  	_ =	shalt  }
0x52: {  	_ =	shalt  }
0x53: {  	_ =	shalt  }
0x54: {  	_ =	shalt  }
0x55: {  	_ =	shalt  }
0x56: {  	_ =	shalt  }
0x57: {  	_ =	shalt  }
0x58: {  	_ =	shalt  }
0x59: {  	_ =	shalt  }
0x5a: {  	_ =	shalt  }
0x5b: {  	_ =	shalt  }
0x5c: {  	_ =	shalt  }
0x5d: {  	_ =	shalt  }
0x5e: {  	_ =	shalt  }
0x5f: {  	_ =	shalt  }
0x60: {  	_ =	shalt  }
0x61: {  	_ =	shalt  }
0x62: {  	_ =	shalt  }
0x63: {  	_ =	shalt  }
0x64: {  	_ =	shalt  }
0x65: {  	_ =	shalt  }
0x66: {  	_ =	shalt  }
0x67: {  	_ =	shalt  }
0x68: {  	_ =	shalt  }
0x69: {  	_ =	shalt  }
0x6a: {  	_ =	shalt  }
0x6b: {  	_ =	shalt  }
0x6c: {  	_ =	shalt  }
0x6d: {  	_ =	shalt  }
0x6e: {  	_ =	shalt  }
0x6f: {  	_ =	shalt  }
0x70: {  	_ =	shalt  }
0x71: {  	_ =	shalt  }
0x72: {  	_ =	shalt  }
0x73: {  	_ =	shalt  }
0x74: {  	_ =	shalt  }
0x75: {  	_ =	shalt  }
0x76: {  	_ =	shalt  }
0x77: {  	_ =	shalt  }
0x78: {  	_ =	shalt  }
0x79: {  	_ =	shalt  }
0x7a: {  	_ =	shalt  }
0x7b: {  	_ =	shalt  }
0x7c: {  	_ =	shalt  }
0x7d: {  	_ =	shalt  }
0x7e: {  	_ =	shalt  }
0x7f: {  	_ =	shalt  }
0x80: {  	_ =	shalt  }
0x81: {  	_ =	shalt  }
0x82: {  	_ =	shalt  }
0x83: {  	_ =	shalt  }
0x84: {  	_ =	shalt  }
0x85: {  	_ =	shalt  }
0x86: {  	_ =	shalt  }
0x87: {  	_ =	shalt  }
.Lfunc_end0:
.L_simem_size_0:
called_computation.2_lowered:
.L_overlay_start_0:
0x88: {  	s2 =	sld [smem:$0x3FD9]  }
0x89: {  	s3 =	sld [smem:$0x3FFE];
	_ =	sdelay $0x1  }
0x8a: {  	s1 =	srdreg.scid  }
0x8b: {  	s0 =	sand.u32 $0x1, s1  }
0x8c: {  	s17 =	sshll.u32 s0, $0xA;
	s2 =	sadd.s32 s3, s2  }
0x8d: {  	s2 =	sadd.s32 s2, s17  }
0x8e: {  	[smem:$0x3FC0] =	sst s2  }
0x8f: {  	_ = 	snop  }
0x90: {  	s2 =	sld [smem:$0x3FD0];
	(tm) =	ssettm $0x1  }
0x91: {  	s18 =	sld [smem:$0x3FFB];
	_ =	sdelay $0x3  }
0x92: {  	_ =	strace s18  }
0x93: {  	s3 =	sld [smem:$0x3FFC];
	_ =	sdelay $0x3  }
0x94: {  	_ =	strace s3  }
0x95: {  	s3 =	sld [smem:$0x3FFD];
	_ =	sdelay $0x3  }
0x96: {  	_ =	strace s3  }
0x97: {  	_ =	strace $0x8FFFFFFF  }
0x98: {  	s19 =	sld [smem:$0x3FDB];
	_ =	sdelay $0x1  }
0x99: {  	s4 =	simm.s32 $_scs_section_size  }
0x9a: {  	s5 =	simm.s32 $_size__tile_overlayer_lowered;
	s6 =	simm.s32 $_tile_overlayer_lowered  }
0x9b: {  	s22 =	simm.s32 $0x1BFF;
	s21 =	sshll.u32 s6, $0x1;
	s3 =	sadd.s32 s4, s19  }
0x9c: {  	s7 =	simm.s32 $0x0;
	s20 =	sshll.u32 s5, $0x1;
	s5 =	sadd.s32 s21, s3  }
0x9d: {  	[timem:s7], [sflag:s22] =	dma.local [hbm:s5], s20  }
0x9e: {  	_ =	swait.ge [sflag:s22], s20  }
0x9f: {  	s4 =	ssub.s32 $0x0, s20;
	[sflag:s22] =	ssyncset.done $0x0  }
0xa0: {  	[sflag:s22] =	ssyncadd.s32 s4;
	_ =	sdelay $0x1  }
0xa1: {  	s23 =	simm.s32 $0x1B8B  }
0xa2: {  	_ =	swait.ge [sflag:s23], $0x1  }
0xa3: {  	[sflag:s23] =	ssyncset.done $0x0  }
0xa4: {  	s25 =	simm.s32 $0x1B8E;
	s24 =	sld [smem:$0x3FFE];
	[sflag:s23] =	ssyncadd.s32 $0xFFFFFFFF  }
0xa5: {  	s26 =	simm.s32 $execute0_lowered;
	[smem:$0x3FD2] =	sst s25  }
0xa6: {  	s5 =	sshll.u32 s26, $0x1;
	_ =	strace $0x8000004C;
	[dreg:$0x1] =	wrdreg $0xFFFFFFFF  }
0xa7: {  	s28 =	simm.s32 $_size_execute0_lowered;
	s3 =	sadd.s32 s3, s5;
	[dreg:$0x0] =	wrdreg $0x0  }
0xa8: {  	s5 =	sshll.u32 s28, $0x1;
	[dreg:$0x2] =	wrdreg s3  }
0xa9: {  	[dreg:$0x3] =	wrdreg s5  }
0xaa: {  	[dreg:$0x4] =	wrdreg $0xC0  }
0xab: {  	_ =	task [dreg:s7], $0x5FFFF  }
0xac: {  	[dreg:$0x1] =	wrdreg $0xFFFFFFFF  }
0xad: {  	[dreg:$0x0] =	wrdreg $0x60  }
0xae: {  	[dreg:$0x2] =	wrdreg s2  }
0xaf: {  	[dreg:$0x3] =	wrdreg s24  }
0xb0: {  	[dreg:$0x4] =	wrdreg $0x18F000  }
0xb1: {  	[dreg:$0x5] =	wrdreg $0x9  }
0xb2: {  	_ =	task.clear_ibuf [dreg:s7], $0x6FFFF;
	_ =	strace $0x9000004C  }
0xb3: {  	s29 =	simm.s32 $0x9;
	_ =	strace $0x8000004E  }
0xb4: {  	_ =	swait.ge [sflag:s29], $0x1  }
0xb5: {  	[sflag:s29] =	ssyncadd.s32 $0xFFFFFFFF  }
0xb6: {  	_ =	strace $0x9000004E  }
0xb7: {  	_ =	sfence  }
0xb8: {  	s30 =	sld [smem:$0x0];
	_ =	sdelay $0x2  }
0xb9: {  	s31 =	sshll.u32 s1, $0xD;
	s1 =	sshrl.u32 s1, $0x2  }
0xba: {  	s3 =	sand.u32 $0x4000, s31;
	s1 =	sadd.s32 s1, s30  }
0xbb: {  	s0 =	sor.u32 s3, s0;
	s1 =	sshll.u32 s1, $0x11  }
0xbc: {  	s0 =	sor.u32 s1, s0  }
0xbd: {  	s0 =	sadd.s32 $0x8F2B, s0  }
0xbe: {  	[sflag:s0] =	ssyncadd.remote.s32 $0x1  }
0xbf: {  	_ =	sfence.sel $0xFFFF  }
0xc0: {  	[dreg:$0x0] =	wrdreg $0xFFFFFFFF;
	(pc) =	sbr.abs _section_cstart, $3  }
0xc1: {  	[dreg:$0x1] =	wrdreg $0xFFFFFFFF  }
0xc2: {  	_ =	task.clear_ibuf [dreg:s7], $0x2FFFF;
	_ =	strace $0x9FFFFFFF  }
0xc3: {  	(tm) =	ssettm $0x7FFFFFFF  }
tec
execute0_lowered:
.L_overlay_start_1:
0x0: {  	(tag) =	ssettag $0x1  }
0x1: {  	s1 =	rddreg [dreg:$0x0]  }
0x2: {  	s0 =	rddreg [dreg:$0x1];
	s2 =	srdreg.scid  }
0x3: {  	s14 =	stileid.u32;
	s3 =	rddreg [dreg:$0x2]  }
0x4: {  	s4 =	simm.s32 $0x0;
	s16 =	simm.s32 $0x80;
	s31 =	simm.s32 $0x800  }
0x5: {  	s17 =	simm.s32 $0x900;
	s18 =	simm.s32 $0xDF00;
	s19 =	simm.s32 $0x980  }
0x6: {  	s20 =	simm.s32 $0xE700;
	s21 =	simm.s32 $0x1;
	s22 =	simm.s32 $0x2  }
0x7: {  	s23 =	simm.s32 $0x0;
	s2 =	sand.u32 $0x1, s2;
	s10 =	smul.u32 $0x2710, s14  }
0x8: {  	[smem:$0x7FF] =	sst s4;
	s7 =	sadd.s32 $0x3400, s0;
	s9 =	sshll.u32 s14, $0x4  }
0x9: {  	s30 =	sshll.u32 s14, $0x6;
	s5 =	smul.u32 $0x27100, s2;
	s6 =	sshll.u32 s2, $0x4  }
0xa: {  	_ =	strace $0x8000004D;
	s2 =	ssub.s32 $0x2, s2;
	s9 =	sadd.s32 s9, s7  }
0xb: {  	s12 =	sor.u32 s14, s6;
	s29 =	sshrl.u32 s2, $0x1;
	s13 =	sadd.s32 s10, s3  }
0xc: {  	s14 =	sor.u32 $0x1C03, s30;
	s5 =	sadd.s32 s10, s5;
	s8 =	smul.u32 $0x2700, s12  }
0xd: {  	s2 =	ssub.s32 s2, s29;
	p0 =	sgt.u32 s12, $0x3;
	s12 =	simm.s32 $0x3  }
.Ltmp0:
0xe: {  	s15 =	sshrl.u32 s13, $0x3;
	s13 =	simm.s32 $0xD700;
	(pc) =	sbr.rel .LBB2_1-.Ltmp0, $4  }
0xf: {  	s28 =	sshrl.u32 s5, $0x3;
	s5 =	sadd.s32 $0x16E00, s0;
	s11 =	smax.u32 s2, $0x1  }
0x10: {  	s2 =	simm.s32 $0xCF00;
	s0 =	sadd.s32 s28, s0;
	s8 =	sshrl.u32 s8, $0x3  }
0x11: {  	s6 =	sadd.s32 s7, s8;
	s8 =	sadd.s32 $0x9C00, s9;
	s9 =	sadd.s32 $0x13840, s9  }
0x12: {  	s10 =	sadd.s32 $0x17400, s0;
	s0 =	simm.s32 $0x880;
	s7 =	sadd.s32 $0x9C40, s6  }
.LBB2_5:
0x13: {  	_ =	swait.ge [sflag:s22], $0x800  }
0x14: {  	[sflag:s22] =	ssyncset.done $0x0  }
0x15: {  	[sflag:s22] =	ssyncadd.s32 $0xFFFFF800  }
0x16: {  	_ =	swait.ge [sflag:s22], $0x800  }
0x17: {  	[sflag:s22] =	ssyncset.done $0x0  }
0x18: {  	[sflag:s22] =	ssyncadd.s32 $0xFFFFF800  }
0x19: {  	_ =	swait.ge [sflag:s22], $0x800  }
0x1a: {  	[sflag:s22] =	ssyncset.done $0x0  }
0x1b: {  	[sflag:s22] =	ssyncadd.s32 $0xFFFFF800  }
0x1c: {  	_ =	swait.ge [sflag:s22], $0x800  }
0x1d: {  	[sflag:s22] =	ssyncset.done $0x0  }
0x1e: {  	[sflag:s22] =	ssyncadd.s32 $0xFFFFF800  }
0x1f: {  	_ =	swait.ge [sflag:s22], $0x800  }
0x20: {  	[sflag:s22] =	ssyncset.done $0x0  }
0x21: {  	[sflag:s22] =	ssyncadd.s32 $0xFFFFF800  }
0x22: {  	_ =	swait.ge [sflag:s22], $0x800  }
0x23: {  	[sflag:s22] =	ssyncset.done $0x0  }
0x24: {  	[sflag:s22] =	ssyncadd.s32 $0xFFFFF800  }
0x25: {  	_ =	swait.ge [sflag:s22], $0x800  }
0x26: {  	[sflag:s22] =	ssyncset.done $0x0  }
0x27: {  	[sflag:s22] =	ssyncadd.s32 $0xFFFFF800  }
0x28: {  	_ =	swait.ge [sflag:s22], $0x800  }
0x29: {  	[sflag:s22] =	ssyncset.done $0x0  }
0x2a: {  	[sflag:s22] =	ssyncadd.s32 $0xFFFFF800  }
0x2b: {  	_ =	swait.ge [sflag:s22], $0x800  }
0x2c: {  	[sflag:s22] =	ssyncset.done $0x0  }
0x2d: {  	[sflag:s22] =	ssyncadd.s32 $0xFFFFF800  }
0x2e: {  	_ =	swait.ge [sflag:s22], $0x800  }
0x2f: {  	[sflag:s22] =	ssyncset.done $0x0  }
0x30: {  	[sflag:s22] =	ssyncadd.s32 $0xFFFFF800  }
0x31: {  	_ =	swait.ge [sflag:s22], $0x800  }
0x32: {  	[sflag:s22] =	ssyncset.done $0x0  }
0x33: {  	[sflag:s22] =	ssyncadd.s32 $0xFFFFF800  }
0x34: {  	_ =	swait.ge [sflag:s22], $0x800  }
0x35: {  	[sflag:s22] =	ssyncset.done $0x0  }
0x36: {  	[sflag:s22] =	ssyncadd.s32 $0xFFFFF800  }
0x37: {  	_ =	swait.ge [sflag:s22], $0x800  }
0x38: {  	[sflag:s22] =	ssyncset.done $0x0  }
0x39: {  	[sflag:s22] =	ssyncadd.s32 $0xFFFFF800  }
0x3a: {  	_ =	swait.ge [sflag:s22], $0x800  }
0x3b: {  	[sflag:s22] =	ssyncset.done $0x0  }
0x3c: {  	[sflag:s22] =	ssyncadd.s32 $0xFFFFF800  }
0x3d: {  	_ =	swait.ge [sflag:s22], $0x800  }
0x3e: {  	[sflag:s22] =	ssyncset.done $0x0  }
0x3f: {  	[sflag:s22] =	ssyncadd.s32 $0xFFFFF800  }
0x40: {  	_ =	swait.ge [sflag:s22], $0x800  }
0x41: {  	[sflag:s22] =	ssyncset.done $0x0  }
0x42: {  	[sflag:s22] =	ssyncadd.s32 $0xFFFFF800  }
0x43: {  	_ =	swait.ge [sflag:s22], $0x800  }
0x44: {  	[sflag:s22] =	ssyncset.done $0x0  }
0x45: {  	[sflag:s22] =	ssyncadd.s32 $0xFFFFF800  }
0x46: {  	_ =	swait.ge [sflag:s22], $0x800  }
0x47: {  	[sflag:s22] =	ssyncset.done $0x0  }
0x48: {  	[sflag:s22] =	ssyncadd.s32 $0xFFFFF800  }
0x49: {  	_ =	swait.ge [sflag:s22], $0x800  }
0x4a: {  	[sflag:s22] =	ssyncset.done $0x0  }
0x4b: {  	[sflag:s22] =	ssyncadd.s32 $0xFFFFF800  }
0x4c: {  	_ =	swait.ge [sflag:s22], $0x800  }
0x4d: {  	s24 =	simm.s32 @!p0 $0x80;
	[sflag:s22] =	ssyncset.done $0x0  }
0x4e: {  	s25 =	simm.s32 @!p0 $0x4E00;
	s26 =	simm.s32 @!p0 $0x4F00;
	[sflag:s22] =	ssyncadd.s32 $0xFFFFF800  }
0x4f: {  	[tilespmem:s26], [sflag:$0x1] =	stream.indirect.gather @!p0 [hbm4b:s1+s24], $0x10, s25, s24, $0xb8;
	[tilespmem:$0x1B610] =	vst v63  }
0x50: {  	s25 =	simm.s32 @!p0 $0x1  }
0x51: {  	_ =	swait.ge @!p0 [sflag:s25], $0x800  }
0x52: {  	[sflag:s25] =	ssyncset.done @!p0 $0x0  }
0x53: {  	[sflag:s25] =	ssyncadd.s32 @!p0 $0xFFFFF800;
	s25 =	simm.s32 @!p0 $0x4E80  }
0x54: {  	[spmem:s3] =	stream.indirect.scatter.add.f32 @!p0 [tilespmem:s26], [sflag:$0x2], $0x10, s25, s24, $0xb8;
	[tilespmem:$0x1B610] =	vst v63  }
0x55: {  	s24 =	simm.s32 @!p0 $0x2  }
0x56: {  	_ =	swait.ge @!p0 [sflag:s24], $0x800  }
0x57: {  	s23 =	sadd.s32 $0x1, s23;
	[sflag:s24] =	ssyncset.done @!p0 $0x0  }
0x58: {  	p1 =	sne.s32 s23, s11;
	[sflag:s24] =	ssyncadd.s32 @!p0 $0xFFFFF800  }
.Ltmp1:
0x59: {  	[bflag:$0x0] =	sbarrier.arrive $0xFFFF;
	(pc) =	sbr.rel @!p1 .LBB2_6-.Ltmp1, $4  }
0x5a: {  	[hbm:s10], [sflag:s14] =	dma.local [spmem:s15], $0x4E2  }
0x5b: {  	_ =	swait.ge [sflag:s12], $0x4E2  }
0x5c: {  	[sflag:s12] =	ssyncset.done $0x0  }
0x5d: {  	[sflag:s12] =	ssyncadd.s32 $0xFFFFFB1E  }
.LBB2_1:
0x5e: {  	[tilespmem:s4], [sflag:$0x3] =	stream.linear.gather [hbm4b:s6+s4], $0x2700, $0x38;
	[tilespmem:$0x1B610] =	vst v63  }
0x5f: {  	_ =	swait.ge [sflag:s12], $0x2700  }
0x60: {  	[sflag:s12] =	ssyncset.done $0x0  }
0x61: {  	s24 =	simm.s32 $0x2700;
	[sflag:s12] =	ssyncadd.s32 $0xFFFFD900  }
0x62: {  	[tilespmem:s24], [sflag:$0x3] =	stream.linear.gather [hbm4b:s7+s4], $0x2700, $0x38;
	[tilespmem:$0x1B610] =	vst v63  }
0x63: {  	_ =	swait.ge [sflag:s12], $0x2700  }
0x64: {  	[sflag:s12] =	ssyncset.done $0x0  }
0x65: {  	s25 =	simm.s32 @!p0 $0x4E00;
	s24 =	simm.s32 @!p0 $0x0;
	[sflag:s12] =	ssyncadd.s32 $0xFFFFD900  }
0x66: {  	[tilespmem:s25], [sflag:$0x3] =	stream.linear.gather @!p0 [hbm4b:s8+s24], $0x80, $0x38;
	[tilespmem:$0x1B610] =	vst v63  }
0x67: {  	s25 =	simm.s32 @!p0 $0x3  }
0x68: {  	_ =	swait.ge @!p0 [sflag:s25], $0x80  }
0x69: {  	[sflag:s25] =	ssyncset.done @!p0 $0x0  }
0x6a: {  	s26 =	simm.s32 @!p0 $0x4E80;
	[sflag:s25] =	ssyncadd.s32 @!p0 $0xFFFFFF80  }
0x6b: {  	[tilespmem:s26], [sflag:$0x3] =	stream.linear.gather @!p0 [hbm4b:s9+s24], $0x80, $0x38;
	[tilespmem:$0x1B610] =	vst v63  }
0x6c: {  	_ =	swait.ge @!p0 [sflag:s25], $0x80  }
0x6d: {  	[sflag:s25] =	ssyncset.done @!p0 $0x0  }
0x6e: {  	[sflag:s25] =	ssyncadd.s32 @!p0 $0xFFFFFF80  }
0x6f: {  	[spmem:s15], [sflag:s14] =	dma.local [hbm:s5], $0x4E2  }
0x70: {  	_ =	swait.ge [sflag:s12], $0x4E2  }
0x71: {  	[sflag:s12] =	ssyncset.done $0x0  }
0x72: {  	[sflag:s12] =	ssyncadd.s32 $0xFFFFFB1E  }
0x73: {  	s29 =	simm.s32 $0x4F00;
	[bflag:$0x0] =	sbarrier.arrive $0xFFFF  }
0x74: {  	[tilespmem:s29], [sflag:$0x1] =	stream.indirect.gather [hbm4b:s1+s16], $0x10, s4, s16, $0xb8;
	[tilespmem:$0x1B610] =	vst v63  }
0x75: {  	s30 =	simm.s32 $0x5700  }
0x76: {  	[tilespmem:s30], [sflag:$0x1] =	stream.indirect.gather [hbm4b:s1+s16], $0x10, s16, s16, $0xb8;
	[tilespmem:$0x1B610] =	vst v63  }
0x77: {  	s26 =	simm.s32 $0x5F00;
	s25 =	simm.s32 $0x100  }
0x78: {  	[tilespmem:s26], [sflag:$0x1] =	stream.indirect.gather [hbm4b:s1+s16], $0x10, s25, s16, $0xb8;
	[tilespmem:$0x1B610] =	vst v63  }
0x79: {  	s29 =	simm.s32 $0x180;
	s30 =	simm.s32 $0x6700  }
0x7a: {  	[tilespmem:s30], [sflag:$0x1] =	stream.indirect.gather [hbm4b:s1+s16], $0x10, s29, s16, $0xb8;
	[tilespmem:$0x1B610] =	vst v63  }
0x7b: {  	s25 =	simm.s32 $0x200;
	s26 =	simm.s32 $0x6F00  }
0x7c: {  	[tilespmem:s26], [sflag:$0x1] =	stream.indirect.gather [hbm4b:s1+s16], $0x10, s25, s16, $0xb8;
	[tilespmem:$0x1B610] =	vst v63  }
0x7d: {  	s29 =	simm.s32 $0x280;
	s30 =	simm.s32 $0x7700  }
0x7e: {  	[tilespmem:s30], [sflag:$0x1] =	stream.indirect.gather [hbm4b:s1+s16], $0x10, s29, s16, $0xb8;
	[tilespmem:$0x1B610] =	vst v63  }
0x7f: {  	s25 =	simm.s32 $0x300;
	s26 =	simm.s32 $0x7F00  }
0x80: {  	[tilespmem:s26], [sflag:$0x1] =	stream.indirect.gather [hbm4b:s1+s16], $0x10, s25, s16, $0xb8;
	[tilespmem:$0x1B610] =	vst v63  }
0x81: {  	s29 =	simm.s32 $0x380;
	s30 =	simm.s32 $0x8700  }
0x82: {  	[tilespmem:s30], [sflag:$0x1] =	stream.indirect.gather [hbm4b:s1+s16], $0x10, s29, s16, $0xb8;
	[tilespmem:$0x1B610] =	vst v63  }
0x83: {  	s25 =	simm.s32 $0x400;
	s26 =	simm.s32 $0x8F00  }
0x84: {  	[tilespmem:s26], [sflag:$0x1] =	stream.indirect.gather [hbm4b:s1+s16], $0x10, s25, s16, $0xb8;
	[tilespmem:$0x1B610] =	vst v63  }
0x85: {  	s29 =	simm.s32 $0x480;
	s30 =	simm.s32 $0x9700  }
0x86: {  	[tilespmem:s30], [sflag:$0x1] =	stream.indirect.gather [hbm4b:s1+s16], $0x10, s29, s16, $0xb8;
	[tilespmem:$0x1B610] =	vst v63  }
0x87: {  	s25 =	simm.s32 $0x500;
	s26 =	simm.s32 $0x9F00  }
0x88: {  	[tilespmem:s26], [sflag:$0x1] =	stream.indirect.gather [hbm4b:s1+s16], $0x10, s25, s16, $0xb8;
	[tilespmem:$0x1B610] =	vst v63  }
0x89: {  	s29 =	simm.s32 $0x580;
	s30 =	simm.s32 $0xA700  }
0x8a: {  	[tilespmem:s30], [sflag:$0x1] =	stream.indirect.gather [hbm4b:s1+s16], $0x10, s29, s16, $0xb8;
	[tilespmem:$0x1B610] =	vst v63  }
0x8b: {  	s25 =	simm.s32 $0x600;
	s26 =	simm.s32 $0xAF00  }
0x8c: {  	[tilespmem:s26], [sflag:$0x1] =	stream.indirect.gather [hbm4b:s1+s16], $0x10, s25, s16, $0xb8;
	[tilespmem:$0x1B610] =	vst v63  }
0x8d: {  	s29 =	simm.s32 $0x680;
	s30 =	simm.s32 $0xB700  }
0x8e: {  	[tilespmem:s30], [sflag:$0x1] =	stream.indirect.gather [hbm4b:s1+s16], $0x10, s29, s16, $0xb8;
	[tilespmem:$0x1B610] =	vst v63  }
0x8f: {  	s25 =	simm.s32 $0x700;
	s26 =	simm.s32 $0xBF00  }
0x90: {  	[tilespmem:s26], [sflag:$0x1] =	stream.indirect.gather [hbm4b:s1+s16], $0x10, s25, s16, $0xb8;
	[tilespmem:$0x1B610] =	vst v63  }
0x91: {  	s29 =	simm.s32 $0x780;
	s30 =	simm.s32 $0xC700  }
0x92: {  	[tilespmem:s30], [sflag:$0x1] =	stream.indirect.gather [hbm4b:s1+s16], $0x10, s29, s16, $0xb8;
	[tilespmem:$0x1B610] =	vst v63  }
0x93: {  	_ = 	snop  }
0x94: {  	[tilespmem:s2], [sflag:$0x1] =	stream.indirect.gather [hbm4b:s1+s16], $0x10, s31, s16, $0xb8;
	[tilespmem:$0x1B610] =	vst v63  }
0x95: {  	_ = 	snop  }
0x96: {  	[tilespmem:s13], [sflag:$0x1] =	stream.indirect.gather [hbm4b:s1+s16], $0x10, s0, s16, $0xb8;
	[tilespmem:$0x1B610] =	vst v63  }
.Ltmp2:
0x97: {  	_ = 	snop;
	(pc) =	sbr.rel .LBB2_2-.Ltmp2, $4  }
0x98: {  	s28 =	simm.s32 $0x2700  }
0x99: {  	[tilespmem:s18], [sflag:$0x1] =	stream.indirect.gather [hbm4b:s1+s16], $0x10, s17, s16, $0xb8;
	[tilespmem:$0x1B610] =	vst v63  }
0x9a: {  	s24 =	simm.s32 $0xFFFFFFEC;
	s25 =	simm.s32 $0xA00;
	s26 =	simm.s32 $0x0  }
0x9b: {  	[tilespmem:s20], [sflag:$0x1] =	stream.indirect.gather [hbm4b:s1+s16], $0x10, s19, s16, $0xb8;
	[tilespmem:$0x1B610] =	vst v63  }
.LBB2_4:
0x9c: {  	s24 =	sadd.s32 $0x1, s24  }
0x9d: {  	p1 =	sne.s32 s24, $0x3A  }
.Ltmp3:
0x9e: {  	_ = 	snop;
	(pc) =	sbr.rel @!p1 .LBB2_5-.Ltmp3, $2  }
0x9f: {  	_ =	sdelay $0x2  }
0xa0: {  	s28 =	sadd.s32 $0x80, s28;
	s26 =	sadd.s32 $0x2000, s26;
	s25 =	sadd.s32 $0x80, s25  }
.LBB2_2:
0xa1: {  	s29 =	sadd.s32 $0x14, s24  }
0xa2: {  	s30 =	sadd.s32 $0xFFFB0000, s26;
	p1 =	slt.u32 s29, $0x28  }
0xa3: {  	_ =	swait.ge [sflag:s21], $0x800;
	s30 =	smov.u32 @p1 s26;
	p1 =	slt.u32 s29, $0x14  }
0xa4: {  	[sflag:s21] =	ssyncset.done $0x0;
	s30 =	sshra.s32 s30, $0x2;
	p2 =	sgt.u32 @!p1 s29, $0x39  }
0xa5: {  	[sflag:s21] =	ssyncadd.s32 $0xFFFFF800;
	s30 =	sadd.s32 $0x4F00, s30;
	p2 =	por p1, !p2  }
0xa6: {  	[spmem:s3] =	stream.indirect.scatter.add.f32 [tilespmem:s30], [sflag:$0x2], $0x10, s28, s16, $0xb8;
	[tilespmem:$0x1B610] =	vst v63  }
.Ltmp4:
0xa7: {  	_ = 	snop;
	(pc) =	sbr.rel @!p2 .LBB2_4-.Ltmp4, $4  }
0xa8: {  	s30 =	simm.s32 @!p1 $0x2  }
0xa9: {  	_ =	swait.ge @!p1 [sflag:s30], $0x800  }
0xaa: {  	[sflag:s30] =	ssyncset.done @!p1 $0x0  }
0xab: {  	[sflag:s30] =	ssyncadd.s32 @!p1 $0xFFFFF800  }
0xac: {  	s29 =	sadd.s32 $0x28, s24;
	s30 =	smov.u32 s24  }
.Ltmp5:
0xad: {  	s30 =	smov.u32 @p1 s29;
	(pc) =	sbr.rel .LBB2_4-.Ltmp5, $4  }
0xae: {  	s29 =	sshll.u32 s30, $0xB  }
0xaf: {  	s29 =	sand.u32 $0x3FFFF800, s29  }
0xb0: {  	s29 =	sadd.s32 $0x4F00, s29  }
0xb1: {  	[tilespmem:s29], [sflag:$0x1] =	stream.indirect.gather [hbm4b:s1+s16], $0x10, s25, s16, $0xb8;
	[tilespmem:$0x1B610] =	vst v63  }
.LBB2_6:
0xb2: {  	_ =	sfence.sel $0x180000  }
0xb3: {  	[bflag:$0x0] =	sbarrier.arrive $0xFFFF  }
0xb4: {  	_ =	strace $0x9000004D  }
0xb5: {  	s0 =	stileid.u32;
	[bflag:$0x2] =	sbarrier.arrive $0xFFFF  }
0xb6: {  	p0 =	sne.s32 s0, $0x0;
	s0 =	rddreg [dreg:$0x3]  }
0xb7: {  	s0 =	sadd.s32 @!p0 $0x100000, s0  }
0xb8: {  	[sflag:s0] =	ssyncadd.tile.s32 @!p0 $0x1;
	_ =	shalt  }
.Lfunc_end2:
_tile_overlayer_lowered:
.L_overlay_start_2:
0xb9: {  	(tag) =	ssettag $0x2  }
0xba: {  	s0 =	rddreg [dreg:$0x0];
	s2 =	stileid.u32  }
0xbb: {  	s1 =	rddreg [dreg:$0x1];
	p0 =	sne.s32 s2, $0x0  }
0xbc: {  	s3 =	rddreg [dreg:$0x2];
	[bflag:$0x3] =	sbarrier.arrive $0xFFFF;
	s2 =	simm.s32 @!p0 $0x1C03  }
0xbd: {  	[timem:s3], [sflag:s2] =	dma.local @!p0 [hbm:s0], s1  }
0xbe: {  	s0 =	simm.s32 @!p0 $0x3  }
0xbf: {  	_ =	swait.ge @!p0 [sflag:s0], s1  }
0xc0: {  	s1 =	ssub.s32 @!p0 $0x0, s1;
	[sflag:s0] =	ssyncset.done @!p0 $0x0  }
0xc1: {  	[sflag:s0] =	ssyncadd.s32 @!p0 s1  }
0xc2: {  	[bflag:$0x3] =	sbarrier.arrive $0xFFFF  }
0xc3: {  	_ =	shalt  }

// kernel: kernel.20.cloned.1.call-start
scs
__scs_entry_jumppad:
0x0: {  	(pc) =	sbr.rel $0x88, $3  }
0x1: {  	(tag) =	ssettag $0x0;
	lr =	simm.s32 $0x1  }
0x2: {  	[smem:$0x3F99] =	sst lr;
	_ =	strace $0xD0000000  }
0x3: {  	_ = 	snop  }
0x4: {  	_ = 	snop  }
0x5: {  	_ = 	snop  }
0x6: {  	_ = 	snop  }
0x7: {  	_ = 	snop  }
__scs_overlays_trampoline_lowered:
0x8: {  	[smem:$0x3FA8] =	sst s0  }
0x9: {  	[smem:$0x3FA9] =	sst s1  }
0xa: {  	[smem:$0x3FAA] =	sst s2  }
0xb: {  	[smem:$0x3FAB] =	sst s3  }
0xc: {  	[smem:$0x3FAC] =	sst s4  }
0xd: {  	[smem:$0x3FAD] =	sst s5  }
0xe: {  	[smem:$0x3FAE] =	sst s6  }
0xf: {  	[smem:$0x3FAF] =	sst s7  }
0x10: {  	[smem:$0x3FB0] =	sst s8  }
0x11: {  	[smem:$0x3FB1] =	sst s9;
	s0 =	simm.s32 @!p0 $0x0  }
0x12: {  	s1 =	sld [smem:$0x3F97];
	s0 =	simm.s32 @p0 $0x1  }
0x13: {  	[smem:$0x3FB2] =	sst s0;
	s0 =	simm.s32 @!p1 $0x0  }
0x14: {  	s2 =	sld [smem:$0x3F96];
	s0 =	simm.s32 @p1 $0x1  }
0x15: {  	[smem:$0x3FB3] =	sst s0;
	s0 =	simm.s32 @!p2 $0x0  }
0x16: {  	s3 =	sld [smem:$0x3FDB];
	s0 =	simm.s32 @p2 $0x1  }
0x17: {  	s4 =	simm.s32 $0x1BF5;
	[smem:$0x3FB5] =	sst s0  }
0x18: {  	s0 =	sld [smem:$0x3F98];
	_ =	swait.ge [sflag:s4], $0x0  }
0x19: {  	s7 =	sld [smem:$0x3F99]  }
0x1a: {  	s8 =	sadd.s32 $0xFFFFE003, lr  }
0x1b: {  	s9 =	sadd.s32 $0xFFFFFEF7, lr;
	s5 =	simm.s32 $0xFFFFFFFF;
	p2 =	slt.u32 s8, $0xFFFFF086  }
0x1c: {  	p1 =	slt.u32 s9, $0xF7A;
	s5 =	simm.s32 @!p2 $0x0  }
0x1d: {  	s5 =	simm.s32 @p1 $0x1;
	p0 =	seq.s32 s7, s2  }
0x1e: {  	s7 =	smul.u32 @!p0 $0xF7A, s2;
	p2 =	seq.s32 @!p0 s5, $0x0  }
0x1f: {  	s9 =	smul.u32 $0xF7A, s1;
	s8 =	simm.s32 @!p0 $0x1BF5;
	p2 =	por !p2, p0  }
0x20: {  	[sflag:s8] =	ssyncset.s32 @!p0 $0xFFFFF086;
	s6 =	sadd.s32 @!p0 s3, s7;
	s7 =	simm.s32 @!p0 $0x108  }
0x21: {  	s3 =	sadd.s32 s3, s9;
	s6 =	sadd.s32 @!p0 $0x88, s6;
	s7 =	simm.s32 @p2 $0x1082  }
0x22: {  	[simem:s7], [sflag:s8] =	dma.local @!p0 [hbm:s6], $0xF7A  }
0x23: {  	s9 =	sor.u32 $0xD0000000, s2;
	s6 =	simm.s32 $0x108;
	_ =	swait.ge @!p0 [sflag:s8], $0x0  }
0x24: {  	s3 =	sadd.s32 $0x88, s3;
	s6 =	simm.s32 @!p1 $0x1082;
	[sflag:s4] =	ssyncset.s32 $0xFFFFF086  }
0x25: {  	[simem:s6], [sflag:s4] =	dma.local [hbm:s3], $0xF7A  }
0x26: {  	[smem:$0x3F99] =	sst s1;
	(tag) =	ssettag s2;
	_ =	strace s9  }
0x27: {  	s1 =	sld [smem:$0x3FA9]  }
0x28: {  	s2 =	sld [smem:$0x3FAA]  }
0x29: {  	s4 =	sld [smem:$0x3FAC]  }
0x2a: {  	p0 =	seq.s32 s5, $0x0;
	s5 =	sld [smem:$0x3FAD]  }
0x2b: {  	s6 =	sld [smem:$0x3FAE]  }
0x2c: {  	s7 =	sld [smem:$0x3FAF]  }
0x2d: {  	s3 =	simm.s32 $0x108;
	s8 =	sld [smem:$0x3FB0]  }
0x2e: {  	s3 =	simm.s32 @!p0 $0x1082;
	s9 =	sld [smem:$0x3FB1]  }
0x2f: {  	lr =	sadd.s32 s0, s3;
	s0 =	sld [smem:$0x3FA8]  }
0x30: {  	s3 =	sld [smem:$0x3FAB]  }
0x31: {  	[smem:$0x3FB4] =	sst s10  }
0x32: {  	s10 =	sld [smem:$0x3FB2];
	_ =	sdelay $0x3  }
0x33: {  	p0 =	seq.s32 s10, $0x1;
	s10 =	sld [smem:$0x3FB4];
	_ =	sdelay $0x3  }
0x34: {  	[smem:$0x3FB4] =	sst s10  }
0x35: {  	s10 =	sld [smem:$0x3FB3];
	_ =	sdelay $0x3  }
0x36: {  	p1 =	seq.s32 s10, $0x1;
	s10 =	sld [smem:$0x3FB4];
	_ =	sdelay $0x3  }
0x37: {  	[smem:$0x3FB4] =	sst s10  }
0x38: {  	s10 =	sld [smem:$0x3FB5]  }
0x39: {  	_ = 	snop;
	(pc) =	sbr.ind lr, $3  }
0x3a: {  	_ = 	snop  }
0x3b: {  	_ = 	snop  }
0x3c: {  	p2 =	seq.s32 s10, $0x1;
	s10 =	sld [smem:$0x3FB4]  }
0x3d: {  	_ =	shalt  }
0x3e: {  	_ =	shalt  }
0x3f: {  	_ =	shalt  }
0x40: {  	_ =	shalt  }
0x41: {  	_ =	shalt  }
0x42: {  	_ =	shalt  }
0x43: {  	_ =	shalt  }
0x44: {  	_ =	shalt  }
0x45: {  	_ =	shalt  }
0x46: {  	_ =	shalt  }
0x47: {  	_ =	shalt  }
0x48: {  	_ =	shalt  }
0x49: {  	_ =	shalt  }
0x4a: {  	_ =	shalt  }
0x4b: {  	_ =	shalt  }
0x4c: {  	_ =	shalt  }
0x4d: {  	_ =	shalt  }
0x4e: {  	_ =	shalt  }
0x4f: {  	_ =	shalt  }
0x50: {  	_ =	shalt  }
0x51: {  	_ =	shalt  }
0x52: {  	_ =	shalt  }
0x53: {  	_ =	shalt  }
0x54: {  	_ =	shalt  }
0x55: {  	_ =	shalt  }
0x56: {  	_ =	shalt  }
0x57: {  	_ =	shalt  }
0x58: {  	_ =	shalt  }
0x59: {  	_ =	shalt  }
0x5a: {  	_ =	shalt  }
0x5b: {  	_ =	shalt  }
0x5c: {  	_ =	shalt  }
0x5d: {  	_ =	shalt  }
0x5e: {  	_ =	shalt  }
0x5f: {  	_ =	shalt  }
0x60: {  	_ =	shalt  }
0x61: {  	_ =	shalt  }
0x62: {  	_ =	shalt  }
0x63: {  	_ =	shalt  }
0x64: {  	_ =	shalt  }
0x65: {  	_ =	shalt  }
0x66: {  	_ =	shalt  }
0x67: {  	_ =	shalt  }
0x68: {  	_ =	shalt  }
0x69: {  	_ =	shalt  }
0x6a: {  	_ =	shalt  }
0x6b: {  	_ =	shalt  }
0x6c: {  	_ =	shalt  }
0x6d: {  	_ =	shalt  }
0x6e: {  	_ =	shalt  }
0x6f: {  	_ =	shalt  }
0x70: {  	_ =	shalt  }
0x71: {  	_ =	shalt  }
0x72: {  	_ =	shalt  }
0x73: {  	_ =	shalt  }
0x74: {  	_ =	shalt  }
0x75: {  	_ =	shalt  }
0x76: {  	_ =	shalt  }
0x77: {  	_ =	shalt  }
0x78: {  	_ =	shalt  }
0x79: {  	_ =	shalt  }
0x7a: {  	_ =	shalt  }
0x7b: {  	_ =	shalt  }
0x7c: {  	_ =	shalt  }
0x7d: {  	_ =	shalt  }
0x7e: {  	_ =	shalt  }
0x7f: {  	_ =	shalt  }
0x80: {  	_ =	shalt  }
0x81: {  	_ =	shalt  }
0x82: {  	_ =	shalt  }
0x83: {  	_ =	shalt  }
0x84: {  	_ =	shalt  }
0x85: {  	_ =	shalt  }
0x86: {  	_ =	shalt  }
0x87: {  	_ =	shalt  }
.Lfunc_end0:
.L_simem_size_0:
called_computation.3_lowered:
.L_overlay_start_0:
0x88: {  	s2 =	sld [smem:$0x3FD9]  }
0x89: {  	s3 =	sld [smem:$0x3FFE];
	_ =	sdelay $0x1  }
0x8a: {  	s1 =	srdreg.scid  }
0x8b: {  	s0 =	sand.u32 $0x1, s1  }
0x8c: {  	s17 =	sshll.u32 s0, $0xA;
	s2 =	sadd.s32 s3, s2  }
0x8d: {  	s2 =	sadd.s32 s2, s17  }
0x8e: {  	[smem:$0x3FC0] =	sst s2  }
0x8f: {  	_ = 	snop  }
0x90: {  	s2 =	sld [smem:$0x3FD0];
	(tm) =	ssettm $0x1  }
0x91: {  	s18 =	sld [smem:$0x3FFB];
	_ =	sdelay $0x3  }
0x92: {  	_ =	strace s18  }
0x93: {  	s3 =	sld [smem:$0x3FFC];
	_ =	sdelay $0x3  }
0x94: {  	_ =	strace s3  }
0x95: {  	s3 =	sld [smem:$0x3FFD];
	_ =	sdelay $0x3  }
0x96: {  	_ =	strace s3  }
0x97: {  	_ =	strace $0x8FFFFFFF  }
0x98: {  	s19 =	sld [smem:$0x3FDB];
	_ =	sdelay $0x1  }
0x99: {  	s4 =	simm.s32 $_scs_section_size  }
0x9a: {  	s5 =	simm.s32 $_size__tile_overlayer_lowered;
	s6 =	simm.s32 $_tile_overlayer_lowered  }
0x9b: {  	s22 =	simm.s32 $0x1BFF;
	s21 =	sshll.u32 s6, $0x1;
	s3 =	sadd.s32 s4, s19  }
0x9c: {  	s7 =	simm.s32 $0x0;
	s20 =	sshll.u32 s5, $0x1;
	s5 =	sadd.s32 s21, s3  }
0x9d: {  	[timem:s7], [sflag:s22] =	dma.local [hbm:s5], s20  }
0x9e: {  	_ =	swait.ge [sflag:s22], s20  }
0x9f: {  	s4 =	ssub.s32 $0x0, s20;
	[sflag:s22] =	ssyncset.done $0x0  }
0xa0: {  	[sflag:s22] =	ssyncadd.s32 s4;
	_ =	sdelay $0x1  }
0xa1: {  	s23 =	simm.s32 $0x1B8B  }
0xa2: {  	_ =	swait.ge [sflag:s23], $0x1  }
0xa3: {  	[sflag:s23] =	ssyncset.done $0x0  }
0xa4: {  	s25 =	simm.s32 $0x1B8E;
	s24 =	sld [smem:$0x3FFE];
	[sflag:s23] =	ssyncadd.s32 $0xFFFFFFFF  }
0xa5: {  	s26 =	simm.s32 $execute0_lowered;
	[smem:$0x3FD2] =	sst s25  }
0xa6: {  	s5 =	sshll.u32 s26, $0x1;
	_ =	strace $0x8000004F;
	[dreg:$0x1] =	wrdreg $0xFFFFFFFF  }
0xa7: {  	s28 =	simm.s32 $_size_execute0_lowered;
	s3 =	sadd.s32 s3, s5;
	[dreg:$0x0] =	wrdreg $0x0  }
0xa8: {  	s5 =	sshll.u32 s28, $0x1;
	[dreg:$0x2] =	wrdreg s3  }
0xa9: {  	[dreg:$0x3] =	wrdreg s5  }
0xaa: {  	[dreg:$0x4] =	wrdreg $0xC0  }
0xab: {  	_ =	task [dreg:s7], $0x5FFFF  }
0xac: {  	[dreg:$0x1] =	wrdreg $0xFFFFFFFF  }
0xad: {  	[dreg:$0x0] =	wrdreg $0x60  }
0xae: {  	[dreg:$0x2] =	wrdreg s2  }
0xaf: {  	[dreg:$0x3] =	wrdreg s24  }
0xb0: {  	[dreg:$0x4] =	wrdreg $0x18F000  }
0xb1: {  	[dreg:$0x5] =	wrdreg $0x9  }
0xb2: {  	_ =	task.clear_ibuf [dreg:s7], $0x6FFFF;
	_ =	strace $0x9000004F  }
0xb3: {  	s29 =	simm.s32 $0x9;
	_ =	strace $0x80000051  }
0xb4: {  	_ =	swait.ge [sflag:s29], $0x1  }
0xb5: {  	[sflag:s29] =	ssyncadd.s32 $0xFFFFFFFF  }
0xb6: {  	_ =	strace $0x90000051  }
0xb7: {  	_ =	sfence  }
0xb8: {  	s30 =	sld [smem:$0x0];
	_ =	sdelay $0x2  }
0xb9: {  	s31 =	sshll.u32 s1, $0xD;
	s1 =	sshrl.u32 s1, $0x2  }
0xba: {  	s3 =	sand.u32 $0x4000, s31;
	s1 =	sadd.s32 s1, s30  }
0xbb: {  	s0 =	sor.u32 s3, s0;
	s1 =	sshll.u32 s1, $0x11  }
0xbc: {  	s0 =	sor.u32 s1, s0  }
0xbd: {  	s0 =	sadd.s32 $0x8F2B, s0  }
0xbe: {  	[sflag:s0] =	ssyncadd.remote.s32 $0x1  }
0xbf: {  	_ =	sfence.sel $0xFFFF  }
0xc0: {  	[dreg:$0x0] =	wrdreg $0xFFFFFFFF;
	(pc) =	sbr.abs _section_cstart, $3  }
0xc1: {  	[dreg:$0x1] =	wrdreg $0xFFFFFFFF  }
0xc2: {  	_ =	task.clear_ibuf [dreg:s7], $0x2FFFF;
	_ =	strace $0x9FFFFFFF  }
0xc3: {  	(tm) =	ssettm $0x7FFFFFFF  }
tec
execute0_lowered:
.L_overlay_start_1:
0x0: {  	(tag) =	ssettag $0x1  }
0x1: {  	s1 =	rddreg [dreg:$0x0]  }
0x2: {  	s0 =	rddreg [dreg:$0x1];
	s2 =	srdreg.scid  }
0x3: {  	s14 =	stileid.u32;
	s3 =	rddreg [dreg:$0x2]  }
0x4: {  	s4 =	simm.s32 $0x0;
	s16 =	simm.s32 $0x80;
	s31 =	simm.s32 $0x800  }
0x5: {  	s17 =	simm.s32 $0x900;
	s18 =	simm.s32 $0xDF00;
	s19 =	simm.s32 $0x980  }
0x6: {  	s20 =	simm.s32 $0xE700;
	s21 =	simm.s32 $0x1;
	s22 =	simm.s32 $0x2  }
0x7: {  	s23 =	simm.s32 $0x0;
	s2 =	sand.u32 $0x1, s2;
	s10 =	smul.u32 $0x2710, s14  }
0x8: {  	[smem:$0x7FF] =	sst s4;
	s7 =	sadd.s32 $0x3400, s0;
	s9 =	sshll.u32 s14, $0x4  }
0x9: {  	s30 =	sshll.u32 s14, $0x6;
	s5 =	smul.u32 $0x27100, s2;
	s6 =	sshll.u32 s2, $0x4  }
0xa: {  	_ =	strace $0x80000050;
	s2 =	ssub.s32 $0x2, s2;
	s9 =	sadd.s32 s9, s7  }
0xb: {  	s12 =	sor.u32 s14, s6;
	s29 =	sshrl.u32 s2, $0x1;
	s13 =	sadd.s32 s10, s3  }
0xc: {  	s14 =	sor.u32 $0x1C03, s30;
	s5 =	sadd.s32 s10, s5;
	s8 =	smul.u32 $0x2700, s12  }
0xd: {  	s2 =	ssub.s32 s2, s29;
	p0 =	sgt.u32 s12, $0x3;
	s12 =	simm.s32 $0x3  }
.Ltmp0:
0xe: {  	s15 =	sshrl.u32 s13, $0x3;
	s13 =	simm.s32 $0xD700;
	(pc) =	sbr.rel .LBB2_1-.Ltmp0, $4  }
0xf: {  	s28 =	sshrl.u32 s5, $0x3;
	s5 =	sadd.s32 $0x16E00, s0;
	s11 =	smax.u32 s2, $0x1  }
0x10: {  	s2 =	simm.s32 $0xCF00;
	s0 =	sadd.s32 s28, s0;
	s8 =	sshrl.u32 s8, $0x3  }
0x11: {  	s6 =	sadd.s32 s7, s8;
	s8 =	sadd.s32 $0x9C00, s9;
	s9 =	sadd.s32 $0x13840, s9  }
0x12: {  	s10 =	sadd.s32 $0x17400, s0;
	s0 =	simm.s32 $0x880;
	s7 =	sadd.s32 $0x9C40, s6  }
.LBB2_5:
0x13: {  	_ =	swait.ge [sflag:s22], $0x800  }
0x14: {  	[sflag:s22] =	ssyncset.done $0x0  }
0x15: {  	[sflag:s22] =	ssyncadd.s32 $0xFFFFF800  }
0x16: {  	_ =	swait.ge [sflag:s22], $0x800  }
0x17: {  	[sflag:s22] =	ssyncset.done $0x0  }
0x18: {  	[sflag:s22] =	ssyncadd.s32 $0xFFFFF800  }
0x19: {  	_ =	swait.ge [sflag:s22], $0x800  }
0x1a: {  	[sflag:s22] =	ssyncset.done $0x0  }
0x1b: {  	[sflag:s22] =	ssyncadd.s32 $0xFFFFF800  }
0x1c: {  	_ =	swait.ge [sflag:s22], $0x800  }
0x1d: {  	[sflag:s22] =	ssyncset.done $0x0  }
0x1e: {  	[sflag:s22] =	ssyncadd.s32 $0xFFFFF800  }
0x1f: {  	_ =	swait.ge [sflag:s22], $0x800  }
0x20: {  	[sflag:s22] =	ssyncset.done $0x0  }
0x21: {  	[sflag:s22] =	ssyncadd.s32 $0xFFFFF800  }
0x22: {  	_ =	swait.ge [sflag:s22], $0x800  }
0x23: {  	[sflag:s22] =	ssyncset.done $0x0  }
0x24: {  	[sflag:s22] =	ssyncadd.s32 $0xFFFFF800  }
0x25: {  	_ =	swait.ge [sflag:s22], $0x800  }
0x26: {  	[sflag:s22] =	ssyncset.done $0x0  }
0x27: {  	[sflag:s22] =	ssyncadd.s32 $0xFFFFF800  }
0x28: {  	_ =	swait.ge [sflag:s22], $0x800  }
0x29: {  	[sflag:s22] =	ssyncset.done $0x0  }
0x2a: {  	[sflag:s22] =	ssyncadd.s32 $0xFFFFF800  }
0x2b: {  	_ =	swait.ge [sflag:s22], $0x800  }
0x2c: {  	[sflag:s22] =	ssyncset.done $0x0  }
0x2d: {  	[sflag:s22] =	ssyncadd.s32 $0xFFFFF800  }
0x2e: {  	_ =	swait.ge [sflag:s22], $0x800  }
0x2f: {  	[sflag:s22] =	ssyncset.done $0x0  }
0x30: {  	[sflag:s22] =	ssyncadd.s32 $0xFFFFF800  }
0x31: {  	_ =	swait.ge [sflag:s22], $0x800  }
0x32: {  	[sflag:s22] =	ssyncset.done $0x0  }
0x33: {  	[sflag:s22] =	ssyncadd.s32 $0xFFFFF800  }
0x34: {  	_ =	swait.ge [sflag:s22], $0x800  }
0x35: {  	[sflag:s22] =	ssyncset.done $0x0  }
0x36: {  	[sflag:s22] =	ssyncadd.s32 $0xFFFFF800  }
0x37: {  	_ =	swait.ge [sflag:s22], $0x800  }
0x38: {  	[sflag:s22] =	ssyncset.done $0x0  }
0x39: {  	[sflag:s22] =	ssyncadd.s32 $0xFFFFF800  }
0x3a: {  	_ =	swait.ge [sflag:s22], $0x800  }
0x3b: {  	[sflag:s22] =	ssyncset.done $0x0  }
0x3c: {  	[sflag:s22] =	ssyncadd.s32 $0xFFFFF800  }
0x3d: {  	_ =	swait.ge [sflag:s22], $0x800  }
0x3e: {  	[sflag:s22] =	ssyncset.done $0x0  }
0x3f: {  	[sflag:s22] =	ssyncadd.s32 $0xFFFFF800  }
0x40: {  	_ =	swait.ge [sflag:s22], $0x800  }
0x41: {  	[sflag:s22] =	ssyncset.done $0x0  }
0x42: {  	[sflag:s22] =	ssyncadd.s32 $0xFFFFF800  }
0x43: {  	_ =	swait.ge [sflag:s22], $0x800  }
0x44: {  	[sflag:s22] =	ssyncset.done $0x0  }
0x45: {  	[sflag:s22] =	ssyncadd.s32 $0xFFFFF800  }
0x46: {  	_ =	swait.ge [sflag:s22], $0x800  }
0x47: {  	[sflag:s22] =	ssyncset.done $0x0  }
0x48: {  	[sflag:s22] =	ssyncadd.s32 $0xFFFFF800  }
0x49: {  	_ =	swait.ge [sflag:s22], $0x800  }
0x4a: {  	[sflag:s22] =	ssyncset.done $0x0  }
0x4b: {  	[sflag:s22] =	ssyncadd.s32 $0xFFFFF800  }
0x4c: {  	_ =	swait.ge [sflag:s22], $0x800  }
0x4d: {  	s24 =	simm.s32 @!p0 $0x80;
	[sflag:s22] =	ssyncset.done $0x0  }
0x4e: {  	s25 =	simm.s32 @!p0 $0x4E00;
	s26 =	simm.s32 @!p0 $0x4F00;
	[sflag:s22] =	ssyncadd.s32 $0xFFFFF800  }
0x4f: {  	[tilespmem:s26], [sflag:$0x1] =	stream.indirect.gather @!p0 [hbm4b:s1+s24], $0x10, s25, s24, $0xb8;
	[tilespmem:$0x1B610] =	vst v63  }
0x50: {  	s25 =	simm.s32 @!p0 $0x1  }
0x51: {  	_ =	swait.ge @!p0 [sflag:s25], $0x800  }
0x52: {  	[sflag:s25] =	ssyncset.done @!p0 $0x0  }
0x53: {  	[sflag:s25] =	ssyncadd.s32 @!p0 $0xFFFFF800;
	s25 =	simm.s32 @!p0 $0x4E80  }
0x54: {  	[spmem:s3] =	stream.indirect.scatter.add.f32 @!p0 [tilespmem:s26], [sflag:$0x2], $0x10, s25, s24, $0xb8;
	[tilespmem:$0x1B610] =	vst v63  }
0x55: {  	s24 =	simm.s32 @!p0 $0x2  }
0x56: {  	_ =	swait.ge @!p0 [sflag:s24], $0x800  }
0x57: {  	s23 =	sadd.s32 $0x1, s23;
	[sflag:s24] =	ssyncset.done @!p0 $0x0  }
0x58: {  	p1 =	sne.s32 s23, s11;
	[sflag:s24] =	ssyncadd.s32 @!p0 $0xFFFFF800  }
.Ltmp1:
0x59: {  	[bflag:$0x0] =	sbarrier.arrive $0xFFFF;
	(pc) =	sbr.rel @!p1 .LBB2_6-.Ltmp1, $4  }
0x5a: {  	[hbm:s10], [sflag:s14] =	dma.local [spmem:s15], $0x4E2  }
0x5b: {  	_ =	swait.ge [sflag:s12], $0x4E2  }
0x5c: {  	[sflag:s12] =	ssyncset.done $0x0  }
0x5d: {  	[sflag:s12] =	ssyncadd.s32 $0xFFFFFB1E  }
.LBB2_1:
0x5e: {  	[tilespmem:s4], [sflag:$0x3] =	stream.linear.gather [hbm4b:s6+s4], $0x2700, $0x38;
	[tilespmem:$0x1B610] =	vst v63  }
0x5f: {  	_ =	swait.ge [sflag:s12], $0x2700  }
0x60: {  	[sflag:s12] =	ssyncset.done $0x0  }
0x61: {  	s24 =	simm.s32 $0x2700;
	[sflag:s12] =	ssyncadd.s32 $0xFFFFD900  }
0x62: {  	[tilespmem:s24], [sflag:$0x3] =	stream.linear.gather [hbm4b:s7+s4], $0x2700, $0x38;
	[tilespmem:$0x1B610] =	vst v63  }
0x63: {  	_ =	swait.ge [sflag:s12], $0x2700  }
0x64: {  	[sflag:s12] =	ssyncset.done $0x0  }
0x65: {  	s25 =	simm.s32 @!p0 $0x4E00;
	s24 =	simm.s32 @!p0 $0x0;
	[sflag:s12] =	ssyncadd.s32 $0xFFFFD900  }
0x66: {  	[tilespmem:s25], [sflag:$0x3] =	stream.linear.gather @!p0 [hbm4b:s8+s24], $0x80, $0x38;
	[tilespmem:$0x1B610] =	vst v63  }
0x67: {  	s25 =	simm.s32 @!p0 $0x3  }
0x68: {  	_ =	swait.ge @!p0 [sflag:s25], $0x80  }
0x69: {  	[sflag:s25] =	ssyncset.done @!p0 $0x0  }
0x6a: {  	s26 =	simm.s32 @!p0 $0x4E80;
	[sflag:s25] =	ssyncadd.s32 @!p0 $0xFFFFFF80  }
0x6b: {  	[tilespmem:s26], [sflag:$0x3] =	stream.linear.gather @!p0 [hbm4b:s9+s24], $0x80, $0x38;
	[tilespmem:$0x1B610] =	vst v63  }
0x6c: {  	_ =	swait.ge @!p0 [sflag:s25], $0x80  }
0x6d: {  	[sflag:s25] =	ssyncset.done @!p0 $0x0  }
0x6e: {  	[sflag:s25] =	ssyncadd.s32 @!p0 $0xFFFFFF80  }
0x6f: {  	[spmem:s15], [sflag:s14] =	dma.local [hbm:s5], $0x4E2  }
0x70: {  	_ =	swait.ge [sflag:s12], $0x4E2  }
0x71: {  	[sflag:s12] =	ssyncset.done $0x0  }
0x72: {  	[sflag:s12] =	ssyncadd.s32 $0xFFFFFB1E  }
0x73: {  	s29 =	simm.s32 $0x4F00;
	[bflag:$0x0] =	sbarrier.arrive $0xFFFF  }
0x74: {  	[tilespmem:s29], [sflag:$0x1] =	stream.indirect.gather [hbm4b:s1+s16], $0x10, s4, s16, $0xb8;
	[tilespmem:$0x1B610] =	vst v63  }
0x75: {  	s30 =	simm.s32 $0x5700  }
0x76: {  	[tilespmem:s30], [sflag:$0x1] =	stream.indirect.gather [hbm4b:s1+s16], $0x10, s16, s16, $0xb8;
	[tilespmem:$0x1B610] =	vst v63  }
0x77: {  	s26 =	simm.s32 $0x5F00;
	s25 =	simm.s32 $0x100  }
0x78: {  	[tilespmem:s26], [sflag:$0x1] =	stream.indirect.gather [hbm4b:s1+s16], $0x10, s25, s16, $0xb8;
	[tilespmem:$0x1B610] =	vst v63  }
0x79: {  	s29 =	simm.s32 $0x180;
	s30 =	simm.s32 $0x6700  }
0x7a: {  	[tilespmem:s30], [sflag:$0x1] =	stream.indirect.gather [hbm4b:s1+s16], $0x10, s29, s16, $0xb8;
	[tilespmem:$0x1B610] =	vst v63  }
0x7b: {  	s25 =	simm.s32 $0x200;
	s26 =	simm.s32 $0x6F00  }
0x7c: {  	[tilespmem:s26], [sflag:$0x1] =	stream.indirect.gather [hbm4b:s1+s16], $0x10, s25, s16, $0xb8;
	[tilespmem:$0x1B610] =	vst v63  }
0x7d: {  	s29 =	simm.s32 $0x280;
	s30 =	simm.s32 $0x7700  }
0x7e: {  	[tilespmem:s30], [sflag:$0x1] =	stream.indirect.gather [hbm4b:s1+s16], $0x10, s29, s16, $0xb8;
	[tilespmem:$0x1B610] =	vst v63  }
0x7f: {  	s25 =	simm.s32 $0x300;
	s26 =	simm.s32 $0x7F00  }
0x80: {  	[tilespmem:s26], [sflag:$0x1] =	stream.indirect.gather [hbm4b:s1+s16], $0x10, s25, s16, $0xb8;
	[tilespmem:$0x1B610] =	vst v63  }
0x81: {  	s29 =	simm.s32 $0x380;
	s30 =	simm.s32 $0x8700  }
0x82: {  	[tilespmem:s30], [sflag:$0x1] =	stream.indirect.gather [hbm4b:s1+s16], $0x10, s29, s16, $0xb8;
	[tilespmem:$0x1B610] =	vst v63  }
0x83: {  	s25 =	simm.s32 $0x400;
	s26 =	simm.s32 $0x8F00  }
0x84: {  	[tilespmem:s26], [sflag:$0x1] =	stream.indirect.gather [hbm4b:s1+s16], $0x10, s25, s16, $0xb8;
	[tilespmem:$0x1B610] =	vst v63  }
0x85: {  	s29 =	simm.s32 $0x480;
	s30 =	simm.s32 $0x9700  }
0x86: {  	[tilespmem:s30], [sflag:$0x1] =	stream.indirect.gather [hbm4b:s1+s16], $0x10, s29, s16, $0xb8;
	[tilespmem:$0x1B610] =	vst v63  }
0x87: {  	s25 =	simm.s32 $0x500;
	s26 =	simm.s32 $0x9F00  }
0x88: {  	[tilespmem:s26], [sflag:$0x1] =	stream.indirect.gather [hbm4b:s1+s16], $0x10, s25, s16, $0xb8;
	[tilespmem:$0x1B610] =	vst v63  }
0x89: {  	s29 =	simm.s32 $0x580;
	s30 =	simm.s32 $0xA700  }
0x8a: {  	[tilespmem:s30], [sflag:$0x1] =	stream.indirect.gather [hbm4b:s1+s16], $0x10, s29, s16, $0xb8;
	[tilespmem:$0x1B610] =	vst v63  }
0x8b: {  	s25 =	simm.s32 $0x600;
	s26 =	simm.s32 $0xAF00  }
0x8c: {  	[tilespmem:s26], [sflag:$0x1] =	stream.indirect.gather [hbm4b:s1+s16], $0x10, s25, s16, $0xb8;
	[tilespmem:$0x1B610] =	vst v63  }
0x8d: {  	s29 =	simm.s32 $0x680;
	s30 =	simm.s32 $0xB700  }
0x8e: {  	[tilespmem:s30], [sflag:$0x1] =	stream.indirect.gather [hbm4b:s1+s16], $0x10, s29, s16, $0xb8;
	[tilespmem:$0x1B610] =	vst v63  }
0x8f: {  	s25 =	simm.s32 $0x700;
	s26 =	simm.s32 $0xBF00  }
0x90: {  	[tilespmem:s26], [sflag:$0x1] =	stream.indirect.gather [hbm4b:s1+s16], $0x10, s25, s16, $0xb8;
	[tilespmem:$0x1B610] =	vst v63  }
0x91: {  	s29 =	simm.s32 $0x780;
	s30 =	simm.s32 $0xC700  }
0x92: {  	[tilespmem:s30], [sflag:$0x1] =	stream.indirect.gather [hbm4b:s1+s16], $0x10, s29, s16, $0xb8;
	[tilespmem:$0x1B610] =	vst v63  }
0x93: {  	_ = 	snop  }
0x94: {  	[tilespmem:s2], [sflag:$0x1] =	stream.indirect.gather [hbm4b:s1+s16], $0x10, s31, s16, $0xb8;
	[tilespmem:$0x1B610] =	vst v63  }
0x95: {  	_ = 	snop  }
0x96: {  	[tilespmem:s13], [sflag:$0x1] =	stream.indirect.gather [hbm4b:s1+s16], $0x10, s0, s16, $0xb8;
	[tilespmem:$0x1B610] =	vst v63  }
.Ltmp2:
0x97: {  	_ = 	snop;
	(pc) =	sbr.rel .LBB2_2-.Ltmp2, $4  }
0x98: {  	s28 =	simm.s32 $0x2700  }
0x99: {  	[tilespmem:s18], [sflag:$0x1] =	stream.indirect.gather [hbm4b:s1+s16], $0x10, s17, s16, $0xb8;
	[tilespmem:$0x1B610] =	vst v63  }
0x9a: {  	s24 =	simm.s32 $0xFFFFFFEC;
	s25 =	simm.s32 $0xA00;
	s26 =	simm.s32 $0x0  }
0x9b: {  	[tilespmem:s20], [sflag:$0x1] =	stream.indirect.gather [hbm4b:s1+s16], $0x10, s19, s16, $0xb8;
	[tilespmem:$0x1B610] =	vst v63  }
.LBB2_4:
0x9c: {  	s24 =	sadd.s32 $0x1, s24  }
0x9d: {  	p1 =	sne.s32 s24, $0x3A  }
.Ltmp3:
0x9e: {  	_ = 	snop;
	(pc) =	sbr.rel @!p1 .LBB2_5-.Ltmp3, $2  }
0x9f: {  	_ =	sdelay $0x2  }
0xa0: {  	s28 =	sadd.s32 $0x80, s28;
	s26 =	sadd.s32 $0x2000, s26;
	s25 =	sadd.s32 $0x80, s25  }
.LBB2_2:
0xa1: {  	s29 =	sadd.s32 $0x14, s24  }
0xa2: {  	s30 =	sadd.s32 $0xFFFB0000, s26;
	p1 =	slt.u32 s29, $0x28  }
0xa3: {  	_ =	swait.ge [sflag:s21], $0x800;
	s30 =	smov.u32 @p1 s26;
	p1 =	slt.u32 s29, $0x14  }
0xa4: {  	[sflag:s21] =	ssyncset.done $0x0;
	s30 =	sshra.s32 s30, $0x2;
	p2 =	sgt.u32 @!p1 s29, $0x39  }
0xa5: {  	[sflag:s21] =	ssyncadd.s32 $0xFFFFF800;
	s30 =	sadd.s32 $0x4F00, s30;
	p2 =	por p1, !p2  }
0xa6: {  	[spmem:s3] =	stream.indirect.scatter.add.f32 [tilespmem:s30], [sflag:$0x2], $0x10, s28, s16, $0xb8;
	[tilespmem:$0x1B610] =	vst v63  }
.Ltmp4:
0xa7: {  	_ = 	snop;
	(pc) =	sbr.rel @!p2 .LBB2_4-.Ltmp4, $4  }
0xa8: {  	s30 =	simm.s32 @!p1 $0x2  }
0xa9: {  	_ =	swait.ge @!p1 [sflag:s30], $0x800  }
0xaa: {  	[sflag:s30] =	ssyncset.done @!p1 $0x0  }
0xab: {  	[sflag:s30] =	ssyncadd.s32 @!p1 $0xFFFFF800  }
0xac: {  	s29 =	sadd.s32 $0x28, s24;
	s30 =	smov.u32 s24  }
.Ltmp5:
0xad: {  	s30 =	smov.u32 @p1 s29;
	(pc) =	sbr.rel .LBB2_4-.Ltmp5, $4  }
0xae: {  	s29 =	sshll.u32 s30, $0xB  }
0xaf: {  	s29 =	sand.u32 $0x3FFFF800, s29  }
0xb0: {  	s29 =	sadd.s32 $0x4F00, s29  }
0xb1: {  	[tilespmem:s29], [sflag:$0x1] =	stream.indirect.gather [hbm4b:s1+s16], $0x10, s25, s16, $0xb8;
	[tilespmem:$0x1B610] =	vst v63  }
.LBB2_6:
0xb2: {  	_ =	sfence.sel $0x180000  }
0xb3: {  	[bflag:$0x0] =	sbarrier.arrive $0xFFFF  }
0xb4: {  	_ =	strace $0x90000050  }
0xb5: {  	s0 =	stileid.u32;
	[bflag:$0x2] =	sbarrier.arrive $0xFFFF  }
0xb6: {  	p0 =	sne.s32 s0, $0x0;
	s0 =	rddreg [dreg:$0x3]  }
0xb7: {  	s0 =	sadd.s32 @!p0 $0x100000, s0  }
0xb8: {  	[sflag:s0] =	ssyncadd.tile.s32 @!p0 $0x1;
	_ =	shalt  }
.Lfunc_end2:
_tile_overlayer_lowered:
.L_overlay_start_2:
0xb9: {  	(tag) =	ssettag $0x2  }
0xba: {  	s0 =	rddreg [dreg:$0x0];
	s2 =	stileid.u32  }
0xbb: {  	s1 =	rddreg [dreg:$0x1];
	p0 =	sne.s32 s2, $0x0  }
0xbc: {  	s3 =	rddreg [dreg:$0x2];
	[bflag:$0x3] =	sbarrier.arrive $0xFFFF;
	s2 =	simm.s32 @!p0 $0x1C03  }
0xbd: {  	[timem:s3], [sflag:s2] =	dma.local @!p0 [hbm:s0], s1  }
0xbe: {  	s0 =	simm.s32 @!p0 $0x3  }
0xbf: {  	_ =	swait.ge @!p0 [sflag:s0], s1  }
0xc0: {  	s1 =	ssub.s32 @!p0 $0x0, s1;
	[sflag:s0] =	ssyncset.done @!p0 $0x0  }
0xc1: {  	[sflag:s0] =	ssyncadd.s32 @!p0 s1  }
0xc2: {  	[bflag:$0x3] =	sbarrier.arrive $0xFFFF  }
0xc3: {  	_ =	shalt  }

</sc_bundles>
